<compile_context>
chip_gen: v7x
topology: tpu7x:2x2x1
jax: 0.10.2.dev20260603
libtpu: 0.0.44.dev20260713+nightly
codegen_flags: <defaults>
</compile_context>

<pallas_src>
import functools

import jax
import jax.numpy as jnp
from jax import lax
from jax.experimental import pallas as pl
from jax.experimental.pallas import tpu as pltpu
from jax.experimental.pallas import tpu_sc as plsc

N = 50000
E = 800000
HID = 64
DIM = 128
B = 4096

NC = 2
NS = 16
LN = 16

RPT = 392
ROWS_PAD = NS * RPT
EPAD = ROWS_PAD * 128
CH = 56
NCH = RPT // CH
SINK = N
CWN = 3136
N2 = NS * CWN

_mesh = plsc.VectorSubcoreMesh(
    core_axis_name="c", subcore_axis_name="s", num_cores=NC, num_subcores=NS)
_sc_params = pltpu.CompilerParams(needs_layout_passes=False)

_f32 = jnp.float32
_i32 = jnp.int32


def _make_scatter_pass(mode):
    nacc = 2 if mode == "two" else 1
    out_type = [jax.ShapeDtypeStruct((NC * N2,), _f32)] * nacc
    if mode == "two":
        scratch = [pltpu.VMEM_SHARED((2 * N2,), _f32)]
    else:
        scratch = [pltpu.VMEM_SHARED((N2,), _f32)]
    if mode != "deg":
        scratch += [pltpu.VMEM((N2,), _f32)]
    scratch += [
        pltpu.VMEM((CH, 128), _i32),
        pltpu.VMEM((CH, 128), _i32),
        pltpu.VMEM((CH, 128), _f32),
        pltpu.VMEM((CH, 128), _f32),
        pltpu.VMEM((CWN,), _f32),
        pltpu.SemaphoreType.DMA,
        pltpu.SemaphoreType.DMA,
    ]
    if mode != "deg":
        scratch += [pltpu.VMEM((CH, 128), _i32),
                    pltpu.VMEM((CH, 128), _i32)]
    if mode == "two":
        scratch += [pltpu.VMEM((CH, 128), _i32),
                    pltpu.VMEM((CH, 128), _i32)]

    def body(*refs):
        refs = list(refs)
        src_hbm = dst_hbm = tab_hbm = None
        if mode == "deg":
            dst_hbm = refs.pop(0)
        else:
            src_hbm = refs.pop(0)
            dst_hbm = refs.pop(0)
            tab_hbm = refs.pop(0)
        outs = [refs.pop(0) for _ in range(nacc)]
        accs = [refs.pop(0)]
        table = refs.pop(0) if mode != "deg" else None
        dstb0, dstb1, vala0, vala1, bb, sem0, sem1 = refs[:7]
        refs = refs[7:]
        if mode != "deg":
            srcb0, srcb1 = refs[:2]
            refs = refs[2:]
        else:
            srcb0 = srcb1 = None
        if mode == "two":
            valb0, valb1 = refs[:2]
        else:
            valb0 = valb1 = None
        c = lax.axis_index("c")
        s = lax.axis_index("s")
        node0 = s * CWN
        gbase = c * N2

        def zf(k, carry):
            bb[pl.ds(k * LN, LN)] = jnp.zeros((LN,), _f32)
            return carry
        lax.fori_loop(0, CWN // LN, zf, 0)
        if mode == "two":
            pltpu.sync_copy(bb, accs[0].at[pl.ds(node0, CWN)])
            pltpu.sync_copy(bb, accs[0].at[pl.ds(N2 + node0, CWN)])
        else:
            pltpu.sync_copy(bb, accs[0].at[pl.ds(node0, CWN)])
        if mode == "deg":
            def onesf(j, carry):
                for i in range(128 // LN):
                    vala0[j, pl.ds(i * LN, LN)] = jnp.ones((LN,), _f32)
                    vala1[j, pl.ds(i * LN, LN)] = jnp.ones((LN,), _f32)
                return carry
            lax.fori_loop(0, CH, onesf, 0)
        else:
            pltpu.sync_copy(tab_hbm.at[pl.ds(gbase, N2)], table)
        plsc.subcore_barrier()

        def load(kchunk, dstX, srcX):
            row0 = s * RPT + kchunk * CH
            pltpu.sync_copy(dst_hbm.at[c, pl.ds(row0, CH)], dstX)
            if srcX is not None:
                pltpu.sync_copy(src_hbm.at[c, pl.ds(row0, CH)], srcX)

        def gather(srcX, dstX, valaX, idx2X):
            if mode == "deg":
                return

            def row(j, carry):
                for i in range(128 // LN):
                    sl = pl.ds(i * LN, LN)
                    iv = srcX[j, sl]
                    v = plsc.load_gather(table, [iv])
                    if mode == "one":
                        valaX[j, sl] = v
                    else:
                        valaX[j, sl] = jnp.abs(v)
                        idx2X[j, sl] = dstX[j, sl] + jnp.where(
                            v < 0.0, jnp.int32(N2), jnp.int32(0))
                return carry
            lax.fori_loop(0, CH, row, 0)

        def fire(valaX, idx2X, dstX, semX):
            idxX = idx2X if mode == "two" else dstX

            def row(j, carry):
                pltpu.async_copy(valaX.at[j], accs[0].at[idxX.at[j]], semX,
                                 add=True)
                return carry
            lax.fori_loop(0, CH, row, 0)

        nfire = CH

        def drain(semX):
            def d(j, carry):
                pltpu.make_async_copy(dst_hbm.at[0, 0], vala0.at[0],
                                      semX).wait()
                return carry
            lax.fori_loop(0, nfire, d, 0)

        load(0, dstb0, srcb0)
        gather(srcb0, dstb0, vala0, valb0)
        fire(vala0, valb0, dstb0, sem0)

        def it(k, carry):
            load(2 * k + 1, dstb1, srcb1)
            gather(srcb1, dstb1, vala1, valb1)
            fire(vala1, valb1, dstb1, sem1)
            drain(sem0)
            load(2 * k + 2, dstb0, srcb0)
            gather(srcb0, dstb0, vala0, valb0)
            fire(vala0, valb0, dstb0, sem0)
            drain(sem1)
            return carry
        lax.fori_loop(0, (NCH - 1) // 2, it, 0)
        drain(sem0)
        plsc.subcore_barrier()

        for h, o in enumerate(outs):
            pltpu.sync_copy(accs[0].at[pl.ds(h * N2 + node0, CWN)], bb)
            pltpu.sync_copy(bb, o.at[pl.ds(gbase + node0, CWN)])

    return functools.partial(
        pl.kernel, out_type=out_type if nacc > 1 else out_type[0],
        mesh=_mesh, compiler_params=_sc_params,
        scratch_types=scratch)(body)


_sc_deg = _make_scatter_pass("deg")
_sc_s1 = _make_scatter_pass("one")
_sc_ab = _make_scatter_pass("two")


BPW = B // (NC * NS)


@functools.partial(
    pl.kernel,
    out_type=[jax.ShapeDtypeStruct((B,), _f32),
              jax.ShapeDtypeStruct((B,), _f32)],
    mesh=_mesh,
    compiler_params=_sc_params,
    scratch_types=[
        pltpu.VMEM((BPW,), _i32),
        pltpu.VMEM((BPW,), _i32),
        pltpu.VMEM((BPW,), _i32),
        pltpu.VMEM((BPW,), _i32),
        pltpu.VMEM((BPW,), _i32),
        pltpu.VMEM((BPW,), _f32),
        pltpu.VMEM((BPW,), _f32),
        pltpu.VMEM((BPW,), _f32),
        pltpu.VMEM((BPW,), _f32),
        pltpu.VMEM((BPW,), _f32),
        pltpu.VMEM((BPW,), _f32),
        pltpu.VMEM((BPW,), _f32),
        pltpu.VMEM((BPW,), _f32),
        pltpu.VMEM((64,), _f32),
        pltpu.VMEM((BPW,), _f32),
        pltpu.VMEM((BPW,), _f32),
        pltpu.SemaphoreType.DMA,
    ],
)
def _sc_link(sA_hbm, sB_hbm, w_hbm, dinv_hbm, nl_hbm, ln_hbm, rn_hbm, par_hbm,
             o0_hbm, o1_hbm,
             nlb, lnb, rnb, idxL, idxR, gAL, gBL, gWL, gDL, gAR, gBR, gWR,
             gDR, pv, o0b, o1b, sem):
    c = lax.axis_index("c")
    s = lax.axis_index("s")
    base = (c * NS + s) * BPW
    pltpu.sync_copy(nl_hbm.at[pl.ds(base, BPW)], nlb)
    pltpu.sync_copy(ln_hbm.at[pl.ds(base, BPW)], lnb)
    pltpu.sync_copy(rn_hbm.at[pl.ds(base, BPW)], rnb)
    pltpu.sync_copy(par_hbm, pv)
    for i in range(BPW // LN):
        sl = pl.ds(i * LN, LN)
        lv = nlb[sl]
        idxL[sl] = lv * N2 + lnb[sl]
        idxR[sl] = lv * N2 + rnb[sl]
    descs = [
        pltpu.async_copy(sA_hbm.at[idxL], gAL, sem),
        pltpu.async_copy(sB_hbm.at[idxL], gBL, sem),
        pltpu.async_copy(w_hbm.at[idxL], gWL, sem),
        pltpu.async_copy(dinv_hbm.at[idxL], gDL, sem),
        pltpu.async_copy(sA_hbm.at[idxR], gAR, sem),
        pltpu.async_copy(sB_hbm.at[idxR], gBR, sem),
        pltpu.async_copy(w_hbm.at[idxR], gWR, sem),
        pltpu.async_copy(dinv_hbm.at[idxR], gDR, sem),
    ]
    for d in descs:
        d.wait()
    p0 = pv[pl.ds(0, LN)]
    k0 = pv[pl.ds(LN, LN)]
    p1 = pv[pl.ds(32, LN)]
    k1 = pv[pl.ds(48, LN)]
    for i in range(BPW // LN):
        sl = pl.ds(i * LN, LN)
        m0 = nlb[sl] == 0
        wl = gWL[sl]
        dl = gDL[sl]
        saL = dl * (gAL[sl] + jnp.maximum(wl, 0.0))
        sbL = dl * (gBL[sl] + jnp.maximum(-wl, 0.0))
        wr = gWR[sl]
        dr = gDR[sl]
        saR = dr * (gAR[sl] + jnp.maximum(wr, 0.0))
        sbR = dr * (gBR[sl] + jnp.maximum(-wr, 0.0))
        for col in range(2):
            acc = jnp.where(m0, k0[col], k1[col])
            cfs = [jnp.where(m0, p0[m * 2 + col], p1[m * 2 + col])
                   for m in range(4)]
            acc = acc + saL * cfs[0] + sbL * cfs[1]
            acc = acc + saR * cfs[2] + sbR * cfs[3]
            if col == 0:
                o0b[sl] = acc
            else:
                o1b[sl] = acc
    pltpu.sync_copy(o0b, o0_hbm.at[pl.ds(base, BPW)])
    pltpu.sync_copy(o1b, o1_hbm.at[pl.ds(base, BPW)])


def _g1_body(deg_ref, x_ref, dinv_ref, xd_ref):
    dinv = lax.rsqrt(deg_ref[...] + 1.0)
    dinv_ref[...] = dinv
    xd_ref[...] = x_ref[...] * dinv


def _glue1(degraw, xp):
    return pl.pallas_call(
        _g1_body,
        out_shape=[jax.ShapeDtypeStruct((NC, N2), _f32)] * 2,
    )(degraw, xp)


def _g2_body(s1_ref, dinv_ref, x_ref, W1_ref, g_ref, W2_ref, lw_ref, b2_ref,
             lb_ref, w_ref, par_ref):
    dinv = dinv_ref[...]
    t = dinv * s1_ref[...] + x_ref[...] * dinv * dinv
    mask = lax.broadcasted_iota(_i32, (NC, N2), 1) < N
    t = jnp.where(mask, t, 0.0)
    sum_t = jnp.sum(t, axis=1, keepdims=True)
    tbar = sum_t / N
    var_t = jnp.sum(t * t, axis=1, keepdims=True) / N - tbar * tbar
    w_ref[...] = (t - tbar) * dinv
    c = g_ref[...] * W1_ref[...] / jnp.sqrt(var_t * W1_ref[...] ** 2 + 1e-5)
    p = jnp.maximum(c, 0.0)
    q = jnp.maximum(-c, 0.0)
    lw = lw_ref[...]
    rows = []
    z8 = jnp.zeros((1, 8), _f32)
    z14 = jnp.zeros((1, 14), _f32)
    for l in range(NC):
        P = jnp.dot(p[l:l + 1, :], W2_ref[l], preferred_element_type=_f32)
        Q = jnp.dot(q[l:l + 1, :], W2_ref[l], preferred_element_type=_f32)
        Wl = lw[:DIM, :]
        Wr = lw[DIM:, :]
        coef = jnp.concatenate(
            [jnp.dot(P, Wl, preferred_element_type=_f32),
             jnp.dot(Q, Wl, preferred_element_type=_f32),
             jnp.dot(P, Wr, preferred_element_type=_f32),
             jnp.dot(Q, Wr, preferred_element_type=_f32)], axis=1)
        const = (jnp.dot(b2_ref[l:l + 1, :], Wl + Wr,
                         preferred_element_type=_f32) + lb_ref[...])
        rows.append(jnp.concatenate([coef, z8], axis=1))
        rows.append(jnp.concatenate([const, z14], axis=1))
    par_ref[...] = jnp.concatenate(rows, axis=0)


def _glue2(s1p, dinvp, xp, W1s, gs, W2s, lin_W, b2s, lin_b):
    return pl.pallas_call(
        _g2_body,
        out_shape=[
            jax.ShapeDtypeStruct((NC, N2), _f32),
            jax.ShapeDtypeStruct((4, 16), _f32),
        ],
    )(s1p, dinvp, xp, W1s, gs, W2s, lin_W, b2s, lin_b)


def _pad_edges(ei):
    src = ei[0].astype(_i32)
    dst = ei[1].astype(_i32)
    pad = EPAD - E
    src = jnp.concatenate([src, jnp.zeros((pad,), _i32)])
    dst = jnp.concatenate([dst, jnp.full((pad,), SINK, _i32)])
    return src.reshape(ROWS_PAD, 128), dst.reshape(ROWS_PAD, 128)


def kernel(now_layer, leftnode, rightnode, x0, x1, ei0, ei1,
           gcn0_W1, gcn0_b1, gcn0_gamma, gcn0_beta, gcn0_W2, gcn0_b2,
           gcn1_W1, gcn1_b1, gcn1_gamma, gcn1_beta, gcn1_W2, gcn1_b2,
           lin_W, lin_b):
    src0, dst0 = _pad_edges(ei0)
    src1, dst1 = _pad_edges(ei1)
    src = jnp.stack([src0, src1])
    dst = jnp.stack([dst0, dst1])

    xp = jnp.zeros((NC, N2), _f32)
    xp = xp.at[0, :N].set(x0[:, 0]).at[1, :N].set(x1[:, 0])

    degraw = _sc_deg(dst).reshape(NC, N2)
    dinvp, xdp = _glue1(degraw, xp)

    s1 = _sc_s1(src, dst, xdp.reshape(NC * N2)).reshape(NC, N2)

    W1s = jnp.stack([gcn0_W1[0], gcn1_W1[0]])
    gs = jnp.stack([gcn0_gamma, gcn1_gamma])
    W2s = jnp.stack([gcn0_W2, gcn1_W2])
    b2s = jnp.stack([gcn0_b2, gcn1_b2])
    wp, par = _glue2(s1, dinvp, xp, W1s, gs, W2s, lin_W, b2s,
                     lin_b.reshape(1, 2))

    sA_f, sB_f = _sc_ab(src, dst, wp.reshape(NC * N2))

    o0, o1 = _sc_link(sA_f, sB_f, wp.reshape(NC * N2), dinvp.reshape(NC * N2),
                      now_layer.astype(_i32), leftnode.astype(_i32),
                      rightnode.astype(_i32), par.reshape(64))
    return jnp.stack([o0, o1], axis=1)

# --- scband reference (transcript-rebuilt; emitter-appended) ---
"""Pipeline reference for scband-model-net-13529146983055 (READ-ONLY COPY).

The authoritative reference and input builder live on the scoring server;
editing this copy changes nothing except your own understanding.
"""

import jax, jax.numpy as jnp
import numpy as np

N = 50000
E = 800000
L = 2
HID = 64
DIM = 128
B = 4096


def gcn_conv(x, W, b, src, dst):
    # GCNConv: D^-1/2 (A + I) D^-1/2 X W + b
    h = x @ W
    ones = jnp.ones((src.shape[0],), h.dtype)
    deg = jax.ops.segment_sum(ones, dst, num_segments=N) + 1.0
    dinv = jax.lax.rsqrt(deg)
    norm = (dinv[src] * dinv[dst])[:, None]
    agg = jax.ops.segment_sum(h[src] * norm, dst, num_segments=N)
    agg = agg + h * (dinv * dinv)[:, None]  # self-loop term
    return agg + b


def batchnorm(x, gamma, beta):
    mu = jnp.mean(x, axis=0, keepdims=True)
    var = jnp.var(x, axis=0, keepdims=True)
    return gamma * (x - mu) / jnp.sqrt(var + 1e-5) + beta


def setup_inputs(seed: int = 0):
    key = jax.random.key(seed)
    ks = jax.random.split(key, 32)
    inp = {}
    inp["now_layer"] = jax.random.randint(ks[0], (B,), 0, L)
    inp["leftnode"] = jax.random.randint(ks[1], (B,), 0, N)
    inp["rightnode"] = jax.random.randint(ks[2], (B,), 0, N)
    inp["x0"] = jax.random.normal(ks[3], (N, 1), jnp.float32)
    inp["x1"] = jax.random.normal(ks[4], (N, 1), jnp.float32)
    inp["ei0"] = jax.random.randint(ks[5], (2, E), 0, N)
    inp["ei1"] = jax.random.randint(ks[6], (2, E), 0, N)
    for i in range(L):
        base = 7 + 4 * i
        inp[f"gcn{i}_W1"] = jax.random.normal(ks[base], (1, HID), jnp.float32)
        inp[f"gcn{i}_b1"] = jnp.zeros((HID,), jnp.float32)
        inp[f"gcn{i}_gamma"] = jnp.ones((HID,), jnp.float32)
        inp[f"gcn{i}_beta"] = jnp.zeros((HID,), jnp.float32)
        inp[f"gcn{i}_W2"] = jax.random.normal(ks[base + 1], (HID, DIM), jnp.float32) / np.sqrt(HID)
        inp[f"gcn{i}_b2"] = jnp.zeros((DIM,), jnp.float32)
    inp["lin_W"] = jax.random.normal(ks[20], (2 * DIM, 2), jnp.float32) / np.sqrt(2 * DIM)
    inp["lin_b"] = jnp.zeros((2,), jnp.float32)
    return inp


def reference(now_layer, leftnode, rightnode, x0, x1, ei0, ei1,
              gcn0_W1, gcn0_b1, gcn0_gamma, gcn0_beta, gcn0_W2, gcn0_b2,
              gcn1_W1, gcn1_b1, gcn1_gamma, gcn1_beta, gcn1_W2, gcn1_b2,
              lin_W, lin_b):
    embeds = []
    for x, ei, W1, b1, g, bt, W2, b2 in [
        (x0, ei0, gcn0_W1, gcn0_b1, gcn0_gamma, gcn0_beta, gcn0_W2, gcn0_b2),
        (x1, ei1, gcn1_W1, gcn1_b1, gcn1_gamma, gcn1_beta, gcn1_W2, gcn1_b2),
    ]:
        src, dst = ei[0], ei[1]
        h = gcn_conv(x, W1, b1, src, dst)
        h = batchnorm(h, g, bt)
        h = jax.nn.relu(h)
        h = gcn_conv(h, W2, b2, src, dst)
        embeds.append(h)
    emb = jnp.stack(embeds, axis=0)  # [L, N, DIM]
    le = emb[now_layer, leftnode]
    re = emb[now_layer, rightnode]
    feat = jnp.concatenate([le, re], axis=1)  # [B, 2*DIM]
    return feat @ lin_W + lin_b

if __name__ == "__main__":
    import jax
    _d = setup_inputs()
    print(jax.jit(kernel)(*tuple(_d.values())))

</pallas_src>

<mosaic_0001>
#map = affine_map<(d0, d1) -> (0, 0, 0)>
#map1 = affine_map<(d0, d1) -> (0)>
module attributes {stable_mosaic.version = 14 : i64} {
  func.func @body(%arg0: i32, %arg1: i32, %arg2: memref<2x6272x128xi32, #tpu.memory_space<hbm>>, %arg3: memref<100352xf32, #tpu.memory_space<hbm>>, %arg4: memref<50176xf32, #tpu.memory_space<vmem_shared>>, %arg5: memref<56x128xi32, #tpu.memory_space<vmem>>, %arg6: memref<56x128xi32, #tpu.memory_space<vmem>>, %arg7: memref<56x128xf32, #tpu.memory_space<vmem>>, %arg8: memref<56x128xf32, #tpu.memory_space<vmem>>, %arg9: memref<3136xf32, #tpu.memory_space<vmem>>, %arg10: memref<!tpu.dma_semaphore, #tpu.memory_space<semaphore_mem>>, %arg11: memref<!tpu.dma_semaphore, #tpu.memory_space<semaphore_mem>>) attributes {dimension_semantics = [#tpu.dimension_semantics<core_parallel>, #tpu.dimension_semantics<subcore_parallel>], iteration_bounds = array<i64: 2, 16>, scalar_prefetch = 0 : i64, scratch_operands = 8 : i64, tpu.core_type = #tpu.core_type<sc_vector_subcore>, window_params = [{transform_indices = #map}, {transform_indices = #map1}]} {
    %mul3A = arith.constant 3136 : i32
    %mul3A_0 = arith.muli %arg1, %mul3A : i32
    %mul3A_1 = arith.constant 50176 : i32
    %mul3A_2 = arith.muli %arg0, %mul3A_1 : i32
    %scan3A = arith.constant 0 : i32
    %scan3A_3 = arith.constant 0 : i32
    %scan3A_4 = arith.constant 196 : i32
    %scan3A_5 = arith.addi %scan3A_3, %scan3A_4 : i32
    %scan3A_6 = arith.constant 1 : i32
    scf.for %scan3A_39 = %scan3A_3 to %scan3A_5 step %scan3A_6  : i32 {
      %broadcast_in_dim3A = arith.constant 0.000000e+00 : f32
      %broadcast_in_dim3A_40 = vector.broadcast %broadcast_in_dim3A : f32 to vector<16xf32>
      %mul3A_41 = arith.constant 16 : i32
      %mul3A_42 = arith.muli %scan3A_39, %mul3A_41 : i32
      %swap3A = arith.index_cast %mul3A_42 : i32 to index
      %swap3A_43 = tpu.vector_load %arg9[%swap3A] {strides = array<i32>} : memref<3136xf32, #tpu.memory_space<vmem>>, vector<16xf32>,
      tpu.vector_store %arg9[%swap3A], %broadcast_in_dim3A_40 {strides = array<i32>} : memref<3136xf32, #tpu.memory_space<vmem>>, vector<16xf32>,
    }
    %scan3A_7 = arith.constant 196 : i32
    "tpu.region"() ({
      %run_scoped3A = tpu.sem_alloc : memref<!tpu.dma_semaphore, #tpu.memory_space<semaphore_mem>>
      %dma_start3A = tpu.memref_slice %arg4[%mul3A_0] : memref<50176xf32, #tpu.memory_space<vmem_shared>> -> memref<3136xf32, #tpu.memory_space<vmem_shared>>
      %dma_start3A_39 = tpu.memref_slice %arg4[%mul3A_0] : memref<50176xf32, #tpu.memory_space<vmem_shared>> -> memref<3136xf32, #tpu.memory_space<vmem_shared>>
      tpu.enqueue_dma source(%arg9 : memref<3136xf32, #tpu.memory_space<vmem>>) target(%dma_start3A_39 : memref<3136xf32, #tpu.memory_space<vmem_shared>>) target_semaphore(%run_scoped3A : memref<!tpu.dma_semaphore, #tpu.memory_space<semaphore_mem>>)
      %dma_wait3A = tpu.memref_slice %arg4[%mul3A_0] : memref<50176xf32, #tpu.memory_space<vmem_shared>> -> memref<3136xf32, #tpu.memory_space<vmem_shared>>
      %dma_wait3A_40 = tpu.memref_slice %arg4[%mul3A_0] : memref<50176xf32, #tpu.memory_space<vmem_shared>> -> memref<3136xf32, #tpu.memory_space<vmem_shared>>
      tpu.wait_dma2 semaphore(%run_scoped3A : memref<!tpu.dma_semaphore, #tpu.memory_space<semaphore_mem>>) src(%arg9 : memref<3136xf32, #tpu.memory_space<vmem>>) dst(%dma_wait3A_40 : memref<3136xf32, #tpu.memory_space<vmem_shared>>)
      tpu.yield
    }) : () -> ()
    %scan3A_8 = arith.constant 0 : i32
    %scan3A_9 = arith.constant 0 : i32
    %scan3A_10 = arith.constant 56 : i32
    %scan3A_11 = arith.addi %scan3A_9, %scan3A_10 : i32
    %scan3A_12 = arith.constant 1 : i32
    scf.for %scan3A_39 = %scan3A_9 to %scan3A_11 step %scan3A_12  : i32 {
      %broadcast_in_dim3A = arith.constant 1.000000e+00 : f32
      %broadcast_in_dim3A_40 = vector.broadcast %broadcast_in_dim3A : f32 to vector<16xf32>
      %swap3A = arith.index_cast %scan3A_39 : i32 to index
      %swap3A_41 = arith.constant 0 : index
      %swap3A_42 = tpu.vector_load %arg7[%swap3A, %swap3A_41] {strides = array<i32>} : memref<56x128xf32, #tpu.memory_space<vmem>>, vector<16xf32>,
      tpu.vector_store %arg7[%swap3A, %swap3A_41], %broadcast_in_dim3A_40 {strides = array<i32>} : memref<56x128xf32, #tpu.memory_space<vmem>>, vector<16xf32>,
      %broadcast_in_dim3A_43 = arith.constant 1.000000e+00 : f32
      %broadcast_in_dim3A_44 = vector.broadcast %broadcast_in_dim3A_43 : f32 to vector<16xf32>
      %swap3A_45 = arith.index_cast %scan3A_39 : i32 to index
      %swap3A_46 = arith.constant 0 : index
      %swap3A_47 = tpu.vector_load %arg8[%swap3A_45, %swap3A_46] {strides = array<i32>} : memref<56x128xf32, #tpu.memory_space<vmem>>, vector<16xf32>,
      tpu.vector_store %arg8[%swap3A_45, %swap3A_46], %broadcast_in_dim3A_44 {strides = array<i32>} : memref<56x128xf32, #tpu.memory_space<vmem>>, vector<16xf32>,
      %broadcast_in_dim3A_48 = arith.constant 1.000000e+00 : f32
      %broadcast_in_dim3A_49 = vector.broadcast %broadcast_in_dim3A_48 : f32 to vector<16xf32>
      %swap3A_50 = arith.index_cast %scan3A_39 : i32 to index
      %swap3A_51 = arith.constant 16 : index
      %swap3A_52 = tpu.vector_load %arg7[%swap3A_50, %swap3A_51] {strides = array<i32>} : memref<56x128xf32, #tpu.memory_space<vmem>>, vector<16xf32>,
      tpu.vector_store %arg7[%swap3A_50, %swap3A_51], %broadcast_in_dim3A_49 {strides = array<i32>} : memref<56x128xf32, #tpu.memory_space<vmem>>, vector<16xf32>,
      %broadcast_in_dim3A_53 = arith.constant 1.000000e+00 : f32
      %broadcast_in_dim3A_54 = vector.broadcast %broadcast_in_dim3A_53 : f32 to vector<16xf32>
      %swap3A_55 = arith.index_cast %scan3A_39 : i32 to index
      %swap3A_56 = arith.constant 16 : index
      %swap3A_57 = tpu.vector_load %arg8[%swap3A_55, %swap3A_56] {strides = array<i32>} : memref<56x128xf32, #tpu.memory_space<vmem>>, vector<16xf32>,
      tpu.vector_store %arg8[%swap3A_55, %swap3A_56], %broadcast_in_dim3A_54 {strides = array<i32>} : memref<56x128xf32, #tpu.memory_space<vmem>>, vector<16xf32>,
      %broadcast_in_dim3A_58 = arith.constant 1.000000e+00 : f32
      %broadcast_in_dim3A_59 = vector.broadcast %broadcast_in_dim3A_58 : f32 to vector<16xf32>
      %swap3A_60 = arith.index_cast %scan3A_39 : i32 to index
      %swap3A_61 = arith.constant 32 : index
      %swap3A_62 = tpu.vector_load %arg7[%swap3A_60, %swap3A_61] {strides = array<i32>} : memref<56x128xf32, #tpu.memory_space<vmem>>, vector<16xf32>,
      tpu.vector_store %arg7[%swap3A_60, %swap3A_61], %broadcast_in_dim3A_59 {strides = array<i32>} : memref<56x128xf32, #tpu.memory_space<vmem>>, vector<16xf32>,
      %broadcast_in_dim3A_63 = arith.constant 1.000000e+00 : f32
      %broadcast_in_dim3A_64 = vector.broadcast %broadcast_in_dim3A_63 : f32 to vector<16xf32>
      %swap3A_65 = arith.index_cast %scan3A_39 : i32 to index
      %swap3A_66 = arith.constant 32 : index
      %swap3A_67 = tpu.vector_load %arg8[%swap3A_65, %swap3A_66] {strides = array<i32>} : memref<56x128xf32, #tpu.memory_space<vmem>>, vector<16xf32>,
      tpu.vector_store %arg8[%swap3A_65, %swap3A_66], %broadcast_in_dim3A_64 {strides = array<i32>} : memref<56x128xf32, #tpu.memory_space<vmem>>, vector<16xf32>,
      %broadcast_in_dim3A_68 = arith.constant 1.000000e+00 : f32
      %broadcast_in_dim3A_69 = vector.broadcast %broadcast_in_dim3A_68 : f32 to vector<16xf32>
      %swap3A_70 = arith.index_cast %scan3A_39 : i32 to index
      %swap3A_71 = arith.constant 48 : index
      %swap3A_72 = tpu.vector_load %arg7[%swap3A_70, %swap3A_71] {strides = array<i32>} : memref<56x128xf32, #tpu.memory_space<vmem>>, vector<16xf32>,
      tpu.vector_store %arg7[%swap3A_70, %swap3A_71], %broadcast_in_dim3A_69 {strides = array<i32>} : memref<56x128xf32, #tpu.memory_space<vmem>>, vector<16xf32>,
      %broadcast_in_dim3A_73 = arith.constant 1.000000e+00 : f32
      %broadcast_in_dim3A_74 = vector.broadcast %broadcast_in_dim3A_73 : f32 to vector<16xf32>
      %swap3A_75 = arith.index_cast %scan3A_39 : i32 to index
      %swap3A_76 = arith.constant 48 : index
      %swap3A_77 = tpu.vector_load %arg8[%swap3A_75, %swap3A_76] {strides = array<i32>} : memref<56x128xf32, #tpu.memory_space<vmem>>, vector<16xf32>,
      tpu.vector_store %arg8[%swap3A_75, %swap3A_76], %broadcast_in_dim3A_74 {strides = array<i32>} : memref<56x128xf32, #tpu.memory_space<vmem>>, vector<16xf32>,
      %broadcast_in_dim3A_78 = arith.constant 1.000000e+00 : f32
      %broadcast_in_dim3A_79 = vector.broadcast %broadcast_in_dim3A_78 : f32 to vector<16xf32>
      %swap3A_80 = arith.index_cast %scan3A_39 : i32 to index
      %swap3A_81 = arith.constant 64 : index
      %swap3A_82 = tpu.vector_load %arg7[%swap3A_80, %swap3A_81] {strides = array<i32>} : memref<56x128xf32, #tpu.memory_space<vmem>>, vector<16xf32>,
      tpu.vector_store %arg7[%swap3A_80, %swap3A_81], %broadcast_in_dim3A_79 {strides = array<i32>} : memref<56x128xf32, #tpu.memory_space<vmem>>, vector<16xf32>,
      %broadcast_in_dim3A_83 = arith.constant 1.000000e+00 : f32
      %broadcast_in_dim3A_84 = vector.broadcast %broadcast_in_dim3A_83 : f32 to vector<16xf32>
      %swap3A_85 = arith.index_cast %scan3A_39 : i32 to index
      %swap3A_86 = arith.constant 64 : index
      %swap3A_87 = tpu.vector_load %arg8[%swap3A_85, %swap3A_86] {strides = array<i32>} : memref<56x128xf32, #tpu.memory_space<vmem>>, vector<16xf32>,
      tpu.vector_store %arg8[%swap3A_85, %swap3A_86], %broadcast_in_dim3A_84 {strides = array<i32>} : memref<56x128xf32, #tpu.memory_space<vmem>>, vector<16xf32>,
      %broadcast_in_dim3A_88 = arith.constant 1.000000e+00 : f32
      %broadcast_in_dim3A_89 = vector.broadcast %broadcast_in_dim3A_88 : f32 to vector<16xf32>
      %swap3A_90 = arith.index_cast %scan3A_39 : i32 to index
      %swap3A_91 = arith.constant 80 : index
      %swap3A_92 = tpu.vector_load %arg7[%swap3A_90, %swap3A_91] {strides = array<i32>} : memref<56x128xf32, #tpu.memory_space<vmem>>, vector<16xf32>,
      tpu.vector_store %arg7[%swap3A_90, %swap3A_91], %broadcast_in_dim3A_89 {strides = array<i32>} : memref<56x128xf32, #tpu.memory_space<vmem>>, vector<16xf32>,
      %broadcast_in_dim3A_93 = arith.constant 1.000000e+00 : f32
      %broadcast_in_dim3A_94 = vector.broadcast %broadcast_in_dim3A_93 : f32 to vector<16xf32>
      %swap3A_95 = arith.index_cast %scan3A_39 : i32 to index
      %swap3A_96 = arith.constant 80 : index
      %swap3A_97 = tpu.vector_load %arg8[%swap3A_95, %swap3A_96] {strides = array<i32>} : memref<56x128xf32, #tpu.memory_space<vmem>>, vector<16xf32>,
      tpu.vector_store %arg8[%swap3A_95, %swap3A_96], %broadcast_in_dim3A_94 {strides = array<i32>} : memref<56x128xf32, #tpu.memory_space<vmem>>, vector<16xf32>,
      %broadcast_in_dim3A_98 = arith.constant 1.000000e+00 : f32
      %broadcast_in_dim3A_99 = vector.broadcast %broadcast_in_dim3A_98 : f32 to vector<16xf32>
      %swap3A_100 = arith.index_cast %scan3A_39 : i32 to index
      %swap3A_101 = arith.constant 96 : index
      %swap3A_102 = tpu.vector_load %arg7[%swap3A_100, %swap3A_101] {strides = array<i32>} : memref<56x128xf32, #tpu.memory_space<vmem>>, vector<16xf32>,
      tpu.vector_store %arg7[%swap3A_100, %swap3A_101], %broadcast_in_dim3A_99 {strides = array<i32>} : memref<56x128xf32, #tpu.memory_space<vmem>>, vector<16xf32>,
      %broadcast_in_dim3A_103 = arith.constant 1.000000e+00 : f32
      %broadcast_in_dim3A_104 = vector.broadcast %broadcast_in_dim3A_103 : f32 to vector<16xf32>
      %swap3A_105 = arith.index_cast %scan3A_39 : i32 to index
      %swap3A_106 = arith.constant 96 : index
      %swap3A_107 = tpu.vector_load %arg8[%swap3A_105, %swap3A_106] {strides = array<i32>} : memref<56x128xf32, #tpu.memory_space<vmem>>, vector<16xf32>,
      tpu.vector_store %arg8[%swap3A_105, %swap3A_106], %broadcast_in_dim3A_104 {strides = array<i32>} : memref<56x128xf32, #tpu.memory_space<vmem>>, vector<16xf32>,
      %broadcast_in_dim3A_108 = arith.constant 1.000000e+00 : f32
      %broadcast_in_dim3A_109 = vector.broadcast %broadcast_in_dim3A_108 : f32 to vector<16xf32>
      %swap3A_110 = arith.index_cast %scan3A_39 : i32 to index
      %swap3A_111 = arith.constant 112 : index
      %swap3A_112 = tpu.vector_load %arg7[%swap3A_110, %swap3A_111] {strides = array<i32>} : memref<56x128xf32, #tpu.memory_space<vmem>>, vector<16xf32>,
      tpu.vector_store %arg7[%swap3A_110, %swap3A_111], %broadcast_in_dim3A_109 {strides = array<i32>} : memref<56x128xf32, #tpu.memory_space<vmem>>, vector<16xf32>,
      %broadcast_in_dim3A_113 = arith.constant 1.000000e+00 : f32
      %broadcast_in_dim3A_114 = vector.broadcast %broadcast_in_dim3A_113 : f32 to vector<16xf32>
      %swap3A_115 = arith.index_cast %scan3A_39 : i32 to index
      %swap3A_116 = arith.constant 112 : index
      %swap3A_117 = tpu.vector_load %arg8[%swap3A_115, %swap3A_116] {strides = array<i32>} : memref<56x128xf32, #tpu.memory_space<vmem>>, vector<16xf32>,
      tpu.vector_store %arg8[%swap3A_115, %swap3A_116], %broadcast_in_dim3A_114 {strides = array<i32>} : memref<56x128xf32, #tpu.memory_space<vmem>>, vector<16xf32>,
    }
    %scan3A_13 = arith.constant 56 : i32
    %barrier3A = arith.constant 0 : index
    tpu.barrier barrier_id(%barrier3A)
    %mul3A_14 = arith.constant 392 : i32
    %mul3A_15 = arith.muli %arg1, %mul3A_14 : i32
    %add3A = arith.constant 0 : i32
    %add3A_16 = arith.addi %mul3A_15, %add3A : i32
    "tpu.region"() ({
      %run_scoped3A = tpu.sem_alloc : memref<!tpu.dma_semaphore, #tpu.memory_space<semaphore_mem>>
      %dma_start3A = arith.constant 0 : i32
      %dma_start3A_39 = tpu.memref_slice %arg2[%arg0, %add3A_16, %dma_start3A] : memref<2x6272x128xi32, #tpu.memory_space<hbm>> -> memref<1x56x128xi32, #tpu.memory_space<hbm>>
      %dma_start3A_40 = tpu.memref_squeeze %dma_start3A_39 : memref<1x56x128xi32, #tpu.memory_space<hbm>> -> memref<56x128xi32, #tpu.memory_space<hbm>>
      %dma_start3A_41 = arith.constant 0 : i32
      %dma_start3A_42 = tpu.memref_slice %arg2[%arg0, %add3A_16, %dma_start3A_41] : memref<2x6272x128xi32, #tpu.memory_space<hbm>> -> memref<1x56x128xi32, #tpu.memory_space<hbm>>
      %dma_start3A_43 = tpu.memref_squeeze %dma_start3A_42 : memref<1x56x128xi32, #tpu.memory_space<hbm>> -> memref<56x128xi32, #tpu.memory_space<hbm>>
      tpu.enqueue_dma source(%dma_start3A_43 : memref<56x128xi32, #tpu.memory_space<hbm>>) target(%arg5 : memref<56x128xi32, #tpu.memory_space<vmem>>) target_semaphore(%run_scoped3A : memref<!tpu.dma_semaphore, #tpu.memory_space<semaphore_mem>>)
      %dma_wait3A = arith.constant 0 : i32
      %dma_wait3A_44 = tpu.memref_slice %arg2[%arg0, %add3A_16, %dma_wait3A] : memref<2x6272x128xi32, #tpu.memory_space<hbm>> -> memref<1x56x128xi32, #tpu.memory_space<hbm>>
      %dma_wait3A_45 = tpu.memref_squeeze %dma_wait3A_44 : memref<1x56x128xi32, #tpu.memory_space<hbm>> -> memref<56x128xi32, #tpu.memory_space<hbm>>
      %dma_wait3A_46 = arith.constant 0 : i32
      %dma_wait3A_47 = tpu.memref_slice %arg2[%arg0, %add3A_16, %dma_wait3A_46] : memref<2x6272x128xi32, #tpu.memory_space<hbm>> -> memref<1x56x128xi32, #tpu.memory_space<hbm>>
      %dma_wait3A_48 = tpu.memref_squeeze %dma_wait3A_47 : memref<1x56x128xi32, #tpu.memory_space<hbm>> -> memref<56x128xi32, #tpu.memory_space<hbm>>
      tpu.wait_dma2 semaphore(%run_scoped3A : memref<!tpu.dma_semaphore, #tpu.memory_space<semaphore_mem>>) src(%dma_wait3A_48 : memref<56x128xi32, #tpu.memory_space<hbm>>) dst(%arg5 : memref<56x128xi32, #tpu.memory_space<vmem>>)
      tpu.yield
    }) : () -> ()
    %scan3A_17 = arith.constant 0 : i32
    %scan3A_18 = arith.constant 0 : i32
    %scan3A_19 = arith.constant 56 : i32
    %scan3A_20 = arith.addi %scan3A_18, %scan3A_19 : i32
    %scan3A_21 = arith.constant 1 : i32
    scf.for %scan3A_39 = %scan3A_18 to %scan3A_20 step %scan3A_21  : i32 {
      %dma_start3A = arith.constant 0 : i32
      %dma_start3A_40 = tpu.memref_slice %arg7[%scan3A_39, %dma_start3A] : memref<56x128xf32, #tpu.memory_space<vmem>> -> memref<1x128xf32, #tpu.memory_space<vmem>>
      %dma_start3A_41 = tpu.memref_squeeze %dma_start3A_40 : memref<1x128xf32, #tpu.memory_space<vmem>> -> memref<128xf32, #tpu.memory_space<vmem>>
      %dma_start3A_42 = arith.constant 0 : i32
      %dma_start3A_43 = tpu.memref_slice %arg5[%scan3A_39, %dma_start3A_42] : memref<56x128xi32, #tpu.memory_space<vmem>> -> memref<1x128xi32, #tpu.memory_space<vmem>>
      %dma_start3A_44 = tpu.memref_squeeze %dma_start3A_43 : memref<1x128xi32, #tpu.memory_space<vmem>> -> memref<128xi32, #tpu.memory_space<vmem>>
      %dma_start3A_45 = arith.constant 0 : i32
      %dma_start3A_46 = tpu.memref_slice %arg4[%dma_start3A_45] : memref<50176xf32, #tpu.memory_space<vmem_shared>> -> memref<50176xf32, #tpu.memory_space<vmem_shared>>
      tpu.enqueue_indirect_dma source(%dma_start3A_41 : memref<128xf32, #tpu.memory_space<vmem>>) target(%dma_start3A_46 : memref<50176xf32, #tpu.memory_space<vmem_shared>>) offsets(%dma_start3A_44 : memref<128xi32, #tpu.memory_space<vmem>>) semaphore(%arg10 : memref<!tpu.dma_semaphore, #tpu.memory_space<semaphore_mem>>) {add = true}
    }
    %scan3A_22 = arith.constant 56 : i32
    %scan3A_23 = arith.constant 0 : i32
    %scan3A_24 = arith.constant 0 : i32
    %scan3A_25 = arith.constant 3 : i32
    %scan3A_26 = arith.addi %scan3A_24, %scan3A_25 : i32
    %scan3A_27 = arith.constant 1 : i32
    scf.for %scan3A_39 = %scan3A_24 to %scan3A_26 step %scan3A_27  : i32 {
      %mul3A_40 = arith.constant 2 : i32
      %mul3A_41 = arith.muli %mul3A_40, %scan3A_39 : i32
      %add3A_42 = arith.constant 1 : i32
      %add3A_43 = arith.addi %mul3A_41, %add3A_42 : i32
      %mul3A_44 = arith.constant 392 : i32
      %mul3A_45 = arith.muli %arg1, %mul3A_44 : i32
      %mul3A_46 = arith.constant 56 : i32
      %mul3A_47 = arith.muli %add3A_43, %mul3A_46 : i32
      %add3A_48 = arith.addi %mul3A_45, %mul3A_47 : i32
      "tpu.region"() ({
        %run_scoped3A = tpu.sem_alloc : memref<!tpu.dma_semaphore, #tpu.memory_space<semaphore_mem>>
        %dma_start3A = arith.constant 0 : i32
        %dma_start3A_82 = tpu.memref_slice %arg2[%arg0, %add3A_48, %dma_start3A] : memref<2x6272x128xi32, #tpu.memory_space<hbm>> -> memref<1x56x128xi32, #tpu.memory_space<hbm>>
        %dma_start3A_83 = tpu.memref_squeeze %dma_start3A_82 : memref<1x56x128xi32, #tpu.memory_space<hbm>> -> memref<56x128xi32, #tpu.memory_space<hbm>>
        %dma_start3A_84 = arith.constant 0 : i32
        %dma_start3A_85 = tpu.memref_slice %arg2[%arg0, %add3A_48, %dma_start3A_84] : memref<2x6272x128xi32, #tpu.memory_space<hbm>> -> memref<1x56x128xi32, #tpu.memory_space<hbm>>
        %dma_start3A_86 = tpu.memref_squeeze %dma_start3A_85 : memref<1x56x128xi32, #tpu.memory_space<hbm>> -> memref<56x128xi32, #tpu.memory_space<hbm>>
        tpu.enqueue_dma source(%dma_start3A_86 : memref<56x128xi32, #tpu.memory_space<hbm>>) target(%arg6 : memref<56x128xi32, #tpu.memory_space<vmem>>) target_semaphore(%run_scoped3A : memref<!tpu.dma_semaphore, #tpu.memory_space<semaphore_mem>>)
        %dma_wait3A = arith.constant 0 : i32
        %dma_wait3A_87 = tpu.memref_slice %arg2[%arg0, %add3A_48, %dma_wait3A] : memref<2x6272x128xi32, #tpu.memory_space<hbm>> -> memref<1x56x128xi32, #tpu.memory_space<hbm>>
        %dma_wait3A_88 = tpu.memref_squeeze %dma_wait3A_87 : memref<1x56x128xi32, #tpu.memory_space<hbm>> -> memref<56x128xi32, #tpu.memory_space<hbm>>
        %dma_wait3A_89 = arith.constant 0 : i32
        %dma_wait3A_90 = tpu.memref_slice %arg2[%arg0, %add3A_48, %dma_wait3A_89] : memref<2x6272x128xi32, #tpu.memory_space<hbm>> -> memref<1x56x128xi32, #tpu.memory_space<hbm>>
        %dma_wait3A_91 = tpu.memref_squeeze %dma_wait3A_90 : memref<1x56x128xi32, #tpu.memory_space<hbm>> -> memref<56x128xi32, #tpu.memory_space<hbm>>
        tpu.wait_dma2 semaphore(%run_scoped3A : memref<!tpu.dma_semaphore, #tpu.memory_space<semaphore_mem>>) src(%dma_wait3A_91 : memref<56x128xi32, #tpu.memory_space<hbm>>) dst(%arg6 : memref<56x128xi32, #tpu.memory_space<vmem>>)
        tpu.yield
      }) : () -> ()
      %scan3A_49 = arith.constant 0 : i32
      %scan3A_50 = arith.constant 0 : i32
      %scan3A_51 = arith.constant 56 : i32
      %scan3A_52 = arith.addi %scan3A_50, %scan3A_51 : i32
      %scan3A_53 = arith.constant 1 : i32
      scf.for %scan3A_82 = %scan3A_50 to %scan3A_52 step %scan3A_53  : i32 {
        %dma_start3A = arith.constant 0 : i32
        %dma_start3A_83 = tpu.memref_slice %arg8[%scan3A_82, %dma_start3A] : memref<56x128xf32, #tpu.memory_space<vmem>> -> memref<1x128xf32, #tpu.memory_space<vmem>>
        %dma_start3A_84 = tpu.memref_squeeze %dma_start3A_83 : memref<1x128xf32, #tpu.memory_space<vmem>> -> memref<128xf32, #tpu.memory_space<vmem>>
        %dma_start3A_85 = arith.constant 0 : i32
        %dma_start3A_86 = tpu.memref_slice %arg6[%scan3A_82, %dma_start3A_85] : memref<56x128xi32, #tpu.memory_space<vmem>> -> memref<1x128xi32, #tpu.memory_space<vmem>>
        %dma_start3A_87 = tpu.memref_squeeze %dma_start3A_86 : memref<1x128xi32, #tpu.memory_space<vmem>> -> memref<128xi32, #tpu.memory_space<vmem>>
        %dma_start3A_88 = arith.constant 0 : i32
        %dma_start3A_89 = tpu.memref_slice %arg4[%dma_start3A_88] : memref<50176xf32, #tpu.memory_space<vmem_shared>> -> memref<50176xf32, #tpu.memory_space<vmem_shared>>
        tpu.enqueue_indirect_dma source(%dma_start3A_84 : memref<128xf32, #tpu.memory_space<vmem>>) target(%dma_start3A_89 : memref<50176xf32, #tpu.memory_space<vmem_shared>>) offsets(%dma_start3A_87 : memref<128xi32, #tpu.memory_space<vmem>>) semaphore(%arg11 : memref<!tpu.dma_semaphore, #tpu.memory_space<semaphore_mem>>) {add = true}
      }
      %scan3A_54 = arith.constant 56 : i32
      %scan3A_55 = arith.constant 0 : i32
      %scan3A_56 = arith.constant 0 : i32
      %scan3A_57 = arith.constant 56 : i32
      %scan3A_58 = arith.addi %scan3A_56, %scan3A_57 : i32
      %scan3A_59 = arith.constant 1 : i32
      scf.for %scan3A_82 = %scan3A_56 to %scan3A_58 step %scan3A_59  : i32 {
        %dma_wait3A = arith.constant 0 : i32
        %dma_wait3A_83 = arith.constant 0 : i32
        %dma_wait3A_84 = arith.constant 0 : i32
        %dma_wait3A_85 = arith.constant 0 : i32
        %dma_wait3A_86 = tpu.memref_slice %arg7[%dma_wait3A_84, %dma_wait3A_85] : memref<56x128xf32, #tpu.memory_space<vmem>> -> memref<1x128xf32, #tpu.memory_space<vmem>>
        %dma_wait3A_87 = tpu.memref_squeeze %dma_wait3A_86 : memref<1x128xf32, #tpu.memory_space<vmem>> -> memref<128xf32, #tpu.memory_space<vmem>>
        %dma_wait3A_88 = arith.constant 0 : i32
        %dma_wait3A_89 = tpu.memref_slice %arg2[%dma_wait3A, %dma_wait3A_83, %dma_wait3A_88] : memref<2x6272x128xi32, #tpu.memory_space<hbm>> -> memref<1x1x128xi32, #tpu.memory_space<hbm>>
        %dma_wait3A_90 = tpu.memref_squeeze %dma_wait3A_89 : memref<1x1x128xi32, #tpu.memory_space<hbm>> -> memref<128xi32, #tpu.memory_space<hbm>>
        %dma_wait3A_91 = arith.constant 0 : i32
        %dma_wait3A_92 = tpu.memref_slice %arg7[%dma_wait3A_84, %dma_wait3A_91] : memref<56x128xf32, #tpu.memory_space<vmem>> -> memref<1x128xf32, #tpu.memory_space<vmem>>
        %dma_wait3A_93 = tpu.memref_squeeze %dma_wait3A_92 : memref<1x128xf32, #tpu.memory_space<vmem>> -> memref<128xf32, #tpu.memory_space<vmem>>
        %dma_wait3A_94 = arith.constant 0 : i32
        %dma_wait3A_95 = tpu.memref_slice %arg2[%dma_wait3A, %dma_wait3A_83, %dma_wait3A_94] : memref<2x6272x128xi32, #tpu.memory_space<hbm>> -> memref<1x1x128xi32, #tpu.memory_space<hbm>>
        %dma_wait3A_96 = tpu.memref_squeeze %dma_wait3A_95 : memref<1x1x128xi32, #tpu.memory_space<hbm>> -> memref<128xi32, #tpu.memory_space<hbm>>
        tpu.wait_dma2 semaphore(%arg10 : memref<!tpu.dma_semaphore, #tpu.memory_space<semaphore_mem>>) src(%dma_wait3A_96 : memref<128xi32, #tpu.memory_space<hbm>>) dst(%dma_wait3A_93 : memref<128xf32, #tpu.memory_space<vmem>>)
      }
      %scan3A_60 = arith.constant 56 : i32
      %mul3A_61 = arith.constant 2 : i32
      %mul3A_62 = arith.muli %mul3A_61, %scan3A_39 : i32
      %add3A_63 = arith.constant 2 : i32
      %add3A_64 = arith.addi %mul3A_62, %add3A_63 : i32
      %mul3A_65 = arith.constant 392 : i32
      %mul3A_66 = arith.muli %arg1, %mul3A_65 : i32
      %mul3A_67 = arith.constant 56 : i32
      %mul3A_68 = arith.muli %add3A_64, %mul3A_67 : i32
      %add3A_69 = arith.addi %mul3A_66, %mul3A_68 : i32
      "tpu.region"() ({
        %run_scoped3A = tpu.sem_alloc : memref<!tpu.dma_semaphore, #tpu.memory_space<semaphore_mem>>
        %dma_start3A = arith.constant 0 : i32
        %dma_start3A_82 = tpu.memref_slice %arg2[%arg0, %add3A_69, %dma_start3A] : memref<2x6272x128xi32, #tpu.memory_space<hbm>> -> memref<1x56x128xi32, #tpu.memory_space<hbm>>
        %dma_start3A_83 = tpu.memref_squeeze %dma_start3A_82 : memref<1x56x128xi32, #tpu.memory_space<hbm>> -> memref<56x128xi32, #tpu.memory_space<hbm>>
        %dma_start3A_84 = arith.constant 0 : i32
        %dma_start3A_85 = tpu.memref_slice %arg2[%arg0, %add3A_69, %dma_start3A_84] : memref<2x6272x128xi32, #tpu.memory_space<hbm>> -> memref<1x56x128xi32, #tpu.memory_space<hbm>>
        %dma_start3A_86 = tpu.memref_squeeze %dma_start3A_85 : memref<1x56x128xi32, #tpu.memory_space<hbm>> -> memref<56x128xi32, #tpu.memory_space<hbm>>
        tpu.enqueue_dma source(%dma_start3A_86 : memref<56x128xi32, #tpu.memory_space<hbm>>) target(%arg5 : memref<56x128xi32, #tpu.memory_space<vmem>>) target_semaphore(%run_scoped3A : memref<!tpu.dma_semaphore, #tpu.memory_space<semaphore_mem>>)
        %dma_wait3A = arith.constant 0 : i32
        %dma_wait3A_87 = tpu.memref_slice %arg2[%arg0, %add3A_69, %dma_wait3A] : memref<2x6272x128xi32, #tpu.memory_space<hbm>> -> memref<1x56x128xi32, #tpu.memory_space<hbm>>
        %dma_wait3A_88 = tpu.memref_squeeze %dma_wait3A_87 : memref<1x56x128xi32, #tpu.memory_space<hbm>> -> memref<56x128xi32, #tpu.memory_space<hbm>>
        %dma_wait3A_89 = arith.constant 0 : i32
        %dma_wait3A_90 = tpu.memref_slice %arg2[%arg0, %add3A_69, %dma_wait3A_89] : memref<2x6272x128xi32, #tpu.memory_space<hbm>> -> memref<1x56x128xi32, #tpu.memory_space<hbm>>
        %dma_wait3A_91 = tpu.memref_squeeze %dma_wait3A_90 : memref<1x56x128xi32, #tpu.memory_space<hbm>> -> memref<56x128xi32, #tpu.memory_space<hbm>>
        tpu.wait_dma2 semaphore(%run_scoped3A : memref<!tpu.dma_semaphore, #tpu.memory_space<semaphore_mem>>) src(%dma_wait3A_91 : memref<56x128xi32, #tpu.memory_space<hbm>>) dst(%arg5 : memref<56x128xi32, #tpu.memory_space<vmem>>)
        tpu.yield
      }) : () -> ()
      %scan3A_70 = arith.constant 0 : i32
      %scan3A_71 = arith.constant 0 : i32
      %scan3A_72 = arith.constant 56 : i32
      %scan3A_73 = arith.addi %scan3A_71, %scan3A_72 : i32
      %scan3A_74 = arith.constant 1 : i32
      scf.for %scan3A_82 = %scan3A_71 to %scan3A_73 step %scan3A_74  : i32 {
        %dma_start3A = arith.constant 0 : i32
        %dma_start3A_83 = tpu.memref_slice %arg7[%scan3A_82, %dma_start3A] : memref<56x128xf32, #tpu.memory_space<vmem>> -> memref<1x128xf32, #tpu.memory_space<vmem>>
        %dma_start3A_84 = tpu.memref_squeeze %dma_start3A_83 : memref<1x128xf32, #tpu.memory_space<vmem>> -> memref<128xf32, #tpu.memory_space<vmem>>
        %dma_start3A_85 = arith.constant 0 : i32
        %dma_start3A_86 = tpu.memref_slice %arg5[%scan3A_82, %dma_start3A_85] : memref<56x128xi32, #tpu.memory_space<vmem>> -> memref<1x128xi32, #tpu.memory_space<vmem>>
        %dma_start3A_87 = tpu.memref_squeeze %dma_start3A_86 : memref<1x128xi32, #tpu.memory_space<vmem>> -> memref<128xi32, #tpu.memory_space<vmem>>
        %dma_start3A_88 = arith.constant 0 : i32
        %dma_start3A_89 = tpu.memref_slice %arg4[%dma_start3A_88] : memref<50176xf32, #tpu.memory_space<vmem_shared>> -> memref<50176xf32, #tpu.memory_space<vmem_shared>>
        tpu.enqueue_indirect_dma source(%dma_start3A_84 : memref<128xf32, #tpu.memory_space<vmem>>) target(%dma_start3A_89 : memref<50176xf32, #tpu.memory_space<vmem_shared>>) offsets(%dma_start3A_87 : memref<128xi32, #tpu.memory_space<vmem>>) semaphore(%arg10 : memref<!tpu.dma_semaphore, #tpu.memory_space<semaphore_mem>>) {add = true}
      }
      %scan3A_75 = arith.constant 56 : i32
      %scan3A_76 = arith.constant 0 : i32
      %scan3A_77 = arith.constant 0 : i32
      %scan3A_78 = arith.constant 56 : i32
      %scan3A_79 = arith.addi %scan3A_77, %scan3A_78 : i32
      %scan3A_80 = arith.constant 1 : i32
      scf.for %scan3A_82 = %scan3A_77 to %scan3A_79 step %scan3A_80  : i32 {
        %dma_wait3A = arith.constant 0 : i32
        %dma_wait3A_83 = arith.constant 0 : i32
        %dma_wait3A_84 = arith.constant 0 : i32
        %dma_wait3A_85 = arith.constant 0 : i32
        %dma_wait3A_86 = tpu.memref_slice %arg7[%dma_wait3A_84, %dma_wait3A_85] : memref<56x128xf32, #tpu.memory_space<vmem>> -> memref<1x128xf32, #tpu.memory_space<vmem>>
        %dma_wait3A_87 = tpu.memref_squeeze %dma_wait3A_86 : memref<1x128xf32, #tpu.memory_space<vmem>> -> memref<128xf32, #tpu.memory_space<vmem>>
        %dma_wait3A_88 = arith.constant 0 : i32
        %dma_wait3A_89 = tpu.memref_slice %arg2[%dma_wait3A, %dma_wait3A_83, %dma_wait3A_88] : memref<2x6272x128xi32, #tpu.memory_space<hbm>> -> memref<1x1x128xi32, #tpu.memory_space<hbm>>
        %dma_wait3A_90 = tpu.memref_squeeze %dma_wait3A_89 : memref<1x1x128xi32, #tpu.memory_space<hbm>> -> memref<128xi32, #tpu.memory_space<hbm>>
        %dma_wait3A_91 = arith.constant 0 : i32
        %dma_wait3A_92 = tpu.memref_slice %arg7[%dma_wait3A_84, %dma_wait3A_91] : memref<56x128xf32, #tpu.memory_space<vmem>> -> memref<1x128xf32, #tpu.memory_space<vmem>>
        %dma_wait3A_93 = tpu.memref_squeeze %dma_wait3A_92 : memref<1x128xf32, #tpu.memory_space<vmem>> -> memref<128xf32, #tpu.memory_space<vmem>>
        %dma_wait3A_94 = arith.constant 0 : i32
        %dma_wait3A_95 = tpu.memref_slice %arg2[%dma_wait3A, %dma_wait3A_83, %dma_wait3A_94] : memref<2x6272x128xi32, #tpu.memory_space<hbm>> -> memref<1x1x128xi32, #tpu.memory_space<hbm>>
        %dma_wait3A_96 = tpu.memref_squeeze %dma_wait3A_95 : memref<1x1x128xi32, #tpu.memory_space<hbm>> -> memref<128xi32, #tpu.memory_space<hbm>>
        tpu.wait_dma2 semaphore(%arg11 : memref<!tpu.dma_semaphore, #tpu.memory_space<semaphore_mem>>) src(%dma_wait3A_96 : memref<128xi32, #tpu.memory_space<hbm>>) dst(%dma_wait3A_93 : memref<128xf32, #tpu.memory_space<vmem>>)
      }
      %scan3A_81 = arith.constant 56 : i32
    }
    %scan3A_28 = arith.constant 3 : i32
    %scan3A_29 = arith.constant 0 : i32
    %scan3A_30 = arith.constant 0 : i32
    %scan3A_31 = arith.constant 56 : i32
    %scan3A_32 = arith.addi %scan3A_30, %scan3A_31 : i32
    %scan3A_33 = arith.constant 1 : i32
    scf.for %scan3A_39 = %scan3A_30 to %scan3A_32 step %scan3A_33  : i32 {
      %dma_wait3A = arith.constant 0 : i32
      %dma_wait3A_40 = arith.constant 0 : i32
      %dma_wait3A_41 = arith.constant 0 : i32
      %dma_wait3A_42 = arith.constant 0 : i32
      %dma_wait3A_43 = tpu.memref_slice %arg7[%dma_wait3A_41, %dma_wait3A_42] : memref<56x128xf32, #tpu.memory_space<vmem>> -> memref<1x128xf32, #tpu.memory_space<vmem>>
      %dma_wait3A_44 = tpu.memref_squeeze %dma_wait3A_43 : memref<1x128xf32, #tpu.memory_space<vmem>> -> memref<128xf32, #tpu.memory_space<vmem>>
      %dma_wait3A_45 = arith.constant 0 : i32
      %dma_wait3A_46 = tpu.memref_slice %arg2[%dma_wait3A, %dma_wait3A_40, %dma_wait3A_45] : memref<2x6272x128xi32, #tpu.memory_space<hbm>> -> memref<1x1x128xi32, #tpu.memory_space<hbm>>
      %dma_wait3A_47 = tpu.memref_squeeze %dma_wait3A_46 : memref<1x1x128xi32, #tpu.memory_space<hbm>> -> memref<128xi32, #tpu.memory_space<hbm>>
      %dma_wait3A_48 = arith.constant 0 : i32
      %dma_wait3A_49 = tpu.memref_slice %arg7[%dma_wait3A_41, %dma_wait3A_48] : memref<56x128xf32, #tpu.memory_space<vmem>> -> memref<1x128xf32, #tpu.memory_space<vmem>>
      %dma_wait3A_50 = tpu.memref_squeeze %dma_wait3A_49 : memref<1x128xf32, #tpu.memory_space<vmem>> -> memref<128xf32, #tpu.memory_space<vmem>>
      %dma_wait3A_51 = arith.constant 0 : i32
      %dma_wait3A_52 = tpu.memref_slice %arg2[%dma_wait3A, %dma_wait3A_40, %dma_wait3A_51] : memref<2x6272x128xi32, #tpu.memory_space<hbm>> -> memref<1x1x128xi32, #tpu.memory_space<hbm>>
      %dma_wait3A_53 = tpu.memref_squeeze %dma_wait3A_52 : memref<1x1x128xi32, #tpu.memory_space<hbm>> -> memref<128xi32, #tpu.memory_space<hbm>>
      tpu.wait_dma2 semaphore(%arg10 : memref<!tpu.dma_semaphore, #tpu.memory_space<semaphore_mem>>) src(%dma_wait3A_53 : memref<128xi32, #tpu.memory_space<hbm>>) dst(%dma_wait3A_50 : memref<128xf32, #tpu.memory_space<vmem>>)
    }
    %scan3A_34 = arith.constant 56 : i32
    %barrier3A_35 = arith.constant 0 : index
    tpu.barrier barrier_id(%barrier3A_35)
    %add3A_36 = arith.constant 0 : i32
    %add3A_37 = arith.addi %add3A_36, %mul3A_0 : i32
    "tpu.region"() ({
      %run_scoped3A = tpu.sem_alloc : memref<!tpu.dma_semaphore, #tpu.memory_space<semaphore_mem>>
      %dma_start3A = tpu.memref_slice %arg4[%add3A_37] : memref<50176xf32, #tpu.memory_space<vmem_shared>> -> memref<3136xf32, #tpu.memory_space<vmem_shared>>
      %dma_start3A_39 = tpu.memref_slice %arg4[%add3A_37] : memref<50176xf32, #tpu.memory_space<vmem_shared>> -> memref<3136xf32, #tpu.memory_space<vmem_shared>>
      tpu.enqueue_dma source(%dma_start3A_39 : memref<3136xf32, #tpu.memory_space<vmem_shared>>) target(%arg9 : memref<3136xf32, #tpu.memory_space<vmem>>) target_semaphore(%run_scoped3A : memref<!tpu.dma_semaphore, #tpu.memory_space<semaphore_mem>>)
      %dma_wait3A = tpu.memref_slice %arg4[%add3A_37] : memref<50176xf32, #tpu.memory_space<vmem_shared>> -> memref<3136xf32, #tpu.memory_space<vmem_shared>>
      %dma_wait3A_40 = tpu.memref_slice %arg4[%add3A_37] : memref<50176xf32, #tpu.memory_space<vmem_shared>> -> memref<3136xf32, #tpu.memory_space<vmem_shared>>
      tpu.wait_dma2 semaphore(%run_scoped3A : memref<!tpu.dma_semaphore, #tpu.memory_space<semaphore_mem>>) src(%dma_wait3A_40 : memref<3136xf32, #tpu.memory_space<vmem_shared>>) dst(%arg9 : memref<3136xf32, #tpu.memory_space<vmem>>)
      tpu.yield
    }) : () -> ()
    %add3A_38 = arith.addi %mul3A_2, %mul3A_0 : i32
    "tpu.region"() ({
      %run_scoped3A = tpu.sem_alloc : memref<!tpu.dma_semaphore, #tpu.memory_space<semaphore_mem>>
      %dma_start3A = tpu.memref_slice %arg3[%add3A_38] : memref<100352xf32, #tpu.memory_space<hbm>> -> memref<3136xf32, #tpu.memory_space<hbm>>
      %dma_start3A_39 = tpu.memref_slice %arg3[%add3A_38] : memref<100352xf32, #tpu.memory_space<hbm>> -> memref<3136xf32, #tpu.memory_space<hbm>>
      tpu.enqueue_dma source(%arg9 : memref<3136xf32, #tpu.memory_space<vmem>>) target(%dma_start3A_39 : memref<3136xf32, #tpu.memory_space<hbm>>) target_semaphore(%run_scoped3A : memref<!tpu.dma_semaphore, #tpu.memory_space<semaphore_mem>>)
      %dma_wait3A = tpu.memref_slice %arg3[%add3A_38] : memref<100352xf32, #tpu.memory_space<hbm>> -> memref<3136xf32, #tpu.memory_space<hbm>>
      %dma_wait3A_40 = tpu.memref_slice %arg3[%add3A_38] : memref<100352xf32, #tpu.memory_space<hbm>> -> memref<3136xf32, #tpu.memory_space<hbm>>
      tpu.wait_dma2 semaphore(%run_scoped3A : memref<!tpu.dma_semaphore, #tpu.memory_space<semaphore_mem>>) src(%arg9 : memref<3136xf32, #tpu.memory_space<vmem>>) dst(%dma_wait3A_40 : memref<3136xf32, #tpu.memory_space<hbm>>)
      tpu.yield
    }) : () -> ()
    return
  }
}

#map = affine_map<(d0, d1) -> (0, 0, 0)>
#map1 = affine_map<(d0, d1) -> (0)>
module attributes {stable_mosaic.version = 14 : i64} {
  func.func @body(%arg0: i32, %arg1: i32, %arg2: memref<2x6272x128xi32, #tpu.memory_space<hbm>>, %arg3: memref<2x6272x128xi32, #tpu.memory_space<hbm>>, %arg4: memref<100352xf32, #tpu.memory_space<hbm>>, %arg5: memref<100352xf32, #tpu.memory_space<hbm>>, %arg6: memref<50176xf32, #tpu.memory_space<vmem_shared>>, %arg7: memref<50176xf32, #tpu.memory_space<vmem>>, %arg8: memref<56x128xi32, #tpu.memory_space<vmem>>, %arg9: memref<56x128xi32, #tpu.memory_space<vmem>>, %arg10: memref<56x128xf32, #tpu.memory_space<vmem>>, %arg11: memref<56x128xf32, #tpu.memory_space<vmem>>, %arg12: memref<3136xf32, #tpu.memory_space<vmem>>, %arg13: memref<!tpu.dma_semaphore, #tpu.memory_space<semaphore_mem>>, %arg14: memref<!tpu.dma_semaphore, #tpu.memory_space<semaphore_mem>>, %arg15: memref<56x128xi32, #tpu.memory_space<vmem>>, %arg16: memref<56x128xi32, #tpu.memory_space<vmem>>) attributes {dimension_semantics = [#tpu.dimension_semantics<core_parallel>, #tpu.dimension_semantics<subcore_parallel>], iteration_bounds = array<i64: 2, 16>, scalar_prefetch = 0 : i64, scratch_operands = 11 : i64, tpu.core_type = #tpu.core_type<sc_vector_subcore>, window_params = [{transform_indices = #map}, {transform_indices = #map}, {transform_indices = #map1}, {transform_indices = #map1}]} {
    %mul3A = arith.constant 3136 : i32
    %mul3A_0 = arith.muli %arg1, %mul3A : i32
    %mul3A_1 = arith.constant 50176 : i32
    %mul3A_2 = arith.muli %arg0, %mul3A_1 : i32
    %scan3A = arith.constant 0 : i32
    %scan3A_3 = arith.constant 0 : i32
    %scan3A_4 = arith.constant 196 : i32
    %scan3A_5 = arith.addi %scan3A_3, %scan3A_4 : i32
    %scan3A_6 = arith.constant 1 : i32
    scf.for %scan3A_39 = %scan3A_3 to %scan3A_5 step %scan3A_6  : i32 {
      %broadcast_in_dim3A = arith.constant 0.000000e+00 : f32
      %broadcast_in_dim3A_40 = vector.broadcast %broadcast_in_dim3A : f32 to vector<16xf32>
      %mul3A_41 = arith.constant 16 : i32
      %mul3A_42 = arith.muli %scan3A_39, %mul3A_41 : i32
      %swap3A = arith.index_cast %mul3A_42 : i32 to index
      %swap3A_43 = tpu.vector_load %arg12[%swap3A] {strides = array<i32>} : memref<3136xf32, #tpu.memory_space<vmem>>, vector<16xf32>,
      tpu.vector_store %arg12[%swap3A], %broadcast_in_dim3A_40 {strides = array<i32>} : memref<3136xf32, #tpu.memory_space<vmem>>, vector<16xf32>,
    }
    %scan3A_7 = arith.constant 196 : i32
    "tpu.region"() ({
      %run_scoped3A = tpu.sem_alloc : memref<!tpu.dma_semaphore, #tpu.memory_space<semaphore_mem>>
      %dma_start3A = tpu.memref_slice %arg6[%mul3A_0] : memref<50176xf32, #tpu.memory_space<vmem_shared>> -> memref<3136xf32, #tpu.memory_space<vmem_shared>>
      %dma_start3A_39 = tpu.memref_slice %arg6[%mul3A_0] : memref<50176xf32, #tpu.memory_space<vmem_shared>> -> memref<3136xf32, #tpu.memory_space<vmem_shared>>
      tpu.enqueue_dma source(%arg12 : memref<3136xf32, #tpu.memory_space<vmem>>) target(%dma_start3A_39 : memref<3136xf32, #tpu.memory_space<vmem_shared>>) target_semaphore(%run_scoped3A : memref<!tpu.dma_semaphore, #tpu.memory_space<semaphore_mem>>)
      %dma_wait3A = tpu.memref_slice %arg6[%mul3A_0] : memref<50176xf32, #tpu.memory_space<vmem_shared>> -> memref<3136xf32, #tpu.memory_space<vmem_shared>>
      %dma_wait3A_40 = tpu.memref_slice %arg6[%mul3A_0] : memref<50176xf32, #tpu.memory_space<vmem_shared>> -> memref<3136xf32, #tpu.memory_space<vmem_shared>>
      tpu.wait_dma2 semaphore(%run_scoped3A : memref<!tpu.dma_semaphore, #tpu.memory_space<semaphore_mem>>) src(%arg12 : memref<3136xf32, #tpu.memory_space<vmem>>) dst(%dma_wait3A_40 : memref<3136xf32, #tpu.memory_space<vmem_shared>>)
      tpu.yield
    }) : () -> ()
    "tpu.region"() ({
      %run_scoped3A = tpu.sem_alloc : memref<!tpu.dma_semaphore, #tpu.memory_space<semaphore_mem>>
      %dma_start3A = tpu.memref_slice %arg4[%mul3A_2] : memref<100352xf32, #tpu.memory_space<hbm>> -> memref<50176xf32, #tpu.memory_space<hbm>>
      %dma_start3A_39 = tpu.memref_slice %arg4[%mul3A_2] : memref<100352xf32, #tpu.memory_space<hbm>> -> memref<50176xf32, #tpu.memory_space<hbm>>
      tpu.enqueue_dma source(%dma_start3A_39 : memref<50176xf32, #tpu.memory_space<hbm>>) target(%arg7 : memref<50176xf32, #tpu.memory_space<vmem>>) target_semaphore(%run_scoped3A : memref<!tpu.dma_semaphore, #tpu.memory_space<semaphore_mem>>)
      %dma_wait3A = tpu.memref_slice %arg4[%mul3A_2] : memref<100352xf32, #tpu.memory_space<hbm>> -> memref<50176xf32, #tpu.memory_space<hbm>>
      %dma_wait3A_40 = tpu.memref_slice %arg4[%mul3A_2] : memref<100352xf32, #tpu.memory_space<hbm>> -> memref<50176xf32, #tpu.memory_space<hbm>>
      tpu.wait_dma2 semaphore(%run_scoped3A : memref<!tpu.dma_semaphore, #tpu.memory_space<semaphore_mem>>) src(%dma_wait3A_40 : memref<50176xf32, #tpu.memory_space<hbm>>) dst(%arg7 : memref<50176xf32, #tpu.memory_space<vmem>>)
      tpu.yield
    }) : () -> ()
    %barrier3A = arith.constant 0 : index
    tpu.barrier barrier_id(%barrier3A)
    %mul3A_8 = arith.constant 392 : i32
    %mul3A_9 = arith.muli %arg1, %mul3A_8 : i32
    %add3A = arith.constant 0 : i32
    %add3A_10 = arith.addi %mul3A_9, %add3A : i32
    "tpu.region"() ({
      %run_scoped3A = tpu.sem_alloc : memref<!tpu.dma_semaphore, #tpu.memory_space<semaphore_mem>>
      %dma_start3A = arith.constant 0 : i32
      %dma_start3A_39 = tpu.memref_slice %arg3[%arg0, %add3A_10, %dma_start3A] : memref<2x6272x128xi32, #tpu.memory_space<hbm>> -> memref<1x56x128xi32, #tpu.memory_space<hbm>>
      %dma_start3A_40 = tpu.memref_squeeze %dma_start3A_39 : memref<1x56x128xi32, #tpu.memory_space<hbm>> -> memref<56x128xi32, #tpu.memory_space<hbm>>
      %dma_start3A_41 = arith.constant 0 : i32
      %dma_start3A_42 = tpu.memref_slice %arg3[%arg0, %add3A_10, %dma_start3A_41] : memref<2x6272x128xi32, #tpu.memory_space<hbm>> -> memref<1x56x128xi32, #tpu.memory_space<hbm>>
      %dma_start3A_43 = tpu.memref_squeeze %dma_start3A_42 : memref<1x56x128xi32, #tpu.memory_space<hbm>> -> memref<56x128xi32, #tpu.memory_space<hbm>>
      tpu.enqueue_dma source(%dma_start3A_43 : memref<56x128xi32, #tpu.memory_space<hbm>>) target(%arg8 : memref<56x128xi32, #tpu.memory_space<vmem>>) target_semaphore(%run_scoped3A : memref<!tpu.dma_semaphore, #tpu.memory_space<semaphore_mem>>)
      %dma_wait3A = arith.constant 0 : i32
      %dma_wait3A_44 = tpu.memref_slice %arg3[%arg0, %add3A_10, %dma_wait3A] : memref<2x6272x128xi32, #tpu.memory_space<hbm>> -> memref<1x56x128xi32, #tpu.memory_space<hbm>>
      %dma_wait3A_45 = tpu.memref_squeeze %dma_wait3A_44 : memref<1x56x128xi32, #tpu.memory_space<hbm>> -> memref<56x128xi32, #tpu.memory_space<hbm>>
      %dma_wait3A_46 = arith.constant 0 : i32
      %dma_wait3A_47 = tpu.memref_slice %arg3[%arg0, %add3A_10, %dma_wait3A_46] : memref<2x6272x128xi32, #tpu.memory_space<hbm>> -> memref<1x56x128xi32, #tpu.memory_space<hbm>>
      %dma_wait3A_48 = tpu.memref_squeeze %dma_wait3A_47 : memref<1x56x128xi32, #tpu.memory_space<hbm>> -> memref<56x128xi32, #tpu.memory_space<hbm>>
      tpu.wait_dma2 semaphore(%run_scoped3A : memref<!tpu.dma_semaphore, #tpu.memory_space<semaphore_mem>>) src(%dma_wait3A_48 : memref<56x128xi32, #tpu.memory_space<hbm>>) dst(%arg8 : memref<56x128xi32, #tpu.memory_space<vmem>>)
      tpu.yield
    }) : () -> ()
    "tpu.region"() ({
      %run_scoped3A = tpu.sem_alloc : memref<!tpu.dma_semaphore, #tpu.memory_space<semaphore_mem>>
      %dma_start3A = arith.constant 0 : i32
      %dma_start3A_39 = tpu.memref_slice %arg2[%arg0, %add3A_10, %dma_start3A] : memref<2x6272x128xi32, #tpu.memory_space<hbm>> -> memref<1x56x128xi32, #tpu.memory_space<hbm>>
      %dma_start3A_40 = tpu.memref_squeeze %dma_start3A_39 : memref<1x56x128xi32, #tpu.memory_space<hbm>> -> memref<56x128xi32, #tpu.memory_space<hbm>>
      %dma_start3A_41 = arith.constant 0 : i32
      %dma_start3A_42 = tpu.memref_slice %arg2[%arg0, %add3A_10, %dma_start3A_41] : memref<2x6272x128xi32, #tpu.memory_space<hbm>> -> memref<1x56x128xi32, #tpu.memory_space<hbm>>
      %dma_start3A_43 = tpu.memref_squeeze %dma_start3A_42 : memref<1x56x128xi32, #tpu.memory_space<hbm>> -> memref<56x128xi32, #tpu.memory_space<hbm>>
      tpu.enqueue_dma source(%dma_start3A_43 : memref<56x128xi32, #tpu.memory_space<hbm>>) target(%arg15 : memref<56x128xi32, #tpu.memory_space<vmem>>) target_semaphore(%run_scoped3A : memref<!tpu.dma_semaphore, #tpu.memory_space<semaphore_mem>>)
      %dma_wait3A = arith.constant 0 : i32
      %dma_wait3A_44 = tpu.memref_slice %arg2[%arg0, %add3A_10, %dma_wait3A] : memref<2x6272x128xi32, #tpu.memory_space<hbm>> -> memref<1x56x128xi32, #tpu.memory_space<hbm>>
      %dma_wait3A_45 = tpu.memref_squeeze %dma_wait3A_44 : memref<1x56x128xi32, #tpu.memory_space<hbm>> -> memref<56x128xi32, #tpu.memory_space<hbm>>
      %dma_wait3A_46 = arith.constant 0 : i32
      %dma_wait3A_47 = tpu.memref_slice %arg2[%arg0, %add3A_10, %dma_wait3A_46] : memref<2x6272x128xi32, #tpu.memory_space<hbm>> -> memref<1x56x128xi32, #tpu.memory_space<hbm>>
      %dma_wait3A_48 = tpu.memref_squeeze %dma_wait3A_47 : memref<1x56x128xi32, #tpu.memory_space<hbm>> -> memref<56x128xi32, #tpu.memory_space<hbm>>
      tpu.wait_dma2 semaphore(%run_scoped3A : memref<!tpu.dma_semaphore, #tpu.memory_space<semaphore_mem>>) src(%dma_wait3A_48 : memref<56x128xi32, #tpu.memory_space<hbm>>) dst(%arg15 : memref<56x128xi32, #tpu.memory_space<vmem>>)
      tpu.yield
    }) : () -> ()
    %scan3A_11 = arith.constant 0 : i32
    %scan3A_12 = arith.constant 0 : i32
    %scan3A_13 = arith.constant 56 : i32
    %scan3A_14 = arith.addi %scan3A_12, %scan3A_13 : i32
    %scan3A_15 = arith.constant 1 : i32
    scf.for %scan3A_39 = %scan3A_12 to %scan3A_14 step %scan3A_15  : i32 {
      %get3A = arith.index_cast %scan3A_39 : i32 to index
      %get3A_40 = arith.constant 0 : index
      %get3A_41 = tpu.vector_load %arg15[%get3A, %get3A_40] {strides = array<i32>} : memref<56x128xi32, #tpu.memory_space<vmem>>, vector<16xi32>,
      %gather3A = tpu.vector_load_idx %arg7[%get3A_41] : memref<50176xf32, #tpu.memory_space<vmem>>[vector<16xi32>], vector<16xf32>,
      %swap3A = arith.index_cast %scan3A_39 : i32 to index
      %swap3A_42 = arith.constant 0 : index
      %swap3A_43 = tpu.vector_load %arg10[%swap3A, %swap3A_42] {strides = array<i32>} : memref<56x128xf32, #tpu.memory_space<vmem>>, vector<16xf32>,
      tpu.vector_store %arg10[%swap3A, %swap3A_42], %gather3A {strides = array<i32>} : memref<56x128xf32, #tpu.memory_space<vmem>>, vector<16xf32>,
      %get3A_44 = arith.index_cast %scan3A_39 : i32 to index
      %get3A_45 = arith.constant 16 : index
      %get3A_46 = tpu.vector_load %arg15[%get3A_44, %get3A_45] {strides = array<i32>} : memref<56x128xi32, #tpu.memory_space<vmem>>, vector<16xi32>,
      %gather3A_47 = tpu.vector_load_idx %arg7[%get3A_46] : memref<50176xf32, #tpu.memory_space<vmem>>[vector<16xi32>], vector<16xf32>,
      %swap3A_48 = arith.index_cast %scan3A_39 : i32 to index
      %swap3A_49 = arith.constant 16 : index
      %swap3A_50 = tpu.vector_load %arg10[%swap3A_48, %swap3A_49] {strides = array<i32>} : memref<56x128xf32, #tpu.memory_space<vmem>>, vector<16xf32>,
      tpu.vector_store %arg10[%swap3A_48, %swap3A_49], %gather3A_47 {strides = array<i32>} : memref<56x128xf32, #tpu.memory_space<vmem>>, vector<16xf32>,
      %get3A_51 = arith.index_cast %scan3A_39 : i32 to index
      %get3A_52 = arith.constant 32 : index
      %get3A_53 = tpu.vector_load %arg15[%get3A_51, %get3A_52] {strides = array<i32>} : memref<56x128xi32, #tpu.memory_space<vmem>>, vector<16xi32>,
      %gather3A_54 = tpu.vector_load_idx %arg7[%get3A_53] : memref<50176xf32, #tpu.memory_space<vmem>>[vector<16xi32>], vector<16xf32>,
      %swap3A_55 = arith.index_cast %scan3A_39 : i32 to index
      %swap3A_56 = arith.constant 32 : index
      %swap3A_57 = tpu.vector_load %arg10[%swap3A_55, %swap3A_56] {strides = array<i32>} : memref<56x128xf32, #tpu.memory_space<vmem>>, vector<16xf32>,
      tpu.vector_store %arg10[%swap3A_55, %swap3A_56], %gather3A_54 {strides = array<i32>} : memref<56x128xf32, #tpu.memory_space<vmem>>, vector<16xf32>,
      %get3A_58 = arith.index_cast %scan3A_39 : i32 to index
      %get3A_59 = arith.constant 48 : index
      %get3A_60 = tpu.vector_load %arg15[%get3A_58, %get3A_59] {strides = array<i32>} : memref<56x128xi32, #tpu.memory_space<vmem>>, vector<16xi32>,
      %gather3A_61 = tpu.vector_load_idx %arg7[%get3A_60] : memref<50176xf32, #tpu.memory_space<vmem>>[vector<16xi32>], vector<16xf32>,
      %swap3A_62 = arith.index_cast %scan3A_39 : i32 to index
      %swap3A_63 = arith.constant 48 : index
      %swap3A_64 = tpu.vector_load %arg10[%swap3A_62, %swap3A_63] {strides = array<i32>} : memref<56x128xf32, #tpu.memory_space<vmem>>, vector<16xf32>,
      tpu.vector_store %arg10[%swap3A_62, %swap3A_63], %gather3A_61 {strides = array<i32>} : memref<56x128xf32, #tpu.memory_space<vmem>>, vector<16xf32>,
      %get3A_65 = arith.index_cast %scan3A_39 : i32 to index
      %get3A_66 = arith.constant 64 : index
      %get3A_67 = tpu.vector_load %arg15[%get3A_65, %get3A_66] {strides = array<i32>} : memref<56x128xi32, #tpu.memory_space<vmem>>, vector<16xi32>,
      %gather3A_68 = tpu.vector_load_idx %arg7[%get3A_67] : memref<50176xf32, #tpu.memory_space<vmem>>[vector<16xi32>], vector<16xf32>,
      %swap3A_69 = arith.index_cast %scan3A_39 : i32 to index
      %swap3A_70 = arith.constant 64 : index
      %swap3A_71 = tpu.vector_load %arg10[%swap3A_69, %swap3A_70] {strides = array<i32>} : memref<56x128xf32, #tpu.memory_space<vmem>>, vector<16xf32>,
      tpu.vector_store %arg10[%swap3A_69, %swap3A_70], %gather3A_68 {strides = array<i32>} : memref<56x128xf32, #tpu.memory_space<vmem>>, vector<16xf32>,
      %get3A_72 = arith.index_cast %scan3A_39 : i32 to index
      %get3A_73 = arith.constant 80 : index
      %get3A_74 = tpu.vector_load %arg15[%get3A_72, %get3A_73] {strides = array<i32>} : memref<56x128xi32, #tpu.memory_space<vmem>>, vector<16xi32>,
      %gather3A_75 = tpu.vector_load_idx %arg7[%get3A_74] : memref<50176xf32, #tpu.memory_space<vmem>>[vector<16xi32>], vector<16xf32>,
      %swap3A_76 = arith.index_cast %scan3A_39 : i32 to index
      %swap3A_77 = arith.constant 80 : index
      %swap3A_78 = tpu.vector_load %arg10[%swap3A_76, %swap3A_77] {strides = array<i32>} : memref<56x128xf32, #tpu.memory_space<vmem>>, vector<16xf32>,
      tpu.vector_store %arg10[%swap3A_76, %swap3A_77], %gather3A_75 {strides = array<i32>} : memref<56x128xf32, #tpu.memory_space<vmem>>, vector<16xf32>,
      %get3A_79 = arith.index_cast %scan3A_39 : i32 to index
      %get3A_80 = arith.constant 96 : index
      %get3A_81 = tpu.vector_load %arg15[%get3A_79, %get3A_80] {strides = array<i32>} : memref<56x128xi32, #tpu.memory_space<vmem>>, vector<16xi32>,
      %gather3A_82 = tpu.vector_load_idx %arg7[%get3A_81] : memref<50176xf32, #tpu.memory_space<vmem>>[vector<16xi32>], vector<16xf32>,
      %swap3A_83 = arith.index_cast %scan3A_39 : i32 to index
      %swap3A_84 = arith.constant 96 : index
      %swap3A_85 = tpu.vector_load %arg10[%swap3A_83, %swap3A_84] {strides = array<i32>} : memref<56x128xf32, #tpu.memory_space<vmem>>, vector<16xf32>,
      tpu.vector_store %arg10[%swap3A_83, %swap3A_84], %gather3A_82 {strides = array<i32>} : memref<56x128xf32, #tpu.memory_space<vmem>>, vector<16xf32>,
      %get3A_86 = arith.index_cast %scan3A_39 : i32 to index
      %get3A_87 = arith.constant 112 : index
      %get3A_88 = tpu.vector_load %arg15[%get3A_86, %get3A_87] {strides = array<i32>} : memref<56x128xi32, #tpu.memory_space<vmem>>, vector<16xi32>,
      %gather3A_89 = tpu.vector_load_idx %arg7[%get3A_88] : memref<50176xf32, #tpu.memory_space<vmem>>[vector<16xi32>], vector<16xf32>,
      %swap3A_90 = arith.index_cast %scan3A_39 : i32 to index
      %swap3A_91 = arith.constant 112 : index
      %swap3A_92 = tpu.vector_load %arg10[%swap3A_90, %swap3A_91] {strides = array<i32>} : memref<56x128xf32, #tpu.memory_space<vmem>>, vector<16xf32>,
      tpu.vector_store %arg10[%swap3A_90, %swap3A_91], %gather3A_89 {strides = array<i32>} : memref<56x128xf32, #tpu.memory_space<vmem>>, vector<16xf32>,
    }
    %scan3A_16 = arith.constant 56 : i32
    %scan3A_17 = arith.constant 0 : i32
    %scan3A_18 = arith.constant 0 : i32
    %scan3A_19 = arith.constant 56 : i32
    %scan3A_20 = arith.addi %scan3A_18, %scan3A_19 : i32
    %scan3A_21 = arith.constant 1 : i32
    scf.for %scan3A_39 = %scan3A_18 to %scan3A_20 step %scan3A_21  : i32 {
      %dma_start3A = arith.constant 0 : i32
      %dma_start3A_40 = tpu.memref_slice %arg10[%scan3A_39, %dma_start3A] : memref<56x128xf32, #tpu.memory_space<vmem>> -> memref<1x128xf32, #tpu.memory_space<vmem>>
      %dma_start3A_41 = tpu.memref_squeeze %dma_start3A_40 : memref<1x128xf32, #tpu.memory_space<vmem>> -> memref<128xf32, #tpu.memory_space<vmem>>
      %dma_start3A_42 = arith.constant 0 : i32
      %dma_start3A_43 = tpu.memref_slice %arg8[%scan3A_39, %dma_start3A_42] : memref<56x128xi32, #tpu.memory_space<vmem>> -> memref<1x128xi32, #tpu.memory_space<vmem>>
      %dma_start3A_44 = tpu.memref_squeeze %dma_start3A_43 : memref<1x128xi32, #tpu.memory_space<vmem>> -> memref<128xi32, #tpu.memory_space<vmem>>
      %dma_start3A_45 = arith.constant 0 : i32
      %dma_start3A_46 = tpu.memref_slice %arg6[%dma_start3A_45] : memref<50176xf32, #tpu.memory_space<vmem_shared>> -> memref<50176xf32, #tpu.memory_space<vmem_shared>>
      tpu.enqueue_indirect_dma source(%dma_start3A_41 : memref<128xf32, #tpu.memory_space<vmem>>) target(%dma_start3A_46 : memref<50176xf32, #tpu.memory_space<vmem_shared>>) offsets(%dma_start3A_44 : memref<128xi32, #tpu.memory_space<vmem>>) semaphore(%arg13 : memref<!tpu.dma_semaphore, #tpu.memory_space<semaphore_mem>>) {add = true}
    }
    %scan3A_22 = arith.constant 56 : i32
    %scan3A_23 = arith.constant 0 : i32
    %scan3A_24 = arith.constant 0 : i32
    %scan3A_25 = arith.constant 3 : i32
    %scan3A_26 = arith.addi %scan3A_24, %scan3A_25 : i32
    %scan3A_27 = arith.constant 1 : i32
    scf.for %scan3A_39 = %scan3A_24 to %scan3A_26 step %scan3A_27  : i32 {
      %mul3A_40 = arith.constant 2 : i32
      %mul3A_41 = arith.muli %mul3A_40, %scan3A_39 : i32
      %add3A_42 = arith.constant 1 : i32
      %add3A_43 = arith.addi %mul3A_41, %add3A_42 : i32
      %mul3A_44 = arith.constant 392 : i32
      %mul3A_45 = arith.muli %arg1, %mul3A_44 : i32
      %mul3A_46 = arith.constant 56 : i32
      %mul3A_47 = arith.muli %add3A_43, %mul3A_46 : i32
      %add3A_48 = arith.addi %mul3A_45, %mul3A_47 : i32
      "tpu.region"() ({
        %run_scoped3A = tpu.sem_alloc : memref<!tpu.dma_semaphore, #tpu.memory_space<semaphore_mem>>
        %dma_start3A = arith.constant 0 : i32
        %dma_start3A_94 = tpu.memref_slice %arg3[%arg0, %add3A_48, %dma_start3A] : memref<2x6272x128xi32, #tpu.memory_space<hbm>> -> memref<1x56x128xi32, #tpu.memory_space<hbm>>
        %dma_start3A_95 = tpu.memref_squeeze %dma_start3A_94 : memref<1x56x128xi32, #tpu.memory_space<hbm>> -> memref<56x128xi32, #tpu.memory_space<hbm>>
        %dma_start3A_96 = arith.constant 0 : i32
        %dma_start3A_97 = tpu.memref_slice %arg3[%arg0, %add3A_48, %dma_start3A_96] : memref<2x6272x128xi32, #tpu.memory_space<hbm>> -> memref<1x56x128xi32, #tpu.memory_space<hbm>>
        %dma_start3A_98 = tpu.memref_squeeze %dma_start3A_97 : memref<1x56x128xi32, #tpu.memory_space<hbm>> -> memref<56x128xi32, #tpu.memory_space<hbm>>
        tpu.enqueue_dma source(%dma_start3A_98 : memref<56x128xi32, #tpu.memory_space<hbm>>) target(%arg9 : memref<56x128xi32, #tpu.memory_space<vmem>>) target_semaphore(%run_scoped3A : memref<!tpu.dma_semaphore, #tpu.memory_space<semaphore_mem>>)
        %dma_wait3A = arith.constant 0 : i32
        %dma_wait3A_99 = tpu.memref_slice %arg3[%arg0, %add3A_48, %dma_wait3A] : memref<2x6272x128xi32, #tpu.memory_space<hbm>> -> memref<1x56x128xi32, #tpu.memory_space<hbm>>
        %dma_wait3A_100 = tpu.memref_squeeze %dma_wait3A_99 : memref<1x56x128xi32, #tpu.memory_space<hbm>> -> memref<56x128xi32, #tpu.memory_space<hbm>>
        %dma_wait3A_101 = arith.constant 0 : i32
        %dma_wait3A_102 = tpu.memref_slice %arg3[%arg0, %add3A_48, %dma_wait3A_101] : memref<2x6272x128xi32, #tpu.memory_space<hbm>> -> memref<1x56x128xi32, #tpu.memory_space<hbm>>
        %dma_wait3A_103 = tpu.memref_squeeze %dma_wait3A_102 : memref<1x56x128xi32, #tpu.memory_space<hbm>> -> memref<56x128xi32, #tpu.memory_space<hbm>>
        tpu.wait_dma2 semaphore(%run_scoped3A : memref<!tpu.dma_semaphore, #tpu.memory_space<semaphore_mem>>) src(%dma_wait3A_103 : memref<56x128xi32, #tpu.memory_space<hbm>>) dst(%arg9 : memref<56x128xi32, #tpu.memory_space<vmem>>)
        tpu.yield
      }) : () -> ()
      "tpu.region"() ({
        %run_scoped3A = tpu.sem_alloc : memref<!tpu.dma_semaphore, #tpu.memory_space<semaphore_mem>>
        %dma_start3A = arith.constant 0 : i32
        %dma_start3A_94 = tpu.memref_slice %arg2[%arg0, %add3A_48, %dma_start3A] : memref<2x6272x128xi32, #tpu.memory_space<hbm>> -> memref<1x56x128xi32, #tpu.memory_space<hbm>>
        %dma_start3A_95 = tpu.memref_squeeze %dma_start3A_94 : memref<1x56x128xi32, #tpu.memory_space<hbm>> -> memref<56x128xi32, #tpu.memory_space<hbm>>
        %dma_start3A_96 = arith.constant 0 : i32
        %dma_start3A_97 = tpu.memref_slice %arg2[%arg0, %add3A_48, %dma_start3A_96] : memref<2x6272x128xi32, #tpu.memory_space<hbm>> -> memref<1x56x128xi32, #tpu.memory_space<hbm>>
        %dma_start3A_98 = tpu.memref_squeeze %dma_start3A_97 : memref<1x56x128xi32, #tpu.memory_space<hbm>> -> memref<56x128xi32, #tpu.memory_space<hbm>>
        tpu.enqueue_dma source(%dma_start3A_98 : memref<56x128xi32, #tpu.memory_space<hbm>>) target(%arg16 : memref<56x128xi32, #tpu.memory_space<vmem>>) target_semaphore(%run_scoped3A : memref<!tpu.dma_semaphore, #tpu.memory_space<semaphore_mem>>)
        %dma_wait3A = arith.constant 0 : i32
        %dma_wait3A_99 = tpu.memref_slice %arg2[%arg0, %add3A_48, %dma_wait3A] : memref<2x6272x128xi32, #tpu.memory_space<hbm>> -> memref<1x56x128xi32, #tpu.memory_space<hbm>>
        %dma_wait3A_100 = tpu.memref_squeeze %dma_wait3A_99 : memref<1x56x128xi32, #tpu.memory_space<hbm>> -> memref<56x128xi32, #tpu.memory_space<hbm>>
        %dma_wait3A_101 = arith.constant 0 : i32
        %dma_wait3A_102 = tpu.memref_slice %arg2[%arg0, %add3A_48, %dma_wait3A_101] : memref<2x6272x128xi32, #tpu.memory_space<hbm>> -> memref<1x56x128xi32, #tpu.memory_space<hbm>>
        %dma_wait3A_103 = tpu.memref_squeeze %dma_wait3A_102 : memref<1x56x128xi32, #tpu.memory_space<hbm>> -> memref<56x128xi32, #tpu.memory_space<hbm>>
        tpu.wait_dma2 semaphore(%run_scoped3A : memref<!tpu.dma_semaphore, #tpu.memory_space<semaphore_mem>>) src(%dma_wait3A_103 : memref<56x128xi32, #tpu.memory_space<hbm>>) dst(%arg16 : memref<56x128xi32, #tpu.memory_space<vmem>>)
        tpu.yield
      }) : () -> ()
      %scan3A_49 = arith.constant 0 : i32
      %scan3A_50 = arith.constant 0 : i32
      %scan3A_51 = arith.constant 56 : i32
      %scan3A_52 = arith.addi %scan3A_50, %scan3A_51 : i32
      %scan3A_53 = arith.constant 1 : i32
      scf.for %scan3A_94 = %scan3A_50 to %scan3A_52 step %scan3A_53  : i32 {
        %get3A = arith.index_cast %scan3A_94 : i32 to index
        %get3A_95 = arith.constant 0 : index
        %get3A_96 = tpu.vector_load %arg16[%get3A, %get3A_95] {strides = array<i32>} : memref<56x128xi32, #tpu.memory_space<vmem>>, vector<16xi32>,
        %gather3A = tpu.vector_load_idx %arg7[%get3A_96] : memref<50176xf32, #tpu.memory_space<vmem>>[vector<16xi32>], vector<16xf32>,
        %swap3A = arith.index_cast %scan3A_94 : i32 to index
        %swap3A_97 = arith.constant 0 : index
        %swap3A_98 = tpu.vector_load %arg11[%swap3A, %swap3A_97] {strides = array<i32>} : memref<56x128xf32, #tpu.memory_space<vmem>>, vector<16xf32>,
        tpu.vector_store %arg11[%swap3A, %swap3A_97], %gather3A {strides = array<i32>} : memref<56x128xf32, #tpu.memory_space<vmem>>, vector<16xf32>,
        %get3A_99 = arith.index_cast %scan3A_94 : i32 to index
        %get3A_100 = arith.constant 16 : index
        %get3A_101 = tpu.vector_load %arg16[%get3A_99, %get3A_100] {strides = array<i32>} : memref<56x128xi32, #tpu.memory_space<vmem>>, vector<16xi32>,
        %gather3A_102 = tpu.vector_load_idx %arg7[%get3A_101] : memref<50176xf32, #tpu.memory_space<vmem>>[vector<16xi32>], vector<16xf32>,
        %swap3A_103 = arith.index_cast %scan3A_94 : i32 to index
        %swap3A_104 = arith.constant 16 : index
        %swap3A_105 = tpu.vector_load %arg11[%swap3A_103, %swap3A_104] {strides = array<i32>} : memref<56x128xf32, #tpu.memory_space<vmem>>, vector<16xf32>,
        tpu.vector_store %arg11[%swap3A_103, %swap3A_104], %gather3A_102 {strides = array<i32>} : memref<56x128xf32, #tpu.memory_space<vmem>>, vector<16xf32>,
        %get3A_106 = arith.index_cast %scan3A_94 : i32 to index
        %get3A_107 = arith.constant 32 : index
        %get3A_108 = tpu.vector_load %arg16[%get3A_106, %get3A_107] {strides = array<i32>} : memref<56x128xi32, #tpu.memory_space<vmem>>, vector<16xi32>,
        %gather3A_109 = tpu.vector_load_idx %arg7[%get3A_108] : memref<50176xf32, #tpu.memory_space<vmem>>[vector<16xi32>], vector<16xf32>,
        %swap3A_110 = arith.index_cast %scan3A_94 : i32 to index
        %swap3A_111 = arith.constant 32 : index
        %swap3A_112 = tpu.vector_load %arg11[%swap3A_110, %swap3A_111] {strides = array<i32>} : memref<56x128xf32, #tpu.memory_space<vmem>>, vector<16xf32>,
        tpu.vector_store %arg11[%swap3A_110, %swap3A_111], %gather3A_109 {strides = array<i32>} : memref<56x128xf32, #tpu.memory_space<vmem>>, vector<16xf32>,
        %get3A_113 = arith.index_cast %scan3A_94 : i32 to index
        %get3A_114 = arith.constant 48 : index
        %get3A_115 = tpu.vector_load %arg16[%get3A_113, %get3A_114] {strides = array<i32>} : memref<56x128xi32, #tpu.memory_space<vmem>>, vector<16xi32>,
        %gather3A_116 = tpu.vector_load_idx %arg7[%get3A_115] : memref<50176xf32, #tpu.memory_space<vmem>>[vector<16xi32>], vector<16xf32>,
        %swap3A_117 = arith.index_cast %scan3A_94 : i32 to index
        %swap3A_118 = arith.constant 48 : index
        %swap3A_119 = tpu.vector_load %arg11[%swap3A_117, %swap3A_118] {strides = array<i32>} : memref<56x128xf32, #tpu.memory_space<vmem>>, vector<16xf32>,
        tpu.vector_store %arg11[%swap3A_117, %swap3A_118], %gather3A_116 {strides = array<i32>} : memref<56x128xf32, #tpu.memory_space<vmem>>, vector<16xf32>,
        %get3A_120 = arith.index_cast %scan3A_94 : i32 to index
        %get3A_121 = arith.constant 64 : index
        %get3A_122 = tpu.vector_load %arg16[%get3A_120, %get3A_121] {strides = array<i32>} : memref<56x128xi32, #tpu.memory_space<vmem>>, vector<16xi32>,
        %gather3A_123 = tpu.vector_load_idx %arg7[%get3A_122] : memref<50176xf32, #tpu.memory_space<vmem>>[vector<16xi32>], vector<16xf32>,
        %swap3A_124 = arith.index_cast %scan3A_94 : i32 to index
        %swap3A_125 = arith.constant 64 : index
        %swap3A_126 = tpu.vector_load %arg11[%swap3A_124, %swap3A_125] {strides = array<i32>} : memref<56x128xf32, #tpu.memory_space<vmem>>, vector<16xf32>,
        tpu.vector_store %arg11[%swap3A_124, %swap3A_125], %gather3A_123 {strides = array<i32>} : memref<56x128xf32, #tpu.memory_space<vmem>>, vector<16xf32>,
        %get3A_127 = arith.index_cast %scan3A_94 : i32 to index
        %get3A_128 = arith.constant 80 : index
        %get3A_129 = tpu.vector_load %arg16[%get3A_127, %get3A_128] {strides = array<i32>} : memref<56x128xi32, #tpu.memory_space<vmem>>, vector<16xi32>,
        %gather3A_130 = tpu.vector_load_idx %arg7[%get3A_129] : memref<50176xf32, #tpu.memory_space<vmem>>[vector<16xi32>], vector<16xf32>,
        %swap3A_131 = arith.index_cast %scan3A_94 : i32 to index
        %swap3A_132 = arith.constant 80 : index
        %swap3A_133 = tpu.vector_load %arg11[%swap3A_131, %swap3A_132] {strides = array<i32>} : memref<56x128xf32, #tpu.memory_space<vmem>>, vector<16xf32>,
        tpu.vector_store %arg11[%swap3A_131, %swap3A_132], %gather3A_130 {strides = array<i32>} : memref<56x128xf32, #tpu.memory_space<vmem>>, vector<16xf32>,
        %get3A_134 = arith.index_cast %scan3A_94 : i32 to index
        %get3A_135 = arith.constant 96 : index
        %get3A_136 = tpu.vector_load %arg16[%get3A_134, %get3A_135] {strides = array<i32>} : memref<56x128xi32, #tpu.memory_space<vmem>>, vector<16xi32>,
        %gather3A_137 = tpu.vector_load_idx %arg7[%get3A_136] : memref<50176xf32, #tpu.memory_space<vmem>>[vector<16xi32>], vector<16xf32>,
        %swap3A_138 = arith.index_cast %scan3A_94 : i32 to index
        %swap3A_139 = arith.constant 96 : index
        %swap3A_140 = tpu.vector_load %arg11[%swap3A_138, %swap3A_139] {strides = array<i32>} : memref<56x128xf32, #tpu.memory_space<vmem>>, vector<16xf32>,
        tpu.vector_store %arg11[%swap3A_138, %swap3A_139], %gather3A_137 {strides = array<i32>} : memref<56x128xf32, #tpu.memory_space<vmem>>, vector<16xf32>,
        %get3A_141 = arith.index_cast %scan3A_94 : i32 to index
        %get3A_142 = arith.constant 112 : index
        %get3A_143 = tpu.vector_load %arg16[%get3A_141, %get3A_142] {strides = array<i32>} : memref<56x128xi32, #tpu.memory_space<vmem>>, vector<16xi32>,
        %gather3A_144 = tpu.vector_load_idx %arg7[%get3A_143] : memref<50176xf32, #tpu.memory_space<vmem>>[vector<16xi32>], vector<16xf32>,
        %swap3A_145 = arith.index_cast %scan3A_94 : i32 to index
        %swap3A_146 = arith.constant 112 : index
        %swap3A_147 = tpu.vector_load %arg11[%swap3A_145, %swap3A_146] {strides = array<i32>} : memref<56x128xf32, #tpu.memory_space<vmem>>, vector<16xf32>,
        tpu.vector_store %arg11[%swap3A_145, %swap3A_146], %gather3A_144 {strides = array<i32>} : memref<56x128xf32, #tpu.memory_space<vmem>>, vector<16xf32>,
      }
      %scan3A_54 = arith.constant 56 : i32
      %scan3A_55 = arith.constant 0 : i32
      %scan3A_56 = arith.constant 0 : i32
      %scan3A_57 = arith.constant 56 : i32
      %scan3A_58 = arith.addi %scan3A_56, %scan3A_57 : i32
      %scan3A_59 = arith.constant 1 : i32
      scf.for %scan3A_94 = %scan3A_56 to %scan3A_58 step %scan3A_59  : i32 {
        %dma_start3A = arith.constant 0 : i32
        %dma_start3A_95 = tpu.memref_slice %arg11[%scan3A_94, %dma_start3A] : memref<56x128xf32, #tpu.memory_space<vmem>> -> memref<1x128xf32, #tpu.memory_space<vmem>>
        %dma_start3A_96 = tpu.memref_squeeze %dma_start3A_95 : memref<1x128xf32, #tpu.memory_space<vmem>> -> memref<128xf32, #tpu.memory_space<vmem>>
        %dma_start3A_97 = arith.constant 0 : i32
        %dma_start3A_98 = tpu.memref_slice %arg9[%scan3A_94, %dma_start3A_97] : memref<56x128xi32, #tpu.memory_space<vmem>> -> memref<1x128xi32, #tpu.memory_space<vmem>>
        %dma_start3A_99 = tpu.memref_squeeze %dma_start3A_98 : memref<1x128xi32, #tpu.memory_space<vmem>> -> memref<128xi32, #tpu.memory_space<vmem>>
        %dma_start3A_100 = arith.constant 0 : i32
        %dma_start3A_101 = tpu.memref_slice %arg6[%dma_start3A_100] : memref<50176xf32, #tpu.memory_space<vmem_shared>> -> memref<50176xf32, #tpu.memory_space<vmem_shared>>
        tpu.enqueue_indirect_dma source(%dma_start3A_96 : memref<128xf32, #tpu.memory_space<vmem>>) target(%dma_start3A_101 : memref<50176xf32, #tpu.memory_space<vmem_shared>>) offsets(%dma_start3A_99 : memref<128xi32, #tpu.memory_space<vmem>>) semaphore(%arg14 : memref<!tpu.dma_semaphore, #tpu.memory_space<semaphore_mem>>) {add = true}
      }
      %scan3A_60 = arith.constant 56 : i32
      %scan3A_61 = arith.constant 0 : i32
      %scan3A_62 = arith.constant 0 : i32
      %scan3A_63 = arith.constant 56 : i32
      %scan3A_64 = arith.addi %scan3A_62, %scan3A_63 : i32
      %scan3A_65 = arith.constant 1 : i32
      scf.for %scan3A_94 = %scan3A_62 to %scan3A_64 step %scan3A_65  : i32 {
        %dma_wait3A = arith.constant 0 : i32
        %dma_wait3A_95 = arith.constant 0 : i32
        %dma_wait3A_96 = arith.constant 0 : i32
        %dma_wait3A_97 = arith.constant 0 : i32
        %dma_wait3A_98 = tpu.memref_slice %arg10[%dma_wait3A_96, %dma_wait3A_97] : memref<56x128xf32, #tpu.memory_space<vmem>> -> memref<1x128xf32, #tpu.memory_space<vmem>>
        %dma_wait3A_99 = tpu.memref_squeeze %dma_wait3A_98 : memref<1x128xf32, #tpu.memory_space<vmem>> -> memref<128xf32, #tpu.memory_space<vmem>>
        %dma_wait3A_100 = arith.constant 0 : i32
        %dma_wait3A_101 = tpu.memref_slice %arg3[%dma_wait3A, %dma_wait3A_95, %dma_wait3A_100] : memref<2x6272x128xi32, #tpu.memory_space<hbm>> -> memref<1x1x128xi32, #tpu.memory_space<hbm>>
        %dma_wait3A_102 = tpu.memref_squeeze %dma_wait3A_101 : memref<1x1x128xi32, #tpu.memory_space<hbm>> -> memref<128xi32, #tpu.memory_space<hbm>>
        %dma_wait3A_103 = arith.constant 0 : i32
        %dma_wait3A_104 = tpu.memref_slice %arg10[%dma_wait3A_96, %dma_wait3A_103] : memref<56x128xf32, #tpu.memory_space<vmem>> -> memref<1x128xf32, #tpu.memory_space<vmem>>
        %dma_wait3A_105 = tpu.memref_squeeze %dma_wait3A_104 : memref<1x128xf32, #tpu.memory_space<vmem>> -> memref<128xf32, #tpu.memory_space<vmem>>
        %dma_wait3A_106 = arith.constant 0 : i32
        %dma_wait3A_107 = tpu.memref_slice %arg3[%dma_wait3A, %dma_wait3A_95, %dma_wait3A_106] : memref<2x6272x128xi32, #tpu.memory_space<hbm>> -> memref<1x1x128xi32, #tpu.memory_space<hbm>>
        %dma_wait3A_108 = tpu.memref_squeeze %dma_wait3A_107 : memref<1x1x128xi32, #tpu.memory_space<hbm>> -> memref<128xi32, #tpu.memory_space<hbm>>
        tpu.wait_dma2 semaphore(%arg13 : memref<!tpu.dma_semaphore, #tpu.memory_space<semaphore_mem>>) src(%dma_wait3A_108 : memref<128xi32, #tpu.memory_space<hbm>>) dst(%dma_wait3A_105 : memref<128xf32, #tpu.memory_space<vmem>>)
      }
      %scan3A_66 = arith.constant 56 : i32
      %mul3A_67 = arith.constant 2 : i32
      %mul3A_68 = arith.muli %mul3A_67, %scan3A_39 : i32
      %add3A_69 = arith.constant 2 : i32
      %add3A_70 = arith.addi %mul3A_68, %add3A_69 : i32
      %mul3A_71 = arith.constant 392 : i32
      %mul3A_72 = arith.muli %arg1, %mul3A_71 : i32
      %mul3A_73 = arith.constant 56 : i32
      %mul3A_74 = arith.muli %add3A_70, %mul3A_73 : i32
      %add3A_75 = arith.addi %mul3A_72, %mul3A_74 : i32
      "tpu.region"() ({
        %run_scoped3A = tpu.sem_alloc : memref<!tpu.dma_semaphore, #tpu.memory_space<semaphore_mem>>
        %dma_start3A = arith.constant 0 : i32
        %dma_start3A_94 = tpu.memref_slice %arg3[%arg0, %add3A_75, %dma_start3A] : memref<2x6272x128xi32, #tpu.memory_space<hbm>> -> memref<1x56x128xi32, #tpu.memory_space<hbm>>
        %dma_start3A_95 = tpu.memref_squeeze %dma_start3A_94 : memref<1x56x128xi32, #tpu.memory_space<hbm>> -> memref<56x128xi32, #tpu.memory_space<hbm>>
        %dma_start3A_96 = arith.constant 0 : i32
        %dma_start3A_97 = tpu.memref_slice %arg3[%arg0, %add3A_75, %dma_start3A_96] : memref<2x6272x128xi32, #tpu.memory_space<hbm>> -> memref<1x56x128xi32, #tpu.memory_space<hbm>>
        %dma_start3A_98 = tpu.memref_squeeze %dma_start3A_97 : memref<1x56x128xi32, #tpu.memory_space<hbm>> -> memref<56x128xi32, #tpu.memory_space<hbm>>
        tpu.enqueue_dma source(%dma_start3A_98 : memref<56x128xi32, #tpu.memory_space<hbm>>) target(%arg8 : memref<56x128xi32, #tpu.memory_space<vmem>>) target_semaphore(%run_scoped3A : memref<!tpu.dma_semaphore, #tpu.memory_space<semaphore_mem>>)
        %dma_wait3A = arith.constant 0 : i32
        %dma_wait3A_99 = tpu.memref_slice %arg3[%arg0, %add3A_75, %dma_wait3A] : memref<2x6272x128xi32, #tpu.memory_space<hbm>> -> memref<1x56x128xi32, #tpu.memory_space<hbm>>
        %dma_wait3A_100 = tpu.memref_squeeze %dma_wait3A_99 : memref<1x56x128xi32, #tpu.memory_space<hbm>> -> memref<56x128xi32, #tpu.memory_space<hbm>>
        %dma_wait3A_101 = arith.constant 0 : i32
        %dma_wait3A_102 = tpu.memref_slice %arg3[%arg0, %add3A_75, %dma_wait3A_101] : memref<2x6272x128xi32, #tpu.memory_space<hbm>> -> memref<1x56x128xi32, #tpu.memory_space<hbm>>
        %dma_wait3A_103 = tpu.memref_squeeze %dma_wait3A_102 : memref<1x56x128xi32, #tpu.memory_space<hbm>> -> memref<56x128xi32, #tpu.memory_space<hbm>>
        tpu.wait_dma2 semaphore(%run_scoped3A : memref<!tpu.dma_semaphore, #tpu.memory_space<semaphore_mem>>) src(%dma_wait3A_103 : memref<56x128xi32, #tpu.memory_space<hbm>>) dst(%arg8 : memref<56x128xi32, #tpu.memory_space<vmem>>)
        tpu.yield
      }) : () -> ()
      "tpu.region"() ({
        %run_scoped3A = tpu.sem_alloc : memref<!tpu.dma_semaphore, #tpu.memory_space<semaphore_mem>>
        %dma_start3A = arith.constant 0 : i32
        %dma_start3A_94 = tpu.memref_slice %arg2[%arg0, %add3A_75, %dma_start3A] : memref<2x6272x128xi32, #tpu.memory_space<hbm>> -> memref<1x56x128xi32, #tpu.memory_space<hbm>>
        %dma_start3A_95 = tpu.memref_squeeze %dma_start3A_94 : memref<1x56x128xi32, #tpu.memory_space<hbm>> -> memref<56x128xi32, #tpu.memory_space<hbm>>
        %dma_start3A_96 = arith.constant 0 : i32
        %dma_start3A_97 = tpu.memref_slice %arg2[%arg0, %add3A_75, %dma_start3A_96] : memref<2x6272x128xi32, #tpu.memory_space<hbm>> -> memref<1x56x128xi32, #tpu.memory_space<hbm>>
        %dma_start3A_98 = tpu.memref_squeeze %dma_start3A_97 : memref<1x56x128xi32, #tpu.memory_space<hbm>> -> memref<56x128xi32, #tpu.memory_space<hbm>>
        tpu.enqueue_dma source(%dma_start3A_98 : memref<56x128xi32, #tpu.memory_space<hbm>>) target(%arg15 : memref<56x128xi32, #tpu.memory_space<vmem>>) target_semaphore(%run_scoped3A : memref<!tpu.dma_semaphore, #tpu.memory_space<semaphore_mem>>)
        %dma_wait3A = arith.constant 0 : i32
        %dma_wait3A_99 = tpu.memref_slice %arg2[%arg0, %add3A_75, %dma_wait3A] : memref<2x6272x128xi32, #tpu.memory_space<hbm>> -> memref<1x56x128xi32, #tpu.memory_space<hbm>>
        %dma_wait3A_100 = tpu.memref_squeeze %dma_wait3A_99 : memref<1x56x128xi32, #tpu.memory_space<hbm>> -> memref<56x128xi32, #tpu.memory_space<hbm>>
        %dma_wait3A_101 = arith.constant 0 : i32
        %dma_wait3A_102 = tpu.memref_slice %arg2[%arg0, %add3A_75, %dma_wait3A_101] : memref<2x6272x128xi32, #tpu.memory_space<hbm>> -> memref<1x56x128xi32, #tpu.memory_space<hbm>>
        %dma_wait3A_103 = tpu.memref_squeeze %dma_wait3A_102 : memref<1x56x128xi32, #tpu.memory_space<hbm>> -> memref<56x128xi32, #tpu.memory_space<hbm>>
        tpu.wait_dma2 semaphore(%run_scoped3A : memref<!tpu.dma_semaphore, #tpu.memory_space<semaphore_mem>>) src(%dma_wait3A_103 : memref<56x128xi32, #tpu.memory_space<hbm>>) dst(%arg15 : memref<56x128xi32, #tpu.memory_space<vmem>>)
        tpu.yield
      }) : () -> ()
      %scan3A_76 = arith.constant 0 : i32
      %scan3A_77 = arith.constant 0 : i32
      %scan3A_78 = arith.constant 56 : i32
      %scan3A_79 = arith.addi %scan3A_77, %scan3A_78 : i32
      %scan3A_80 = arith.constant 1 : i32
      scf.for %scan3A_94 = %scan3A_77 to %scan3A_79 step %scan3A_80  : i32 {
        %get3A = arith.index_cast %scan3A_94 : i32 to index
        %get3A_95 = arith.constant 0 : index
        %get3A_96 = tpu.vector_load %arg15[%get3A, %get3A_95] {strides = array<i32>} : memref<56x128xi32, #tpu.memory_space<vmem>>, vector<16xi32>,
        %gather3A = tpu.vector_load_idx %arg7[%get3A_96] : memref<50176xf32, #tpu.memory_space<vmem>>[vector<16xi32>], vector<16xf32>,
        %swap3A = arith.index_cast %scan3A_94 : i32 to index
        %swap3A_97 = arith.constant 0 : index
        %swap3A_98 = tpu.vector_load %arg10[%swap3A, %swap3A_97] {strides = array<i32>} : memref<56x128xf32, #tpu.memory_space<vmem>>, vector<16xf32>,
        tpu.vector_store %arg10[%swap3A, %swap3A_97], %gather3A {strides = array<i32>} : memref<56x128xf32, #tpu.memory_space<vmem>>, vector<16xf32>,
        %get3A_99 = arith.index_cast %scan3A_94 : i32 to index
        %get3A_100 = arith.constant 16 : index
        %get3A_101 = tpu.vector_load %arg15[%get3A_99, %get3A_100] {strides = array<i32>} : memref<56x128xi32, #tpu.memory_space<vmem>>, vector<16xi32>,
        %gather3A_102 = tpu.vector_load_idx %arg7[%get3A_101] : memref<50176xf32, #tpu.memory_space<vmem>>[vector<16xi32>], vector<16xf32>,
        %swap3A_103 = arith.index_cast %scan3A_94 : i32 to index
        %swap3A_104 = arith.constant 16 : index
        %swap3A_105 = tpu.vector_load %arg10[%swap3A_103, %swap3A_104] {strides = array<i32>} : memref<56x128xf32, #tpu.memory_space<vmem>>, vector<16xf32>,
        tpu.vector_store %arg10[%swap3A_103, %swap3A_104], %gather3A_102 {strides = array<i32>} : memref<56x128xf32, #tpu.memory_space<vmem>>, vector<16xf32>,
        %get3A_106 = arith.index_cast %scan3A_94 : i32 to index
        %get3A_107 = arith.constant 32 : index
        %get3A_108 = tpu.vector_load %arg15[%get3A_106, %get3A_107] {strides = array<i32>} : memref<56x128xi32, #tpu.memory_space<vmem>>, vector<16xi32>,
        %gather3A_109 = tpu.vector_load_idx %arg7[%get3A_108] : memref<50176xf32, #tpu.memory_space<vmem>>[vector<16xi32>], vector<16xf32>,
        %swap3A_110 = arith.index_cast %scan3A_94 : i32 to index
        %swap3A_111 = arith.constant 32 : index
        %swap3A_112 = tpu.vector_load %arg10[%swap3A_110, %swap3A_111] {strides = array<i32>} : memref<56x128xf32, #tpu.memory_space<vmem>>, vector<16xf32>,
        tpu.vector_store %arg10[%swap3A_110, %swap3A_111], %gather3A_109 {strides = array<i32>} : memref<56x128xf32, #tpu.memory_space<vmem>>, vector<16xf32>,
        %get3A_113 = arith.index_cast %scan3A_94 : i32 to index
        %get3A_114 = arith.constant 48 : index
        %get3A_115 = tpu.vector_load %arg15[%get3A_113, %get3A_114] {strides = array<i32>} : memref<56x128xi32, #tpu.memory_space<vmem>>, vector<16xi32>,
        %gather3A_116 = tpu.vector_load_idx %arg7[%get3A_115] : memref<50176xf32, #tpu.memory_space<vmem>>[vector<16xi32>], vector<16xf32>,
        %swap3A_117 = arith.index_cast %scan3A_94 : i32 to index
        %swap3A_118 = arith.constant 48 : index
        %swap3A_119 = tpu.vector_load %arg10[%swap3A_117, %swap3A_118] {strides = array<i32>} : memref<56x128xf32, #tpu.memory_space<vmem>>, vector<16xf32>,
        tpu.vector_store %arg10[%swap3A_117, %swap3A_118], %gather3A_116 {strides = array<i32>} : memref<56x128xf32, #tpu.memory_space<vmem>>, vector<16xf32>,
        %get3A_120 = arith.index_cast %scan3A_94 : i32 to index
        %get3A_121 = arith.constant 64 : index
        %get3A_122 = tpu.vector_load %arg15[%get3A_120, %get3A_121] {strides = array<i32>} : memref<56x128xi32, #tpu.memory_space<vmem>>, vector<16xi32>,
        %gather3A_123 = tpu.vector_load_idx %arg7[%get3A_122] : memref<50176xf32, #tpu.memory_space<vmem>>[vector<16xi32>], vector<16xf32>,
        %swap3A_124 = arith.index_cast %scan3A_94 : i32 to index
        %swap3A_125 = arith.constant 64 : index
        %swap3A_126 = tpu.vector_load %arg10[%swap3A_124, %swap3A_125] {strides = array<i32>} : memref<56x128xf32, #tpu.memory_space<vmem>>, vector<16xf32>,
        tpu.vector_store %arg10[%swap3A_124, %swap3A_125], %gather3A_123 {strides = array<i32>} : memref<56x128xf32, #tpu.memory_space<vmem>>, vector<16xf32>,
        %get3A_127 = arith.index_cast %scan3A_94 : i32 to index
        %get3A_128 = arith.constant 80 : index
        %get3A_129 = tpu.vector_load %arg15[%get3A_127, %get3A_128] {strides = array<i32>} : memref<56x128xi32, #tpu.memory_space<vmem>>, vector<16xi32>,
        %gather3A_130 = tpu.vector_load_idx %arg7[%get3A_129] : memref<50176xf32, #tpu.memory_space<vmem>>[vector<16xi32>], vector<16xf32>,
        %swap3A_131 = arith.index_cast %scan3A_94 : i32 to index
        %swap3A_132 = arith.constant 80 : index
        %swap3A_133 = tpu.vector_load %arg10[%swap3A_131, %swap3A_132] {strides = array<i32>} : memref<56x128xf32, #tpu.memory_space<vmem>>, vector<16xf32>,
        tpu.vector_store %arg10[%swap3A_131, %swap3A_132], %gather3A_130 {strides = array<i32>} : memref<56x128xf32, #tpu.memory_space<vmem>>, vector<16xf32>,
        %get3A_134 = arith.index_cast %scan3A_94 : i32 to index
        %get3A_135 = arith.constant 96 : index
        %get3A_136 = tpu.vector_load %arg15[%get3A_134, %get3A_135] {strides = array<i32>} : memref<56x128xi32, #tpu.memory_space<vmem>>, vector<16xi32>,
        %gather3A_137 = tpu.vector_load_idx %arg7[%get3A_136] : memref<50176xf32, #tpu.memory_space<vmem>>[vector<16xi32>], vector<16xf32>,
        %swap3A_138 = arith.index_cast %scan3A_94 : i32 to index
        %swap3A_139 = arith.constant 96 : index
        %swap3A_140 = tpu.vector_load %arg10[%swap3A_138, %swap3A_139] {strides = array<i32>} : memref<56x128xf32, #tpu.memory_space<vmem>>, vector<16xf32>,
        tpu.vector_store %arg10[%swap3A_138, %swap3A_139], %gather3A_137 {strides = array<i32>} : memref<56x128xf32, #tpu.memory_space<vmem>>, vector<16xf32>,
        %get3A_141 = arith.index_cast %scan3A_94 : i32 to index
        %get3A_142 = arith.constant 112 : index
        %get3A_143 = tpu.vector_load %arg15[%get3A_141, %get3A_142] {strides = array<i32>} : memref<56x128xi32, #tpu.memory_space<vmem>>, vector<16xi32>,
        %gather3A_144 = tpu.vector_load_idx %arg7[%get3A_143] : memref<50176xf32, #tpu.memory_space<vmem>>[vector<16xi32>], vector<16xf32>,
        %swap3A_145 = arith.index_cast %scan3A_94 : i32 to index
        %swap3A_146 = arith.constant 112 : index
        %swap3A_147 = tpu.vector_load %arg10[%swap3A_145, %swap3A_146] {strides = array<i32>} : memref<56x128xf32, #tpu.memory_space<vmem>>, vector<16xf32>,
        tpu.vector_store %arg10[%swap3A_145, %swap3A_146], %gather3A_144 {strides = array<i32>} : memref<56x128xf32, #tpu.memory_space<vmem>>, vector<16xf32>,
      }
      %scan3A_81 = arith.constant 56 : i32
      %scan3A_82 = arith.constant 0 : i32
      %scan3A_83 = arith.constant 0 : i32
      %scan3A_84 = arith.constant 56 : i32
      %scan3A_85 = arith.addi %scan3A_83, %scan3A_84 : i32
      %scan3A_86 = arith.constant 1 : i32
      scf.for %scan3A_94 = %scan3A_83 to %scan3A_85 step %scan3A_86  : i32 {
        %dma_start3A = arith.constant 0 : i32
        %dma_start3A_95 = tpu.memref_slice %arg10[%scan3A_94, %dma_start3A] : memref<56x128xf32, #tpu.memory_space<vmem>> -> memref<1x128xf32, #tpu.memory_space<vmem>>
        %dma_start3A_96 = tpu.memref_squeeze %dma_start3A_95 : memref<1x128xf32, #tpu.memory_space<vmem>> -> memref<128xf32, #tpu.memory_space<vmem>>
        %dma_start3A_97 = arith.constant 0 : i32
        %dma_start3A_98 = tpu.memref_slice %arg8[%scan3A_94, %dma_start3A_97] : memref<56x128xi32, #tpu.memory_space<vmem>> -> memref<1x128xi32, #tpu.memory_space<vmem>>
        %dma_start3A_99 = tpu.memref_squeeze %dma_start3A_98 : memref<1x128xi32, #tpu.memory_space<vmem>> -> memref<128xi32, #tpu.memory_space<vmem>>
        %dma_start3A_100 = arith.constant 0 : i32
        %dma_start3A_101 = tpu.memref_slice %arg6[%dma_start3A_100] : memref<50176xf32, #tpu.memory_space<vmem_shared>> -> memref<50176xf32, #tpu.memory_space<vmem_shared>>
        tpu.enqueue_indirect_dma source(%dma_start3A_96 : memref<128xf32, #tpu.memory_space<vmem>>) target(%dma_start3A_101 : memref<50176xf32, #tpu.memory_space<vmem_shared>>) offsets(%dma_start3A_99 : memref<128xi32, #tpu.memory_space<vmem>>) semaphore(%arg13 : memref<!tpu.dma_semaphore, #tpu.memory_space<semaphore_mem>>) {add = true}
      }
      %scan3A_87 = arith.constant 56 : i32
      %scan3A_88 = arith.constant 0 : i32
      %scan3A_89 = arith.constant 0 : i32
      %scan3A_90 = arith.constant 56 : i32
      %scan3A_91 = arith.addi %scan3A_89, %scan3A_90 : i32
      %scan3A_92 = arith.constant 1 : i32
      scf.for %scan3A_94 = %scan3A_89 to %scan3A_91 step %scan3A_92  : i32 {
        %dma_wait3A = arith.constant 0 : i32
        %dma_wait3A_95 = arith.constant 0 : i32
        %dma_wait3A_96 = arith.constant 0 : i32
        %dma_wait3A_97 = arith.constant 0 : i32
        %dma_wait3A_98 = tpu.memref_slice %arg10[%dma_wait3A_96, %dma_wait3A_97] : memref<56x128xf32, #tpu.memory_space<vmem>> -> memref<1x128xf32, #tpu.memory_space<vmem>>
        %dma_wait3A_99 = tpu.memref_squeeze %dma_wait3A_98 : memref<1x128xf32, #tpu.memory_space<vmem>> -> memref<128xf32, #tpu.memory_space<vmem>>
        %dma_wait3A_100 = arith.constant 0 : i32
        %dma_wait3A_101 = tpu.memref_slice %arg3[%dma_wait3A, %dma_wait3A_95, %dma_wait3A_100] : memref<2x6272x128xi32, #tpu.memory_space<hbm>> -> memref<1x1x128xi32, #tpu.memory_space<hbm>>
        %dma_wait3A_102 = tpu.memref_squeeze %dma_wait3A_101 : memref<1x1x128xi32, #tpu.memory_space<hbm>> -> memref<128xi32, #tpu.memory_space<hbm>>
        %dma_wait3A_103 = arith.constant 0 : i32
        %dma_wait3A_104 = tpu.memref_slice %arg10[%dma_wait3A_96, %dma_wait3A_103] : memref<56x128xf32, #tpu.memory_space<vmem>> -> memref<1x128xf32, #tpu.memory_space<vmem>>
        %dma_wait3A_105 = tpu.memref_squeeze %dma_wait3A_104 : memref<1x128xf32, #tpu.memory_space<vmem>> -> memref<128xf32, #tpu.memory_space<vmem>>
        %dma_wait3A_106 = arith.constant 0 : i32
        %dma_wait3A_107 = tpu.memref_slice %arg3[%dma_wait3A, %dma_wait3A_95, %dma_wait3A_106] : memref<2x6272x128xi32, #tpu.memory_space<hbm>> -> memref<1x1x128xi32, #tpu.memory_space<hbm>>
        %dma_wait3A_108 = tpu.memref_squeeze %dma_wait3A_107 : memref<1x1x128xi32, #tpu.memory_space<hbm>> -> memref<128xi32, #tpu.memory_space<hbm>>
        tpu.wait_dma2 semaphore(%arg14 : memref<!tpu.dma_semaphore, #tpu.memory_space<semaphore_mem>>) src(%dma_wait3A_108 : memref<128xi32, #tpu.memory_space<hbm>>) dst(%dma_wait3A_105 : memref<128xf32, #tpu.memory_space<vmem>>)
      }
      %scan3A_93 = arith.constant 56 : i32
    }
    %scan3A_28 = arith.constant 3 : i32
    %scan3A_29 = arith.constant 0 : i32
    %scan3A_30 = arith.constant 0 : i32
    %scan3A_31 = arith.constant 56 : i32
    %scan3A_32 = arith.addi %scan3A_30, %scan3A_31 : i32
    %scan3A_33 = arith.constant 1 : i32
    scf.for %scan3A_39 = %scan3A_30 to %scan3A_32 step %scan3A_33  : i32 {
      %dma_wait3A = arith.constant 0 : i32
      %dma_wait3A_40 = arith.constant 0 : i32
      %dma_wait3A_41 = arith.constant 0 : i32
      %dma_wait3A_42 = arith.constant 0 : i32
      %dma_wait3A_43 = tpu.memref_slice %arg10[%dma_wait3A_41, %dma_wait3A_42] : memref<56x128xf32, #tpu.memory_space<vmem>> -> memref<1x128xf32, #tpu.memory_space<vmem>>
      %dma_wait3A_44 = tpu.memref_squeeze %dma_wait3A_43 : memref<1x128xf32, #tpu.memory_space<vmem>> -> memref<128xf32, #tpu.memory_space<vmem>>
      %dma_wait3A_45 = arith.constant 0 : i32
      %dma_wait3A_46 = tpu.memref_slice %arg3[%dma_wait3A, %dma_wait3A_40, %dma_wait3A_45] : memref<2x6272x128xi32, #tpu.memory_space<hbm>> -> memref<1x1x128xi32, #tpu.memory_space<hbm>>
      %dma_wait3A_47 = tpu.memref_squeeze %dma_wait3A_46 : memref<1x1x128xi32, #tpu.memory_space<hbm>> -> memref<128xi32, #tpu.memory_space<hbm>>
      %dma_wait3A_48 = arith.constant 0 : i32
      %dma_wait3A_49 = tpu.memref_slice %arg10[%dma_wait3A_41, %dma_wait3A_48] : memref<56x128xf32, #tpu.memory_space<vmem>> -> memref<1x128xf32, #tpu.memory_space<vmem>>
      %dma_wait3A_50 = tpu.memref_squeeze %dma_wait3A_49 : memref<1x128xf32, #tpu.memory_space<vmem>> -> memref<128xf32, #tpu.memory_space<vmem>>
      %dma_wait3A_51 = arith.constant 0 : i32
      %dma_wait3A_52 = tpu.memref_slice %arg3[%dma_wait3A, %dma_wait3A_40, %dma_wait3A_51] : memref<2x6272x128xi32, #tpu.memory_space<hbm>> -> memref<1x1x128xi32, #tpu.memory_space<hbm>>
      %dma_wait3A_53 = tpu.memref_squeeze %dma_wait3A_52 : memref<1x1x128xi32, #tpu.memory_space<hbm>> -> memref<128xi32, #tpu.memory_space<hbm>>
      tpu.wait_dma2 semaphore(%arg13 : memref<!tpu.dma_semaphore, #tpu.memory_space<semaphore_mem>>) src(%dma_wait3A_53 : memref<128xi32, #tpu.memory_space<hbm>>) dst(%dma_wait3A_50 : memref<128xf32, #tpu.memory_space<vmem>>)
    }
    %scan3A_34 = arith.constant 56 : i32
    %barrier3A_35 = arith.constant 0 : index
    tpu.barrier barrier_id(%barrier3A_35)
    %add3A_36 = arith.constant 0 : i32
    %add3A_37 = arith.addi %add3A_36, %mul3A_0 : i32
    "tpu.region"() ({
      %run_scoped3A = tpu.sem_alloc : memref<!tpu.dma_semaphore, #tpu.memory_space<semaphore_mem>>
      %dma_start3A = tpu.memref_slice %arg6[%add3A_37] : memref<50176xf32, #tpu.memory_space<vmem_shared>> -> memref<3136xf32, #tpu.memory_space<vmem_shared>>
      %dma_start3A_39 = tpu.memref_slice %arg6[%add3A_37] : memref<50176xf32, #tpu.memory_space<vmem_shared>> -> memref<3136xf32, #tpu.memory_space<vmem_shared>>
      tpu.enqueue_dma source(%dma_start3A_39 : memref<3136xf32, #tpu.memory_space<vmem_shared>>) target(%arg12 : memref<3136xf32, #tpu.memory_space<vmem>>) target_semaphore(%run_scoped3A : memref<!tpu.dma_semaphore, #tpu.memory_space<semaphore_mem>>)
      %dma_wait3A = tpu.memref_slice %arg6[%add3A_37] : memref<50176xf32, #tpu.memory_space<vmem_shared>> -> memref<3136xf32, #tpu.memory_space<vmem_shared>>
      %dma_wait3A_40 = tpu.memref_slice %arg6[%add3A_37] : memref<50176xf32, #tpu.memory_space<vmem_shared>> -> memref<3136xf32, #tpu.memory_space<vmem_shared>>
      tpu.wait_dma2 semaphore(%run_scoped3A : memref<!tpu.dma_semaphore, #tpu.memory_space<semaphore_mem>>) src(%dma_wait3A_40 : memref<3136xf32, #tpu.memory_space<vmem_shared>>) dst(%arg12 : memref<3136xf32, #tpu.memory_space<vmem>>)
      tpu.yield
    }) : () -> ()
    %add3A_38 = arith.addi %mul3A_2, %mul3A_0 : i32
    "tpu.region"() ({
      %run_scoped3A = tpu.sem_alloc : memref<!tpu.dma_semaphore, #tpu.memory_space<semaphore_mem>>
      %dma_start3A = tpu.memref_slice %arg5[%add3A_38] : memref<100352xf32, #tpu.memory_space<hbm>> -> memref<3136xf32, #tpu.memory_space<hbm>>
      %dma_start3A_39 = tpu.memref_slice %arg5[%add3A_38] : memref<100352xf32, #tpu.memory_space<hbm>> -> memref<3136xf32, #tpu.memory_space<hbm>>
      tpu.enqueue_dma source(%arg12 : memref<3136xf32, #tpu.memory_space<vmem>>) target(%dma_start3A_39 : memref<3136xf32, #tpu.memory_space<hbm>>) target_semaphore(%run_scoped3A : memref<!tpu.dma_semaphore, #tpu.memory_space<semaphore_mem>>)
      %dma_wait3A = tpu.memref_slice %arg5[%add3A_38] : memref<100352xf32, #tpu.memory_space<hbm>> -> memref<3136xf32, #tpu.memory_space<hbm>>
      %dma_wait3A_40 = tpu.memref_slice %arg5[%add3A_38] : memref<100352xf32, #tpu.memory_space<hbm>> -> memref<3136xf32, #tpu.memory_space<hbm>>
      tpu.wait_dma2 semaphore(%run_scoped3A : memref<!tpu.dma_semaphore, #tpu.memory_space<semaphore_mem>>) src(%arg12 : memref<3136xf32, #tpu.memory_space<vmem>>) dst(%dma_wait3A_40 : memref<3136xf32, #tpu.memory_space<hbm>>)
      tpu.yield
    }) : () -> ()
    return
  }
}

#map = affine_map<(d0, d1) -> (0, 0, 0)>
#map1 = affine_map<(d0, d1) -> (0)>
module attributes {stable_mosaic.version = 14 : i64} {
  func.func @body(%arg0: i32, %arg1: i32, %arg2: memref<2x6272x128xi32, #tpu.memory_space<hbm>>, %arg3: memref<2x6272x128xi32, #tpu.memory_space<hbm>>, %arg4: memref<100352xf32, #tpu.memory_space<hbm>>, %arg5: memref<100352xf32, #tpu.memory_space<hbm>>, %arg6: memref<100352xf32, #tpu.memory_space<hbm>>, %arg7: memref<100352xf32, #tpu.memory_space<vmem_shared>>, %arg8: memref<50176xf32, #tpu.memory_space<vmem>>, %arg9: memref<56x128xi32, #tpu.memory_space<vmem>>, %arg10: memref<56x128xi32, #tpu.memory_space<vmem>>, %arg11: memref<56x128xf32, #tpu.memory_space<vmem>>, %arg12: memref<56x128xf32, #tpu.memory_space<vmem>>, %arg13: memref<3136xf32, #tpu.memory_space<vmem>>, %arg14: memref<!tpu.dma_semaphore, #tpu.memory_space<semaphore_mem>>, %arg15: memref<!tpu.dma_semaphore, #tpu.memory_space<semaphore_mem>>, %arg16: memref<56x128xi32, #tpu.memory_space<vmem>>, %arg17: memref<56x128xi32, #tpu.memory_space<vmem>>, %arg18: memref<56x128xi32, #tpu.memory_space<vmem>>, %arg19: memref<56x128xi32, #tpu.memory_space<vmem>>) attributes {dimension_semantics = [#tpu.dimension_semantics<core_parallel>, #tpu.dimension_semantics<subcore_parallel>], iteration_bounds = array<i64: 2, 16>, scalar_prefetch = 0 : i64, scratch_operands = 13 : i64, tpu.core_type = #tpu.core_type<sc_vector_subcore>, window_params = [{transform_indices = #map}, {transform_indices = #map}, {transform_indices = #map1}, {transform_indices = #map1}, {transform_indices = #map1}]} {
    %mul3A = arith.constant 3136 : i32
    %mul3A_0 = arith.muli %arg1, %mul3A : i32
    %mul3A_1 = arith.constant 50176 : i32
    %mul3A_2 = arith.muli %arg0, %mul3A_1 : i32
    %scan3A = arith.constant 0 : i32
    %scan3A_3 = arith.constant 0 : i32
    %scan3A_4 = arith.constant 196 : i32
    %scan3A_5 = arith.addi %scan3A_3, %scan3A_4 : i32
    %scan3A_6 = arith.constant 1 : i32
    scf.for %scan3A_44 = %scan3A_3 to %scan3A_5 step %scan3A_6  : i32 {
      %broadcast_in_dim3A = arith.constant 0.000000e+00 : f32
      %broadcast_in_dim3A_45 = vector.broadcast %broadcast_in_dim3A : f32 to vector<16xf32>
      %mul3A_46 = arith.constant 16 : i32
      %mul3A_47 = arith.muli %scan3A_44, %mul3A_46 : i32
      %swap3A = arith.index_cast %mul3A_47 : i32 to index
      %swap3A_48 = tpu.vector_load %arg13[%swap3A] {strides = array<i32>} : memref<3136xf32, #tpu.memory_space<vmem>>, vector<16xf32>,
      tpu.vector_store %arg13[%swap3A], %broadcast_in_dim3A_45 {strides = array<i32>} : memref<3136xf32, #tpu.memory_space<vmem>>, vector<16xf32>,
    }
    %scan3A_7 = arith.constant 196 : i32
    "tpu.region"() ({
      %run_scoped3A = tpu.sem_alloc : memref<!tpu.dma_semaphore, #tpu.memory_space<semaphore_mem>>
      %dma_start3A = tpu.memref_slice %arg7[%mul3A_0] : memref<100352xf32, #tpu.memory_space<vmem_shared>> -> memref<3136xf32, #tpu.memory_space<vmem_shared>>
      %dma_start3A_44 = tpu.memref_slice %arg7[%mul3A_0] : memref<100352xf32, #tpu.memory_space<vmem_shared>> -> memref<3136xf32, #tpu.memory_space<vmem_shared>>
      tpu.enqueue_dma source(%arg13 : memref<3136xf32, #tpu.memory_space<vmem>>) target(%dma_start3A_44 : memref<3136xf32, #tpu.memory_space<vmem_shared>>) target_semaphore(%run_scoped3A : memref<!tpu.dma_semaphore, #tpu.memory_space<semaphore_mem>>)
      %dma_wait3A = tpu.memref_slice %arg7[%mul3A_0] : memref<100352xf32, #tpu.memory_space<vmem_shared>> -> memref<3136xf32, #tpu.memory_space<vmem_shared>>
      %dma_wait3A_45 = tpu.memref_slice %arg7[%mul3A_0] : memref<100352xf32, #tpu.memory_space<vmem_shared>> -> memref<3136xf32, #tpu.memory_space<vmem_shared>>
      tpu.wait_dma2 semaphore(%run_scoped3A : memref<!tpu.dma_semaphore, #tpu.memory_space<semaphore_mem>>) src(%arg13 : memref<3136xf32, #tpu.memory_space<vmem>>) dst(%dma_wait3A_45 : memref<3136xf32, #tpu.memory_space<vmem_shared>>)
      tpu.yield
    }) : () -> ()
    %add3A = arith.constant 50176 : i32
    %add3A_8 = arith.addi %add3A, %mul3A_0 : i32
    "tpu.region"() ({
      %run_scoped3A = tpu.sem_alloc : memref<!tpu.dma_semaphore, #tpu.memory_space<semaphore_mem>>
      %dma_start3A = tpu.memref_slice %arg7[%add3A_8] : memref<100352xf32, #tpu.memory_space<vmem_shared>> -> memref<3136xf32, #tpu.memory_space<vmem_shared>>
      %dma_start3A_44 = tpu.memref_slice %arg7[%add3A_8] : memref<100352xf32, #tpu.memory_space<vmem_shared>> -> memref<3136xf32, #tpu.memory_space<vmem_shared>>
      tpu.enqueue_dma source(%arg13 : memref<3136xf32, #tpu.memory_space<vmem>>) target(%dma_start3A_44 : memref<3136xf32, #tpu.memory_space<vmem_shared>>) target_semaphore(%run_scoped3A : memref<!tpu.dma_semaphore, #tpu.memory_space<semaphore_mem>>)
      %dma_wait3A = tpu.memref_slice %arg7[%add3A_8] : memref<100352xf32, #tpu.memory_space<vmem_shared>> -> memref<3136xf32, #tpu.memory_space<vmem_shared>>
      %dma_wait3A_45 = tpu.memref_slice %arg7[%add3A_8] : memref<100352xf32, #tpu.memory_space<vmem_shared>> -> memref<3136xf32, #tpu.memory_space<vmem_shared>>
      tpu.wait_dma2 semaphore(%run_scoped3A : memref<!tpu.dma_semaphore, #tpu.memory_space<semaphore_mem>>) src(%arg13 : memref<3136xf32, #tpu.memory_space<vmem>>) dst(%dma_wait3A_45 : memref<3136xf32, #tpu.memory_space<vmem_shared>>)
      tpu.yield
    }) : () -> ()
    "tpu.region"() ({
      %run_scoped3A = tpu.sem_alloc : memref<!tpu.dma_semaphore, #tpu.memory_space<semaphore_mem>>
      %dma_start3A = tpu.memref_slice %arg4[%mul3A_2] : memref<100352xf32, #tpu.memory_space<hbm>> -> memref<50176xf32, #tpu.memory_space<hbm>>
      %dma_start3A_44 = tpu.memref_slice %arg4[%mul3A_2] : memref<100352xf32, #tpu.memory_space<hbm>> -> memref<50176xf32, #tpu.memory_space<hbm>>
      tpu.enqueue_dma source(%dma_start3A_44 : memref<50176xf32, #tpu.memory_space<hbm>>) target(%arg8 : memref<50176xf32, #tpu.memory_space<vmem>>) target_semaphore(%run_scoped3A : memref<!tpu.dma_semaphore, #tpu.memory_space<semaphore_mem>>)
      %dma_wait3A = tpu.memref_slice %arg4[%mul3A_2] : memref<100352xf32, #tpu.memory_space<hbm>> -> memref<50176xf32, #tpu.memory_space<hbm>>
      %dma_wait3A_45 = tpu.memref_slice %arg4[%mul3A_2] : memref<100352xf32, #tpu.memory_space<hbm>> -> memref<50176xf32, #tpu.memory_space<hbm>>
      tpu.wait_dma2 semaphore(%run_scoped3A : memref<!tpu.dma_semaphore, #tpu.memory_space<semaphore_mem>>) src(%dma_wait3A_45 : memref<50176xf32, #tpu.memory_space<hbm>>) dst(%arg8 : memref<50176xf32, #tpu.memory_space<vmem>>)
      tpu.yield
    }) : () -> ()
    %barrier3A = arith.constant 0 : index
    tpu.barrier barrier_id(%barrier3A)
    %mul3A_9 = arith.constant 392 : i32
    %mul3A_10 = arith.muli %arg1, %mul3A_9 : i32
    %add3A_11 = arith.constant 0 : i32
    %add3A_12 = arith.addi %mul3A_10, %add3A_11 : i32
    "tpu.region"() ({
      %run_scoped3A = tpu.sem_alloc : memref<!tpu.dma_semaphore, #tpu.memory_space<semaphore_mem>>
      %dma_start3A = arith.constant 0 : i32
      %dma_start3A_44 = tpu.memref_slice %arg3[%arg0, %add3A_12, %dma_start3A] : memref<2x6272x128xi32, #tpu.memory_space<hbm>> -> memref<1x56x128xi32, #tpu.memory_space<hbm>>
      %dma_start3A_45 = tpu.memref_squeeze %dma_start3A_44 : memref<1x56x128xi32, #tpu.memory_space<hbm>> -> memref<56x128xi32, #tpu.memory_space<hbm>>
      %dma_start3A_46 = arith.constant 0 : i32
      %dma_start3A_47 = tpu.memref_slice %arg3[%arg0, %add3A_12, %dma_start3A_46] : memref<2x6272x128xi32, #tpu.memory_space<hbm>> -> memref<1x56x128xi32, #tpu.memory_space<hbm>>
      %dma_start3A_48 = tpu.memref_squeeze %dma_start3A_47 : memref<1x56x128xi32, #tpu.memory_space<hbm>> -> memref<56x128xi32, #tpu.memory_space<hbm>>
      tpu.enqueue_dma source(%dma_start3A_48 : memref<56x128xi32, #tpu.memory_space<hbm>>) target(%arg9 : memref<56x128xi32, #tpu.memory_space<vmem>>) target_semaphore(%run_scoped3A : memref<!tpu.dma_semaphore, #tpu.memory_space<semaphore_mem>>)
      %dma_wait3A = arith.constant 0 : i32
      %dma_wait3A_49 = tpu.memref_slice %arg3[%arg0, %add3A_12, %dma_wait3A] : memref<2x6272x128xi32, #tpu.memory_space<hbm>> -> memref<1x56x128xi32, #tpu.memory_space<hbm>>
      %dma_wait3A_50 = tpu.memref_squeeze %dma_wait3A_49 : memref<1x56x128xi32, #tpu.memory_space<hbm>> -> memref<56x128xi32, #tpu.memory_space<hbm>>
      %dma_wait3A_51 = arith.constant 0 : i32
      %dma_wait3A_52 = tpu.memref_slice %arg3[%arg0, %add3A_12, %dma_wait3A_51] : memref<2x6272x128xi32, #tpu.memory_space<hbm>> -> memref<1x56x128xi32, #tpu.memory_space<hbm>>
      %dma_wait3A_53 = tpu.memref_squeeze %dma_wait3A_52 : memref<1x56x128xi32, #tpu.memory_space<hbm>> -> memref<56x128xi32, #tpu.memory_space<hbm>>
      tpu.wait_dma2 semaphore(%run_scoped3A : memref<!tpu.dma_semaphore, #tpu.memory_space<semaphore_mem>>) src(%dma_wait3A_53 : memref<56x128xi32, #tpu.memory_space<hbm>>) dst(%arg9 : memref<56x128xi32, #tpu.memory_space<vmem>>)
      tpu.yield
    }) : () -> ()
    "tpu.region"() ({
      %run_scoped3A = tpu.sem_alloc : memref<!tpu.dma_semaphore, #tpu.memory_space<semaphore_mem>>
      %dma_start3A = arith.constant 0 : i32
      %dma_start3A_44 = tpu.memref_slice %arg2[%arg0, %add3A_12, %dma_start3A] : memref<2x6272x128xi32, #tpu.memory_space<hbm>> -> memref<1x56x128xi32, #tpu.memory_space<hbm>>
      %dma_start3A_45 = tpu.memref_squeeze %dma_start3A_44 : memref<1x56x128xi32, #tpu.memory_space<hbm>> -> memref<56x128xi32, #tpu.memory_space<hbm>>
      %dma_start3A_46 = arith.constant 0 : i32
      %dma_start3A_47 = tpu.memref_slice %arg2[%arg0, %add3A_12, %dma_start3A_46] : memref<2x6272x128xi32, #tpu.memory_space<hbm>> -> memref<1x56x128xi32, #tpu.memory_space<hbm>>
      %dma_start3A_48 = tpu.memref_squeeze %dma_start3A_47 : memref<1x56x128xi32, #tpu.memory_space<hbm>> -> memref<56x128xi32, #tpu.memory_space<hbm>>
      tpu.enqueue_dma source(%dma_start3A_48 : memref<56x128xi32, #tpu.memory_space<hbm>>) target(%arg16 : memref<56x128xi32, #tpu.memory_space<vmem>>) target_semaphore(%run_scoped3A : memref<!tpu.dma_semaphore, #tpu.memory_space<semaphore_mem>>)
      %dma_wait3A = arith.constant 0 : i32
      %dma_wait3A_49 = tpu.memref_slice %arg2[%arg0, %add3A_12, %dma_wait3A] : memref<2x6272x128xi32, #tpu.memory_space<hbm>> -> memref<1x56x128xi32, #tpu.memory_space<hbm>>
      %dma_wait3A_50 = tpu.memref_squeeze %dma_wait3A_49 : memref<1x56x128xi32, #tpu.memory_space<hbm>> -> memref<56x128xi32, #tpu.memory_space<hbm>>
      %dma_wait3A_51 = arith.constant 0 : i32
      %dma_wait3A_52 = tpu.memref_slice %arg2[%arg0, %add3A_12, %dma_wait3A_51] : memref<2x6272x128xi32, #tpu.memory_space<hbm>> -> memref<1x56x128xi32, #tpu.memory_space<hbm>>
      %dma_wait3A_53 = tpu.memref_squeeze %dma_wait3A_52 : memref<1x56x128xi32, #tpu.memory_space<hbm>> -> memref<56x128xi32, #tpu.memory_space<hbm>>
      tpu.wait_dma2 semaphore(%run_scoped3A : memref<!tpu.dma_semaphore, #tpu.memory_space<semaphore_mem>>) src(%dma_wait3A_53 : memref<56x128xi32, #tpu.memory_space<hbm>>) dst(%arg16 : memref<56x128xi32, #tpu.memory_space<vmem>>)
      tpu.yield
    }) : () -> ()
    %scan3A_13 = arith.constant 0 : i32
    %scan3A_14 = arith.constant 0 : i32
    %scan3A_15 = arith.constant 56 : i32
    %scan3A_16 = arith.addi %scan3A_14, %scan3A_15 : i32
    %scan3A_17 = arith.constant 1 : i32
    scf.for %scan3A_44 = %scan3A_14 to %scan3A_16 step %scan3A_17  : i32 {
      %get3A = arith.index_cast %scan3A_44 : i32 to index
      %get3A_45 = arith.constant 0 : index
      %get3A_46 = tpu.vector_load %arg16[%get3A, %get3A_45] {strides = array<i32>} : memref<56x128xi32, #tpu.memory_space<vmem>>, vector<16xi32>,
      %gather3A = tpu.vector_load_idx %arg8[%get3A_46] : memref<50176xf32, #tpu.memory_space<vmem>>[vector<16xi32>], vector<16xf32>,
      %abs3A = math.absf %gather3A : vector<16xf32>
      %swap3A = arith.index_cast %scan3A_44 : i32 to index
      %swap3A_47 = arith.constant 0 : index
      %swap3A_48 = tpu.vector_load %arg11[%swap3A, %swap3A_47] {strides = array<i32>} : memref<56x128xf32, #tpu.memory_space<vmem>>, vector<16xf32>,
      tpu.vector_store %arg11[%swap3A, %swap3A_47], %abs3A {strides = array<i32>} : memref<56x128xf32, #tpu.memory_space<vmem>>, vector<16xf32>,
      %get3A_49 = arith.index_cast %scan3A_44 : i32 to index
      %get3A_50 = arith.constant 0 : index
      %get3A_51 = tpu.vector_load %arg9[%get3A_49, %get3A_50] {strides = array<i32>} : memref<56x128xi32, #tpu.memory_space<vmem>>, vector<16xi32>,
      %lt3A = arith.constant 0.000000e+00 : f32
      %lt3A_52 = vector.broadcast %lt3A : f32 to vector<16xf32>
      %lt3A_53 = arith.cmpf olt, %gather3A, %lt3A_52 : vector<16xf32>
      %jit3A = arith.constant 50176 : i32
      %jit3A_54 = arith.constant 0 : i32
      %broadcast_in_dim3A = vector.broadcast %jit3A : i32 to vector<16xi32>
      %broadcast_in_dim3A_55 = vector.broadcast %jit3A_54 : i32 to vector<16xi32>
      %select_n3A = arith.select %lt3A_53, %broadcast_in_dim3A, %broadcast_in_dim3A_55 : vector<16xi1>, vector<16xi32>
      %add3A_56 = arith.addi %get3A_51, %select_n3A : vector<16xi32>
      %swap3A_57 = arith.index_cast %scan3A_44 : i32 to index
      %swap3A_58 = arith.constant 0 : index
      %swap3A_59 = tpu.vector_load %arg18[%swap3A_57, %swap3A_58] {strides = array<i32>} : memref<56x128xi32, #tpu.memory_space<vmem>>, vector<16xi32>,
      tpu.vector_store %arg18[%swap3A_57, %swap3A_58], %add3A_56 {strides = array<i32>} : memref<56x128xi32, #tpu.memory_space<vmem>>, vector<16xi32>,
      %get3A_60 = arith.index_cast %scan3A_44 : i32 to index
      %get3A_61 = arith.constant 16 : index
      %get3A_62 = tpu.vector_load %arg16[%get3A_60, %get3A_61] {strides = array<i32>} : memref<56x128xi32, #tpu.memory_space<vmem>>, vector<16xi32>,
      %gather3A_63 = tpu.vector_load_idx %arg8[%get3A_62] : memref<50176xf32, #tpu.memory_space<vmem>>[vector<16xi32>], vector<16xf32>,
      %abs3A_64 = math.absf %gather3A_63 : vector<16xf32>
      %swap3A_65 = arith.index_cast %scan3A_44 : i32 to index
      %swap3A_66 = arith.constant 16 : index
      %swap3A_67 = tpu.vector_load %arg11[%swap3A_65, %swap3A_66] {strides = array<i32>} : memref<56x128xf32, #tpu.memory_space<vmem>>, vector<16xf32>,
      tpu.vector_store %arg11[%swap3A_65, %swap3A_66], %abs3A_64 {strides = array<i32>} : memref<56x128xf32, #tpu.memory_space<vmem>>, vector<16xf32>,
      %get3A_68 = arith.index_cast %scan3A_44 : i32 to index
      %get3A_69 = arith.constant 16 : index
      %get3A_70 = tpu.vector_load %arg9[%get3A_68, %get3A_69] {strides = array<i32>} : memref<56x128xi32, #tpu.memory_space<vmem>>, vector<16xi32>,
      %lt3A_71 = arith.constant 0.000000e+00 : f32
      %lt3A_72 = vector.broadcast %lt3A_71 : f32 to vector<16xf32>
      %lt3A_73 = arith.cmpf olt, %gather3A_63, %lt3A_72 : vector<16xf32>
      %jit3A_74 = arith.constant 50176 : i32
      %jit3A_75 = arith.constant 0 : i32
      %broadcast_in_dim3A_76 = vector.broadcast %jit3A_74 : i32 to vector<16xi32>
      %broadcast_in_dim3A_77 = vector.broadcast %jit3A_75 : i32 to vector<16xi32>
      %select_n3A_78 = arith.select %lt3A_73, %broadcast_in_dim3A_76, %broadcast_in_dim3A_77 : vector<16xi1>, vector<16xi32>
      %add3A_79 = arith.addi %get3A_70, %select_n3A_78 : vector<16xi32>
      %swap3A_80 = arith.index_cast %scan3A_44 : i32 to index
      %swap3A_81 = arith.constant 16 : index
      %swap3A_82 = tpu.vector_load %arg18[%swap3A_80, %swap3A_81] {strides = array<i32>} : memref<56x128xi32, #tpu.memory_space<vmem>>, vector<16xi32>,
      tpu.vector_store %arg18[%swap3A_80, %swap3A_81], %add3A_79 {strides = array<i32>} : memref<56x128xi32, #tpu.memory_space<vmem>>, vector<16xi32>,
      %get3A_83 = arith.index_cast %scan3A_44 : i32 to index
      %get3A_84 = arith.constant 32 : index
      %get3A_85 = tpu.vector_load %arg16[%get3A_83, %get3A_84] {strides = array<i32>} : memref<56x128xi32, #tpu.memory_space<vmem>>, vector<16xi32>,
      %gather3A_86 = tpu.vector_load_idx %arg8[%get3A_85] : memref<50176xf32, #tpu.memory_space<vmem>>[vector<16xi32>], vector<16xf32>,
      %abs3A_87 = math.absf %gather3A_86 : vector<16xf32>
      %swap3A_88 = arith.index_cast %scan3A_44 : i32 to index
      %swap3A_89 = arith.constant 32 : index
      %swap3A_90 = tpu.vector_load %arg11[%swap3A_88, %swap3A_89] {strides = array<i32>} : memref<56x128xf32, #tpu.memory_space<vmem>>, vector<16xf32>,
      tpu.vector_store %arg11[%swap3A_88, %swap3A_89], %abs3A_87 {strides = array<i32>} : memref<56x128xf32, #tpu.memory_space<vmem>>, vector<16xf32>,
      %get3A_91 = arith.index_cast %scan3A_44 : i32 to index
      %get3A_92 = arith.constant 32 : index
      %get3A_93 = tpu.vector_load %arg9[%get3A_91, %get3A_92] {strides = array<i32>} : memref<56x128xi32, #tpu.memory_space<vmem>>, vector<16xi32>,
      %lt3A_94 = arith.constant 0.000000e+00 : f32
      %lt3A_95 = vector.broadcast %lt3A_94 : f32 to vector<16xf32>
      %lt3A_96 = arith.cmpf olt, %gather3A_86, %lt3A_95 : vector<16xf32>
      %jit3A_97 = arith.constant 50176 : i32
      %jit3A_98 = arith.constant 0 : i32
      %broadcast_in_dim3A_99 = vector.broadcast %jit3A_97 : i32 to vector<16xi32>
      %broadcast_in_dim3A_100 = vector.broadcast %jit3A_98 : i32 to vector<16xi32>
      %select_n3A_101 = arith.select %lt3A_96, %broadcast_in_dim3A_99, %broadcast_in_dim3A_100 : vector<16xi1>, vector<16xi32>
      %add3A_102 = arith.addi %get3A_93, %select_n3A_101 : vector<16xi32>
      %swap3A_103 = arith.index_cast %scan3A_44 : i32 to index
      %swap3A_104 = arith.constant 32 : index
      %swap3A_105 = tpu.vector_load %arg18[%swap3A_103, %swap3A_104] {strides = array<i32>} : memref<56x128xi32, #tpu.memory_space<vmem>>, vector<16xi32>,
      tpu.vector_store %arg18[%swap3A_103, %swap3A_104], %add3A_102 {strides = array<i32>} : memref<56x128xi32, #tpu.memory_space<vmem>>, vector<16xi32>,
      %get3A_106 = arith.index_cast %scan3A_44 : i32 to index
      %get3A_107 = arith.constant 48 : index
      %get3A_108 = tpu.vector_load %arg16[%get3A_106, %get3A_107] {strides = array<i32>} : memref<56x128xi32, #tpu.memory_space<vmem>>, vector<16xi32>,
      %gather3A_109 = tpu.vector_load_idx %arg8[%get3A_108] : memref<50176xf32, #tpu.memory_space<vmem>>[vector<16xi32>], vector<16xf32>,
      %abs3A_110 = math.absf %gather3A_109 : vector<16xf32>
      %swap3A_111 = arith.index_cast %scan3A_44 : i32 to index
      %swap3A_112 = arith.constant 48 : index
      %swap3A_113 = tpu.vector_load %arg11[%swap3A_111, %swap3A_112] {strides = array<i32>} : memref<56x128xf32, #tpu.memory_space<vmem>>, vector<16xf32>,
      tpu.vector_store %arg11[%swap3A_111, %swap3A_112], %abs3A_110 {strides = array<i32>} : memref<56x128xf32, #tpu.memory_space<vmem>>, vector<16xf32>,
      %get3A_114 = arith.index_cast %scan3A_44 : i32 to index
      %get3A_115 = arith.constant 48 : index
      %get3A_116 = tpu.vector_load %arg9[%get3A_114, %get3A_115] {strides = array<i32>} : memref<56x128xi32, #tpu.memory_space<vmem>>, vector<16xi32>,
      %lt3A_117 = arith.constant 0.000000e+00 : f32
      %lt3A_118 = vector.broadcast %lt3A_117 : f32 to vector<16xf32>
      %lt3A_119 = arith.cmpf olt, %gather3A_109, %lt3A_118 : vector<16xf32>
      %jit3A_120 = arith.constant 50176 : i32
      %jit3A_121 = arith.constant 0 : i32
      %broadcast_in_dim3A_122 = vector.broadcast %jit3A_120 : i32 to vector<16xi32>
      %broadcast_in_dim3A_123 = vector.broadcast %jit3A_121 : i32 to vector<16xi32>
      %select_n3A_124 = arith.select %lt3A_119, %broadcast_in_dim3A_122, %broadcast_in_dim3A_123 : vector<16xi1>, vector<16xi32>
      %add3A_125 = arith.addi %get3A_116, %select_n3A_124 : vector<16xi32>
      %swap3A_126 = arith.index_cast %scan3A_44 : i32 to index
      %swap3A_127 = arith.constant 48 : index
      %swap3A_128 = tpu.vector_load %arg18[%swap3A_126, %swap3A_127] {strides = array<i32>} : memref<56x128xi32, #tpu.memory_space<vmem>>, vector<16xi32>,
      tpu.vector_store %arg18[%swap3A_126, %swap3A_127], %add3A_125 {strides = array<i32>} : memref<56x128xi32, #tpu.memory_space<vmem>>, vector<16xi32>,
      %get3A_129 = arith.index_cast %scan3A_44 : i32 to index
      %get3A_130 = arith.constant 64 : index
      %get3A_131 = tpu.vector_load %arg16[%get3A_129, %get3A_130] {strides = array<i32>} : memref<56x128xi32, #tpu.memory_space<vmem>>, vector<16xi32>,
      %gather3A_132 = tpu.vector_load_idx %arg8[%get3A_131] : memref<50176xf32, #tpu.memory_space<vmem>>[vector<16xi32>], vector<16xf32>,
      %abs3A_133 = math.absf %gather3A_132 : vector<16xf32>
      %swap3A_134 = arith.index_cast %scan3A_44 : i32 to index
      %swap3A_135 = arith.constant 64 : index
      %swap3A_136 = tpu.vector_load %arg11[%swap3A_134, %swap3A_135] {strides = array<i32>} : memref<56x128xf32, #tpu.memory_space<vmem>>, vector<16xf32>,
      tpu.vector_store %arg11[%swap3A_134, %swap3A_135], %abs3A_133 {strides = array<i32>} : memref<56x128xf32, #tpu.memory_space<vmem>>, vector<16xf32>,
      %get3A_137 = arith.index_cast %scan3A_44 : i32 to index
      %get3A_138 = arith.constant 64 : index
      %get3A_139 = tpu.vector_load %arg9[%get3A_137, %get3A_138] {strides = array<i32>} : memref<56x128xi32, #tpu.memory_space<vmem>>, vector<16xi32>,
      %lt3A_140 = arith.constant 0.000000e+00 : f32
      %lt3A_141 = vector.broadcast %lt3A_140 : f32 to vector<16xf32>
      %lt3A_142 = arith.cmpf olt, %gather3A_132, %lt3A_141 : vector<16xf32>
      %jit3A_143 = arith.constant 50176 : i32
      %jit3A_144 = arith.constant 0 : i32
      %broadcast_in_dim3A_145 = vector.broadcast %jit3A_143 : i32 to vector<16xi32>
      %broadcast_in_dim3A_146 = vector.broadcast %jit3A_144 : i32 to vector<16xi32>
      %select_n3A_147 = arith.select %lt3A_142, %broadcast_in_dim3A_145, %broadcast_in_dim3A_146 : vector<16xi1>, vector<16xi32>
      %add3A_148 = arith.addi %get3A_139, %select_n3A_147 : vector<16xi32>
      %swap3A_149 = arith.index_cast %scan3A_44 : i32 to index
      %swap3A_150 = arith.constant 64 : index
      %swap3A_151 = tpu.vector_load %arg18[%swap3A_149, %swap3A_150] {strides = array<i32>} : memref<56x128xi32, #tpu.memory_space<vmem>>, vector<16xi32>,
      tpu.vector_store %arg18[%swap3A_149, %swap3A_150], %add3A_148 {strides = array<i32>} : memref<56x128xi32, #tpu.memory_space<vmem>>, vector<16xi32>,
      %get3A_152 = arith.index_cast %scan3A_44 : i32 to index
      %get3A_153 = arith.constant 80 : index
      %get3A_154 = tpu.vector_load %arg16[%get3A_152, %get3A_153] {strides = array<i32>} : memref<56x128xi32, #tpu.memory_space<vmem>>, vector<16xi32>,
      %gather3A_155 = tpu.vector_load_idx %arg8[%get3A_154] : memref<50176xf32, #tpu.memory_space<vmem>>[vector<16xi32>], vector<16xf32>,
      %abs3A_156 = math.absf %gather3A_155 : vector<16xf32>
      %swap3A_157 = arith.index_cast %scan3A_44 : i32 to index
      %swap3A_158 = arith.constant 80 : index
      %swap3A_159 = tpu.vector_load %arg11[%swap3A_157, %swap3A_158] {strides = array<i32>} : memref<56x128xf32, #tpu.memory_space<vmem>>, vector<16xf32>,
      tpu.vector_store %arg11[%swap3A_157, %swap3A_158], %abs3A_156 {strides = array<i32>} : memref<56x128xf32, #tpu.memory_space<vmem>>, vector<16xf32>,
      %get3A_160 = arith.index_cast %scan3A_44 : i32 to index
      %get3A_161 = arith.constant 80 : index
      %get3A_162 = tpu.vector_load %arg9[%get3A_160, %get3A_161] {strides = array<i32>} : memref<56x128xi32, #tpu.memory_space<vmem>>, vector<16xi32>,
      %lt3A_163 = arith.constant 0.000000e+00 : f32
      %lt3A_164 = vector.broadcast %lt3A_163 : f32 to vector<16xf32>
      %lt3A_165 = arith.cmpf olt, %gather3A_155, %lt3A_164 : vector<16xf32>
      %jit3A_166 = arith.constant 50176 : i32
      %jit3A_167 = arith.constant 0 : i32
      %broadcast_in_dim3A_168 = vector.broadcast %jit3A_166 : i32 to vector<16xi32>
      %broadcast_in_dim3A_169 = vector.broadcast %jit3A_167 : i32 to vector<16xi32>
      %select_n3A_170 = arith.select %lt3A_165, %broadcast_in_dim3A_168, %broadcast_in_dim3A_169 : vector<16xi1>, vector<16xi32>
      %add3A_171 = arith.addi %get3A_162, %select_n3A_170 : vector<16xi32>
      %swap3A_172 = arith.index_cast %scan3A_44 : i32 to index
      %swap3A_173 = arith.constant 80 : index
      %swap3A_174 = tpu.vector_load %arg18[%swap3A_172, %swap3A_173] {strides = array<i32>} : memref<56x128xi32, #tpu.memory_space<vmem>>, vector<16xi32>,
      tpu.vector_store %arg18[%swap3A_172, %swap3A_173], %add3A_171 {strides = array<i32>} : memref<56x128xi32, #tpu.memory_space<vmem>>, vector<16xi32>,
      %get3A_175 = arith.index_cast %scan3A_44 : i32 to index
      %get3A_176 = arith.constant 96 : index
      %get3A_177 = tpu.vector_load %arg16[%get3A_175, %get3A_176] {strides = array<i32>} : memref<56x128xi32, #tpu.memory_space<vmem>>, vector<16xi32>,
      %gather3A_178 = tpu.vector_load_idx %arg8[%get3A_177] : memref<50176xf32, #tpu.memory_space<vmem>>[vector<16xi32>], vector<16xf32>,
      %abs3A_179 = math.absf %gather3A_178 : vector<16xf32>
      %swap3A_180 = arith.index_cast %scan3A_44 : i32 to index
      %swap3A_181 = arith.constant 96 : index
      %swap3A_182 = tpu.vector_load %arg11[%swap3A_180, %swap3A_181] {strides = array<i32>} : memref<56x128xf32, #tpu.memory_space<vmem>>, vector<16xf32>,
      tpu.vector_store %arg11[%swap3A_180, %swap3A_181], %abs3A_179 {strides = array<i32>} : memref<56x128xf32, #tpu.memory_space<vmem>>, vector<16xf32>,
      %get3A_183 = arith.index_cast %scan3A_44 : i32 to index
      %get3A_184 = arith.constant 96 : index
      %get3A_185 = tpu.vector_load %arg9[%get3A_183, %get3A_184] {strides = array<i32>} : memref<56x128xi32, #tpu.memory_space<vmem>>, vector<16xi32>,
      %lt3A_186 = arith.constant 0.000000e+00 : f32
      %lt3A_187 = vector.broadcast %lt3A_186 : f32 to vector<16xf32>
      %lt3A_188 = arith.cmpf olt, %gather3A_178, %lt3A_187 : vector<16xf32>
      %jit3A_189 = arith.constant 50176 : i32
      %jit3A_190 = arith.constant 0 : i32
      %broadcast_in_dim3A_191 = vector.broadcast %jit3A_189 : i32 to vector<16xi32>
      %broadcast_in_dim3A_192 = vector.broadcast %jit3A_190 : i32 to vector<16xi32>
      %select_n3A_193 = arith.select %lt3A_188, %broadcast_in_dim3A_191, %broadcast_in_dim3A_192 : vector<16xi1>, vector<16xi32>
      %add3A_194 = arith.addi %get3A_185, %select_n3A_193 : vector<16xi32>
      %swap3A_195 = arith.index_cast %scan3A_44 : i32 to index
      %swap3A_196 = arith.constant 96 : index
      %swap3A_197 = tpu.vector_load %arg18[%swap3A_195, %swap3A_196] {strides = array<i32>} : memref<56x128xi32, #tpu.memory_space<vmem>>, vector<16xi32>,
      tpu.vector_store %arg18[%swap3A_195, %swap3A_196], %add3A_194 {strides = array<i32>} : memref<56x128xi32, #tpu.memory_space<vmem>>, vector<16xi32>,
      %get3A_198 = arith.index_cast %scan3A_44 : i32 to index
      %get3A_199 = arith.constant 112 : index
      %get3A_200 = tpu.vector_load %arg16[%get3A_198, %get3A_199] {strides = array<i32>} : memref<56x128xi32, #tpu.memory_space<vmem>>, vector<16xi32>,
      %gather3A_201 = tpu.vector_load_idx %arg8[%get3A_200] : memref<50176xf32, #tpu.memory_space<vmem>>[vector<16xi32>], vector<16xf32>,
      %abs3A_202 = math.absf %gather3A_201 : vector<16xf32>
      %swap3A_203 = arith.index_cast %scan3A_44 : i32 to index
      %swap3A_204 = arith.constant 112 : index
      %swap3A_205 = tpu.vector_load %arg11[%swap3A_203, %swap3A_204] {strides = array<i32>} : memref<56x128xf32, #tpu.memory_space<vmem>>, vector<16xf32>,
      tpu.vector_store %arg11[%swap3A_203, %swap3A_204], %abs3A_202 {strides = array<i32>} : memref<56x128xf32, #tpu.memory_space<vmem>>, vector<16xf32>,
      %get3A_206 = arith.index_cast %scan3A_44 : i32 to index
      %get3A_207 = arith.constant 112 : index
      %get3A_208 = tpu.vector_load %arg9[%get3A_206, %get3A_207] {strides = array<i32>} : memref<56x128xi32, #tpu.memory_space<vmem>>, vector<16xi32>,
      %lt3A_209 = arith.constant 0.000000e+00 : f32
      %lt3A_210 = vector.broadcast %lt3A_209 : f32 to vector<16xf32>
      %lt3A_211 = arith.cmpf olt, %gather3A_201, %lt3A_210 : vector<16xf32>
      %jit3A_212 = arith.constant 50176 : i32
      %jit3A_213 = arith.constant 0 : i32
      %broadcast_in_dim3A_214 = vector.broadcast %jit3A_212 : i32 to vector<16xi32>
      %broadcast_in_dim3A_215 = vector.broadcast %jit3A_213 : i32 to vector<16xi32>
      %select_n3A_216 = arith.select %lt3A_211, %broadcast_in_dim3A_214, %broadcast_in_dim3A_215 : vector<16xi1>, vector<16xi32>
      %add3A_217 = arith.addi %get3A_208, %select_n3A_216 : vector<16xi32>
      %swap3A_218 = arith.index_cast %scan3A_44 : i32 to index
      %swap3A_219 = arith.constant 112 : index
      %swap3A_220 = tpu.vector_load %arg18[%swap3A_218, %swap3A_219] {strides = array<i32>} : memref<56x128xi32, #tpu.memory_space<vmem>>, vector<16xi32>,
      tpu.vector_store %arg18[%swap3A_218, %swap3A_219], %add3A_217 {strides = array<i32>} : memref<56x128xi32, #tpu.memory_space<vmem>>, vector<16xi32>,
    }
    %scan3A_18 = arith.constant 56 : i32
    %scan3A_19 = arith.constant 0 : i32
    %scan3A_20 = arith.constant 0 : i32
    %scan3A_21 = arith.constant 56 : i32
    %scan3A_22 = arith.addi %scan3A_20, %scan3A_21 : i32
    %scan3A_23 = arith.constant 1 : i32
    scf.for %scan3A_44 = %scan3A_20 to %scan3A_22 step %scan3A_23  : i32 {
      %dma_start3A = arith.constant 0 : i32
      %dma_start3A_45 = tpu.memref_slice %arg11[%scan3A_44, %dma_start3A] : memref<56x128xf32, #tpu.memory_space<vmem>> -> memref<1x128xf32, #tpu.memory_space<vmem>>
      %dma_start3A_46 = tpu.memref_squeeze %dma_start3A_45 : memref<1x128xf32, #tpu.memory_space<vmem>> -> memref<128xf32, #tpu.memory_space<vmem>>
      %dma_start3A_47 = arith.constant 0 : i32
      %dma_start3A_48 = tpu.memref_slice %arg18[%scan3A_44, %dma_start3A_47] : memref<56x128xi32, #tpu.memory_space<vmem>> -> memref<1x128xi32, #tpu.memory_space<vmem>>
      %dma_start3A_49 = tpu.memref_squeeze %dma_start3A_48 : memref<1x128xi32, #tpu.memory_space<vmem>> -> memref<128xi32, #tpu.memory_space<vmem>>
      %dma_start3A_50 = arith.constant 0 : i32
      %dma_start3A_51 = tpu.memref_slice %arg7[%dma_start3A_50] : memref<100352xf32, #tpu.memory_space<vmem_shared>> -> memref<100352xf32, #tpu.memory_space<vmem_shared>>
      tpu.enqueue_indirect_dma source(%dma_start3A_46 : memref<128xf32, #tpu.memory_space<vmem>>) target(%dma_start3A_51 : memref<100352xf32, #tpu.memory_space<vmem_shared>>) offsets(%dma_start3A_49 : memref<128xi32, #tpu.memory_space<vmem>>) semaphore(%arg14 : memref<!tpu.dma_semaphore, #tpu.memory_space<semaphore_mem>>) {add = true}
    }
    %scan3A_24 = arith.constant 56 : i32
    %scan3A_25 = arith.constant 0 : i32
    %scan3A_26 = arith.constant 0 : i32
    %scan3A_27 = arith.constant 3 : i32
    %scan3A_28 = arith.addi %scan3A_26, %scan3A_27 : i32
    %scan3A_29 = arith.constant 1 : i32
    scf.for %scan3A_44 = %scan3A_26 to %scan3A_28 step %scan3A_29  : i32 {
      %mul3A_45 = arith.constant 2 : i32
      %mul3A_46 = arith.muli %mul3A_45, %scan3A_44 : i32
      %add3A_47 = arith.constant 1 : i32
      %add3A_48 = arith.addi %mul3A_46, %add3A_47 : i32
      %mul3A_49 = arith.constant 392 : i32
      %mul3A_50 = arith.muli %arg1, %mul3A_49 : i32
      %mul3A_51 = arith.constant 56 : i32
      %mul3A_52 = arith.muli %add3A_48, %mul3A_51 : i32
      %add3A_53 = arith.addi %mul3A_50, %mul3A_52 : i32
      "tpu.region"() ({
        %run_scoped3A = tpu.sem_alloc : memref<!tpu.dma_semaphore, #tpu.memory_space<semaphore_mem>>
        %dma_start3A = arith.constant 0 : i32
        %dma_start3A_99 = tpu.memref_slice %arg3[%arg0, %add3A_53, %dma_start3A] : memref<2x6272x128xi32, #tpu.memory_space<hbm>> -> memref<1x56x128xi32, #tpu.memory_space<hbm>>
        %dma_start3A_100 = tpu.memref_squeeze %dma_start3A_99 : memref<1x56x128xi32, #tpu.memory_space<hbm>> -> memref<56x128xi32, #tpu.memory_space<hbm>>
        %dma_start3A_101 = arith.constant 0 : i32
        %dma_start3A_102 = tpu.memref_slice %arg3[%arg0, %add3A_53, %dma_start3A_101] : memref<2x6272x128xi32, #tpu.memory_space<hbm>> -> memref<1x56x128xi32, #tpu.memory_space<hbm>>
        %dma_start3A_103 = tpu.memref_squeeze %dma_start3A_102 : memref<1x56x128xi32, #tpu.memory_space<hbm>> -> memref<56x128xi32, #tpu.memory_space<hbm>>
        tpu.enqueue_dma source(%dma_start3A_103 : memref<56x128xi32, #tpu.memory_space<hbm>>) target(%arg10 : memref<56x128xi32, #tpu.memory_space<vmem>>) target_semaphore(%run_scoped3A : memref<!tpu.dma_semaphore, #tpu.memory_space<semaphore_mem>>)
        %dma_wait3A = arith.constant 0 : i32
        %dma_wait3A_104 = tpu.memref_slice %arg3[%arg0, %add3A_53, %dma_wait3A] : memref<2x6272x128xi32, #tpu.memory_space<hbm>> -> memref<1x56x128xi32, #tpu.memory_space<hbm>>
        %dma_wait3A_105 = tpu.memref_squeeze %dma_wait3A_104 : memref<1x56x128xi32, #tpu.memory_space<hbm>> -> memref<56x128xi32, #tpu.memory_space<hbm>>
        %dma_wait3A_106 = arith.constant 0 : i32
        %dma_wait3A_107 = tpu.memref_slice %arg3[%arg0, %add3A_53, %dma_wait3A_106] : memref<2x6272x128xi32, #tpu.memory_space<hbm>> -> memref<1x56x128xi32, #tpu.memory_space<hbm>>
        %dma_wait3A_108 = tpu.memref_squeeze %dma_wait3A_107 : memref<1x56x128xi32, #tpu.memory_space<hbm>> -> memref<56x128xi32, #tpu.memory_space<hbm>>
        tpu.wait_dma2 semaphore(%run_scoped3A : memref<!tpu.dma_semaphore, #tpu.memory_space<semaphore_mem>>) src(%dma_wait3A_108 : memref<56x128xi32, #tpu.memory_space<hbm>>) dst(%arg10 : memref<56x128xi32, #tpu.memory_space<vmem>>)
        tpu.yield
      }) : () -> ()
      "tpu.region"() ({
        %run_scoped3A = tpu.sem_alloc : memref<!tpu.dma_semaphore, #tpu.memory_space<semaphore_mem>>
        %dma_start3A = arith.constant 0 : i32
        %dma_start3A_99 = tpu.memref_slice %arg2[%arg0, %add3A_53, %dma_start3A] : memref<2x6272x128xi32, #tpu.memory_space<hbm>> -> memref<1x56x128xi32, #tpu.memory_space<hbm>>
        %dma_start3A_100 = tpu.memref_squeeze %dma_start3A_99 : memref<1x56x128xi32, #tpu.memory_space<hbm>> -> memref<56x128xi32, #tpu.memory_space<hbm>>
        %dma_start3A_101 = arith.constant 0 : i32
        %dma_start3A_102 = tpu.memref_slice %arg2[%arg0, %add3A_53, %dma_start3A_101] : memref<2x6272x128xi32, #tpu.memory_space<hbm>> -> memref<1x56x128xi32, #tpu.memory_space<hbm>>
        %dma_start3A_103 = tpu.memref_squeeze %dma_start3A_102 : memref<1x56x128xi32, #tpu.memory_space<hbm>> -> memref<56x128xi32, #tpu.memory_space<hbm>>
        tpu.enqueue_dma source(%dma_start3A_103 : memref<56x128xi32, #tpu.memory_space<hbm>>) target(%arg17 : memref<56x128xi32, #tpu.memory_space<vmem>>) target_semaphore(%run_scoped3A : memref<!tpu.dma_semaphore, #tpu.memory_space<semaphore_mem>>)
        %dma_wait3A = arith.constant 0 : i32
        %dma_wait3A_104 = tpu.memref_slice %arg2[%arg0, %add3A_53, %dma_wait3A] : memref<2x6272x128xi32, #tpu.memory_space<hbm>> -> memref<1x56x128xi32, #tpu.memory_space<hbm>>
        %dma_wait3A_105 = tpu.memref_squeeze %dma_wait3A_104 : memref<1x56x128xi32, #tpu.memory_space<hbm>> -> memref<56x128xi32, #tpu.memory_space<hbm>>
        %dma_wait3A_106 = arith.constant 0 : i32
        %dma_wait3A_107 = tpu.memref_slice %arg2[%arg0, %add3A_53, %dma_wait3A_106] : memref<2x6272x128xi32, #tpu.memory_space<hbm>> -> memref<1x56x128xi32, #tpu.memory_space<hbm>>
        %dma_wait3A_108 = tpu.memref_squeeze %dma_wait3A_107 : memref<1x56x128xi32, #tpu.memory_space<hbm>> -> memref<56x128xi32, #tpu.memory_space<hbm>>
        tpu.wait_dma2 semaphore(%run_scoped3A : memref<!tpu.dma_semaphore, #tpu.memory_space<semaphore_mem>>) src(%dma_wait3A_108 : memref<56x128xi32, #tpu.memory_space<hbm>>) dst(%arg17 : memref<56x128xi32, #tpu.memory_space<vmem>>)
        tpu.yield
      }) : () -> ()
      %scan3A_54 = arith.constant 0 : i32
      %scan3A_55 = arith.constant 0 : i32
      %scan3A_56 = arith.constant 56 : i32
      %scan3A_57 = arith.addi %scan3A_55, %scan3A_56 : i32
      %scan3A_58 = arith.constant 1 : i32
      scf.for %scan3A_99 = %scan3A_55 to %scan3A_57 step %scan3A_58  : i32 {
        %get3A = arith.index_cast %scan3A_99 : i32 to index
        %get3A_100 = arith.constant 0 : index
        %get3A_101 = tpu.vector_load %arg17[%get3A, %get3A_100] {strides = array<i32>} : memref<56x128xi32, #tpu.memory_space<vmem>>, vector<16xi32>,
        %gather3A = tpu.vector_load_idx %arg8[%get3A_101] : memref<50176xf32, #tpu.memory_space<vmem>>[vector<16xi32>], vector<16xf32>,
        %abs3A = math.absf %gather3A : vector<16xf32>
        %swap3A = arith.index_cast %scan3A_99 : i32 to index
        %swap3A_102 = arith.constant 0 : index
        %swap3A_103 = tpu.vector_load %arg12[%swap3A, %swap3A_102] {strides = array<i32>} : memref<56x128xf32, #tpu.memory_space<vmem>>, vector<16xf32>,
        tpu.vector_store %arg12[%swap3A, %swap3A_102], %abs3A {strides = array<i32>} : memref<56x128xf32, #tpu.memory_space<vmem>>, vector<16xf32>,
        %get3A_104 = arith.index_cast %scan3A_99 : i32 to index
        %get3A_105 = arith.constant 0 : index
        %get3A_106 = tpu.vector_load %arg10[%get3A_104, %get3A_105] {strides = array<i32>} : memref<56x128xi32, #tpu.memory_space<vmem>>, vector<16xi32>,
        %lt3A = arith.constant 0.000000e+00 : f32
        %lt3A_107 = vector.broadcast %lt3A : f32 to vector<16xf32>
        %lt3A_108 = arith.cmpf olt, %gather3A, %lt3A_107 : vector<16xf32>
        %jit3A = arith.constant 50176 : i32
        %jit3A_109 = arith.constant 0 : i32
        %broadcast_in_dim3A = vector.broadcast %jit3A : i32 to vector<16xi32>
        %broadcast_in_dim3A_110 = vector.broadcast %jit3A_109 : i32 to vector<16xi32>
        %select_n3A = arith.select %lt3A_108, %broadcast_in_dim3A, %broadcast_in_dim3A_110 : vector<16xi1>, vector<16xi32>
        %add3A_111 = arith.addi %get3A_106, %select_n3A : vector<16xi32>
        %swap3A_112 = arith.index_cast %scan3A_99 : i32 to index
        %swap3A_113 = arith.constant 0 : index
        %swap3A_114 = tpu.vector_load %arg19[%swap3A_112, %swap3A_113] {strides = array<i32>} : memref<56x128xi32, #tpu.memory_space<vmem>>, vector<16xi32>,
        tpu.vector_store %arg19[%swap3A_112, %swap3A_113], %add3A_111 {strides = array<i32>} : memref<56x128xi32, #tpu.memory_space<vmem>>, vector<16xi32>,
        %get3A_115 = arith.index_cast %scan3A_99 : i32 to index
        %get3A_116 = arith.constant 16 : index
        %get3A_117 = tpu.vector_load %arg17[%get3A_115, %get3A_116] {strides = array<i32>} : memref<56x128xi32, #tpu.memory_space<vmem>>, vector<16xi32>,
        %gather3A_118 = tpu.vector_load_idx %arg8[%get3A_117] : memref<50176xf32, #tpu.memory_space<vmem>>[vector<16xi32>], vector<16xf32>,
        %abs3A_119 = math.absf %gather3A_118 : vector<16xf32>
        %swap3A_120 = arith.index_cast %scan3A_99 : i32 to index
        %swap3A_121 = arith.constant 16 : index
        %swap3A_122 = tpu.vector_load %arg12[%swap3A_120, %swap3A_121] {strides = array<i32>} : memref<56x128xf32, #tpu.memory_space<vmem>>, vector<16xf32>,
        tpu.vector_store %arg12[%swap3A_120, %swap3A_121], %abs3A_119 {strides = array<i32>} : memref<56x128xf32, #tpu.memory_space<vmem>>, vector<16xf32>,
        %get3A_123 = arith.index_cast %scan3A_99 : i32 to index
        %get3A_124 = arith.constant 16 : index
        %get3A_125 = tpu.vector_load %arg10[%get3A_123, %get3A_124] {strides = array<i32>} : memref<56x128xi32, #tpu.memory_space<vmem>>, vector<16xi32>,
        %lt3A_126 = arith.constant 0.000000e+00 : f32
        %lt3A_127 = vector.broadcast %lt3A_126 : f32 to vector<16xf32>
        %lt3A_128 = arith.cmpf olt, %gather3A_118, %lt3A_127 : vector<16xf32>
        %jit3A_129 = arith.constant 50176 : i32
        %jit3A_130 = arith.constant 0 : i32
        %broadcast_in_dim3A_131 = vector.broadcast %jit3A_129 : i32 to vector<16xi32>
        %broadcast_in_dim3A_132 = vector.broadcast %jit3A_130 : i32 to vector<16xi32>
        %select_n3A_133 = arith.select %lt3A_128, %broadcast_in_dim3A_131, %broadcast_in_dim3A_132 : vector<16xi1>, vector<16xi32>
        %add3A_134 = arith.addi %get3A_125, %select_n3A_133 : vector<16xi32>
        %swap3A_135 = arith.index_cast %scan3A_99 : i32 to index
        %swap3A_136 = arith.constant 16 : index
        %swap3A_137 = tpu.vector_load %arg19[%swap3A_135, %swap3A_136] {strides = array<i32>} : memref<56x128xi32, #tpu.memory_space<vmem>>, vector<16xi32>,
        tpu.vector_store %arg19[%swap3A_135, %swap3A_136], %add3A_134 {strides = array<i32>} : memref<56x128xi32, #tpu.memory_space<vmem>>, vector<16xi32>,
        %get3A_138 = arith.index_cast %scan3A_99 : i32 to index
        %get3A_139 = arith.constant 32 : index
        %get3A_140 = tpu.vector_load %arg17[%get3A_138, %get3A_139] {strides = array<i32>} : memref<56x128xi32, #tpu.memory_space<vmem>>, vector<16xi32>,
        %gather3A_141 = tpu.vector_load_idx %arg8[%get3A_140] : memref<50176xf32, #tpu.memory_space<vmem>>[vector<16xi32>], vector<16xf32>,
        %abs3A_142 = math.absf %gather3A_141 : vector<16xf32>
        %swap3A_143 = arith.index_cast %scan3A_99 : i32 to index
        %swap3A_144 = arith.constant 32 : index
        %swap3A_145 = tpu.vector_load %arg12[%swap3A_143, %swap3A_144] {strides = array<i32>} : memref<56x128xf32, #tpu.memory_space<vmem>>, vector<16xf32>,
        tpu.vector_store %arg12[%swap3A_143, %swap3A_144], %abs3A_142 {strides = array<i32>} : memref<56x128xf32, #tpu.memory_space<vmem>>, vector<16xf32>,
        %get3A_146 = arith.index_cast %scan3A_99 : i32 to index
        %get3A_147 = arith.constant 32 : index
        %get3A_148 = tpu.vector_load %arg10[%get3A_146, %get3A_147] {strides = array<i32>} : memref<56x128xi32, #tpu.memory_space<vmem>>, vector<16xi32>,
        %lt3A_149 = arith.constant 0.000000e+00 : f32
        %lt3A_150 = vector.broadcast %lt3A_149 : f32 to vector<16xf32>
        %lt3A_151 = arith.cmpf olt, %gather3A_141, %lt3A_150 : vector<16xf32>
        %jit3A_152 = arith.constant 50176 : i32
        %jit3A_153 = arith.constant 0 : i32
        %broadcast_in_dim3A_154 = vector.broadcast %jit3A_152 : i32 to vector<16xi32>
        %broadcast_in_dim3A_155 = vector.broadcast %jit3A_153 : i32 to vector<16xi32>
        %select_n3A_156 = arith.select %lt3A_151, %broadcast_in_dim3A_154, %broadcast_in_dim3A_155 : vector<16xi1>, vector<16xi32>
        %add3A_157 = arith.addi %get3A_148, %select_n3A_156 : vector<16xi32>
        %swap3A_158 = arith.index_cast %scan3A_99 : i32 to index
        %swap3A_159 = arith.constant 32 : index
        %swap3A_160 = tpu.vector_load %arg19[%swap3A_158, %swap3A_159] {strides = array<i32>} : memref<56x128xi32, #tpu.memory_space<vmem>>, vector<16xi32>,
        tpu.vector_store %arg19[%swap3A_158, %swap3A_159], %add3A_157 {strides = array<i32>} : memref<56x128xi32, #tpu.memory_space<vmem>>, vector<16xi32>,
        %get3A_161 = arith.index_cast %scan3A_99 : i32 to index
        %get3A_162 = arith.constant 48 : index
        %get3A_163 = tpu.vector_load %arg17[%get3A_161, %get3A_162] {strides = array<i32>} : memref<56x128xi32, #tpu.memory_space<vmem>>, vector<16xi32>,
        %gather3A_164 = tpu.vector_load_idx %arg8[%get3A_163] : memref<50176xf32, #tpu.memory_space<vmem>>[vector<16xi32>], vector<16xf32>,
        %abs3A_165 = math.absf %gather3A_164 : vector<16xf32>
        %swap3A_166 = arith.index_cast %scan3A_99 : i32 to index
        %swap3A_167 = arith.constant 48 : index
        %swap3A_168 = tpu.vector_load %arg12[%swap3A_166, %swap3A_167] {strides = array<i32>} : memref<56x128xf32, #tpu.memory_space<vmem>>, vector<16xf32>,
        tpu.vector_store %arg12[%swap3A_166, %swap3A_167], %abs3A_165 {strides = array<i32>} : memref<56x128xf32, #tpu.memory_space<vmem>>, vector<16xf32>,
        %get3A_169 = arith.index_cast %scan3A_99 : i32 to index
        %get3A_170 = arith.constant 48 : index
        %get3A_171 = tpu.vector_load %arg10[%get3A_169, %get3A_170] {strides = array<i32>} : memref<56x128xi32, #tpu.memory_space<vmem>>, vector<16xi32>,
        %lt3A_172 = arith.constant 0.000000e+00 : f32
        %lt3A_173 = vector.broadcast %lt3A_172 : f32 to vector<16xf32>
        %lt3A_174 = arith.cmpf olt, %gather3A_164, %lt3A_173 : vector<16xf32>
        %jit3A_175 = arith.constant 50176 : i32
        %jit3A_176 = arith.constant 0 : i32
        %broadcast_in_dim3A_177 = vector.broadcast %jit3A_175 : i32 to vector<16xi32>
        %broadcast_in_dim3A_178 = vector.broadcast %jit3A_176 : i32 to vector<16xi32>
        %select_n3A_179 = arith.select %lt3A_174, %broadcast_in_dim3A_177, %broadcast_in_dim3A_178 : vector<16xi1>, vector<16xi32>
        %add3A_180 = arith.addi %get3A_171, %select_n3A_179 : vector<16xi32>
        %swap3A_181 = arith.index_cast %scan3A_99 : i32 to index
        %swap3A_182 = arith.constant 48 : index
        %swap3A_183 = tpu.vector_load %arg19[%swap3A_181, %swap3A_182] {strides = array<i32>} : memref<56x128xi32, #tpu.memory_space<vmem>>, vector<16xi32>,
        tpu.vector_store %arg19[%swap3A_181, %swap3A_182], %add3A_180 {strides = array<i32>} : memref<56x128xi32, #tpu.memory_space<vmem>>, vector<16xi32>,
        %get3A_184 = arith.index_cast %scan3A_99 : i32 to index
        %get3A_185 = arith.constant 64 : index
        %get3A_186 = tpu.vector_load %arg17[%get3A_184, %get3A_185] {strides = array<i32>} : memref<56x128xi32, #tpu.memory_space<vmem>>, vector<16xi32>,
        %gather3A_187 = tpu.vector_load_idx %arg8[%get3A_186] : memref<50176xf32, #tpu.memory_space<vmem>>[vector<16xi32>], vector<16xf32>,
        %abs3A_188 = math.absf %gather3A_187 : vector<16xf32>
        %swap3A_189 = arith.index_cast %scan3A_99 : i32 to index
        %swap3A_190 = arith.constant 64 : index
        %swap3A_191 = tpu.vector_load %arg12[%swap3A_189, %swap3A_190] {strides = array<i32>} : memref<56x128xf32, #tpu.memory_space<vmem>>, vector<16xf32>,
        tpu.vector_store %arg12[%swap3A_189, %swap3A_190], %abs3A_188 {strides = array<i32>} : memref<56x128xf32, #tpu.memory_space<vmem>>, vector<16xf32>,
        %get3A_192 = arith.index_cast %scan3A_99 : i32 to index
        %get3A_193 = arith.constant 64 : index
        %get3A_194 = tpu.vector_load %arg10[%get3A_192, %get3A_193] {strides = array<i32>} : memref<56x128xi32, #tpu.memory_space<vmem>>, vector<16xi32>,
        %lt3A_195 = arith.constant 0.000000e+00 : f32
        %lt3A_196 = vector.broadcast %lt3A_195 : f32 to vector<16xf32>
        %lt3A_197 = arith.cmpf olt, %gather3A_187, %lt3A_196 : vector<16xf32>
        %jit3A_198 = arith.constant 50176 : i32
        %jit3A_199 = arith.constant 0 : i32
        %broadcast_in_dim3A_200 = vector.broadcast %jit3A_198 : i32 to vector<16xi32>
        %broadcast_in_dim3A_201 = vector.broadcast %jit3A_199 : i32 to vector<16xi32>
        %select_n3A_202 = arith.select %lt3A_197, %broadcast_in_dim3A_200, %broadcast_in_dim3A_201 : vector<16xi1>, vector<16xi32>
        %add3A_203 = arith.addi %get3A_194, %select_n3A_202 : vector<16xi32>
        %swap3A_204 = arith.index_cast %scan3A_99 : i32 to index
        %swap3A_205 = arith.constant 64 : index
        %swap3A_206 = tpu.vector_load %arg19[%swap3A_204, %swap3A_205] {strides = array<i32>} : memref<56x128xi32, #tpu.memory_space<vmem>>, vector<16xi32>,
        tpu.vector_store %arg19[%swap3A_204, %swap3A_205], %add3A_203 {strides = array<i32>} : memref<56x128xi32, #tpu.memory_space<vmem>>, vector<16xi32>,
        %get3A_207 = arith.index_cast %scan3A_99 : i32 to index
        %get3A_208 = arith.constant 80 : index
        %get3A_209 = tpu.vector_load %arg17[%get3A_207, %get3A_208] {strides = array<i32>} : memref<56x128xi32, #tpu.memory_space<vmem>>, vector<16xi32>,
        %gather3A_210 = tpu.vector_load_idx %arg8[%get3A_209] : memref<50176xf32, #tpu.memory_space<vmem>>[vector<16xi32>], vector<16xf32>,
        %abs3A_211 = math.absf %gather3A_210 : vector<16xf32>
        %swap3A_212 = arith.index_cast %scan3A_99 : i32 to index
        %swap3A_213 = arith.constant 80 : index
        %swap3A_214 = tpu.vector_load %arg12[%swap3A_212, %swap3A_213] {strides = array<i32>} : memref<56x128xf32, #tpu.memory_space<vmem>>, vector<16xf32>,
        tpu.vector_store %arg12[%swap3A_212, %swap3A_213], %abs3A_211 {strides = array<i32>} : memref<56x128xf32, #tpu.memory_space<vmem>>, vector<16xf32>,
        %get3A_215 = arith.index_cast %scan3A_99 : i32 to index
        %get3A_216 = arith.constant 80 : index
        %get3A_217 = tpu.vector_load %arg10[%get3A_215, %get3A_216] {strides = array<i32>} : memref<56x128xi32, #tpu.memory_space<vmem>>, vector<16xi32>,
        %lt3A_218 = arith.constant 0.000000e+00 : f32
        %lt3A_219 = vector.broadcast %lt3A_218 : f32 to vector<16xf32>
        %lt3A_220 = arith.cmpf olt, %gather3A_210, %lt3A_219 : vector<16xf32>
        %jit3A_221 = arith.constant 50176 : i32
        %jit3A_222 = arith.constant 0 : i32
        %broadcast_in_dim3A_223 = vector.broadcast %jit3A_221 : i32 to vector<16xi32>
        %broadcast_in_dim3A_224 = vector.broadcast %jit3A_222 : i32 to vector<16xi32>
        %select_n3A_225 = arith.select %lt3A_220, %broadcast_in_dim3A_223, %broadcast_in_dim3A_224 : vector<16xi1>, vector<16xi32>
        %add3A_226 = arith.addi %get3A_217, %select_n3A_225 : vector<16xi32>
        %swap3A_227 = arith.index_cast %scan3A_99 : i32 to index
        %swap3A_228 = arith.constant 80 : index
        %swap3A_229 = tpu.vector_load %arg19[%swap3A_227, %swap3A_228] {strides = array<i32>} : memref<56x128xi32, #tpu.memory_space<vmem>>, vector<16xi32>,
        tpu.vector_store %arg19[%swap3A_227, %swap3A_228], %add3A_226 {strides = array<i32>} : memref<56x128xi32, #tpu.memory_space<vmem>>, vector<16xi32>,
        %get3A_230 = arith.index_cast %scan3A_99 : i32 to index
        %get3A_231 = arith.constant 96 : index
        %get3A_232 = tpu.vector_load %arg17[%get3A_230, %get3A_231] {strides = array<i32>} : memref<56x128xi32, #tpu.memory_space<vmem>>, vector<16xi32>,
        %gather3A_233 = tpu.vector_load_idx %arg8[%get3A_232] : memref<50176xf32, #tpu.memory_space<vmem>>[vector<16xi32>], vector<16xf32>,
        %abs3A_234 = math.absf %gather3A_233 : vector<16xf32>
        %swap3A_235 = arith.index_cast %scan3A_99 : i32 to index
        %swap3A_236 = arith.constant 96 : index
        %swap3A_237 = tpu.vector_load %arg12[%swap3A_235, %swap3A_236] {strides = array<i32>} : memref<56x128xf32, #tpu.memory_space<vmem>>, vector<16xf32>,
        tpu.vector_store %arg12[%swap3A_235, %swap3A_236], %abs3A_234 {strides = array<i32>} : memref<56x128xf32, #tpu.memory_space<vmem>>, vector<16xf32>,
        %get3A_238 = arith.index_cast %scan3A_99 : i32 to index
        %get3A_239 = arith.constant 96 : index
        %get3A_240 = tpu.vector_load %arg10[%get3A_238, %get3A_239] {strides = array<i32>} : memref<56x128xi32, #tpu.memory_space<vmem>>, vector<16xi32>,
        %lt3A_241 = arith.constant 0.000000e+00 : f32
        %lt3A_242 = vector.broadcast %lt3A_241 : f32 to vector<16xf32>
        %lt3A_243 = arith.cmpf olt, %gather3A_233, %lt3A_242 : vector<16xf32>
        %jit3A_244 = arith.constant 50176 : i32
        %jit3A_245 = arith.constant 0 : i32
        %broadcast_in_dim3A_246 = vector.broadcast %jit3A_244 : i32 to vector<16xi32>
        %broadcast_in_dim3A_247 = vector.broadcast %jit3A_245 : i32 to vector<16xi32>
        %select_n3A_248 = arith.select %lt3A_243, %broadcast_in_dim3A_246, %broadcast_in_dim3A_247 : vector<16xi1>, vector<16xi32>
        %add3A_249 = arith.addi %get3A_240, %select_n3A_248 : vector<16xi32>
        %swap3A_250 = arith.index_cast %scan3A_99 : i32 to index
        %swap3A_251 = arith.constant 96 : index
        %swap3A_252 = tpu.vector_load %arg19[%swap3A_250, %swap3A_251] {strides = array<i32>} : memref<56x128xi32, #tpu.memory_space<vmem>>, vector<16xi32>,
        tpu.vector_store %arg19[%swap3A_250, %swap3A_251], %add3A_249 {strides = array<i32>} : memref<56x128xi32, #tpu.memory_space<vmem>>, vector<16xi32>,
        %get3A_253 = arith.index_cast %scan3A_99 : i32 to index
        %get3A_254 = arith.constant 112 : index
        %get3A_255 = tpu.vector_load %arg17[%get3A_253, %get3A_254] {strides = array<i32>} : memref<56x128xi32, #tpu.memory_space<vmem>>, vector<16xi32>,
        %gather3A_256 = tpu.vector_load_idx %arg8[%get3A_255] : memref<50176xf32, #tpu.memory_space<vmem>>[vector<16xi32>], vector<16xf32>,
        %abs3A_257 = math.absf %gather3A_256 : vector<16xf32>
        %swap3A_258 = arith.index_cast %scan3A_99 : i32 to index
        %swap3A_259 = arith.constant 112 : index
        %swap3A_260 = tpu.vector_load %arg12[%swap3A_258, %swap3A_259] {strides = array<i32>} : memref<56x128xf32, #tpu.memory_space<vmem>>, vector<16xf32>,
        tpu.vector_store %arg12[%swap3A_258, %swap3A_259], %abs3A_257 {strides = array<i32>} : memref<56x128xf32, #tpu.memory_space<vmem>>, vector<16xf32>,
        %get3A_261 = arith.index_cast %scan3A_99 : i32 to index
        %get3A_262 = arith.constant 112 : index
        %get3A_263 = tpu.vector_load %arg10[%get3A_261, %get3A_262] {strides = array<i32>} : memref<56x128xi32, #tpu.memory_space<vmem>>, vector<16xi32>,
        %lt3A_264 = arith.constant 0.000000e+00 : f32
        %lt3A_265 = vector.broadcast %lt3A_264 : f32 to vector<16xf32>
        %lt3A_266 = arith.cmpf olt, %gather3A_256, %lt3A_265 : vector<16xf32>
        %jit3A_267 = arith.constant 50176 : i32
        %jit3A_268 = arith.constant 0 : i32
        %broadcast_in_dim3A_269 = vector.broadcast %jit3A_267 : i32 to vector<16xi32>
        %broadcast_in_dim3A_270 = vector.broadcast %jit3A_268 : i32 to vector<16xi32>
        %select_n3A_271 = arith.select %lt3A_266, %broadcast_in_dim3A_269, %broadcast_in_dim3A_270 : vector<16xi1>, vector<16xi32>
        %add3A_272 = arith.addi %get3A_263, %select_n3A_271 : vector<16xi32>
        %swap3A_273 = arith.index_cast %scan3A_99 : i32 to index
        %swap3A_274 = arith.constant 112 : index
        %swap3A_275 = tpu.vector_load %arg19[%swap3A_273, %swap3A_274] {strides = array<i32>} : memref<56x128xi32, #tpu.memory_space<vmem>>, vector<16xi32>,
        tpu.vector_store %arg19[%swap3A_273, %swap3A_274], %add3A_272 {strides = array<i32>} : memref<56x128xi32, #tpu.memory_space<vmem>>, vector<16xi32>,
      }
      %scan3A_59 = arith.constant 56 : i32
      %scan3A_60 = arith.constant 0 : i32
      %scan3A_61 = arith.constant 0 : i32
      %scan3A_62 = arith.constant 56 : i32
      %scan3A_63 = arith.addi %scan3A_61, %scan3A_62 : i32
      %scan3A_64 = arith.constant 1 : i32
      scf.for %scan3A_99 = %scan3A_61 to %scan3A_63 step %scan3A_64  : i32 {
        %dma_start3A = arith.constant 0 : i32
        %dma_start3A_100 = tpu.memref_slice %arg12[%scan3A_99, %dma_start3A] : memref<56x128xf32, #tpu.memory_space<vmem>> -> memref<1x128xf32, #tpu.memory_space<vmem>>
        %dma_start3A_101 = tpu.memref_squeeze %dma_start3A_100 : memref<1x128xf32, #tpu.memory_space<vmem>> -> memref<128xf32, #tpu.memory_space<vmem>>
        %dma_start3A_102 = arith.constant 0 : i32
        %dma_start3A_103 = tpu.memref_slice %arg19[%scan3A_99, %dma_start3A_102] : memref<56x128xi32, #tpu.memory_space<vmem>> -> memref<1x128xi32, #tpu.memory_space<vmem>>
        %dma_start3A_104 = tpu.memref_squeeze %dma_start3A_103 : memref<1x128xi32, #tpu.memory_space<vmem>> -> memref<128xi32, #tpu.memory_space<vmem>>
        %dma_start3A_105 = arith.constant 0 : i32
        %dma_start3A_106 = tpu.memref_slice %arg7[%dma_start3A_105] : memref<100352xf32, #tpu.memory_space<vmem_shared>> -> memref<100352xf32, #tpu.memory_space<vmem_shared>>
        tpu.enqueue_indirect_dma source(%dma_start3A_101 : memref<128xf32, #tpu.memory_space<vmem>>) target(%dma_start3A_106 : memref<100352xf32, #tpu.memory_space<vmem_shared>>) offsets(%dma_start3A_104 : memref<128xi32, #tpu.memory_space<vmem>>) semaphore(%arg15 : memref<!tpu.dma_semaphore, #tpu.memory_space<semaphore_mem>>) {add = true}
      }
      %scan3A_65 = arith.constant 56 : i32
      %scan3A_66 = arith.constant 0 : i32
      %scan3A_67 = arith.constant 0 : i32
      %scan3A_68 = arith.constant 56 : i32
      %scan3A_69 = arith.addi %scan3A_67, %scan3A_68 : i32
      %scan3A_70 = arith.constant 1 : i32
      scf.for %scan3A_99 = %scan3A_67 to %scan3A_69 step %scan3A_70  : i32 {
        %dma_wait3A = arith.constant 0 : i32
        %dma_wait3A_100 = arith.constant 0 : i32
        %dma_wait3A_101 = arith.constant 0 : i32
        %dma_wait3A_102 = arith.constant 0 : i32
        %dma_wait3A_103 = tpu.memref_slice %arg11[%dma_wait3A_101, %dma_wait3A_102] : memref<56x128xf32, #tpu.memory_space<vmem>> -> memref<1x128xf32, #tpu.memory_space<vmem>>
        %dma_wait3A_104 = tpu.memref_squeeze %dma_wait3A_103 : memref<1x128xf32, #tpu.memory_space<vmem>> -> memref<128xf32, #tpu.memory_space<vmem>>
        %dma_wait3A_105 = arith.constant 0 : i32
        %dma_wait3A_106 = tpu.memref_slice %arg3[%dma_wait3A, %dma_wait3A_100, %dma_wait3A_105] : memref<2x6272x128xi32, #tpu.memory_space<hbm>> -> memref<1x1x128xi32, #tpu.memory_space<hbm>>
        %dma_wait3A_107 = tpu.memref_squeeze %dma_wait3A_106 : memref<1x1x128xi32, #tpu.memory_space<hbm>> -> memref<128xi32, #tpu.memory_space<hbm>>
        %dma_wait3A_108 = arith.constant 0 : i32
        %dma_wait3A_109 = tpu.memref_slice %arg11[%dma_wait3A_101, %dma_wait3A_108] : memref<56x128xf32, #tpu.memory_space<vmem>> -> memref<1x128xf32, #tpu.memory_space<vmem>>
        %dma_wait3A_110 = tpu.memref_squeeze %dma_wait3A_109 : memref<1x128xf32, #tpu.memory_space<vmem>> -> memref<128xf32, #tpu.memory_space<vmem>>
        %dma_wait3A_111 = arith.constant 0 : i32
        %dma_wait3A_112 = tpu.memref_slice %arg3[%dma_wait3A, %dma_wait3A_100, %dma_wait3A_111] : memref<2x6272x128xi32, #tpu.memory_space<hbm>> -> memref<1x1x128xi32, #tpu.memory_space<hbm>>
        %dma_wait3A_113 = tpu.memref_squeeze %dma_wait3A_112 : memref<1x1x128xi32, #tpu.memory_space<hbm>> -> memref<128xi32, #tpu.memory_space<hbm>>
        tpu.wait_dma2 semaphore(%arg14 : memref<!tpu.dma_semaphore, #tpu.memory_space<semaphore_mem>>) src(%dma_wait3A_113 : memref<128xi32, #tpu.memory_space<hbm>>) dst(%dma_wait3A_110 : memref<128xf32, #tpu.memory_space<vmem>>)
      }
      %scan3A_71 = arith.constant 56 : i32
      %mul3A_72 = arith.constant 2 : i32
      %mul3A_73 = arith.muli %mul3A_72, %scan3A_44 : i32
      %add3A_74 = arith.constant 2 : i32
      %add3A_75 = arith.addi %mul3A_73, %add3A_74 : i32
      %mul3A_76 = arith.constant 392 : i32
      %mul3A_77 = arith.muli %arg1, %mul3A_76 : i32
      %mul3A_78 = arith.constant 56 : i32
      %mul3A_79 = arith.muli %add3A_75, %mul3A_78 : i32
      %add3A_80 = arith.addi %mul3A_77, %mul3A_79 : i32
      "tpu.region"() ({
        %run_scoped3A = tpu.sem_alloc : memref<!tpu.dma_semaphore, #tpu.memory_space<semaphore_mem>>
        %dma_start3A = arith.constant 0 : i32
        %dma_start3A_99 = tpu.memref_slice %arg3[%arg0, %add3A_80, %dma_start3A] : memref<2x6272x128xi32, #tpu.memory_space<hbm>> -> memref<1x56x128xi32, #tpu.memory_space<hbm>>
        %dma_start3A_100 = tpu.memref_squeeze %dma_start3A_99 : memref<1x56x128xi32, #tpu.memory_space<hbm>> -> memref<56x128xi32, #tpu.memory_space<hbm>>
        %dma_start3A_101 = arith.constant 0 : i32
        %dma_start3A_102 = tpu.memref_slice %arg3[%arg0, %add3A_80, %dma_start3A_101] : memref<2x6272x128xi32, #tpu.memory_space<hbm>> -> memref<1x56x128xi32, #tpu.memory_space<hbm>>
        %dma_start3A_103 = tpu.memref_squeeze %dma_start3A_102 : memref<1x56x128xi32, #tpu.memory_space<hbm>> -> memref<56x128xi32, #tpu.memory_space<hbm>>
        tpu.enqueue_dma source(%dma_start3A_103 : memref<56x128xi32, #tpu.memory_space<hbm>>) target(%arg9 : memref<56x128xi32, #tpu.memory_space<vmem>>) target_semaphore(%run_scoped3A : memref<!tpu.dma_semaphore, #tpu.memory_space<semaphore_mem>>)
        %dma_wait3A = arith.constant 0 : i32
        %dma_wait3A_104 = tpu.memref_slice %arg3[%arg0, %add3A_80, %dma_wait3A] : memref<2x6272x128xi32, #tpu.memory_space<hbm>> -> memref<1x56x128xi32, #tpu.memory_space<hbm>>
        %dma_wait3A_105 = tpu.memref_squeeze %dma_wait3A_104 : memref<1x56x128xi32, #tpu.memory_space<hbm>> -> memref<56x128xi32, #tpu.memory_space<hbm>>
        %dma_wait3A_106 = arith.constant 0 : i32
        %dma_wait3A_107 = tpu.memref_slice %arg3[%arg0, %add3A_80, %dma_wait3A_106] : memref<2x6272x128xi32, #tpu.memory_space<hbm>> -> memref<1x56x128xi32, #tpu.memory_space<hbm>>
        %dma_wait3A_108 = tpu.memref_squeeze %dma_wait3A_107 : memref<1x56x128xi32, #tpu.memory_space<hbm>> -> memref<56x128xi32, #tpu.memory_space<hbm>>
        tpu.wait_dma2 semaphore(%run_scoped3A : memref<!tpu.dma_semaphore, #tpu.memory_space<semaphore_mem>>) src(%dma_wait3A_108 : memref<56x128xi32, #tpu.memory_space<hbm>>) dst(%arg9 : memref<56x128xi32, #tpu.memory_space<vmem>>)
        tpu.yield
      }) : () -> ()
      "tpu.region"() ({
        %run_scoped3A = tpu.sem_alloc : memref<!tpu.dma_semaphore, #tpu.memory_space<semaphore_mem>>
        %dma_start3A = arith.constant 0 : i32
        %dma_start3A_99 = tpu.memref_slice %arg2[%arg0, %add3A_80, %dma_start3A] : memref<2x6272x128xi32, #tpu.memory_space<hbm>> -> memref<1x56x128xi32, #tpu.memory_space<hbm>>
        %dma_start3A_100 = tpu.memref_squeeze %dma_start3A_99 : memref<1x56x128xi32, #tpu.memory_space<hbm>> -> memref<56x128xi32, #tpu.memory_space<hbm>>
        %dma_start3A_101 = arith.constant 0 : i32
        %dma_start3A_102 = tpu.memref_slice %arg2[%arg0, %add3A_80, %dma_start3A_101] : memref<2x6272x128xi32, #tpu.memory_space<hbm>> -> memref<1x56x128xi32, #tpu.memory_space<hbm>>
        %dma_start3A_103 = tpu.memref_squeeze %dma_start3A_102 : memref<1x56x128xi32, #tpu.memory_space<hbm>> -> memref<56x128xi32, #tpu.memory_space<hbm>>
        tpu.enqueue_dma source(%dma_start3A_103 : memref<56x128xi32, #tpu.memory_space<hbm>>) target(%arg16 : memref<56x128xi32, #tpu.memory_space<vmem>>) target_semaphore(%run_scoped3A : memref<!tpu.dma_semaphore, #tpu.memory_space<semaphore_mem>>)
        %dma_wait3A = arith.constant 0 : i32
        %dma_wait3A_104 = tpu.memref_slice %arg2[%arg0, %add3A_80, %dma_wait3A] : memref<2x6272x128xi32, #tpu.memory_space<hbm>> -> memref<1x56x128xi32, #tpu.memory_space<hbm>>
        %dma_wait3A_105 = tpu.memref_squeeze %dma_wait3A_104 : memref<1x56x128xi32, #tpu.memory_space<hbm>> -> memref<56x128xi32, #tpu.memory_space<hbm>>
        %dma_wait3A_106 = arith.constant 0 : i32
        %dma_wait3A_107 = tpu.memref_slice %arg2[%arg0, %add3A_80, %dma_wait3A_106] : memref<2x6272x128xi32, #tpu.memory_space<hbm>> -> memref<1x56x128xi32, #tpu.memory_space<hbm>>
        %dma_wait3A_108 = tpu.memref_squeeze %dma_wait3A_107 : memref<1x56x128xi32, #tpu.memory_space<hbm>> -> memref<56x128xi32, #tpu.memory_space<hbm>>
        tpu.wait_dma2 semaphore(%run_scoped3A : memref<!tpu.dma_semaphore, #tpu.memory_space<semaphore_mem>>) src(%dma_wait3A_108 : memref<56x128xi32, #tpu.memory_space<hbm>>) dst(%arg16 : memref<56x128xi32, #tpu.memory_space<vmem>>)
        tpu.yield
      }) : () -> ()
      %scan3A_81 = arith.constant 0 : i32
      %scan3A_82 = arith.constant 0 : i32
      %scan3A_83 = arith.constant 56 : i32
      %scan3A_84 = arith.addi %scan3A_82, %scan3A_83 : i32
      %scan3A_85 = arith.constant 1 : i32
      scf.for %scan3A_99 = %scan3A_82 to %scan3A_84 step %scan3A_85  : i32 {
        %get3A = arith.index_cast %scan3A_99 : i32 to index
        %get3A_100 = arith.constant 0 : index
        %get3A_101 = tpu.vector_load %arg16[%get3A, %get3A_100] {strides = array<i32>} : memref<56x128xi32, #tpu.memory_space<vmem>>, vector<16xi32>,
        %gather3A = tpu.vector_load_idx %arg8[%get3A_101] : memref<50176xf32, #tpu.memory_space<vmem>>[vector<16xi32>], vector<16xf32>,
        %abs3A = math.absf %gather3A : vector<16xf32>
        %swap3A = arith.index_cast %scan3A_99 : i32 to index
        %swap3A_102 = arith.constant 0 : index
        %swap3A_103 = tpu.vector_load %arg11[%swap3A, %swap3A_102] {strides = array<i32>} : memref<56x128xf32, #tpu.memory_space<vmem>>, vector<16xf32>,
        tpu.vector_store %arg11[%swap3A, %swap3A_102], %abs3A {strides = array<i32>} : memref<56x128xf32, #tpu.memory_space<vmem>>, vector<16xf32>,
        %get3A_104 = arith.index_cast %scan3A_99 : i32 to index
        %get3A_105 = arith.constant 0 : index
        %get3A_106 = tpu.vector_load %arg9[%get3A_104, %get3A_105] {strides = array<i32>} : memref<56x128xi32, #tpu.memory_space<vmem>>, vector<16xi32>,
        %lt3A = arith.constant 0.000000e+00 : f32
        %lt3A_107 = vector.broadcast %lt3A : f32 to vector<16xf32>
        %lt3A_108 = arith.cmpf olt, %gather3A, %lt3A_107 : vector<16xf32>
        %jit3A = arith.constant 50176 : i32
        %jit3A_109 = arith.constant 0 : i32
        %broadcast_in_dim3A = vector.broadcast %jit3A : i32 to vector<16xi32>
        %broadcast_in_dim3A_110 = vector.broadcast %jit3A_109 : i32 to vector<16xi32>
        %select_n3A = arith.select %lt3A_108, %broadcast_in_dim3A, %broadcast_in_dim3A_110 : vector<16xi1>, vector<16xi32>
        %add3A_111 = arith.addi %get3A_106, %select_n3A : vector<16xi32>
        %swap3A_112 = arith.index_cast %scan3A_99 : i32 to index
        %swap3A_113 = arith.constant 0 : index
        %swap3A_114 = tpu.vector_load %arg18[%swap3A_112, %swap3A_113] {strides = array<i32>} : memref<56x128xi32, #tpu.memory_space<vmem>>, vector<16xi32>,
        tpu.vector_store %arg18[%swap3A_112, %swap3A_113], %add3A_111 {strides = array<i32>} : memref<56x128xi32, #tpu.memory_space<vmem>>, vector<16xi32>,
        %get3A_115 = arith.index_cast %scan3A_99 : i32 to index
        %get3A_116 = arith.constant 16 : index
        %get3A_117 = tpu.vector_load %arg16[%get3A_115, %get3A_116] {strides = array<i32>} : memref<56x128xi32, #tpu.memory_space<vmem>>, vector<16xi32>,
        %gather3A_118 = tpu.vector_load_idx %arg8[%get3A_117] : memref<50176xf32, #tpu.memory_space<vmem>>[vector<16xi32>], vector<16xf32>,
        %abs3A_119 = math.absf %gather3A_118 : vector<16xf32>
        %swap3A_120 = arith.index_cast %scan3A_99 : i32 to index
        %swap3A_121 = arith.constant 16 : index
        %swap3A_122 = tpu.vector_load %arg11[%swap3A_120, %swap3A_121] {strides = array<i32>} : memref<56x128xf32, #tpu.memory_space<vmem>>, vector<16xf32>,
        tpu.vector_store %arg11[%swap3A_120, %swap3A_121], %abs3A_119 {strides = array<i32>} : memref<56x128xf32, #tpu.memory_space<vmem>>, vector<16xf32>,
        %get3A_123 = arith.index_cast %scan3A_99 : i32 to index
        %get3A_124 = arith.constant 16 : index
        %get3A_125 = tpu.vector_load %arg9[%get3A_123, %get3A_124] {strides = array<i32>} : memref<56x128xi32, #tpu.memory_space<vmem>>, vector<16xi32>,
        %lt3A_126 = arith.constant 0.000000e+00 : f32
        %lt3A_127 = vector.broadcast %lt3A_126 : f32 to vector<16xf32>
        %lt3A_128 = arith.cmpf olt, %gather3A_118, %lt3A_127 : vector<16xf32>
        %jit3A_129 = arith.constant 50176 : i32
        %jit3A_130 = arith.constant 0 : i32
        %broadcast_in_dim3A_131 = vector.broadcast %jit3A_129 : i32 to vector<16xi32>
        %broadcast_in_dim3A_132 = vector.broadcast %jit3A_130 : i32 to vector<16xi32>
        %select_n3A_133 = arith.select %lt3A_128, %broadcast_in_dim3A_131, %broadcast_in_dim3A_132 : vector<16xi1>, vector<16xi32>
        %add3A_134 = arith.addi %get3A_125, %select_n3A_133 : vector<16xi32>
        %swap3A_135 = arith.index_cast %scan3A_99 : i32 to index
        %swap3A_136 = arith.constant 16 : index
        %swap3A_137 = tpu.vector_load %arg18[%swap3A_135, %swap3A_136] {strides = array<i32>} : memref<56x128xi32, #tpu.memory_space<vmem>>, vector<16xi32>,
        tpu.vector_store %arg18[%swap3A_135, %swap3A_136], %add3A_134 {strides = array<i32>} : memref<56x128xi32, #tpu.memory_space<vmem>>, vector<16xi32>,
        %get3A_138 = arith.index_cast %scan3A_99 : i32 to index
        %get3A_139 = arith.constant 32 : index
        %get3A_140 = tpu.vector_load %arg16[%get3A_138, %get3A_139] {strides = array<i32>} : memref<56x128xi32, #tpu.memory_space<vmem>>, vector<16xi32>,
        %gather3A_141 = tpu.vector_load_idx %arg8[%get3A_140] : memref<50176xf32, #tpu.memory_space<vmem>>[vector<16xi32>], vector<16xf32>,
        %abs3A_142 = math.absf %gather3A_141 : vector<16xf32>
        %swap3A_143 = arith.index_cast %scan3A_99 : i32 to index
        %swap3A_144 = arith.constant 32 : index
        %swap3A_145 = tpu.vector_load %arg11[%swap3A_143, %swap3A_144] {strides = array<i32>} : memref<56x128xf32, #tpu.memory_space<vmem>>, vector<16xf32>,
        tpu.vector_store %arg11[%swap3A_143, %swap3A_144], %abs3A_142 {strides = array<i32>} : memref<56x128xf32, #tpu.memory_space<vmem>>, vector<16xf32>,
        %get3A_146 = arith.index_cast %scan3A_99 : i32 to index
        %get3A_147 = arith.constant 32 : index
        %get3A_148 = tpu.vector_load %arg9[%get3A_146, %get3A_147] {strides = array<i32>} : memref<56x128xi32, #tpu.memory_space<vmem>>, vector<16xi32>,
        %lt3A_149 = arith.constant 0.000000e+00 : f32
        %lt3A_150 = vector.broadcast %lt3A_149 : f32 to vector<16xf32>
        %lt3A_151 = arith.cmpf olt, %gather3A_141, %lt3A_150 : vector<16xf32>
        %jit3A_152 = arith.constant 50176 : i32
        %jit3A_153 = arith.constant 0 : i32
        %broadcast_in_dim3A_154 = vector.broadcast %jit3A_152 : i32 to vector<16xi32>
        %broadcast_in_dim3A_155 = vector.broadcast %jit3A_153 : i32 to vector<16xi32>
        %select_n3A_156 = arith.select %lt3A_151, %broadcast_in_dim3A_154, %broadcast_in_dim3A_155 : vector<16xi1>, vector<16xi32>
        %add3A_157 = arith.addi %get3A_148, %select_n3A_156 : vector<16xi32>
        %swap3A_158 = arith.index_cast %scan3A_99 : i32 to index
        %swap3A_159 = arith.constant 32 : index
        %swap3A_160 = tpu.vector_load %arg18[%swap3A_158, %swap3A_159] {strides = array<i32>} : memref<56x128xi32, #tpu.memory_space<vmem>>, vector<16xi32>,
        tpu.vector_store %arg18[%swap3A_158, %swap3A_159], %add3A_157 {strides = array<i32>} : memref<56x128xi32, #tpu.memory_space<vmem>>, vector<16xi32>,
        %get3A_161 = arith.index_cast %scan3A_99 : i32 to index
        %get3A_162 = arith.constant 48 : index
        %get3A_163 = tpu.vector_load %arg16[%get3A_161, %get3A_162] {strides = array<i32>} : memref<56x128xi32, #tpu.memory_space<vmem>>, vector<16xi32>,
        %gather3A_164 = tpu.vector_load_idx %arg8[%get3A_163] : memref<50176xf32, #tpu.memory_space<vmem>>[vector<16xi32>], vector<16xf32>,
        %abs3A_165 = math.absf %gather3A_164 : vector<16xf32>
        %swap3A_166 = arith.index_cast %scan3A_99 : i32 to index
        %swap3A_167 = arith.constant 48 : index
        %swap3A_168 = tpu.vector_load %arg11[%swap3A_166, %swap3A_167] {strides = array<i32>} : memref<56x128xf32, #tpu.memory_space<vmem>>, vector<16xf32>,
        tpu.vector_store %arg11[%swap3A_166, %swap3A_167], %abs3A_165 {strides = array<i32>} : memref<56x128xf32, #tpu.memory_space<vmem>>, vector<16xf32>,
        %get3A_169 = arith.index_cast %scan3A_99 : i32 to index
        %get3A_170 = arith.constant 48 : index
        %get3A_171 = tpu.vector_load %arg9[%get3A_169, %get3A_170] {strides = array<i32>} : memref<56x128xi32, #tpu.memory_space<vmem>>, vector<16xi32>,
        %lt3A_172 = arith.constant 0.000000e+00 : f32
        %lt3A_173 = vector.broadcast %lt3A_172 : f32 to vector<16xf32>
        %lt3A_174 = arith.cmpf olt, %gather3A_164, %lt3A_173 : vector<16xf32>
        %jit3A_175 = arith.constant 50176 : i32
        %jit3A_176 = arith.constant 0 : i32
        %broadcast_in_dim3A_177 = vector.broadcast %jit3A_175 : i32 to vector<16xi32>
        %broadcast_in_dim3A_178 = vector.broadcast %jit3A_176 : i32 to vector<16xi32>
        %select_n3A_179 = arith.select %lt3A_174, %broadcast_in_dim3A_177, %broadcast_in_dim3A_178 : vector<16xi1>, vector<16xi32>
        %add3A_180 = arith.addi %get3A_171, %select_n3A_179 : vector<16xi32>
        %swap3A_181 = arith.index_cast %scan3A_99 : i32 to index
        %swap3A_182 = arith.constant 48 : index
        %swap3A_183 = tpu.vector_load %arg18[%swap3A_181, %swap3A_182] {strides = array<i32>} : memref<56x128xi32, #tpu.memory_space<vmem>>, vector<16xi32>,
        tpu.vector_store %arg18[%swap3A_181, %swap3A_182], %add3A_180 {strides = array<i32>} : memref<56x128xi32, #tpu.memory_space<vmem>>, vector<16xi32>,
        %get3A_184 = arith.index_cast %scan3A_99 : i32 to index
        %get3A_185 = arith.constant 64 : index
        %get3A_186 = tpu.vector_load %arg16[%get3A_184, %get3A_185] {strides = array<i32>} : memref<56x128xi32, #tpu.memory_space<vmem>>, vector<16xi32>,
        %gather3A_187 = tpu.vector_load_idx %arg8[%get3A_186] : memref<50176xf32, #tpu.memory_space<vmem>>[vector<16xi32>], vector<16xf32>,
        %abs3A_188 = math.absf %gather3A_187 : vector<16xf32>
        %swap3A_189 = arith.index_cast %scan3A_99 : i32 to index
        %swap3A_190 = arith.constant 64 : index
        %swap3A_191 = tpu.vector_load %arg11[%swap3A_189, %swap3A_190] {strides = array<i32>} : memref<56x128xf32, #tpu.memory_space<vmem>>, vector<16xf32>,
        tpu.vector_store %arg11[%swap3A_189, %swap3A_190], %abs3A_188 {strides = array<i32>} : memref<56x128xf32, #tpu.memory_space<vmem>>, vector<16xf32>,
        %get3A_192 = arith.index_cast %scan3A_99 : i32 to index
        %get3A_193 = arith.constant 64 : index
        %get3A_194 = tpu.vector_load %arg9[%get3A_192, %get3A_193] {strides = array<i32>} : memref<56x128xi32, #tpu.memory_space<vmem>>, vector<16xi32>,
        %lt3A_195 = arith.constant 0.000000e+00 : f32
        %lt3A_196 = vector.broadcast %lt3A_195 : f32 to vector<16xf32>
        %lt3A_197 = arith.cmpf olt, %gather3A_187, %lt3A_196 : vector<16xf32>
        %jit3A_198 = arith.constant 50176 : i32
        %jit3A_199 = arith.constant 0 : i32
        %broadcast_in_dim3A_200 = vector.broadcast %jit3A_198 : i32 to vector<16xi32>
        %broadcast_in_dim3A_201 = vector.broadcast %jit3A_199 : i32 to vector<16xi32>
        %select_n3A_202 = arith.select %lt3A_197, %broadcast_in_dim3A_200, %broadcast_in_dim3A_201 : vector<16xi1>, vector<16xi32>
        %add3A_203 = arith.addi %get3A_194, %select_n3A_202 : vector<16xi32>
        %swap3A_204 = arith.index_cast %scan3A_99 : i32 to index
        %swap3A_205 = arith.constant 64 : index
        %swap3A_206 = tpu.vector_load %arg18[%swap3A_204, %swap3A_205] {strides = array<i32>} : memref<56x128xi32, #tpu.memory_space<vmem>>, vector<16xi32>,
        tpu.vector_store %arg18[%swap3A_204, %swap3A_205], %add3A_203 {strides = array<i32>} : memref<56x128xi32, #tpu.memory_space<vmem>>, vector<16xi32>,
        %get3A_207 = arith.index_cast %scan3A_99 : i32 to index
        %get3A_208 = arith.constant 80 : index
        %get3A_209 = tpu.vector_load %arg16[%get3A_207, %get3A_208] {strides = array<i32>} : memref<56x128xi32, #tpu.memory_space<vmem>>, vector<16xi32>,
        %gather3A_210 = tpu.vector_load_idx %arg8[%get3A_209] : memref<50176xf32, #tpu.memory_space<vmem>>[vector<16xi32>], vector<16xf32>,
        %abs3A_211 = math.absf %gather3A_210 : vector<16xf32>
        %swap3A_212 = arith.index_cast %scan3A_99 : i32 to index
        %swap3A_213 = arith.constant 80 : index
        %swap3A_214 = tpu.vector_load %arg11[%swap3A_212, %swap3A_213] {strides = array<i32>} : memref<56x128xf32, #tpu.memory_space<vmem>>, vector<16xf32>,
        tpu.vector_store %arg11[%swap3A_212, %swap3A_213], %abs3A_211 {strides = array<i32>} : memref<56x128xf32, #tpu.memory_space<vmem>>, vector<16xf32>,
        %get3A_215 = arith.index_cast %scan3A_99 : i32 to index
        %get3A_216 = arith.constant 80 : index
        %get3A_217 = tpu.vector_load %arg9[%get3A_215, %get3A_216] {strides = array<i32>} : memref<56x128xi32, #tpu.memory_space<vmem>>, vector<16xi32>,
        %lt3A_218 = arith.constant 0.000000e+00 : f32
        %lt3A_219 = vector.broadcast %lt3A_218 : f32 to vector<16xf32>
        %lt3A_220 = arith.cmpf olt, %gather3A_210, %lt3A_219 : vector<16xf32>
        %jit3A_221 = arith.constant 50176 : i32
        %jit3A_222 = arith.constant 0 : i32
        %broadcast_in_dim3A_223 = vector.broadcast %jit3A_221 : i32 to vector<16xi32>
        %broadcast_in_dim3A_224 = vector.broadcast %jit3A_222 : i32 to vector<16xi32>
        %select_n3A_225 = arith.select %lt3A_220, %broadcast_in_dim3A_223, %broadcast_in_dim3A_224 : vector<16xi1>, vector<16xi32>
        %add3A_226 = arith.addi %get3A_217, %select_n3A_225 : vector<16xi32>
        %swap3A_227 = arith.index_cast %scan3A_99 : i32 to index
        %swap3A_228 = arith.constant 80 : index
        %swap3A_229 = tpu.vector_load %arg18[%swap3A_227, %swap3A_228] {strides = array<i32>} : memref<56x128xi32, #tpu.memory_space<vmem>>, vector<16xi32>,
        tpu.vector_store %arg18[%swap3A_227, %swap3A_228], %add3A_226 {strides = array<i32>} : memref<56x128xi32, #tpu.memory_space<vmem>>, vector<16xi32>,
        %get3A_230 = arith.index_cast %scan3A_99 : i32 to index
        %get3A_231 = arith.constant 96 : index
        %get3A_232 = tpu.vector_load %arg16[%get3A_230, %get3A_231] {strides = array<i32>} : memref<56x128xi32, #tpu.memory_space<vmem>>, vector<16xi32>,
        %gather3A_233 = tpu.vector_load_idx %arg8[%get3A_232] : memref<50176xf32, #tpu.memory_space<vmem>>[vector<16xi32>], vector<16xf32>,
        %abs3A_234 = math.absf %gather3A_233 : vector<16xf32>
        %swap3A_235 = arith.index_cast %scan3A_99 : i32 to index
        %swap3A_236 = arith.constant 96 : index
        %swap3A_237 = tpu.vector_load %arg11[%swap3A_235, %swap3A_236] {strides = array<i32>} : memref<56x128xf32, #tpu.memory_space<vmem>>, vector<16xf32>,
        tpu.vector_store %arg11[%swap3A_235, %swap3A_236], %abs3A_234 {strides = array<i32>} : memref<56x128xf32, #tpu.memory_space<vmem>>, vector<16xf32>,
        %get3A_238 = arith.index_cast %scan3A_99 : i32 to index
        %get3A_239 = arith.constant 96 : index
        %get3A_240 = tpu.vector_load %arg9[%get3A_238, %get3A_239] {strides = array<i32>} : memref<56x128xi32, #tpu.memory_space<vmem>>, vector<16xi32>,
        %lt3A_241 = arith.constant 0.000000e+00 : f32
        %lt3A_242 = vector.broadcast %lt3A_241 : f32 to vector<16xf32>
        %lt3A_243 = arith.cmpf olt, %gather3A_233, %lt3A_242 : vector<16xf32>
        %jit3A_244 = arith.constant 50176 : i32
        %jit3A_245 = arith.constant 0 : i32
        %broadcast_in_dim3A_246 = vector.broadcast %jit3A_244 : i32 to vector<16xi32>
        %broadcast_in_dim3A_247 = vector.broadcast %jit3A_245 : i32 to vector<16xi32>
        %select_n3A_248 = arith.select %lt3A_243, %broadcast_in_dim3A_246, %broadcast_in_dim3A_247 : vector<16xi1>, vector<16xi32>
        %add3A_249 = arith.addi %get3A_240, %select_n3A_248 : vector<16xi32>
        %swap3A_250 = arith.index_cast %scan3A_99 : i32 to index
        %swap3A_251 = arith.constant 96 : index
        %swap3A_252 = tpu.vector_load %arg18[%swap3A_250, %swap3A_251] {strides = array<i32>} : memref<56x128xi32, #tpu.memory_space<vmem>>, vector<16xi32>,
        tpu.vector_store %arg18[%swap3A_250, %swap3A_251], %add3A_249 {strides = array<i32>} : memref<56x128xi32, #tpu.memory_space<vmem>>, vector<16xi32>,
        %get3A_253 = arith.index_cast %scan3A_99 : i32 to index
        %get3A_254 = arith.constant 112 : index
        %get3A_255 = tpu.vector_load %arg16[%get3A_253, %get3A_254] {strides = array<i32>} : memref<56x128xi32, #tpu.memory_space<vmem>>, vector<16xi32>,
        %gather3A_256 = tpu.vector_load_idx %arg8[%get3A_255] : memref<50176xf32, #tpu.memory_space<vmem>>[vector<16xi32>], vector<16xf32>,
        %abs3A_257 = math.absf %gather3A_256 : vector<16xf32>
        %swap3A_258 = arith.index_cast %scan3A_99 : i32 to index
        %swap3A_259 = arith.constant 112 : index
        %swap3A_260 = tpu.vector_load %arg11[%swap3A_258, %swap3A_259] {strides = array<i32>} : memref<56x128xf32, #tpu.memory_space<vmem>>, vector<16xf32>,
        tpu.vector_store %arg11[%swap3A_258, %swap3A_259], %abs3A_257 {strides = array<i32>} : memref<56x128xf32, #tpu.memory_space<vmem>>, vector<16xf32>,
        %get3A_261 = arith.index_cast %scan3A_99 : i32 to index
        %get3A_262 = arith.constant 112 : index
        %get3A_263 = tpu.vector_load %arg9[%get3A_261, %get3A_262] {strides = array<i32>} : memref<56x128xi32, #tpu.memory_space<vmem>>, vector<16xi32>,
        %lt3A_264 = arith.constant 0.000000e+00 : f32
        %lt3A_265 = vector.broadcast %lt3A_264 : f32 to vector<16xf32>
        %lt3A_266 = arith.cmpf olt, %gather3A_256, %lt3A_265 : vector<16xf32>
        %jit3A_267 = arith.constant 50176 : i32
        %jit3A_268 = arith.constant 0 : i32
        %broadcast_in_dim3A_269 = vector.broadcast %jit3A_267 : i32 to vector<16xi32>
        %broadcast_in_dim3A_270 = vector.broadcast %jit3A_268 : i32 to vector<16xi32>
        %select_n3A_271 = arith.select %lt3A_266, %broadcast_in_dim3A_269, %broadcast_in_dim3A_270 : vector<16xi1>, vector<16xi32>
        %add3A_272 = arith.addi %get3A_263, %select_n3A_271 : vector<16xi32>
        %swap3A_273 = arith.index_cast %scan3A_99 : i32 to index
        %swap3A_274 = arith.constant 112 : index
        %swap3A_275 = tpu.vector_load %arg18[%swap3A_273, %swap3A_274] {strides = array<i32>} : memref<56x128xi32, #tpu.memory_space<vmem>>, vector<16xi32>,
        tpu.vector_store %arg18[%swap3A_273, %swap3A_274], %add3A_272 {strides = array<i32>} : memref<56x128xi32, #tpu.memory_space<vmem>>, vector<16xi32>,
      }
      %scan3A_86 = arith.constant 56 : i32
      %scan3A_87 = arith.constant 0 : i32
      %scan3A_88 = arith.constant 0 : i32
      %scan3A_89 = arith.constant 56 : i32
      %scan3A_90 = arith.addi %scan3A_88, %scan3A_89 : i32
      %scan3A_91 = arith.constant 1 : i32
      scf.for %scan3A_99 = %scan3A_88 to %scan3A_90 step %scan3A_91  : i32 {
        %dma_start3A = arith.constant 0 : i32
        %dma_start3A_100 = tpu.memref_slice %arg11[%scan3A_99, %dma_start3A] : memref<56x128xf32, #tpu.memory_space<vmem>> -> memref<1x128xf32, #tpu.memory_space<vmem>>
        %dma_start3A_101 = tpu.memref_squeeze %dma_start3A_100 : memref<1x128xf32, #tpu.memory_space<vmem>> -> memref<128xf32, #tpu.memory_space<vmem>>
        %dma_start3A_102 = arith.constant 0 : i32
        %dma_start3A_103 = tpu.memref_slice %arg18[%scan3A_99, %dma_start3A_102] : memref<56x128xi32, #tpu.memory_space<vmem>> -> memref<1x128xi32, #tpu.memory_space<vmem>>
        %dma_start3A_104 = tpu.memref_squeeze %dma_start3A_103 : memref<1x128xi32, #tpu.memory_space<vmem>> -> memref<128xi32, #tpu.memory_space<vmem>>
        %dma_start3A_105 = arith.constant 0 : i32
        %dma_start3A_106 = tpu.memref_slice %arg7[%dma_start3A_105] : memref<100352xf32, #tpu.memory_space<vmem_shared>> -> memref<100352xf32, #tpu.memory_space<vmem_shared>>
        tpu.enqueue_indirect_dma source(%dma_start3A_101 : memref<128xf32, #tpu.memory_space<vmem>>) target(%dma_start3A_106 : memref<100352xf32, #tpu.memory_space<vmem_shared>>) offsets(%dma_start3A_104 : memref<128xi32, #tpu.memory_space<vmem>>) semaphore(%arg14 : memref<!tpu.dma_semaphore, #tpu.memory_space<semaphore_mem>>) {add = true}
      }
      %scan3A_92 = arith.constant 56 : i32
      %scan3A_93 = arith.constant 0 : i32
      %scan3A_94 = arith.constant 0 : i32
      %scan3A_95 = arith.constant 56 : i32
      %scan3A_96 = arith.addi %scan3A_94, %scan3A_95 : i32
      %scan3A_97 = arith.constant 1 : i32
      scf.for %scan3A_99 = %scan3A_94 to %scan3A_96 step %scan3A_97  : i32 {
        %dma_wait3A = arith.constant 0 : i32
        %dma_wait3A_100 = arith.constant 0 : i32
        %dma_wait3A_101 = arith.constant 0 : i32
        %dma_wait3A_102 = arith.constant 0 : i32
        %dma_wait3A_103 = tpu.memref_slice %arg11[%dma_wait3A_101, %dma_wait3A_102] : memref<56x128xf32, #tpu.memory_space<vmem>> -> memref<1x128xf32, #tpu.memory_space<vmem>>
        %dma_wait3A_104 = tpu.memref_squeeze %dma_wait3A_103 : memref<1x128xf32, #tpu.memory_space<vmem>> -> memref<128xf32, #tpu.memory_space<vmem>>
        %dma_wait3A_105 = arith.constant 0 : i32
        %dma_wait3A_106 = tpu.memref_slice %arg3[%dma_wait3A, %dma_wait3A_100, %dma_wait3A_105] : memref<2x6272x128xi32, #tpu.memory_space<hbm>> -> memref<1x1x128xi32, #tpu.memory_space<hbm>>
        %dma_wait3A_107 = tpu.memref_squeeze %dma_wait3A_106 : memref<1x1x128xi32, #tpu.memory_space<hbm>> -> memref<128xi32, #tpu.memory_space<hbm>>
        %dma_wait3A_108 = arith.constant 0 : i32
        %dma_wait3A_109 = tpu.memref_slice %arg11[%dma_wait3A_101, %dma_wait3A_108] : memref<56x128xf32, #tpu.memory_space<vmem>> -> memref<1x128xf32, #tpu.memory_space<vmem>>
        %dma_wait3A_110 = tpu.memref_squeeze %dma_wait3A_109 : memref<1x128xf32, #tpu.memory_space<vmem>> -> memref<128xf32, #tpu.memory_space<vmem>>
        %dma_wait3A_111 = arith.constant 0 : i32
        %dma_wait3A_112 = tpu.memref_slice %arg3[%dma_wait3A, %dma_wait3A_100, %dma_wait3A_111] : memref<2x6272x128xi32, #tpu.memory_space<hbm>> -> memref<1x1x128xi32, #tpu.memory_space<hbm>>
        %dma_wait3A_113 = tpu.memref_squeeze %dma_wait3A_112 : memref<1x1x128xi32, #tpu.memory_space<hbm>> -> memref<128xi32, #tpu.memory_space<hbm>>
        tpu.wait_dma2 semaphore(%arg15 : memref<!tpu.dma_semaphore, #tpu.memory_space<semaphore_mem>>) src(%dma_wait3A_113 : memref<128xi32, #tpu.memory_space<hbm>>) dst(%dma_wait3A_110 : memref<128xf32, #tpu.memory_space<vmem>>)
      }
      %scan3A_98 = arith.constant 56 : i32
    }
    %scan3A_30 = arith.constant 3 : i32
    %scan3A_31 = arith.constant 0 : i32
    %scan3A_32 = arith.constant 0 : i32
    %scan3A_33 = arith.constant 56 : i32
    %scan3A_34 = arith.addi %scan3A_32, %scan3A_33 : i32
    %scan3A_35 = arith.constant 1 : i32
    scf.for %scan3A_44 = %scan3A_32 to %scan3A_34 step %scan3A_35  : i32 {
      %dma_wait3A = arith.constant 0 : i32
      %dma_wait3A_45 = arith.constant 0 : i32
      %dma_wait3A_46 = arith.constant 0 : i32
      %dma_wait3A_47 = arith.constant 0 : i32
      %dma_wait3A_48 = tpu.memref_slice %arg11[%dma_wait3A_46, %dma_wait3A_47] : memref<56x128xf32, #tpu.memory_space<vmem>> -> memref<1x128xf32, #tpu.memory_space<vmem>>
      %dma_wait3A_49 = tpu.memref_squeeze %dma_wait3A_48 : memref<1x128xf32, #tpu.memory_space<vmem>> -> memref<128xf32, #tpu.memory_space<vmem>>
      %dma_wait3A_50 = arith.constant 0 : i32
      %dma_wait3A_51 = tpu.memref_slice %arg3[%dma_wait3A, %dma_wait3A_45, %dma_wait3A_50] : memref<2x6272x128xi32, #tpu.memory_space<hbm>> -> memref<1x1x128xi32, #tpu.memory_space<hbm>>
      %dma_wait3A_52 = tpu.memref_squeeze %dma_wait3A_51 : memref<1x1x128xi32, #tpu.memory_space<hbm>> -> memref<128xi32, #tpu.memory_space<hbm>>
      %dma_wait3A_53 = arith.constant 0 : i32
      %dma_wait3A_54 = tpu.memref_slice %arg11[%dma_wait3A_46, %dma_wait3A_53] : memref<56x128xf32, #tpu.memory_space<vmem>> -> memref<1x128xf32, #tpu.memory_space<vmem>>
      %dma_wait3A_55 = tpu.memref_squeeze %dma_wait3A_54 : memref<1x128xf32, #tpu.memory_space<vmem>> -> memref<128xf32, #tpu.memory_space<vmem>>
      %dma_wait3A_56 = arith.constant 0 : i32
      %dma_wait3A_57 = tpu.memref_slice %arg3[%dma_wait3A, %dma_wait3A_45, %dma_wait3A_56] : memref<2x6272x128xi32, #tpu.memory_space<hbm>> -> memref<1x1x128xi32, #tpu.memory_space<hbm>>
      %dma_wait3A_58 = tpu.memref_squeeze %dma_wait3A_57 : memref<1x1x128xi32, #tpu.memory_space<hbm>> -> memref<128xi32, #tpu.memory_space<hbm>>
      tpu.wait_dma2 semaphore(%arg14 : memref<!tpu.dma_semaphore, #tpu.memory_space<semaphore_mem>>) src(%dma_wait3A_58 : memref<128xi32, #tpu.memory_space<hbm>>) dst(%dma_wait3A_55 : memref<128xf32, #tpu.memory_space<vmem>>)
    }
    %scan3A_36 = arith.constant 56 : i32
    %barrier3A_37 = arith.constant 0 : index
    tpu.barrier barrier_id(%barrier3A_37)
    %add3A_38 = arith.constant 0 : i32
    %add3A_39 = arith.addi %add3A_38, %mul3A_0 : i32
    "tpu.region"() ({
      %run_scoped3A = tpu.sem_alloc : memref<!tpu.dma_semaphore, #tpu.memory_space<semaphore_mem>>
      %dma_start3A = tpu.memref_slice %arg7[%add3A_39] : memref<100352xf32, #tpu.memory_space<vmem_shared>> -> memref<3136xf32, #tpu.memory_space<vmem_shared>>
      %dma_start3A_44 = tpu.memref_slice %arg7[%add3A_39] : memref<100352xf32, #tpu.memory_space<vmem_shared>> -> memref<3136xf32, #tpu.memory_space<vmem_shared>>
      tpu.enqueue_dma source(%dma_start3A_44 : memref<3136xf32, #tpu.memory_space<vmem_shared>>) target(%arg13 : memref<3136xf32, #tpu.memory_space<vmem>>) target_semaphore(%run_scoped3A : memref<!tpu.dma_semaphore, #tpu.memory_space<semaphore_mem>>)
      %dma_wait3A = tpu.memref_slice %arg7[%add3A_39] : memref<100352xf32, #tpu.memory_space<vmem_shared>> -> memref<3136xf32, #tpu.memory_space<vmem_shared>>
      %dma_wait3A_45 = tpu.memref_slice %arg7[%add3A_39] : memref<100352xf32, #tpu.memory_space<vmem_shared>> -> memref<3136xf32, #tpu.memory_space<vmem_shared>>
      tpu.wait_dma2 semaphore(%run_scoped3A : memref<!tpu.dma_semaphore, #tpu.memory_space<semaphore_mem>>) src(%dma_wait3A_45 : memref<3136xf32, #tpu.memory_space<vmem_shared>>) dst(%arg13 : memref<3136xf32, #tpu.memory_space<vmem>>)
      tpu.yield
    }) : () -> ()
    %add3A_40 = arith.addi %mul3A_2, %mul3A_0 : i32
    "tpu.region"() ({
      %run_scoped3A = tpu.sem_alloc : memref<!tpu.dma_semaphore, #tpu.memory_space<semaphore_mem>>
      %dma_start3A = tpu.memref_slice %arg5[%add3A_40] : memref<100352xf32, #tpu.memory_space<hbm>> -> memref<3136xf32, #tpu.memory_space<hbm>>
      %dma_start3A_44 = tpu.memref_slice %arg5[%add3A_40] : memref<100352xf32, #tpu.memory_space<hbm>> -> memref<3136xf32, #tpu.memory_space<hbm>>
      tpu.enqueue_dma source(%arg13 : memref<3136xf32, #tpu.memory_space<vmem>>) target(%dma_start3A_44 : memref<3136xf32, #tpu.memory_space<hbm>>) target_semaphore(%run_scoped3A : memref<!tpu.dma_semaphore, #tpu.memory_space<semaphore_mem>>)
      %dma_wait3A = tpu.memref_slice %arg5[%add3A_40] : memref<100352xf32, #tpu.memory_space<hbm>> -> memref<3136xf32, #tpu.memory_space<hbm>>
      %dma_wait3A_45 = tpu.memref_slice %arg5[%add3A_40] : memref<100352xf32, #tpu.memory_space<hbm>> -> memref<3136xf32, #tpu.memory_space<hbm>>
      tpu.wait_dma2 semaphore(%run_scoped3A : memref<!tpu.dma_semaphore, #tpu.memory_space<semaphore_mem>>) src(%arg13 : memref<3136xf32, #tpu.memory_space<vmem>>) dst(%dma_wait3A_45 : memref<3136xf32, #tpu.memory_space<hbm>>)
      tpu.yield
    }) : () -> ()
    %add3A_41 = arith.constant 50176 : i32
    %add3A_42 = arith.addi %add3A_41, %mul3A_0 : i32
    "tpu.region"() ({
      %run_scoped3A = tpu.sem_alloc : memref<!tpu.dma_semaphore, #tpu.memory_space<semaphore_mem>>
      %dma_start3A = tpu.memref_slice %arg7[%add3A_42] : memref<100352xf32, #tpu.memory_space<vmem_shared>> -> memref<3136xf32, #tpu.memory_space<vmem_shared>>
      %dma_start3A_44 = tpu.memref_slice %arg7[%add3A_42] : memref<100352xf32, #tpu.memory_space<vmem_shared>> -> memref<3136xf32, #tpu.memory_space<vmem_shared>>
      tpu.enqueue_dma source(%dma_start3A_44 : memref<3136xf32, #tpu.memory_space<vmem_shared>>) target(%arg13 : memref<3136xf32, #tpu.memory_space<vmem>>) target_semaphore(%run_scoped3A : memref<!tpu.dma_semaphore, #tpu.memory_space<semaphore_mem>>)
      %dma_wait3A = tpu.memref_slice %arg7[%add3A_42] : memref<100352xf32, #tpu.memory_space<vmem_shared>> -> memref<3136xf32, #tpu.memory_space<vmem_shared>>
      %dma_wait3A_45 = tpu.memref_slice %arg7[%add3A_42] : memref<100352xf32, #tpu.memory_space<vmem_shared>> -> memref<3136xf32, #tpu.memory_space<vmem_shared>>
      tpu.wait_dma2 semaphore(%run_scoped3A : memref<!tpu.dma_semaphore, #tpu.memory_space<semaphore_mem>>) src(%dma_wait3A_45 : memref<3136xf32, #tpu.memory_space<vmem_shared>>) dst(%arg13 : memref<3136xf32, #tpu.memory_space<vmem>>)
      tpu.yield
    }) : () -> ()
    %add3A_43 = arith.addi %mul3A_2, %mul3A_0 : i32
    "tpu.region"() ({
      %run_scoped3A = tpu.sem_alloc : memref<!tpu.dma_semaphore, #tpu.memory_space<semaphore_mem>>
      %dma_start3A = tpu.memref_slice %arg6[%add3A_43] : memref<100352xf32, #tpu.memory_space<hbm>> -> memref<3136xf32, #tpu.memory_space<hbm>>
      %dma_start3A_44 = tpu.memref_slice %arg6[%add3A_43] : memref<100352xf32, #tpu.memory_space<hbm>> -> memref<3136xf32, #tpu.memory_space<hbm>>
      tpu.enqueue_dma source(%arg13 : memref<3136xf32, #tpu.memory_space<vmem>>) target(%dma_start3A_44 : memref<3136xf32, #tpu.memory_space<hbm>>) target_semaphore(%run_scoped3A : memref<!tpu.dma_semaphore, #tpu.memory_space<semaphore_mem>>)
      %dma_wait3A = tpu.memref_slice %arg6[%add3A_43] : memref<100352xf32, #tpu.memory_space<hbm>> -> memref<3136xf32, #tpu.memory_space<hbm>>
      %dma_wait3A_45 = tpu.memref_slice %arg6[%add3A_43] : memref<100352xf32, #tpu.memory_space<hbm>> -> memref<3136xf32, #tpu.memory_space<hbm>>
      tpu.wait_dma2 semaphore(%run_scoped3A : memref<!tpu.dma_semaphore, #tpu.memory_space<semaphore_mem>>) src(%arg13 : memref<3136xf32, #tpu.memory_space<vmem>>) dst(%dma_wait3A_45 : memref<3136xf32, #tpu.memory_space<hbm>>)
      tpu.yield
    }) : () -> ()
    return
  }
}

#map = affine_map<(d0, d1) -> (0)>
module attributes {stable_mosaic.version = 14 : i64} {
  func.func @_sc_link(%arg0: i32, %arg1: i32, %arg2: memref<100352xf32, #tpu.memory_space<hbm>>, %arg3: memref<100352xf32, #tpu.memory_space<hbm>>, %arg4: memref<100352xf32, #tpu.memory_space<hbm>>, %arg5: memref<100352xf32, #tpu.memory_space<hbm>>, %arg6: memref<4096xi32, #tpu.memory_space<hbm>>, %arg7: memref<4096xi32, #tpu.memory_space<hbm>>, %arg8: memref<4096xi32, #tpu.memory_space<hbm>>, %arg9: memref<64xf32, #tpu.memory_space<hbm>>, %arg10: memref<4096xf32, #tpu.memory_space<hbm>>, %arg11: memref<4096xf32, #tpu.memory_space<hbm>>, %arg12: memref<128xi32, #tpu.memory_space<vmem>>, %arg13: memref<128xi32, #tpu.memory_space<vmem>>, %arg14: memref<128xi32, #tpu.memory_space<vmem>>, %arg15: memref<128xi32, #tpu.memory_space<vmem>>, %arg16: memref<128xi32, #tpu.memory_space<vmem>>, %arg17: memref<128xf32, #tpu.memory_space<vmem>>, %arg18: memref<128xf32, #tpu.memory_space<vmem>>, %arg19: memref<128xf32, #tpu.memory_space<vmem>>, %arg20: memref<128xf32, #tpu.memory_space<vmem>>, %arg21: memref<128xf32, #tpu.memory_space<vmem>>, %arg22: memref<128xf32, #tpu.memory_space<vmem>>, %arg23: memref<128xf32, #tpu.memory_space<vmem>>, %arg24: memref<128xf32, #tpu.memory_space<vmem>>, %arg25: memref<64xf32, #tpu.memory_space<vmem>>, %arg26: memref<128xf32, #tpu.memory_space<vmem>>, %arg27: memref<128xf32, #tpu.memory_space<vmem>>, %arg28: memref<!tpu.dma_semaphore, #tpu.memory_space<semaphore_mem>>) attributes {dimension_semantics = [#tpu.dimension_semantics<core_parallel>, #tpu.dimension_semantics<subcore_parallel>], iteration_bounds = array<i64: 2, 16>, scalar_prefetch = 0 : i64, scratch_operands = 17 : i64, tpu.core_type = #tpu.core_type<sc_vector_subcore>, window_params = [{transform_indices = #map}, {transform_indices = #map}, {transform_indices = #map}, {transform_indices = #map}, {transform_indices = #map}, {transform_indices = #map}, {transform_indices = #map}, {transform_indices = #map}, {transform_indices = #map}, {transform_indices = #map}]} {
    %mul3A = arith.constant 16 : i32
    %mul3A_0 = arith.muli %arg0, %mul3A : i32
    %add3A = arith.addi %mul3A_0, %arg1 : i32
    %mul3A_1 = arith.constant 128 : i32
    %mul3A_2 = arith.muli %add3A, %mul3A_1 : i32
    "tpu.region"() ({
      %run_scoped3A = tpu.sem_alloc : memref<!tpu.dma_semaphore, #tpu.memory_space<semaphore_mem>>
      %dma_start3A_1272 = tpu.memref_slice %arg6[%mul3A_2] : memref<4096xi32, #tpu.memory_space<hbm>> -> memref<128xi32, #tpu.memory_space<hbm>>
      %dma_start3A_1273 = tpu.memref_slice %arg6[%mul3A_2] : memref<4096xi32, #tpu.memory_space<hbm>> -> memref<128xi32, #tpu.memory_space<hbm>>
      tpu.enqueue_dma source(%dma_start3A_1273 : memref<128xi32, #tpu.memory_space<hbm>>) target(%arg12 : memref<128xi32, #tpu.memory_space<vmem>>) target_semaphore(%run_scoped3A : memref<!tpu.dma_semaphore, #tpu.memory_space<semaphore_mem>>)
      %dma_wait3A_1274 = tpu.memref_slice %arg6[%mul3A_2] : memref<4096xi32, #tpu.memory_space<hbm>> -> memref<128xi32, #tpu.memory_space<hbm>>
      %dma_wait3A_1275 = tpu.memref_slice %arg6[%mul3A_2] : memref<4096xi32, #tpu.memory_space<hbm>> -> memref<128xi32, #tpu.memory_space<hbm>>
      tpu.wait_dma2 semaphore(%run_scoped3A : memref<!tpu.dma_semaphore, #tpu.memory_space<semaphore_mem>>) src(%dma_wait3A_1275 : memref<128xi32, #tpu.memory_space<hbm>>) dst(%arg12 : memref<128xi32, #tpu.memory_space<vmem>>)
      tpu.yield
    }) : () -> ()
    "tpu.region"() ({
      %run_scoped3A = tpu.sem_alloc : memref<!tpu.dma_semaphore, #tpu.memory_space<semaphore_mem>>
      %dma_start3A_1272 = tpu.memref_slice %arg7[%mul3A_2] : memref<4096xi32, #tpu.memory_space<hbm>> -> memref<128xi32, #tpu.memory_space<hbm>>
      %dma_start3A_1273 = tpu.memref_slice %arg7[%mul3A_2] : memref<4096xi32, #tpu.memory_space<hbm>> -> memref<128xi32, #tpu.memory_space<hbm>>
      tpu.enqueue_dma source(%dma_start3A_1273 : memref<128xi32, #tpu.memory_space<hbm>>) target(%arg13 : memref<128xi32, #tpu.memory_space<vmem>>) target_semaphore(%run_scoped3A : memref<!tpu.dma_semaphore, #tpu.memory_space<semaphore_mem>>)
      %dma_wait3A_1274 = tpu.memref_slice %arg7[%mul3A_2] : memref<4096xi32, #tpu.memory_space<hbm>> -> memref<128xi32, #tpu.memory_space<hbm>>
      %dma_wait3A_1275 = tpu.memref_slice %arg7[%mul3A_2] : memref<4096xi32, #tpu.memory_space<hbm>> -> memref<128xi32, #tpu.memory_space<hbm>>
      tpu.wait_dma2 semaphore(%run_scoped3A : memref<!tpu.dma_semaphore, #tpu.memory_space<semaphore_mem>>) src(%dma_wait3A_1275 : memref<128xi32, #tpu.memory_space<hbm>>) dst(%arg13 : memref<128xi32, #tpu.memory_space<vmem>>)
      tpu.yield
    }) : () -> ()
    "tpu.region"() ({
      %run_scoped3A = tpu.sem_alloc : memref<!tpu.dma_semaphore, #tpu.memory_space<semaphore_mem>>
      %dma_start3A_1272 = tpu.memref_slice %arg8[%mul3A_2] : memref<4096xi32, #tpu.memory_space<hbm>> -> memref<128xi32, #tpu.memory_space<hbm>>
      %dma_start3A_1273 = tpu.memref_slice %arg8[%mul3A_2] : memref<4096xi32, #tpu.memory_space<hbm>> -> memref<128xi32, #tpu.memory_space<hbm>>
      tpu.enqueue_dma source(%dma_start3A_1273 : memref<128xi32, #tpu.memory_space<hbm>>) target(%arg14 : memref<128xi32, #tpu.memory_space<vmem>>) target_semaphore(%run_scoped3A : memref<!tpu.dma_semaphore, #tpu.memory_space<semaphore_mem>>)
      %dma_wait3A_1274 = tpu.memref_slice %arg8[%mul3A_2] : memref<4096xi32, #tpu.memory_space<hbm>> -> memref<128xi32, #tpu.memory_space<hbm>>
      %dma_wait3A_1275 = tpu.memref_slice %arg8[%mul3A_2] : memref<4096xi32, #tpu.memory_space<hbm>> -> memref<128xi32, #tpu.memory_space<hbm>>
      tpu.wait_dma2 semaphore(%run_scoped3A : memref<!tpu.dma_semaphore, #tpu.memory_space<semaphore_mem>>) src(%dma_wait3A_1275 : memref<128xi32, #tpu.memory_space<hbm>>) dst(%arg14 : memref<128xi32, #tpu.memory_space<vmem>>)
      tpu.yield
    }) : () -> ()
    "tpu.region"() ({
      %run_scoped3A = tpu.sem_alloc : memref<!tpu.dma_semaphore, #tpu.memory_space<semaphore_mem>>
      tpu.enqueue_dma source(%arg9 : memref<64xf32, #tpu.memory_space<hbm>>) target(%arg25 : memref<64xf32, #tpu.memory_space<vmem>>) target_semaphore(%run_scoped3A : memref<!tpu.dma_semaphore, #tpu.memory_space<semaphore_mem>>)
      tpu.wait_dma2 semaphore(%run_scoped3A : memref<!tpu.dma_semaphore, #tpu.memory_space<semaphore_mem>>) src(%arg9 : memref<64xf32, #tpu.memory_space<hbm>>) dst(%arg25 : memref<64xf32, #tpu.memory_space<vmem>>)
      tpu.yield
    }) : () -> ()
    %get3A = arith.constant 0 : index
    %get3A_3 = tpu.vector_load %arg12[%get3A] {strides = array<i32>} : memref<128xi32, #tpu.memory_space<vmem>>, vector<16xi32>,
    %mul3A_4 = arith.constant 50176 : i32
    %mul3A_5 = vector.broadcast %mul3A_4 : i32 to vector<16xi32>
    %mul3A_6 = arith.muli %get3A_3, %mul3A_5 : vector<16xi32>
    %get3A_7 = arith.constant 0 : index
    %get3A_8 = tpu.vector_load %arg13[%get3A_7] {strides = array<i32>} : memref<128xi32, #tpu.memory_space<vmem>>, vector<16xi32>,
    %add3A_9 = arith.addi %mul3A_6, %get3A_8 : vector<16xi32>
    %swap3A = arith.constant 0 : index
    %swap3A_10 = tpu.vector_load %arg15[%swap3A] {strides = array<i32>} : memref<128xi32, #tpu.memory_space<vmem>>, vector<16xi32>,
    tpu.vector_store %arg15[%swap3A], %add3A_9 {strides = array<i32>} : memref<128xi32, #tpu.memory_space<vmem>>, vector<16xi32>,
    %mul3A_11 = arith.constant 50176 : i32
    %mul3A_12 = vector.broadcast %mul3A_11 : i32 to vector<16xi32>
    %mul3A_13 = arith.muli %get3A_3, %mul3A_12 : vector<16xi32>
    %get3A_14 = arith.constant 0 : index
    %get3A_15 = tpu.vector_load %arg14[%get3A_14] {strides = array<i32>} : memref<128xi32, #tpu.memory_space<vmem>>, vector<16xi32>,
    %add3A_16 = arith.addi %mul3A_13, %get3A_15 : vector<16xi32>
    %swap3A_17 = arith.constant 0 : index
    %swap3A_18 = tpu.vector_load %arg16[%swap3A_17] {strides = array<i32>} : memref<128xi32, #tpu.memory_space<vmem>>, vector<16xi32>,
    tpu.vector_store %arg16[%swap3A_17], %add3A_16 {strides = array<i32>} : memref<128xi32, #tpu.memory_space<vmem>>, vector<16xi32>,
    %get3A_19 = arith.constant 16 : index
    %get3A_20 = tpu.vector_load %arg12[%get3A_19] {strides = array<i32>} : memref<128xi32, #tpu.memory_space<vmem>>, vector<16xi32>,
    %mul3A_21 = arith.constant 50176 : i32
    %mul3A_22 = vector.broadcast %mul3A_21 : i32 to vector<16xi32>
    %mul3A_23 = arith.muli %get3A_20, %mul3A_22 : vector<16xi32>
    %get3A_24 = arith.constant 16 : index
    %get3A_25 = tpu.vector_load %arg13[%get3A_24] {strides = array<i32>} : memref<128xi32, #tpu.memory_space<vmem>>, vector<16xi32>,
    %add3A_26 = arith.addi %mul3A_23, %get3A_25 : vector<16xi32>
    %swap3A_27 = arith.constant 16 : index
    %swap3A_28 = tpu.vector_load %arg15[%swap3A_27] {strides = array<i32>} : memref<128xi32, #tpu.memory_space<vmem>>, vector<16xi32>,
    tpu.vector_store %arg15[%swap3A_27], %add3A_26 {strides = array<i32>} : memref<128xi32, #tpu.memory_space<vmem>>, vector<16xi32>,
    %mul3A_29 = arith.constant 50176 : i32
    %mul3A_30 = vector.broadcast %mul3A_29 : i32 to vector<16xi32>
    %mul3A_31 = arith.muli %get3A_20, %mul3A_30 : vector<16xi32>
    %get3A_32 = arith.constant 16 : index
    %get3A_33 = tpu.vector_load %arg14[%get3A_32] {strides = array<i32>} : memref<128xi32, #tpu.memory_space<vmem>>, vector<16xi32>,
    %add3A_34 = arith.addi %mul3A_31, %get3A_33 : vector<16xi32>
    %swap3A_35 = arith.constant 16 : index
    %swap3A_36 = tpu.vector_load %arg16[%swap3A_35] {strides = array<i32>} : memref<128xi32, #tpu.memory_space<vmem>>, vector<16xi32>,
    tpu.vector_store %arg16[%swap3A_35], %add3A_34 {strides = array<i32>} : memref<128xi32, #tpu.memory_space<vmem>>, vector<16xi32>,
    %get3A_37 = arith.constant 32 : index
    %get3A_38 = tpu.vector_load %arg12[%get3A_37] {strides = array<i32>} : memref<128xi32, #tpu.memory_space<vmem>>, vector<16xi32>,
    %mul3A_39 = arith.constant 50176 : i32
    %mul3A_40 = vector.broadcast %mul3A_39 : i32 to vector<16xi32>
    %mul3A_41 = arith.muli %get3A_38, %mul3A_40 : vector<16xi32>
    %get3A_42 = arith.constant 32 : index
    %get3A_43 = tpu.vector_load %arg13[%get3A_42] {strides = array<i32>} : memref<128xi32, #tpu.memory_space<vmem>>, vector<16xi32>,
    %add3A_44 = arith.addi %mul3A_41, %get3A_43 : vector<16xi32>
    %swap3A_45 = arith.constant 32 : index
    %swap3A_46 = tpu.vector_load %arg15[%swap3A_45] {strides = array<i32>} : memref<128xi32, #tpu.memory_space<vmem>>, vector<16xi32>,
    tpu.vector_store %arg15[%swap3A_45], %add3A_44 {strides = array<i32>} : memref<128xi32, #tpu.memory_space<vmem>>, vector<16xi32>,
    %mul3A_47 = arith.constant 50176 : i32
    %mul3A_48 = vector.broadcast %mul3A_47 : i32 to vector<16xi32>
    %mul3A_49 = arith.muli %get3A_38, %mul3A_48 : vector<16xi32>
    %get3A_50 = arith.constant 32 : index
    %get3A_51 = tpu.vector_load %arg14[%get3A_50] {strides = array<i32>} : memref<128xi32, #tpu.memory_space<vmem>>, vector<16xi32>,
    %add3A_52 = arith.addi %mul3A_49, %get3A_51 : vector<16xi32>
    %swap3A_53 = arith.constant 32 : index
    %swap3A_54 = tpu.vector_load %arg16[%swap3A_53] {strides = array<i32>} : memref<128xi32, #tpu.memory_space<vmem>>, vector<16xi32>,
    tpu.vector_store %arg16[%swap3A_53], %add3A_52 {strides = array<i32>} : memref<128xi32, #tpu.memory_space<vmem>>, vector<16xi32>,
    %get3A_55 = arith.constant 48 : index
    %get3A_56 = tpu.vector_load %arg12[%get3A_55] {strides = array<i32>} : memref<128xi32, #tpu.memory_space<vmem>>, vector<16xi32>,
    %mul3A_57 = arith.constant 50176 : i32
    %mul3A_58 = vector.broadcast %mul3A_57 : i32 to vector<16xi32>
    %mul3A_59 = arith.muli %get3A_56, %mul3A_58 : vector<16xi32>
    %get3A_60 = arith.constant 48 : index
    %get3A_61 = tpu.vector_load %arg13[%get3A_60] {strides = array<i32>} : memref<128xi32, #tpu.memory_space<vmem>>, vector<16xi32>,
    %add3A_62 = arith.addi %mul3A_59, %get3A_61 : vector<16xi32>
    %swap3A_63 = arith.constant 48 : index
    %swap3A_64 = tpu.vector_load %arg15[%swap3A_63] {strides = array<i32>} : memref<128xi32, #tpu.memory_space<vmem>>, vector<16xi32>,
    tpu.vector_store %arg15[%swap3A_63], %add3A_62 {strides = array<i32>} : memref<128xi32, #tpu.memory_space<vmem>>, vector<16xi32>,
    %mul3A_65 = arith.constant 50176 : i32
    %mul3A_66 = vector.broadcast %mul3A_65 : i32 to vector<16xi32>
    %mul3A_67 = arith.muli %get3A_56, %mul3A_66 : vector<16xi32>
    %get3A_68 = arith.constant 48 : index
    %get3A_69 = tpu.vector_load %arg14[%get3A_68] {strides = array<i32>} : memref<128xi32, #tpu.memory_space<vmem>>, vector<16xi32>,
    %add3A_70 = arith.addi %mul3A_67, %get3A_69 : vector<16xi32>
    %swap3A_71 = arith.constant 48 : index
    %swap3A_72 = tpu.vector_load %arg16[%swap3A_71] {strides = array<i32>} : memref<128xi32, #tpu.memory_space<vmem>>, vector<16xi32>,
    tpu.vector_store %arg16[%swap3A_71], %add3A_70 {strides = array<i32>} : memref<128xi32, #tpu.memory_space<vmem>>, vector<16xi32>,
    %get3A_73 = arith.constant 64 : index
    %get3A_74 = tpu.vector_load %arg12[%get3A_73] {strides = array<i32>} : memref<128xi32, #tpu.memory_space<vmem>>, vector<16xi32>,
    %mul3A_75 = arith.constant 50176 : i32
    %mul3A_76 = vector.broadcast %mul3A_75 : i32 to vector<16xi32>
    %mul3A_77 = arith.muli %get3A_74, %mul3A_76 : vector<16xi32>
    %get3A_78 = arith.constant 64 : index
    %get3A_79 = tpu.vector_load %arg13[%get3A_78] {strides = array<i32>} : memref<128xi32, #tpu.memory_space<vmem>>, vector<16xi32>,
    %add3A_80 = arith.addi %mul3A_77, %get3A_79 : vector<16xi32>
    %swap3A_81 = arith.constant 64 : index
    %swap3A_82 = tpu.vector_load %arg15[%swap3A_81] {strides = array<i32>} : memref<128xi32, #tpu.memory_space<vmem>>, vector<16xi32>,
    tpu.vector_store %arg15[%swap3A_81], %add3A_80 {strides = array<i32>} : memref<128xi32, #tpu.memory_space<vmem>>, vector<16xi32>,
    %mul3A_83 = arith.constant 50176 : i32
    %mul3A_84 = vector.broadcast %mul3A_83 : i32 to vector<16xi32>
    %mul3A_85 = arith.muli %get3A_74, %mul3A_84 : vector<16xi32>
    %get3A_86 = arith.constant 64 : index
    %get3A_87 = tpu.vector_load %arg14[%get3A_86] {strides = array<i32>} : memref<128xi32, #tpu.memory_space<vmem>>, vector<16xi32>,
    %add3A_88 = arith.addi %mul3A_85, %get3A_87 : vector<16xi32>
    %swap3A_89 = arith.constant 64 : index
    %swap3A_90 = tpu.vector_load %arg16[%swap3A_89] {strides = array<i32>} : memref<128xi32, #tpu.memory_space<vmem>>, vector<16xi32>,
    tpu.vector_store %arg16[%swap3A_89], %add3A_88 {strides = array<i32>} : memref<128xi32, #tpu.memory_space<vmem>>, vector<16xi32>,
    %get3A_91 = arith.constant 80 : index
    %get3A_92 = tpu.vector_load %arg12[%get3A_91] {strides = array<i32>} : memref<128xi32, #tpu.memory_space<vmem>>, vector<16xi32>,
    %mul3A_93 = arith.constant 50176 : i32
    %mul3A_94 = vector.broadcast %mul3A_93 : i32 to vector<16xi32>
    %mul3A_95 = arith.muli %get3A_92, %mul3A_94 : vector<16xi32>
    %get3A_96 = arith.constant 80 : index
    %get3A_97 = tpu.vector_load %arg13[%get3A_96] {strides = array<i32>} : memref<128xi32, #tpu.memory_space<vmem>>, vector<16xi32>,
    %add3A_98 = arith.addi %mul3A_95, %get3A_97 : vector<16xi32>
    %swap3A_99 = arith.constant 80 : index
    %swap3A_100 = tpu.vector_load %arg15[%swap3A_99] {strides = array<i32>} : memref<128xi32, #tpu.memory_space<vmem>>, vector<16xi32>,
    tpu.vector_store %arg15[%swap3A_99], %add3A_98 {strides = array<i32>} : memref<128xi32, #tpu.memory_space<vmem>>, vector<16xi32>,
    %mul3A_101 = arith.constant 50176 : i32
    %mul3A_102 = vector.broadcast %mul3A_101 : i32 to vector<16xi32>
    %mul3A_103 = arith.muli %get3A_92, %mul3A_102 : vector<16xi32>
    %get3A_104 = arith.constant 80 : index
    %get3A_105 = tpu.vector_load %arg14[%get3A_104] {strides = array<i32>} : memref<128xi32, #tpu.memory_space<vmem>>, vector<16xi32>,
    %add3A_106 = arith.addi %mul3A_103, %get3A_105 : vector<16xi32>
    %swap3A_107 = arith.constant 80 : index
    %swap3A_108 = tpu.vector_load %arg16[%swap3A_107] {strides = array<i32>} : memref<128xi32, #tpu.memory_space<vmem>>, vector<16xi32>,
    tpu.vector_store %arg16[%swap3A_107], %add3A_106 {strides = array<i32>} : memref<128xi32, #tpu.memory_space<vmem>>, vector<16xi32>,
    %get3A_109 = arith.constant 96 : index
    %get3A_110 = tpu.vector_load %arg12[%get3A_109] {strides = array<i32>} : memref<128xi32, #tpu.memory_space<vmem>>, vector<16xi32>,
    %mul3A_111 = arith.constant 50176 : i32
    %mul3A_112 = vector.broadcast %mul3A_111 : i32 to vector<16xi32>
    %mul3A_113 = arith.muli %get3A_110, %mul3A_112 : vector<16xi32>
    %get3A_114 = arith.constant 96 : index
    %get3A_115 = tpu.vector_load %arg13[%get3A_114] {strides = array<i32>} : memref<128xi32, #tpu.memory_space<vmem>>, vector<16xi32>,
    %add3A_116 = arith.addi %mul3A_113, %get3A_115 : vector<16xi32>
    %swap3A_117 = arith.constant 96 : index
    %swap3A_118 = tpu.vector_load %arg15[%swap3A_117] {strides = array<i32>} : memref<128xi32, #tpu.memory_space<vmem>>, vector<16xi32>,
    tpu.vector_store %arg15[%swap3A_117], %add3A_116 {strides = array<i32>} : memref<128xi32, #tpu.memory_space<vmem>>, vector<16xi32>,
    %mul3A_119 = arith.constant 50176 : i32
    %mul3A_120 = vector.broadcast %mul3A_119 : i32 to vector<16xi32>
    %mul3A_121 = arith.muli %get3A_110, %mul3A_120 : vector<16xi32>
    %get3A_122 = arith.constant 96 : index
    %get3A_123 = tpu.vector_load %arg14[%get3A_122] {strides = array<i32>} : memref<128xi32, #tpu.memory_space<vmem>>, vector<16xi32>,
    %add3A_124 = arith.addi %mul3A_121, %get3A_123 : vector<16xi32>
    %swap3A_125 = arith.constant 96 : index
    %swap3A_126 = tpu.vector_load %arg16[%swap3A_125] {strides = array<i32>} : memref<128xi32, #tpu.memory_space<vmem>>, vector<16xi32>,
    tpu.vector_store %arg16[%swap3A_125], %add3A_124 {strides = array<i32>} : memref<128xi32, #tpu.memory_space<vmem>>, vector<16xi32>,
    %get3A_127 = arith.constant 112 : index
    %get3A_128 = tpu.vector_load %arg12[%get3A_127] {strides = array<i32>} : memref<128xi32, #tpu.memory_space<vmem>>, vector<16xi32>,
    %mul3A_129 = arith.constant 50176 : i32
    %mul3A_130 = vector.broadcast %mul3A_129 : i32 to vector<16xi32>
    %mul3A_131 = arith.muli %get3A_128, %mul3A_130 : vector<16xi32>
    %get3A_132 = arith.constant 112 : index
    %get3A_133 = tpu.vector_load %arg13[%get3A_132] {strides = array<i32>} : memref<128xi32, #tpu.memory_space<vmem>>, vector<16xi32>,
    %add3A_134 = arith.addi %mul3A_131, %get3A_133 : vector<16xi32>
    %swap3A_135 = arith.constant 112 : index
    %swap3A_136 = tpu.vector_load %arg15[%swap3A_135] {strides = array<i32>} : memref<128xi32, #tpu.memory_space<vmem>>, vector<16xi32>,
    tpu.vector_store %arg15[%swap3A_135], %add3A_134 {strides = array<i32>} : memref<128xi32, #tpu.memory_space<vmem>>, vector<16xi32>,
    %mul3A_137 = arith.constant 50176 : i32
    %mul3A_138 = vector.broadcast %mul3A_137 : i32 to vector<16xi32>
    %mul3A_139 = arith.muli %get3A_128, %mul3A_138 : vector<16xi32>
    %get3A_140 = arith.constant 112 : index
    %get3A_141 = tpu.vector_load %arg14[%get3A_140] {strides = array<i32>} : memref<128xi32, #tpu.memory_space<vmem>>, vector<16xi32>,
    %add3A_142 = arith.addi %mul3A_139, %get3A_141 : vector<16xi32>
    %swap3A_143 = arith.constant 112 : index
    %swap3A_144 = tpu.vector_load %arg16[%swap3A_143] {strides = array<i32>} : memref<128xi32, #tpu.memory_space<vmem>>, vector<16xi32>,
    tpu.vector_store %arg16[%swap3A_143], %add3A_142 {strides = array<i32>} : memref<128xi32, #tpu.memory_space<vmem>>, vector<16xi32>,
    %dma_start3A = arith.constant 0 : i32
    %dma_start3A_145 = tpu.memref_slice %arg2[%dma_start3A] : memref<100352xf32, #tpu.memory_space<hbm>> -> memref<100352xf32, #tpu.memory_space<hbm>>
    tpu.enqueue_indirect_dma source(%dma_start3A_145 : memref<100352xf32, #tpu.memory_space<hbm>>) target(%arg17 : memref<128xf32, #tpu.memory_space<vmem>>) offsets(%arg15 : memref<128xi32, #tpu.memory_space<vmem>>) semaphore(%arg28 : memref<!tpu.dma_semaphore, #tpu.memory_space<semaphore_mem>>)
    %dma_start3A_146 = arith.constant 0 : i32
    %dma_start3A_147 = tpu.memref_slice %arg3[%dma_start3A_146] : memref<100352xf32, #tpu.memory_space<hbm>> -> memref<100352xf32, #tpu.memory_space<hbm>>
    tpu.enqueue_indirect_dma source(%dma_start3A_147 : memref<100352xf32, #tpu.memory_space<hbm>>) target(%arg18 : memref<128xf32, #tpu.memory_space<vmem>>) offsets(%arg15 : memref<128xi32, #tpu.memory_space<vmem>>) semaphore(%arg28 : memref<!tpu.dma_semaphore, #tpu.memory_space<semaphore_mem>>)
    %dma_start3A_148 = arith.constant 0 : i32
    %dma_start3A_149 = tpu.memref_slice %arg4[%dma_start3A_148] : memref<100352xf32, #tpu.memory_space<hbm>> -> memref<100352xf32, #tpu.memory_space<hbm>>
    tpu.enqueue_indirect_dma source(%dma_start3A_149 : memref<100352xf32, #tpu.memory_space<hbm>>) target(%arg19 : memref<128xf32, #tpu.memory_space<vmem>>) offsets(%arg15 : memref<128xi32, #tpu.memory_space<vmem>>) semaphore(%arg28 : memref<!tpu.dma_semaphore, #tpu.memory_space<semaphore_mem>>)
    %dma_start3A_150 = arith.constant 0 : i32
    %dma_start3A_151 = tpu.memref_slice %arg5[%dma_start3A_150] : memref<100352xf32, #tpu.memory_space<hbm>> -> memref<100352xf32, #tpu.memory_space<hbm>>
    tpu.enqueue_indirect_dma source(%dma_start3A_151 : memref<100352xf32, #tpu.memory_space<hbm>>) target(%arg20 : memref<128xf32, #tpu.memory_space<vmem>>) offsets(%arg15 : memref<128xi32, #tpu.memory_space<vmem>>) semaphore(%arg28 : memref<!tpu.dma_semaphore, #tpu.memory_space<semaphore_mem>>)
    %dma_start3A_152 = arith.constant 0 : i32
    %dma_start3A_153 = tpu.memref_slice %arg2[%dma_start3A_152] : memref<100352xf32, #tpu.memory_space<hbm>> -> memref<100352xf32, #tpu.memory_space<hbm>>
    tpu.enqueue_indirect_dma source(%dma_start3A_153 : memref<100352xf32, #tpu.memory_space<hbm>>) target(%arg21 : memref<128xf32, #tpu.memory_space<vmem>>) offsets(%arg16 : memref<128xi32, #tpu.memory_space<vmem>>) semaphore(%arg28 : memref<!tpu.dma_semaphore, #tpu.memory_space<semaphore_mem>>)
    %dma_start3A_154 = arith.constant 0 : i32
    %dma_start3A_155 = tpu.memref_slice %arg3[%dma_start3A_154] : memref<100352xf32, #tpu.memory_space<hbm>> -> memref<100352xf32, #tpu.memory_space<hbm>>
    tpu.enqueue_indirect_dma source(%dma_start3A_155 : memref<100352xf32, #tpu.memory_space<hbm>>) target(%arg22 : memref<128xf32, #tpu.memory_space<vmem>>) offsets(%arg16 : memref<128xi32, #tpu.memory_space<vmem>>) semaphore(%arg28 : memref<!tpu.dma_semaphore, #tpu.memory_space<semaphore_mem>>)
    %dma_start3A_156 = arith.constant 0 : i32
    %dma_start3A_157 = tpu.memref_slice %arg4[%dma_start3A_156] : memref<100352xf32, #tpu.memory_space<hbm>> -> memref<100352xf32, #tpu.memory_space<hbm>>
    tpu.enqueue_indirect_dma source(%dma_start3A_157 : memref<100352xf32, #tpu.memory_space<hbm>>) target(%arg23 : memref<128xf32, #tpu.memory_space<vmem>>) offsets(%arg16 : memref<128xi32, #tpu.memory_space<vmem>>) semaphore(%arg28 : memref<!tpu.dma_semaphore, #tpu.memory_space<semaphore_mem>>)
    %dma_start3A_158 = arith.constant 0 : i32
    %dma_start3A_159 = tpu.memref_slice %arg5[%dma_start3A_158] : memref<100352xf32, #tpu.memory_space<hbm>> -> memref<100352xf32, #tpu.memory_space<hbm>>
    tpu.enqueue_indirect_dma source(%dma_start3A_159 : memref<100352xf32, #tpu.memory_space<hbm>>) target(%arg24 : memref<128xf32, #tpu.memory_space<vmem>>) offsets(%arg16 : memref<128xi32, #tpu.memory_space<vmem>>) semaphore(%arg28 : memref<!tpu.dma_semaphore, #tpu.memory_space<semaphore_mem>>)
    %dma_wait3A = arith.constant 0 : i32
    %dma_wait3A_160 = tpu.memref_slice %arg2[%dma_wait3A] : memref<100352xf32, #tpu.memory_space<hbm>> -> memref<100352xf32, #tpu.memory_space<hbm>>
    tpu.wait_indirect_dma semaphore(%arg28 : memref<!tpu.dma_semaphore, #tpu.memory_space<semaphore_mem>>) src(%dma_wait3A_160 : memref<100352xf32, #tpu.memory_space<hbm>>) dst(%arg17 : memref<128xf32, #tpu.memory_space<vmem>>)
    %dma_wait3A_161 = arith.constant 0 : i32
    %dma_wait3A_162 = tpu.memref_slice %arg3[%dma_wait3A_161] : memref<100352xf32, #tpu.memory_space<hbm>> -> memref<100352xf32, #tpu.memory_space<hbm>>
    tpu.wait_indirect_dma semaphore(%arg28 : memref<!tpu.dma_semaphore, #tpu.memory_space<semaphore_mem>>) src(%dma_wait3A_162 : memref<100352xf32, #tpu.memory_space<hbm>>) dst(%arg18 : memref<128xf32, #tpu.memory_space<vmem>>)
    %dma_wait3A_163 = arith.constant 0 : i32
    %dma_wait3A_164 = tpu.memref_slice %arg4[%dma_wait3A_163] : memref<100352xf32, #tpu.memory_space<hbm>> -> memref<100352xf32, #tpu.memory_space<hbm>>
    tpu.wait_indirect_dma semaphore(%arg28 : memref<!tpu.dma_semaphore, #tpu.memory_space<semaphore_mem>>) src(%dma_wait3A_164 : memref<100352xf32, #tpu.memory_space<hbm>>) dst(%arg19 : memref<128xf32, #tpu.memory_space<vmem>>)
    %dma_wait3A_165 = arith.constant 0 : i32
    %dma_wait3A_166 = tpu.memref_slice %arg5[%dma_wait3A_165] : memref<100352xf32, #tpu.memory_space<hbm>> -> memref<100352xf32, #tpu.memory_space<hbm>>
    tpu.wait_indirect_dma semaphore(%arg28 : memref<!tpu.dma_semaphore, #tpu.memory_space<semaphore_mem>>) src(%dma_wait3A_166 : memref<100352xf32, #tpu.memory_space<hbm>>) dst(%arg20 : memref<128xf32, #tpu.memory_space<vmem>>)
    %dma_wait3A_167 = arith.constant 0 : i32
    %dma_wait3A_168 = tpu.memref_slice %arg2[%dma_wait3A_167] : memref<100352xf32, #tpu.memory_space<hbm>> -> memref<100352xf32, #tpu.memory_space<hbm>>
    tpu.wait_indirect_dma semaphore(%arg28 : memref<!tpu.dma_semaphore, #tpu.memory_space<semaphore_mem>>) src(%dma_wait3A_168 : memref<100352xf32, #tpu.memory_space<hbm>>) dst(%arg21 : memref<128xf32, #tpu.memory_space<vmem>>)
    %dma_wait3A_169 = arith.constant 0 : i32
    %dma_wait3A_170 = tpu.memref_slice %arg3[%dma_wait3A_169] : memref<100352xf32, #tpu.memory_space<hbm>> -> memref<100352xf32, #tpu.memory_space<hbm>>
    tpu.wait_indirect_dma semaphore(%arg28 : memref<!tpu.dma_semaphore, #tpu.memory_space<semaphore_mem>>) src(%dma_wait3A_170 : memref<100352xf32, #tpu.memory_space<hbm>>) dst(%arg22 : memref<128xf32, #tpu.memory_space<vmem>>)
    %dma_wait3A_171 = arith.constant 0 : i32
    %dma_wait3A_172 = tpu.memref_slice %arg4[%dma_wait3A_171] : memref<100352xf32, #tpu.memory_space<hbm>> -> memref<100352xf32, #tpu.memory_space<hbm>>
    tpu.wait_indirect_dma semaphore(%arg28 : memref<!tpu.dma_semaphore, #tpu.memory_space<semaphore_mem>>) src(%dma_wait3A_172 : memref<100352xf32, #tpu.memory_space<hbm>>) dst(%arg23 : memref<128xf32, #tpu.memory_space<vmem>>)
    %dma_wait3A_173 = arith.constant 0 : i32
    %dma_wait3A_174 = tpu.memref_slice %arg5[%dma_wait3A_173] : memref<100352xf32, #tpu.memory_space<hbm>> -> memref<100352xf32, #tpu.memory_space<hbm>>
    tpu.wait_indirect_dma semaphore(%arg28 : memref<!tpu.dma_semaphore, #tpu.memory_space<semaphore_mem>>) src(%dma_wait3A_174 : memref<100352xf32, #tpu.memory_space<hbm>>) dst(%arg24 : memref<128xf32, #tpu.memory_space<vmem>>)
    %get3A_175 = arith.constant 0 : index
    %get3A_176 = tpu.vector_load %arg25[%get3A_175] {strides = array<i32>} : memref<64xf32, #tpu.memory_space<vmem>>, vector<16xf32>,
    %get3A_177 = arith.constant 16 : index
    %get3A_178 = tpu.vector_load %arg25[%get3A_177] {strides = array<i32>} : memref<64xf32, #tpu.memory_space<vmem>>, vector<16xf32>,
    %get3A_179 = arith.constant 32 : index
    %get3A_180 = tpu.vector_load %arg25[%get3A_179] {strides = array<i32>} : memref<64xf32, #tpu.memory_space<vmem>>, vector<16xf32>,
    %get3A_181 = arith.constant 48 : index
    %get3A_182 = tpu.vector_load %arg25[%get3A_181] {strides = array<i32>} : memref<64xf32, #tpu.memory_space<vmem>>, vector<16xf32>,
    %get3A_183 = arith.constant 0 : index
    %get3A_184 = tpu.vector_load %arg12[%get3A_183] {strides = array<i32>} : memref<128xi32, #tpu.memory_space<vmem>>, vector<16xi32>,
    %eq3A = arith.constant 0 : i32
    %eq3A_185 = vector.broadcast %eq3A : i32 to vector<16xi32>
    %eq3A_186 = arith.cmpi eq, %get3A_184, %eq3A_185 : vector<16xi32>
    %get3A_187 = arith.constant 0 : index
    %get3A_188 = tpu.vector_load %arg19[%get3A_187] {strides = array<i32>} : memref<128xf32, #tpu.memory_space<vmem>>, vector<16xf32>,
    %get3A_189 = arith.constant 0 : index
    %get3A_190 = tpu.vector_load %arg20[%get3A_189] {strides = array<i32>} : memref<128xf32, #tpu.memory_space<vmem>>, vector<16xf32>,
    %get3A_191 = arith.constant 0 : index
    %get3A_192 = tpu.vector_load %arg17[%get3A_191] {strides = array<i32>} : memref<128xf32, #tpu.memory_space<vmem>>, vector<16xf32>,
    %max3A = arith.constant 0.000000e+00 : f32
    %max3A_193 = vector.broadcast %max3A : f32 to vector<16xf32>
    %max3A_194 = arith.maximumf %get3A_188, %max3A_193 : vector<16xf32>
    %add3A_195 = arith.addf %get3A_192, %max3A_194 : vector<16xf32>
    %mul3A_196 = arith.mulf %get3A_190, %add3A_195 : vector<16xf32>
    %get3A_197 = arith.constant 0 : index
    %get3A_198 = tpu.vector_load %arg18[%get3A_197] {strides = array<i32>} : memref<128xf32, #tpu.memory_space<vmem>>, vector<16xf32>,
    %neg3A = arith.constant 0.000000e+00 : f32
    %neg3A_199 = vector.broadcast %neg3A : f32 to vector<16xf32>
    %neg3A_200 = arith.subf %neg3A_199, %get3A_188 : vector<16xf32>
    %max3A_201 = arith.constant 0.000000e+00 : f32
    %max3A_202 = vector.broadcast %max3A_201 : f32 to vector<16xf32>
    %max3A_203 = arith.maximumf %neg3A_200, %max3A_202 : vector<16xf32>
    %add3A_204 = arith.addf %get3A_198, %max3A_203 : vector<16xf32>
    %mul3A_205 = arith.mulf %get3A_190, %add3A_204 : vector<16xf32>
    %get3A_206 = arith.constant 0 : index
    %get3A_207 = tpu.vector_load %arg23[%get3A_206] {strides = array<i32>} : memref<128xf32, #tpu.memory_space<vmem>>, vector<16xf32>,
    %get3A_208 = arith.constant 0 : index
    %get3A_209 = tpu.vector_load %arg24[%get3A_208] {strides = array<i32>} : memref<128xf32, #tpu.memory_space<vmem>>, vector<16xf32>,
    %get3A_210 = arith.constant 0 : index
    %get3A_211 = tpu.vector_load %arg21[%get3A_210] {strides = array<i32>} : memref<128xf32, #tpu.memory_space<vmem>>, vector<16xf32>,
    %max3A_212 = arith.constant 0.000000e+00 : f32
    %max3A_213 = vector.broadcast %max3A_212 : f32 to vector<16xf32>
    %max3A_214 = arith.maximumf %get3A_207, %max3A_213 : vector<16xf32>
    %add3A_215 = arith.addf %get3A_211, %max3A_214 : vector<16xf32>
    %mul3A_216 = arith.mulf %get3A_209, %add3A_215 : vector<16xf32>
    %get3A_217 = arith.constant 0 : index
    %get3A_218 = tpu.vector_load %arg22[%get3A_217] {strides = array<i32>} : memref<128xf32, #tpu.memory_space<vmem>>, vector<16xf32>,
    %neg3A_219 = arith.constant 0.000000e+00 : f32
    %neg3A_220 = vector.broadcast %neg3A_219 : f32 to vector<16xf32>
    %neg3A_221 = arith.subf %neg3A_220, %get3A_207 : vector<16xf32>
    %max3A_222 = arith.constant 0.000000e+00 : f32
    %max3A_223 = vector.broadcast %max3A_222 : f32 to vector<16xf32>
    %max3A_224 = arith.maximumf %neg3A_221, %max3A_223 : vector<16xf32>
    %add3A_225 = arith.addf %get3A_218, %max3A_224 : vector<16xf32>
    %mul3A_226 = arith.mulf %get3A_209, %add3A_225 : vector<16xf32>
    %slice3A = vector.extract_strided_slice %get3A_178 {offsets = [0], sizes = [1], strides = [1]} : vector<16xf32> to vector<1xf32>
    %squeeze3A = vector.extract %slice3A[0] : f32 from vector<1xf32>
    %slice3A_227 = vector.extract_strided_slice %get3A_182 {offsets = [0], sizes = [1], strides = [1]} : vector<16xf32> to vector<1xf32>
    %squeeze3A_228 = vector.extract %slice3A_227[0] : f32 from vector<1xf32>
    %broadcast_in_dim3A = vector.broadcast %squeeze3A : f32 to vector<16xf32>
    %broadcast_in_dim3A_229 = vector.broadcast %squeeze3A_228 : f32 to vector<16xf32>
    %select_n3A = arith.select %eq3A_186, %broadcast_in_dim3A, %broadcast_in_dim3A_229 : vector<16xi1>, vector<16xf32>
    %slice3A_230 = vector.extract_strided_slice %get3A_176 {offsets = [0], sizes = [1], strides = [1]} : vector<16xf32> to vector<1xf32>
    %squeeze3A_231 = vector.extract %slice3A_230[0] : f32 from vector<1xf32>
    %slice3A_232 = vector.extract_strided_slice %get3A_180 {offsets = [0], sizes = [1], strides = [1]} : vector<16xf32> to vector<1xf32>
    %squeeze3A_233 = vector.extract %slice3A_232[0] : f32 from vector<1xf32>
    %broadcast_in_dim3A_234 = vector.broadcast %squeeze3A_231 : f32 to vector<16xf32>
    %broadcast_in_dim3A_235 = vector.broadcast %squeeze3A_233 : f32 to vector<16xf32>
    %select_n3A_236 = arith.select %eq3A_186, %broadcast_in_dim3A_234, %broadcast_in_dim3A_235 : vector<16xi1>, vector<16xf32>
    %slice3A_237 = vector.extract_strided_slice %get3A_176 {offsets = [2], sizes = [1], strides = [1]} : vector<16xf32> to vector<1xf32>
    %squeeze3A_238 = vector.extract %slice3A_237[0] : f32 from vector<1xf32>
    %slice3A_239 = vector.extract_strided_slice %get3A_180 {offsets = [2], sizes = [1], strides = [1]} : vector<16xf32> to vector<1xf32>
    %squeeze3A_240 = vector.extract %slice3A_239[0] : f32 from vector<1xf32>
    %broadcast_in_dim3A_241 = vector.broadcast %squeeze3A_238 : f32 to vector<16xf32>
    %broadcast_in_dim3A_242 = vector.broadcast %squeeze3A_240 : f32 to vector<16xf32>
    %select_n3A_243 = arith.select %eq3A_186, %broadcast_in_dim3A_241, %broadcast_in_dim3A_242 : vector<16xi1>, vector<16xf32>
    %slice3A_244 = vector.extract_strided_slice %get3A_176 {offsets = [4], sizes = [1], strides = [1]} : vector<16xf32> to vector<1xf32>
    %squeeze3A_245 = vector.extract %slice3A_244[0] : f32 from vector<1xf32>
    %slice3A_246 = vector.extract_strided_slice %get3A_180 {offsets = [4], sizes = [1], strides = [1]} : vector<16xf32> to vector<1xf32>
    %squeeze3A_247 = vector.extract %slice3A_246[0] : f32 from vector<1xf32>
    %broadcast_in_dim3A_248 = vector.broadcast %squeeze3A_245 : f32 to vector<16xf32>
    %broadcast_in_dim3A_249 = vector.broadcast %squeeze3A_247 : f32 to vector<16xf32>
    %select_n3A_250 = arith.select %eq3A_186, %broadcast_in_dim3A_248, %broadcast_in_dim3A_249 : vector<16xi1>, vector<16xf32>
    %slice3A_251 = vector.extract_strided_slice %get3A_176 {offsets = [6], sizes = [1], strides = [1]} : vector<16xf32> to vector<1xf32>
    %squeeze3A_252 = vector.extract %slice3A_251[0] : f32 from vector<1xf32>
    %slice3A_253 = vector.extract_strided_slice %get3A_180 {offsets = [6], sizes = [1], strides = [1]} : vector<16xf32> to vector<1xf32>
    %squeeze3A_254 = vector.extract %slice3A_253[0] : f32 from vector<1xf32>
    %broadcast_in_dim3A_255 = vector.broadcast %squeeze3A_252 : f32 to vector<16xf32>
    %broadcast_in_dim3A_256 = vector.broadcast %squeeze3A_254 : f32 to vector<16xf32>
    %select_n3A_257 = arith.select %eq3A_186, %broadcast_in_dim3A_255, %broadcast_in_dim3A_256 : vector<16xi1>, vector<16xf32>
    %mul3A_258 = arith.mulf %mul3A_196, %select_n3A_236 : vector<16xf32>
    %add3A_259 = arith.addf %select_n3A, %mul3A_258 : vector<16xf32>
    %mul3A_260 = arith.mulf %mul3A_205, %select_n3A_243 : vector<16xf32>
    %add3A_261 = arith.addf %add3A_259, %mul3A_260 : vector<16xf32>
    %mul3A_262 = arith.mulf %mul3A_216, %select_n3A_250 : vector<16xf32>
    %add3A_263 = arith.addf %add3A_261, %mul3A_262 : vector<16xf32>
    %mul3A_264 = arith.mulf %mul3A_226, %select_n3A_257 : vector<16xf32>
    %add3A_265 = arith.addf %add3A_263, %mul3A_264 : vector<16xf32>
    %swap3A_266 = arith.constant 0 : index
    %swap3A_267 = tpu.vector_load %arg26[%swap3A_266] {strides = array<i32>} : memref<128xf32, #tpu.memory_space<vmem>>, vector<16xf32>,
    tpu.vector_store %arg26[%swap3A_266], %add3A_265 {strides = array<i32>} : memref<128xf32, #tpu.memory_space<vmem>>, vector<16xf32>,
    %slice3A_268 = vector.extract_strided_slice %get3A_178 {offsets = [1], sizes = [1], strides = [1]} : vector<16xf32> to vector<1xf32>
    %squeeze3A_269 = vector.extract %slice3A_268[0] : f32 from vector<1xf32>
    %slice3A_270 = vector.extract_strided_slice %get3A_182 {offsets = [1], sizes = [1], strides = [1]} : vector<16xf32> to vector<1xf32>
    %squeeze3A_271 = vector.extract %slice3A_270[0] : f32 from vector<1xf32>
    %broadcast_in_dim3A_272 = vector.broadcast %squeeze3A_269 : f32 to vector<16xf32>
    %broadcast_in_dim3A_273 = vector.broadcast %squeeze3A_271 : f32 to vector<16xf32>
    %select_n3A_274 = arith.select %eq3A_186, %broadcast_in_dim3A_272, %broadcast_in_dim3A_273 : vector<16xi1>, vector<16xf32>
    %slice3A_275 = vector.extract_strided_slice %get3A_176 {offsets = [1], sizes = [1], strides = [1]} : vector<16xf32> to vector<1xf32>
    %squeeze3A_276 = vector.extract %slice3A_275[0] : f32 from vector<1xf32>
    %slice3A_277 = vector.extract_strided_slice %get3A_180 {offsets = [1], sizes = [1], strides = [1]} : vector<16xf32> to vector<1xf32>
    %squeeze3A_278 = vector.extract %slice3A_277[0] : f32 from vector<1xf32>
    %broadcast_in_dim3A_279 = vector.broadcast %squeeze3A_276 : f32 to vector<16xf32>
    %broadcast_in_dim3A_280 = vector.broadcast %squeeze3A_278 : f32 to vector<16xf32>
    %select_n3A_281 = arith.select %eq3A_186, %broadcast_in_dim3A_279, %broadcast_in_dim3A_280 : vector<16xi1>, vector<16xf32>
    %slice3A_282 = vector.extract_strided_slice %get3A_176 {offsets = [3], sizes = [1], strides = [1]} : vector<16xf32> to vector<1xf32>
    %squeeze3A_283 = vector.extract %slice3A_282[0] : f32 from vector<1xf32>
    %slice3A_284 = vector.extract_strided_slice %get3A_180 {offsets = [3], sizes = [1], strides = [1]} : vector<16xf32> to vector<1xf32>
    %squeeze3A_285 = vector.extract %slice3A_284[0] : f32 from vector<1xf32>
    %broadcast_in_dim3A_286 = vector.broadcast %squeeze3A_283 : f32 to vector<16xf32>
    %broadcast_in_dim3A_287 = vector.broadcast %squeeze3A_285 : f32 to vector<16xf32>
    %select_n3A_288 = arith.select %eq3A_186, %broadcast_in_dim3A_286, %broadcast_in_dim3A_287 : vector<16xi1>, vector<16xf32>
    %slice3A_289 = vector.extract_strided_slice %get3A_176 {offsets = [5], sizes = [1], strides = [1]} : vector<16xf32> to vector<1xf32>
    %squeeze3A_290 = vector.extract %slice3A_289[0] : f32 from vector<1xf32>
    %slice3A_291 = vector.extract_strided_slice %get3A_180 {offsets = [5], sizes = [1], strides = [1]} : vector<16xf32> to vector<1xf32>
    %squeeze3A_292 = vector.extract %slice3A_291[0] : f32 from vector<1xf32>
    %broadcast_in_dim3A_293 = vector.broadcast %squeeze3A_290 : f32 to vector<16xf32>
    %broadcast_in_dim3A_294 = vector.broadcast %squeeze3A_292 : f32 to vector<16xf32>
    %select_n3A_295 = arith.select %eq3A_186, %broadcast_in_dim3A_293, %broadcast_in_dim3A_294 : vector<16xi1>, vector<16xf32>
    %slice3A_296 = vector.extract_strided_slice %get3A_176 {offsets = [7], sizes = [1], strides = [1]} : vector<16xf32> to vector<1xf32>
    %squeeze3A_297 = vector.extract %slice3A_296[0] : f32 from vector<1xf32>
    %slice3A_298 = vector.extract_strided_slice %get3A_180 {offsets = [7], sizes = [1], strides = [1]} : vector<16xf32> to vector<1xf32>
    %squeeze3A_299 = vector.extract %slice3A_298[0] : f32 from vector<1xf32>
    %broadcast_in_dim3A_300 = vector.broadcast %squeeze3A_297 : f32 to vector<16xf32>
    %broadcast_in_dim3A_301 = vector.broadcast %squeeze3A_299 : f32 to vector<16xf32>
    %select_n3A_302 = arith.select %eq3A_186, %broadcast_in_dim3A_300, %broadcast_in_dim3A_301 : vector<16xi1>, vector<16xf32>
    %mul3A_303 = arith.mulf %mul3A_196, %select_n3A_281 : vector<16xf32>
    %add3A_304 = arith.addf %select_n3A_274, %mul3A_303 : vector<16xf32>
    %mul3A_305 = arith.mulf %mul3A_205, %select_n3A_288 : vector<16xf32>
    %add3A_306 = arith.addf %add3A_304, %mul3A_305 : vector<16xf32>
    %mul3A_307 = arith.mulf %mul3A_216, %select_n3A_295 : vector<16xf32>
    %add3A_308 = arith.addf %add3A_306, %mul3A_307 : vector<16xf32>
    %mul3A_309 = arith.mulf %mul3A_226, %select_n3A_302 : vector<16xf32>
    %add3A_310 = arith.addf %add3A_308, %mul3A_309 : vector<16xf32>
    %swap3A_311 = arith.constant 0 : index
    %swap3A_312 = tpu.vector_load %arg27[%swap3A_311] {strides = array<i32>} : memref<128xf32, #tpu.memory_space<vmem>>, vector<16xf32>,
    tpu.vector_store %arg27[%swap3A_311], %add3A_310 {strides = array<i32>} : memref<128xf32, #tpu.memory_space<vmem>>, vector<16xf32>,
    %get3A_313 = arith.constant 16 : index
    %get3A_314 = tpu.vector_load %arg12[%get3A_313] {strides = array<i32>} : memref<128xi32, #tpu.memory_space<vmem>>, vector<16xi32>,
    %eq3A_315 = arith.constant 0 : i32
    %eq3A_316 = vector.broadcast %eq3A_315 : i32 to vector<16xi32>
    %eq3A_317 = arith.cmpi eq, %get3A_314, %eq3A_316 : vector<16xi32>
    %get3A_318 = arith.constant 16 : index
    %get3A_319 = tpu.vector_load %arg19[%get3A_318] {strides = array<i32>} : memref<128xf32, #tpu.memory_space<vmem>>, vector<16xf32>,
    %get3A_320 = arith.constant 16 : index
    %get3A_321 = tpu.vector_load %arg20[%get3A_320] {strides = array<i32>} : memref<128xf32, #tpu.memory_space<vmem>>, vector<16xf32>,
    %get3A_322 = arith.constant 16 : index
    %get3A_323 = tpu.vector_load %arg17[%get3A_322] {strides = array<i32>} : memref<128xf32, #tpu.memory_space<vmem>>, vector<16xf32>,
    %max3A_324 = arith.constant 0.000000e+00 : f32
    %max3A_325 = vector.broadcast %max3A_324 : f32 to vector<16xf32>
    %max3A_326 = arith.maximumf %get3A_319, %max3A_325 : vector<16xf32>
    %add3A_327 = arith.addf %get3A_323, %max3A_326 : vector<16xf32>
    %mul3A_328 = arith.mulf %get3A_321, %add3A_327 : vector<16xf32>
    %get3A_329 = arith.constant 16 : index
    %get3A_330 = tpu.vector_load %arg18[%get3A_329] {strides = array<i32>} : memref<128xf32, #tpu.memory_space<vmem>>, vector<16xf32>,
    %neg3A_331 = arith.constant 0.000000e+00 : f32
    %neg3A_332 = vector.broadcast %neg3A_331 : f32 to vector<16xf32>
    %neg3A_333 = arith.subf %neg3A_332, %get3A_319 : vector<16xf32>
    %max3A_334 = arith.constant 0.000000e+00 : f32
    %max3A_335 = vector.broadcast %max3A_334 : f32 to vector<16xf32>
    %max3A_336 = arith.maximumf %neg3A_333, %max3A_335 : vector<16xf32>
    %add3A_337 = arith.addf %get3A_330, %max3A_336 : vector<16xf32>
    %mul3A_338 = arith.mulf %get3A_321, %add3A_337 : vector<16xf32>
    %get3A_339 = arith.constant 16 : index
    %get3A_340 = tpu.vector_load %arg23[%get3A_339] {strides = array<i32>} : memref<128xf32, #tpu.memory_space<vmem>>, vector<16xf32>,
    %get3A_341 = arith.constant 16 : index
    %get3A_342 = tpu.vector_load %arg24[%get3A_341] {strides = array<i32>} : memref<128xf32, #tpu.memory_space<vmem>>, vector<16xf32>,
    %get3A_343 = arith.constant 16 : index
    %get3A_344 = tpu.vector_load %arg21[%get3A_343] {strides = array<i32>} : memref<128xf32, #tpu.memory_space<vmem>>, vector<16xf32>,
    %max3A_345 = arith.constant 0.000000e+00 : f32
    %max3A_346 = vector.broadcast %max3A_345 : f32 to vector<16xf32>
    %max3A_347 = arith.maximumf %get3A_340, %max3A_346 : vector<16xf32>
    %add3A_348 = arith.addf %get3A_344, %max3A_347 : vector<16xf32>
    %mul3A_349 = arith.mulf %get3A_342, %add3A_348 : vector<16xf32>
    %get3A_350 = arith.constant 16 : index
    %get3A_351 = tpu.vector_load %arg22[%get3A_350] {strides = array<i32>} : memref<128xf32, #tpu.memory_space<vmem>>, vector<16xf32>,
    %neg3A_352 = arith.constant 0.000000e+00 : f32
    %neg3A_353 = vector.broadcast %neg3A_352 : f32 to vector<16xf32>
    %neg3A_354 = arith.subf %neg3A_353, %get3A_340 : vector<16xf32>
    %max3A_355 = arith.constant 0.000000e+00 : f32
    %max3A_356 = vector.broadcast %max3A_355 : f32 to vector<16xf32>
    %max3A_357 = arith.maximumf %neg3A_354, %max3A_356 : vector<16xf32>
    %add3A_358 = arith.addf %get3A_351, %max3A_357 : vector<16xf32>
    %mul3A_359 = arith.mulf %get3A_342, %add3A_358 : vector<16xf32>
    %slice3A_360 = vector.extract_strided_slice %get3A_178 {offsets = [0], sizes = [1], strides = [1]} : vector<16xf32> to vector<1xf32>
    %squeeze3A_361 = vector.extract %slice3A_360[0] : f32 from vector<1xf32>
    %slice3A_362 = vector.extract_strided_slice %get3A_182 {offsets = [0], sizes = [1], strides = [1]} : vector<16xf32> to vector<1xf32>
    %squeeze3A_363 = vector.extract %slice3A_362[0] : f32 from vector<1xf32>
    %broadcast_in_dim3A_364 = vector.broadcast %squeeze3A_361 : f32 to vector<16xf32>
    %broadcast_in_dim3A_365 = vector.broadcast %squeeze3A_363 : f32 to vector<16xf32>
    %select_n3A_366 = arith.select %eq3A_317, %broadcast_in_dim3A_364, %broadcast_in_dim3A_365 : vector<16xi1>, vector<16xf32>
    %slice3A_367 = vector.extract_strided_slice %get3A_176 {offsets = [0], sizes = [1], strides = [1]} : vector<16xf32> to vector<1xf32>
    %squeeze3A_368 = vector.extract %slice3A_367[0] : f32 from vector<1xf32>
    %slice3A_369 = vector.extract_strided_slice %get3A_180 {offsets = [0], sizes = [1], strides = [1]} : vector<16xf32> to vector<1xf32>
    %squeeze3A_370 = vector.extract %slice3A_369[0] : f32 from vector<1xf32>
    %broadcast_in_dim3A_371 = vector.broadcast %squeeze3A_368 : f32 to vector<16xf32>
    %broadcast_in_dim3A_372 = vector.broadcast %squeeze3A_370 : f32 to vector<16xf32>
    %select_n3A_373 = arith.select %eq3A_317, %broadcast_in_dim3A_371, %broadcast_in_dim3A_372 : vector<16xi1>, vector<16xf32>
    %slice3A_374 = vector.extract_strided_slice %get3A_176 {offsets = [2], sizes = [1], strides = [1]} : vector<16xf32> to vector<1xf32>
    %squeeze3A_375 = vector.extract %slice3A_374[0] : f32 from vector<1xf32>
    %slice3A_376 = vector.extract_strided_slice %get3A_180 {offsets = [2], sizes = [1], strides = [1]} : vector<16xf32> to vector<1xf32>
    %squeeze3A_377 = vector.extract %slice3A_376[0] : f32 from vector<1xf32>
    %broadcast_in_dim3A_378 = vector.broadcast %squeeze3A_375 : f32 to vector<16xf32>
    %broadcast_in_dim3A_379 = vector.broadcast %squeeze3A_377 : f32 to vector<16xf32>
    %select_n3A_380 = arith.select %eq3A_317, %broadcast_in_dim3A_378, %broadcast_in_dim3A_379 : vector<16xi1>, vector<16xf32>
    %slice3A_381 = vector.extract_strided_slice %get3A_176 {offsets = [4], sizes = [1], strides = [1]} : vector<16xf32> to vector<1xf32>
    %squeeze3A_382 = vector.extract %slice3A_381[0] : f32 from vector<1xf32>
    %slice3A_383 = vector.extract_strided_slice %get3A_180 {offsets = [4], sizes = [1], strides = [1]} : vector<16xf32> to vector<1xf32>
    %squeeze3A_384 = vector.extract %slice3A_383[0] : f32 from vector<1xf32>
    %broadcast_in_dim3A_385 = vector.broadcast %squeeze3A_382 : f32 to vector<16xf32>
    %broadcast_in_dim3A_386 = vector.broadcast %squeeze3A_384 : f32 to vector<16xf32>
    %select_n3A_387 = arith.select %eq3A_317, %broadcast_in_dim3A_385, %broadcast_in_dim3A_386 : vector<16xi1>, vector<16xf32>
    %slice3A_388 = vector.extract_strided_slice %get3A_176 {offsets = [6], sizes = [1], strides = [1]} : vector<16xf32> to vector<1xf32>
    %squeeze3A_389 = vector.extract %slice3A_388[0] : f32 from vector<1xf32>
    %slice3A_390 = vector.extract_strided_slice %get3A_180 {offsets = [6], sizes = [1], strides = [1]} : vector<16xf32> to vector<1xf32>
    %squeeze3A_391 = vector.extract %slice3A_390[0] : f32 from vector<1xf32>
    %broadcast_in_dim3A_392 = vector.broadcast %squeeze3A_389 : f32 to vector<16xf32>
    %broadcast_in_dim3A_393 = vector.broadcast %squeeze3A_391 : f32 to vector<16xf32>
    %select_n3A_394 = arith.select %eq3A_317, %broadcast_in_dim3A_392, %broadcast_in_dim3A_393 : vector<16xi1>, vector<16xf32>
    %mul3A_395 = arith.mulf %mul3A_328, %select_n3A_373 : vector<16xf32>
    %add3A_396 = arith.addf %select_n3A_366, %mul3A_395 : vector<16xf32>
    %mul3A_397 = arith.mulf %mul3A_338, %select_n3A_380 : vector<16xf32>
    %add3A_398 = arith.addf %add3A_396, %mul3A_397 : vector<16xf32>
    %mul3A_399 = arith.mulf %mul3A_349, %select_n3A_387 : vector<16xf32>
    %add3A_400 = arith.addf %add3A_398, %mul3A_399 : vector<16xf32>
    %mul3A_401 = arith.mulf %mul3A_359, %select_n3A_394 : vector<16xf32>
    %add3A_402 = arith.addf %add3A_400, %mul3A_401 : vector<16xf32>
    %swap3A_403 = arith.constant 16 : index
    %swap3A_404 = tpu.vector_load %arg26[%swap3A_403] {strides = array<i32>} : memref<128xf32, #tpu.memory_space<vmem>>, vector<16xf32>,
    tpu.vector_store %arg26[%swap3A_403], %add3A_402 {strides = array<i32>} : memref<128xf32, #tpu.memory_space<vmem>>, vector<16xf32>,
    %slice3A_405 = vector.extract_strided_slice %get3A_178 {offsets = [1], sizes = [1], strides = [1]} : vector<16xf32> to vector<1xf32>
    %squeeze3A_406 = vector.extract %slice3A_405[0] : f32 from vector<1xf32>
    %slice3A_407 = vector.extract_strided_slice %get3A_182 {offsets = [1], sizes = [1], strides = [1]} : vector<16xf32> to vector<1xf32>
    %squeeze3A_408 = vector.extract %slice3A_407[0] : f32 from vector<1xf32>
    %broadcast_in_dim3A_409 = vector.broadcast %squeeze3A_406 : f32 to vector<16xf32>
    %broadcast_in_dim3A_410 = vector.broadcast %squeeze3A_408 : f32 to vector<16xf32>
    %select_n3A_411 = arith.select %eq3A_317, %broadcast_in_dim3A_409, %broadcast_in_dim3A_410 : vector<16xi1>, vector<16xf32>
    %slice3A_412 = vector.extract_strided_slice %get3A_176 {offsets = [1], sizes = [1], strides = [1]} : vector<16xf32> to vector<1xf32>
    %squeeze3A_413 = vector.extract %slice3A_412[0] : f32 from vector<1xf32>
    %slice3A_414 = vector.extract_strided_slice %get3A_180 {offsets = [1], sizes = [1], strides = [1]} : vector<16xf32> to vector<1xf32>
    %squeeze3A_415 = vector.extract %slice3A_414[0] : f32 from vector<1xf32>
    %broadcast_in_dim3A_416 = vector.broadcast %squeeze3A_413 : f32 to vector<16xf32>
    %broadcast_in_dim3A_417 = vector.broadcast %squeeze3A_415 : f32 to vector<16xf32>
    %select_n3A_418 = arith.select %eq3A_317, %broadcast_in_dim3A_416, %broadcast_in_dim3A_417 : vector<16xi1>, vector<16xf32>
    %slice3A_419 = vector.extract_strided_slice %get3A_176 {offsets = [3], sizes = [1], strides = [1]} : vector<16xf32> to vector<1xf32>
    %squeeze3A_420 = vector.extract %slice3A_419[0] : f32 from vector<1xf32>
    %slice3A_421 = vector.extract_strided_slice %get3A_180 {offsets = [3], sizes = [1], strides = [1]} : vector<16xf32> to vector<1xf32>
    %squeeze3A_422 = vector.extract %slice3A_421[0] : f32 from vector<1xf32>
    %broadcast_in_dim3A_423 = vector.broadcast %squeeze3A_420 : f32 to vector<16xf32>
    %broadcast_in_dim3A_424 = vector.broadcast %squeeze3A_422 : f32 to vector<16xf32>
    %select_n3A_425 = arith.select %eq3A_317, %broadcast_in_dim3A_423, %broadcast_in_dim3A_424 : vector<16xi1>, vector<16xf32>
    %slice3A_426 = vector.extract_strided_slice %get3A_176 {offsets = [5], sizes = [1], strides = [1]} : vector<16xf32> to vector<1xf32>
    %squeeze3A_427 = vector.extract %slice3A_426[0] : f32 from vector<1xf32>
    %slice3A_428 = vector.extract_strided_slice %get3A_180 {offsets = [5], sizes = [1], strides = [1]} : vector<16xf32> to vector<1xf32>
    %squeeze3A_429 = vector.extract %slice3A_428[0] : f32 from vector<1xf32>
    %broadcast_in_dim3A_430 = vector.broadcast %squeeze3A_427 : f32 to vector<16xf32>
    %broadcast_in_dim3A_431 = vector.broadcast %squeeze3A_429 : f32 to vector<16xf32>
    %select_n3A_432 = arith.select %eq3A_317, %broadcast_in_dim3A_430, %broadcast_in_dim3A_431 : vector<16xi1>, vector<16xf32>
    %slice3A_433 = vector.extract_strided_slice %get3A_176 {offsets = [7], sizes = [1], strides = [1]} : vector<16xf32> to vector<1xf32>
    %squeeze3A_434 = vector.extract %slice3A_433[0] : f32 from vector<1xf32>
    %slice3A_435 = vector.extract_strided_slice %get3A_180 {offsets = [7], sizes = [1], strides = [1]} : vector<16xf32> to vector<1xf32>
    %squeeze3A_436 = vector.extract %slice3A_435[0] : f32 from vector<1xf32>
    %broadcast_in_dim3A_437 = vector.broadcast %squeeze3A_434 : f32 to vector<16xf32>
    %broadcast_in_dim3A_438 = vector.broadcast %squeeze3A_436 : f32 to vector<16xf32>
    %select_n3A_439 = arith.select %eq3A_317, %broadcast_in_dim3A_437, %broadcast_in_dim3A_438 : vector<16xi1>, vector<16xf32>
    %mul3A_440 = arith.mulf %mul3A_328, %select_n3A_418 : vector<16xf32>
    %add3A_441 = arith.addf %select_n3A_411, %mul3A_440 : vector<16xf32>
    %mul3A_442 = arith.mulf %mul3A_338, %select_n3A_425 : vector<16xf32>
    %add3A_443 = arith.addf %add3A_441, %mul3A_442 : vector<16xf32>
    %mul3A_444 = arith.mulf %mul3A_349, %select_n3A_432 : vector<16xf32>
    %add3A_445 = arith.addf %add3A_443, %mul3A_444 : vector<16xf32>
    %mul3A_446 = arith.mulf %mul3A_359, %select_n3A_439 : vector<16xf32>
    %add3A_447 = arith.addf %add3A_445, %mul3A_446 : vector<16xf32>
    %swap3A_448 = arith.constant 16 : index
    %swap3A_449 = tpu.vector_load %arg27[%swap3A_448] {strides = array<i32>} : memref<128xf32, #tpu.memory_space<vmem>>, vector<16xf32>,
    tpu.vector_store %arg27[%swap3A_448], %add3A_447 {strides = array<i32>} : memref<128xf32, #tpu.memory_space<vmem>>, vector<16xf32>,
    %get3A_450 = arith.constant 32 : index
    %get3A_451 = tpu.vector_load %arg12[%get3A_450] {strides = array<i32>} : memref<128xi32, #tpu.memory_space<vmem>>, vector<16xi32>,
    %eq3A_452 = arith.constant 0 : i32
    %eq3A_453 = vector.broadcast %eq3A_452 : i32 to vector<16xi32>
    %eq3A_454 = arith.cmpi eq, %get3A_451, %eq3A_453 : vector<16xi32>
    %get3A_455 = arith.constant 32 : index
    %get3A_456 = tpu.vector_load %arg19[%get3A_455] {strides = array<i32>} : memref<128xf32, #tpu.memory_space<vmem>>, vector<16xf32>,
    %get3A_457 = arith.constant 32 : index
    %get3A_458 = tpu.vector_load %arg20[%get3A_457] {strides = array<i32>} : memref<128xf32, #tpu.memory_space<vmem>>, vector<16xf32>,
    %get3A_459 = arith.constant 32 : index
    %get3A_460 = tpu.vector_load %arg17[%get3A_459] {strides = array<i32>} : memref<128xf32, #tpu.memory_space<vmem>>, vector<16xf32>,
    %max3A_461 = arith.constant 0.000000e+00 : f32
    %max3A_462 = vector.broadcast %max3A_461 : f32 to vector<16xf32>
    %max3A_463 = arith.maximumf %get3A_456, %max3A_462 : vector<16xf32>
    %add3A_464 = arith.addf %get3A_460, %max3A_463 : vector<16xf32>
    %mul3A_465 = arith.mulf %get3A_458, %add3A_464 : vector<16xf32>
    %get3A_466 = arith.constant 32 : index
    %get3A_467 = tpu.vector_load %arg18[%get3A_466] {strides = array<i32>} : memref<128xf32, #tpu.memory_space<vmem>>, vector<16xf32>,
    %neg3A_468 = arith.constant 0.000000e+00 : f32
    %neg3A_469 = vector.broadcast %neg3A_468 : f32 to vector<16xf32>
    %neg3A_470 = arith.subf %neg3A_469, %get3A_456 : vector<16xf32>
    %max3A_471 = arith.constant 0.000000e+00 : f32
    %max3A_472 = vector.broadcast %max3A_471 : f32 to vector<16xf32>
    %max3A_473 = arith.maximumf %neg3A_470, %max3A_472 : vector<16xf32>
    %add3A_474 = arith.addf %get3A_467, %max3A_473 : vector<16xf32>
    %mul3A_475 = arith.mulf %get3A_458, %add3A_474 : vector<16xf32>
    %get3A_476 = arith.constant 32 : index
    %get3A_477 = tpu.vector_load %arg23[%get3A_476] {strides = array<i32>} : memref<128xf32, #tpu.memory_space<vmem>>, vector<16xf32>,
    %get3A_478 = arith.constant 32 : index
    %get3A_479 = tpu.vector_load %arg24[%get3A_478] {strides = array<i32>} : memref<128xf32, #tpu.memory_space<vmem>>, vector<16xf32>,
    %get3A_480 = arith.constant 32 : index
    %get3A_481 = tpu.vector_load %arg21[%get3A_480] {strides = array<i32>} : memref<128xf32, #tpu.memory_space<vmem>>, vector<16xf32>,
    %max3A_482 = arith.constant 0.000000e+00 : f32
    %max3A_483 = vector.broadcast %max3A_482 : f32 to vector<16xf32>
    %max3A_484 = arith.maximumf %get3A_477, %max3A_483 : vector<16xf32>
    %add3A_485 = arith.addf %get3A_481, %max3A_484 : vector<16xf32>
    %mul3A_486 = arith.mulf %get3A_479, %add3A_485 : vector<16xf32>
    %get3A_487 = arith.constant 32 : index
    %get3A_488 = tpu.vector_load %arg22[%get3A_487] {strides = array<i32>} : memref<128xf32, #tpu.memory_space<vmem>>, vector<16xf32>,
    %neg3A_489 = arith.constant 0.000000e+00 : f32
    %neg3A_490 = vector.broadcast %neg3A_489 : f32 to vector<16xf32>
    %neg3A_491 = arith.subf %neg3A_490, %get3A_477 : vector<16xf32>
    %max3A_492 = arith.constant 0.000000e+00 : f32
    %max3A_493 = vector.broadcast %max3A_492 : f32 to vector<16xf32>
    %max3A_494 = arith.maximumf %neg3A_491, %max3A_493 : vector<16xf32>
    %add3A_495 = arith.addf %get3A_488, %max3A_494 : vector<16xf32>
    %mul3A_496 = arith.mulf %get3A_479, %add3A_495 : vector<16xf32>
    %slice3A_497 = vector.extract_strided_slice %get3A_178 {offsets = [0], sizes = [1], strides = [1]} : vector<16xf32> to vector<1xf32>
    %squeeze3A_498 = vector.extract %slice3A_497[0] : f32 from vector<1xf32>
    %slice3A_499 = vector.extract_strided_slice %get3A_182 {offsets = [0], sizes = [1], strides = [1]} : vector<16xf32> to vector<1xf32>
    %squeeze3A_500 = vector.extract %slice3A_499[0] : f32 from vector<1xf32>
    %broadcast_in_dim3A_501 = vector.broadcast %squeeze3A_498 : f32 to vector<16xf32>
    %broadcast_in_dim3A_502 = vector.broadcast %squeeze3A_500 : f32 to vector<16xf32>
    %select_n3A_503 = arith.select %eq3A_454, %broadcast_in_dim3A_501, %broadcast_in_dim3A_502 : vector<16xi1>, vector<16xf32>
    %slice3A_504 = vector.extract_strided_slice %get3A_176 {offsets = [0], sizes = [1], strides = [1]} : vector<16xf32> to vector<1xf32>
    %squeeze3A_505 = vector.extract %slice3A_504[0] : f32 from vector<1xf32>
    %slice3A_506 = vector.extract_strided_slice %get3A_180 {offsets = [0], sizes = [1], strides = [1]} : vector<16xf32> to vector<1xf32>
    %squeeze3A_507 = vector.extract %slice3A_506[0] : f32 from vector<1xf32>
    %broadcast_in_dim3A_508 = vector.broadcast %squeeze3A_505 : f32 to vector<16xf32>
    %broadcast_in_dim3A_509 = vector.broadcast %squeeze3A_507 : f32 to vector<16xf32>
    %select_n3A_510 = arith.select %eq3A_454, %broadcast_in_dim3A_508, %broadcast_in_dim3A_509 : vector<16xi1>, vector<16xf32>
    %slice3A_511 = vector.extract_strided_slice %get3A_176 {offsets = [2], sizes = [1], strides = [1]} : vector<16xf32> to vector<1xf32>
    %squeeze3A_512 = vector.extract %slice3A_511[0] : f32 from vector<1xf32>
    %slice3A_513 = vector.extract_strided_slice %get3A_180 {offsets = [2], sizes = [1], strides = [1]} : vector<16xf32> to vector<1xf32>
    %squeeze3A_514 = vector.extract %slice3A_513[0] : f32 from vector<1xf32>
    %broadcast_in_dim3A_515 = vector.broadcast %squeeze3A_512 : f32 to vector<16xf32>
    %broadcast_in_dim3A_516 = vector.broadcast %squeeze3A_514 : f32 to vector<16xf32>
    %select_n3A_517 = arith.select %eq3A_454, %broadcast_in_dim3A_515, %broadcast_in_dim3A_516 : vector<16xi1>, vector<16xf32>
    %slice3A_518 = vector.extract_strided_slice %get3A_176 {offsets = [4], sizes = [1], strides = [1]} : vector<16xf32> to vector<1xf32>
    %squeeze3A_519 = vector.extract %slice3A_518[0] : f32 from vector<1xf32>
    %slice3A_520 = vector.extract_strided_slice %get3A_180 {offsets = [4], sizes = [1], strides = [1]} : vector<16xf32> to vector<1xf32>
    %squeeze3A_521 = vector.extract %slice3A_520[0] : f32 from vector<1xf32>
    %broadcast_in_dim3A_522 = vector.broadcast %squeeze3A_519 : f32 to vector<16xf32>
    %broadcast_in_dim3A_523 = vector.broadcast %squeeze3A_521 : f32 to vector<16xf32>
    %select_n3A_524 = arith.select %eq3A_454, %broadcast_in_dim3A_522, %broadcast_in_dim3A_523 : vector<16xi1>, vector<16xf32>
    %slice3A_525 = vector.extract_strided_slice %get3A_176 {offsets = [6], sizes = [1], strides = [1]} : vector<16xf32> to vector<1xf32>
    %squeeze3A_526 = vector.extract %slice3A_525[0] : f32 from vector<1xf32>
    %slice3A_527 = vector.extract_strided_slice %get3A_180 {offsets = [6], sizes = [1], strides = [1]} : vector<16xf32> to vector<1xf32>
    %squeeze3A_528 = vector.extract %slice3A_527[0] : f32 from vector<1xf32>
    %broadcast_in_dim3A_529 = vector.broadcast %squeeze3A_526 : f32 to vector<16xf32>
    %broadcast_in_dim3A_530 = vector.broadcast %squeeze3A_528 : f32 to vector<16xf32>
    %select_n3A_531 = arith.select %eq3A_454, %broadcast_in_dim3A_529, %broadcast_in_dim3A_530 : vector<16xi1>, vector<16xf32>
    %mul3A_532 = arith.mulf %mul3A_465, %select_n3A_510 : vector<16xf32>
    %add3A_533 = arith.addf %select_n3A_503, %mul3A_532 : vector<16xf32>
    %mul3A_534 = arith.mulf %mul3A_475, %select_n3A_517 : vector<16xf32>
    %add3A_535 = arith.addf %add3A_533, %mul3A_534 : vector<16xf32>
    %mul3A_536 = arith.mulf %mul3A_486, %select_n3A_524 : vector<16xf32>
    %add3A_537 = arith.addf %add3A_535, %mul3A_536 : vector<16xf32>
    %mul3A_538 = arith.mulf %mul3A_496, %select_n3A_531 : vector<16xf32>
    %add3A_539 = arith.addf %add3A_537, %mul3A_538 : vector<16xf32>
    %swap3A_540 = arith.constant 32 : index
    %swap3A_541 = tpu.vector_load %arg26[%swap3A_540] {strides = array<i32>} : memref<128xf32, #tpu.memory_space<vmem>>, vector<16xf32>,
    tpu.vector_store %arg26[%swap3A_540], %add3A_539 {strides = array<i32>} : memref<128xf32, #tpu.memory_space<vmem>>, vector<16xf32>,
    %slice3A_542 = vector.extract_strided_slice %get3A_178 {offsets = [1], sizes = [1], strides = [1]} : vector<16xf32> to vector<1xf32>
    %squeeze3A_543 = vector.extract %slice3A_542[0] : f32 from vector<1xf32>
    %slice3A_544 = vector.extract_strided_slice %get3A_182 {offsets = [1], sizes = [1], strides = [1]} : vector<16xf32> to vector<1xf32>
    %squeeze3A_545 = vector.extract %slice3A_544[0] : f32 from vector<1xf32>
    %broadcast_in_dim3A_546 = vector.broadcast %squeeze3A_543 : f32 to vector<16xf32>
    %broadcast_in_dim3A_547 = vector.broadcast %squeeze3A_545 : f32 to vector<16xf32>
    %select_n3A_548 = arith.select %eq3A_454, %broadcast_in_dim3A_546, %broadcast_in_dim3A_547 : vector<16xi1>, vector<16xf32>
    %slice3A_549 = vector.extract_strided_slice %get3A_176 {offsets = [1], sizes = [1], strides = [1]} : vector<16xf32> to vector<1xf32>
    %squeeze3A_550 = vector.extract %slice3A_549[0] : f32 from vector<1xf32>
    %slice3A_551 = vector.extract_strided_slice %get3A_180 {offsets = [1], sizes = [1], strides = [1]} : vector<16xf32> to vector<1xf32>
    %squeeze3A_552 = vector.extract %slice3A_551[0] : f32 from vector<1xf32>
    %broadcast_in_dim3A_553 = vector.broadcast %squeeze3A_550 : f32 to vector<16xf32>
    %broadcast_in_dim3A_554 = vector.broadcast %squeeze3A_552 : f32 to vector<16xf32>
    %select_n3A_555 = arith.select %eq3A_454, %broadcast_in_dim3A_553, %broadcast_in_dim3A_554 : vector<16xi1>, vector<16xf32>
    %slice3A_556 = vector.extract_strided_slice %get3A_176 {offsets = [3], sizes = [1], strides = [1]} : vector<16xf32> to vector<1xf32>
    %squeeze3A_557 = vector.extract %slice3A_556[0] : f32 from vector<1xf32>
    %slice3A_558 = vector.extract_strided_slice %get3A_180 {offsets = [3], sizes = [1], strides = [1]} : vector<16xf32> to vector<1xf32>
    %squeeze3A_559 = vector.extract %slice3A_558[0] : f32 from vector<1xf32>
    %broadcast_in_dim3A_560 = vector.broadcast %squeeze3A_557 : f32 to vector<16xf32>
    %broadcast_in_dim3A_561 = vector.broadcast %squeeze3A_559 : f32 to vector<16xf32>
    %select_n3A_562 = arith.select %eq3A_454, %broadcast_in_dim3A_560, %broadcast_in_dim3A_561 : vector<16xi1>, vector<16xf32>
    %slice3A_563 = vector.extract_strided_slice %get3A_176 {offsets = [5], sizes = [1], strides = [1]} : vector<16xf32> to vector<1xf32>
    %squeeze3A_564 = vector.extract %slice3A_563[0] : f32 from vector<1xf32>
    %slice3A_565 = vector.extract_strided_slice %get3A_180 {offsets = [5], sizes = [1], strides = [1]} : vector<16xf32> to vector<1xf32>
    %squeeze3A_566 = vector.extract %slice3A_565[0] : f32 from vector<1xf32>
    %broadcast_in_dim3A_567 = vector.broadcast %squeeze3A_564 : f32 to vector<16xf32>
    %broadcast_in_dim3A_568 = vector.broadcast %squeeze3A_566 : f32 to vector<16xf32>
    %select_n3A_569 = arith.select %eq3A_454, %broadcast_in_dim3A_567, %broadcast_in_dim3A_568 : vector<16xi1>, vector<16xf32>
    %slice3A_570 = vector.extract_strided_slice %get3A_176 {offsets = [7], sizes = [1], strides = [1]} : vector<16xf32> to vector<1xf32>
    %squeeze3A_571 = vector.extract %slice3A_570[0] : f32 from vector<1xf32>
    %slice3A_572 = vector.extract_strided_slice %get3A_180 {offsets = [7], sizes = [1], strides = [1]} : vector<16xf32> to vector<1xf32>
    %squeeze3A_573 = vector.extract %slice3A_572[0] : f32 from vector<1xf32>
    %broadcast_in_dim3A_574 = vector.broadcast %squeeze3A_571 : f32 to vector<16xf32>
    %broadcast_in_dim3A_575 = vector.broadcast %squeeze3A_573 : f32 to vector<16xf32>
    %select_n3A_576 = arith.select %eq3A_454, %broadcast_in_dim3A_574, %broadcast_in_dim3A_575 : vector<16xi1>, vector<16xf32>
    %mul3A_577 = arith.mulf %mul3A_465, %select_n3A_555 : vector<16xf32>
    %add3A_578 = arith.addf %select_n3A_548, %mul3A_577 : vector<16xf32>
    %mul3A_579 = arith.mulf %mul3A_475, %select_n3A_562 : vector<16xf32>
    %add3A_580 = arith.addf %add3A_578, %mul3A_579 : vector<16xf32>
    %mul3A_581 = arith.mulf %mul3A_486, %select_n3A_569 : vector<16xf32>
    %add3A_582 = arith.addf %add3A_580, %mul3A_581 : vector<16xf32>
    %mul3A_583 = arith.mulf %mul3A_496, %select_n3A_576 : vector<16xf32>
    %add3A_584 = arith.addf %add3A_582, %mul3A_583 : vector<16xf32>
    %swap3A_585 = arith.constant 32 : index
    %swap3A_586 = tpu.vector_load %arg27[%swap3A_585] {strides = array<i32>} : memref<128xf32, #tpu.memory_space<vmem>>, vector<16xf32>,
    tpu.vector_store %arg27[%swap3A_585], %add3A_584 {strides = array<i32>} : memref<128xf32, #tpu.memory_space<vmem>>, vector<16xf32>,
    %get3A_587 = arith.constant 48 : index
    %get3A_588 = tpu.vector_load %arg12[%get3A_587] {strides = array<i32>} : memref<128xi32, #tpu.memory_space<vmem>>, vector<16xi32>,
    %eq3A_589 = arith.constant 0 : i32
    %eq3A_590 = vector.broadcast %eq3A_589 : i32 to vector<16xi32>
    %eq3A_591 = arith.cmpi eq, %get3A_588, %eq3A_590 : vector<16xi32>
    %get3A_592 = arith.constant 48 : index
    %get3A_593 = tpu.vector_load %arg19[%get3A_592] {strides = array<i32>} : memref<128xf32, #tpu.memory_space<vmem>>, vector<16xf32>,
    %get3A_594 = arith.constant 48 : index
    %get3A_595 = tpu.vector_load %arg20[%get3A_594] {strides = array<i32>} : memref<128xf32, #tpu.memory_space<vmem>>, vector<16xf32>,
    %get3A_596 = arith.constant 48 : index
    %get3A_597 = tpu.vector_load %arg17[%get3A_596] {strides = array<i32>} : memref<128xf32, #tpu.memory_space<vmem>>, vector<16xf32>,
    %max3A_598 = arith.constant 0.000000e+00 : f32
    %max3A_599 = vector.broadcast %max3A_598 : f32 to vector<16xf32>
    %max3A_600 = arith.maximumf %get3A_593, %max3A_599 : vector<16xf32>
    %add3A_601 = arith.addf %get3A_597, %max3A_600 : vector<16xf32>
    %mul3A_602 = arith.mulf %get3A_595, %add3A_601 : vector<16xf32>
    %get3A_603 = arith.constant 48 : index
    %get3A_604 = tpu.vector_load %arg18[%get3A_603] {strides = array<i32>} : memref<128xf32, #tpu.memory_space<vmem>>, vector<16xf32>,
    %neg3A_605 = arith.constant 0.000000e+00 : f32
    %neg3A_606 = vector.broadcast %neg3A_605 : f32 to vector<16xf32>
    %neg3A_607 = arith.subf %neg3A_606, %get3A_593 : vector<16xf32>
    %max3A_608 = arith.constant 0.000000e+00 : f32
    %max3A_609 = vector.broadcast %max3A_608 : f32 to vector<16xf32>
    %max3A_610 = arith.maximumf %neg3A_607, %max3A_609 : vector<16xf32>
    %add3A_611 = arith.addf %get3A_604, %max3A_610 : vector<16xf32>
    %mul3A_612 = arith.mulf %get3A_595, %add3A_611 : vector<16xf32>
    %get3A_613 = arith.constant 48 : index
    %get3A_614 = tpu.vector_load %arg23[%get3A_613] {strides = array<i32>} : memref<128xf32, #tpu.memory_space<vmem>>, vector<16xf32>,
    %get3A_615 = arith.constant 48 : index
    %get3A_616 = tpu.vector_load %arg24[%get3A_615] {strides = array<i32>} : memref<128xf32, #tpu.memory_space<vmem>>, vector<16xf32>,
    %get3A_617 = arith.constant 48 : index
    %get3A_618 = tpu.vector_load %arg21[%get3A_617] {strides = array<i32>} : memref<128xf32, #tpu.memory_space<vmem>>, vector<16xf32>,
    %max3A_619 = arith.constant 0.000000e+00 : f32
    %max3A_620 = vector.broadcast %max3A_619 : f32 to vector<16xf32>
    %max3A_621 = arith.maximumf %get3A_614, %max3A_620 : vector<16xf32>
    %add3A_622 = arith.addf %get3A_618, %max3A_621 : vector<16xf32>
    %mul3A_623 = arith.mulf %get3A_616, %add3A_622 : vector<16xf32>
    %get3A_624 = arith.constant 48 : index
    %get3A_625 = tpu.vector_load %arg22[%get3A_624] {strides = array<i32>} : memref<128xf32, #tpu.memory_space<vmem>>, vector<16xf32>,
    %neg3A_626 = arith.constant 0.000000e+00 : f32
    %neg3A_627 = vector.broadcast %neg3A_626 : f32 to vector<16xf32>
    %neg3A_628 = arith.subf %neg3A_627, %get3A_614 : vector<16xf32>
    %max3A_629 = arith.constant 0.000000e+00 : f32
    %max3A_630 = vector.broadcast %max3A_629 : f32 to vector<16xf32>
    %max3A_631 = arith.maximumf %neg3A_628, %max3A_630 : vector<16xf32>
    %add3A_632 = arith.addf %get3A_625, %max3A_631 : vector<16xf32>
    %mul3A_633 = arith.mulf %get3A_616, %add3A_632 : vector<16xf32>
    %slice3A_634 = vector.extract_strided_slice %get3A_178 {offsets = [0], sizes = [1], strides = [1]} : vector<16xf32> to vector<1xf32>
    %squeeze3A_635 = vector.extract %slice3A_634[0] : f32 from vector<1xf32>
    %slice3A_636 = vector.extract_strided_slice %get3A_182 {offsets = [0], sizes = [1], strides = [1]} : vector<16xf32> to vector<1xf32>
    %squeeze3A_637 = vector.extract %slice3A_636[0] : f32 from vector<1xf32>
    %broadcast_in_dim3A_638 = vector.broadcast %squeeze3A_635 : f32 to vector<16xf32>
    %broadcast_in_dim3A_639 = vector.broadcast %squeeze3A_637 : f32 to vector<16xf32>
    %select_n3A_640 = arith.select %eq3A_591, %broadcast_in_dim3A_638, %broadcast_in_dim3A_639 : vector<16xi1>, vector<16xf32>
    %slice3A_641 = vector.extract_strided_slice %get3A_176 {offsets = [0], sizes = [1], strides = [1]} : vector<16xf32> to vector<1xf32>
    %squeeze3A_642 = vector.extract %slice3A_641[0] : f32 from vector<1xf32>
    %slice3A_643 = vector.extract_strided_slice %get3A_180 {offsets = [0], sizes = [1], strides = [1]} : vector<16xf32> to vector<1xf32>
    %squeeze3A_644 = vector.extract %slice3A_643[0] : f32 from vector<1xf32>
    %broadcast_in_dim3A_645 = vector.broadcast %squeeze3A_642 : f32 to vector<16xf32>
    %broadcast_in_dim3A_646 = vector.broadcast %squeeze3A_644 : f32 to vector<16xf32>
    %select_n3A_647 = arith.select %eq3A_591, %broadcast_in_dim3A_645, %broadcast_in_dim3A_646 : vector<16xi1>, vector<16xf32>
    %slice3A_648 = vector.extract_strided_slice %get3A_176 {offsets = [2], sizes = [1], strides = [1]} : vector<16xf32> to vector<1xf32>
    %squeeze3A_649 = vector.extract %slice3A_648[0] : f32 from vector<1xf32>
    %slice3A_650 = vector.extract_strided_slice %get3A_180 {offsets = [2], sizes = [1], strides = [1]} : vector<16xf32> to vector<1xf32>
    %squeeze3A_651 = vector.extract %slice3A_650[0] : f32 from vector<1xf32>
    %broadcast_in_dim3A_652 = vector.broadcast %squeeze3A_649 : f32 to vector<16xf32>
    %broadcast_in_dim3A_653 = vector.broadcast %squeeze3A_651 : f32 to vector<16xf32>
    %select_n3A_654 = arith.select %eq3A_591, %broadcast_in_dim3A_652, %broadcast_in_dim3A_653 : vector<16xi1>, vector<16xf32>
    %slice3A_655 = vector.extract_strided_slice %get3A_176 {offsets = [4], sizes = [1], strides = [1]} : vector<16xf32> to vector<1xf32>
    %squeeze3A_656 = vector.extract %slice3A_655[0] : f32 from vector<1xf32>
    %slice3A_657 = vector.extract_strided_slice %get3A_180 {offsets = [4], sizes = [1], strides = [1]} : vector<16xf32> to vector<1xf32>
    %squeeze3A_658 = vector.extract %slice3A_657[0] : f32 from vector<1xf32>
    %broadcast_in_dim3A_659 = vector.broadcast %squeeze3A_656 : f32 to vector<16xf32>
    %broadcast_in_dim3A_660 = vector.broadcast %squeeze3A_658 : f32 to vector<16xf32>
    %select_n3A_661 = arith.select %eq3A_591, %broadcast_in_dim3A_659, %broadcast_in_dim3A_660 : vector<16xi1>, vector<16xf32>
    %slice3A_662 = vector.extract_strided_slice %get3A_176 {offsets = [6], sizes = [1], strides = [1]} : vector<16xf32> to vector<1xf32>
    %squeeze3A_663 = vector.extract %slice3A_662[0] : f32 from vector<1xf32>
    %slice3A_664 = vector.extract_strided_slice %get3A_180 {offsets = [6], sizes = [1], strides = [1]} : vector<16xf32> to vector<1xf32>
    %squeeze3A_665 = vector.extract %slice3A_664[0] : f32 from vector<1xf32>
    %broadcast_in_dim3A_666 = vector.broadcast %squeeze3A_663 : f32 to vector<16xf32>
    %broadcast_in_dim3A_667 = vector.broadcast %squeeze3A_665 : f32 to vector<16xf32>
    %select_n3A_668 = arith.select %eq3A_591, %broadcast_in_dim3A_666, %broadcast_in_dim3A_667 : vector<16xi1>, vector<16xf32>
    %mul3A_669 = arith.mulf %mul3A_602, %select_n3A_647 : vector<16xf32>
    %add3A_670 = arith.addf %select_n3A_640, %mul3A_669 : vector<16xf32>
    %mul3A_671 = arith.mulf %mul3A_612, %select_n3A_654 : vector<16xf32>
    %add3A_672 = arith.addf %add3A_670, %mul3A_671 : vector<16xf32>
    %mul3A_673 = arith.mulf %mul3A_623, %select_n3A_661 : vector<16xf32>
    %add3A_674 = arith.addf %add3A_672, %mul3A_673 : vector<16xf32>
    %mul3A_675 = arith.mulf %mul3A_633, %select_n3A_668 : vector<16xf32>
    %add3A_676 = arith.addf %add3A_674, %mul3A_675 : vector<16xf32>
    %swap3A_677 = arith.constant 48 : index
    %swap3A_678 = tpu.vector_load %arg26[%swap3A_677] {strides = array<i32>} : memref<128xf32, #tpu.memory_space<vmem>>, vector<16xf32>,
    tpu.vector_store %arg26[%swap3A_677], %add3A_676 {strides = array<i32>} : memref<128xf32, #tpu.memory_space<vmem>>, vector<16xf32>,
    %slice3A_679 = vector.extract_strided_slice %get3A_178 {offsets = [1], sizes = [1], strides = [1]} : vector<16xf32> to vector<1xf32>
    %squeeze3A_680 = vector.extract %slice3A_679[0] : f32 from vector<1xf32>
    %slice3A_681 = vector.extract_strided_slice %get3A_182 {offsets = [1], sizes = [1], strides = [1]} : vector<16xf32> to vector<1xf32>
    %squeeze3A_682 = vector.extract %slice3A_681[0] : f32 from vector<1xf32>
    %broadcast_in_dim3A_683 = vector.broadcast %squeeze3A_680 : f32 to vector<16xf32>
    %broadcast_in_dim3A_684 = vector.broadcast %squeeze3A_682 : f32 to vector<16xf32>
    %select_n3A_685 = arith.select %eq3A_591, %broadcast_in_dim3A_683, %broadcast_in_dim3A_684 : vector<16xi1>, vector<16xf32>
    %slice3A_686 = vector.extract_strided_slice %get3A_176 {offsets = [1], sizes = [1], strides = [1]} : vector<16xf32> to vector<1xf32>
    %squeeze3A_687 = vector.extract %slice3A_686[0] : f32 from vector<1xf32>
    %slice3A_688 = vector.extract_strided_slice %get3A_180 {offsets = [1], sizes = [1], strides = [1]} : vector<16xf32> to vector<1xf32>
    %squeeze3A_689 = vector.extract %slice3A_688[0] : f32 from vector<1xf32>
    %broadcast_in_dim3A_690 = vector.broadcast %squeeze3A_687 : f32 to vector<16xf32>
    %broadcast_in_dim3A_691 = vector.broadcast %squeeze3A_689 : f32 to vector<16xf32>
    %select_n3A_692 = arith.select %eq3A_591, %broadcast_in_dim3A_690, %broadcast_in_dim3A_691 : vector<16xi1>, vector<16xf32>
    %slice3A_693 = vector.extract_strided_slice %get3A_176 {offsets = [3], sizes = [1], strides = [1]} : vector<16xf32> to vector<1xf32>
    %squeeze3A_694 = vector.extract %slice3A_693[0] : f32 from vector<1xf32>
    %slice3A_695 = vector.extract_strided_slice %get3A_180 {offsets = [3], sizes = [1], strides = [1]} : vector<16xf32> to vector<1xf32>
    %squeeze3A_696 = vector.extract %slice3A_695[0] : f32 from vector<1xf32>
    %broadcast_in_dim3A_697 = vector.broadcast %squeeze3A_694 : f32 to vector<16xf32>
    %broadcast_in_dim3A_698 = vector.broadcast %squeeze3A_696 : f32 to vector<16xf32>
    %select_n3A_699 = arith.select %eq3A_591, %broadcast_in_dim3A_697, %broadcast_in_dim3A_698 : vector<16xi1>, vector<16xf32>
    %slice3A_700 = vector.extract_strided_slice %get3A_176 {offsets = [5], sizes = [1], strides = [1]} : vector<16xf32> to vector<1xf32>
    %squeeze3A_701 = vector.extract %slice3A_700[0] : f32 from vector<1xf32>
    %slice3A_702 = vector.extract_strided_slice %get3A_180 {offsets = [5], sizes = [1], strides = [1]} : vector<16xf32> to vector<1xf32>
    %squeeze3A_703 = vector.extract %slice3A_702[0] : f32 from vector<1xf32>
    %broadcast_in_dim3A_704 = vector.broadcast %squeeze3A_701 : f32 to vector<16xf32>
    %broadcast_in_dim3A_705 = vector.broadcast %squeeze3A_703 : f32 to vector<16xf32>
    %select_n3A_706 = arith.select %eq3A_591, %broadcast_in_dim3A_704, %broadcast_in_dim3A_705 : vector<16xi1>, vector<16xf32>
    %slice3A_707 = vector.extract_strided_slice %get3A_176 {offsets = [7], sizes = [1], strides = [1]} : vector<16xf32> to vector<1xf32>
    %squeeze3A_708 = vector.extract %slice3A_707[0] : f32 from vector<1xf32>
    %slice3A_709 = vector.extract_strided_slice %get3A_180 {offsets = [7], sizes = [1], strides = [1]} : vector<16xf32> to vector<1xf32>
    %squeeze3A_710 = vector.extract %slice3A_709[0] : f32 from vector<1xf32>
    %broadcast_in_dim3A_711 = vector.broadcast %squeeze3A_708 : f32 to vector<16xf32>
    %broadcast_in_dim3A_712 = vector.broadcast %squeeze3A_710 : f32 to vector<16xf32>
    %select_n3A_713 = arith.select %eq3A_591, %broadcast_in_dim3A_711, %broadcast_in_dim3A_712 : vector<16xi1>, vector<16xf32>
    %mul3A_714 = arith.mulf %mul3A_602, %select_n3A_692 : vector<16xf32>
    %add3A_715 = arith.addf %select_n3A_685, %mul3A_714 : vector<16xf32>
    %mul3A_716 = arith.mulf %mul3A_612, %select_n3A_699 : vector<16xf32>
    %add3A_717 = arith.addf %add3A_715, %mul3A_716 : vector<16xf32>
    %mul3A_718 = arith.mulf %mul3A_623, %select_n3A_706 : vector<16xf32>
    %add3A_719 = arith.addf %add3A_717, %mul3A_718 : vector<16xf32>
    %mul3A_720 = arith.mulf %mul3A_633, %select_n3A_713 : vector<16xf32>
    %add3A_721 = arith.addf %add3A_719, %mul3A_720 : vector<16xf32>
    %swap3A_722 = arith.constant 48 : index
    %swap3A_723 = tpu.vector_load %arg27[%swap3A_722] {strides = array<i32>} : memref<128xf32, #tpu.memory_space<vmem>>, vector<16xf32>,
    tpu.vector_store %arg27[%swap3A_722], %add3A_721 {strides = array<i32>} : memref<128xf32, #tpu.memory_space<vmem>>, vector<16xf32>,
    %get3A_724 = arith.constant 64 : index
    %get3A_725 = tpu.vector_load %arg12[%get3A_724] {strides = array<i32>} : memref<128xi32, #tpu.memory_space<vmem>>, vector<16xi32>,
    %eq3A_726 = arith.constant 0 : i32
    %eq3A_727 = vector.broadcast %eq3A_726 : i32 to vector<16xi32>
    %eq3A_728 = arith.cmpi eq, %get3A_725, %eq3A_727 : vector<16xi32>
    %get3A_729 = arith.constant 64 : index
    %get3A_730 = tpu.vector_load %arg19[%get3A_729] {strides = array<i32>} : memref<128xf32, #tpu.memory_space<vmem>>, vector<16xf32>,
    %get3A_731 = arith.constant 64 : index
    %get3A_732 = tpu.vector_load %arg20[%get3A_731] {strides = array<i32>} : memref<128xf32, #tpu.memory_space<vmem>>, vector<16xf32>,
    %get3A_733 = arith.constant 64 : index
    %get3A_734 = tpu.vector_load %arg17[%get3A_733] {strides = array<i32>} : memref<128xf32, #tpu.memory_space<vmem>>, vector<16xf32>,
    %max3A_735 = arith.constant 0.000000e+00 : f32
    %max3A_736 = vector.broadcast %max3A_735 : f32 to vector<16xf32>
    %max3A_737 = arith.maximumf %get3A_730, %max3A_736 : vector<16xf32>
    %add3A_738 = arith.addf %get3A_734, %max3A_737 : vector<16xf32>
    %mul3A_739 = arith.mulf %get3A_732, %add3A_738 : vector<16xf32>
    %get3A_740 = arith.constant 64 : index
    %get3A_741 = tpu.vector_load %arg18[%get3A_740] {strides = array<i32>} : memref<128xf32, #tpu.memory_space<vmem>>, vector<16xf32>,
    %neg3A_742 = arith.constant 0.000000e+00 : f32
    %neg3A_743 = vector.broadcast %neg3A_742 : f32 to vector<16xf32>
    %neg3A_744 = arith.subf %neg3A_743, %get3A_730 : vector<16xf32>
    %max3A_745 = arith.constant 0.000000e+00 : f32
    %max3A_746 = vector.broadcast %max3A_745 : f32 to vector<16xf32>
    %max3A_747 = arith.maximumf %neg3A_744, %max3A_746 : vector<16xf32>
    %add3A_748 = arith.addf %get3A_741, %max3A_747 : vector<16xf32>
    %mul3A_749 = arith.mulf %get3A_732, %add3A_748 : vector<16xf32>
    %get3A_750 = arith.constant 64 : index
    %get3A_751 = tpu.vector_load %arg23[%get3A_750] {strides = array<i32>} : memref<128xf32, #tpu.memory_space<vmem>>, vector<16xf32>,
    %get3A_752 = arith.constant 64 : index
    %get3A_753 = tpu.vector_load %arg24[%get3A_752] {strides = array<i32>} : memref<128xf32, #tpu.memory_space<vmem>>, vector<16xf32>,
    %get3A_754 = arith.constant 64 : index
    %get3A_755 = tpu.vector_load %arg21[%get3A_754] {strides = array<i32>} : memref<128xf32, #tpu.memory_space<vmem>>, vector<16xf32>,
    %max3A_756 = arith.constant 0.000000e+00 : f32
    %max3A_757 = vector.broadcast %max3A_756 : f32 to vector<16xf32>
    %max3A_758 = arith.maximumf %get3A_751, %max3A_757 : vector<16xf32>
    %add3A_759 = arith.addf %get3A_755, %max3A_758 : vector<16xf32>
    %mul3A_760 = arith.mulf %get3A_753, %add3A_759 : vector<16xf32>
    %get3A_761 = arith.constant 64 : index
    %get3A_762 = tpu.vector_load %arg22[%get3A_761] {strides = array<i32>} : memref<128xf32, #tpu.memory_space<vmem>>, vector<16xf32>,
    %neg3A_763 = arith.constant 0.000000e+00 : f32
    %neg3A_764 = vector.broadcast %neg3A_763 : f32 to vector<16xf32>
    %neg3A_765 = arith.subf %neg3A_764, %get3A_751 : vector<16xf32>
    %max3A_766 = arith.constant 0.000000e+00 : f32
    %max3A_767 = vector.broadcast %max3A_766 : f32 to vector<16xf32>
    %max3A_768 = arith.maximumf %neg3A_765, %max3A_767 : vector<16xf32>
    %add3A_769 = arith.addf %get3A_762, %max3A_768 : vector<16xf32>
    %mul3A_770 = arith.mulf %get3A_753, %add3A_769 : vector<16xf32>
    %slice3A_771 = vector.extract_strided_slice %get3A_178 {offsets = [0], sizes = [1], strides = [1]} : vector<16xf32> to vector<1xf32>
    %squeeze3A_772 = vector.extract %slice3A_771[0] : f32 from vector<1xf32>
    %slice3A_773 = vector.extract_strided_slice %get3A_182 {offsets = [0], sizes = [1], strides = [1]} : vector<16xf32> to vector<1xf32>
    %squeeze3A_774 = vector.extract %slice3A_773[0] : f32 from vector<1xf32>
    %broadcast_in_dim3A_775 = vector.broadcast %squeeze3A_772 : f32 to vector<16xf32>
    %broadcast_in_dim3A_776 = vector.broadcast %squeeze3A_774 : f32 to vector<16xf32>
    %select_n3A_777 = arith.select %eq3A_728, %broadcast_in_dim3A_775, %broadcast_in_dim3A_776 : vector<16xi1>, vector<16xf32>
    %slice3A_778 = vector.extract_strided_slice %get3A_176 {offsets = [0], sizes = [1], strides = [1]} : vector<16xf32> to vector<1xf32>
    %squeeze3A_779 = vector.extract %slice3A_778[0] : f32 from vector<1xf32>
    %slice3A_780 = vector.extract_strided_slice %get3A_180 {offsets = [0], sizes = [1], strides = [1]} : vector<16xf32> to vector<1xf32>
    %squeeze3A_781 = vector.extract %slice3A_780[0] : f32 from vector<1xf32>
    %broadcast_in_dim3A_782 = vector.broadcast %squeeze3A_779 : f32 to vector<16xf32>
    %broadcast_in_dim3A_783 = vector.broadcast %squeeze3A_781 : f32 to vector<16xf32>
    %select_n3A_784 = arith.select %eq3A_728, %broadcast_in_dim3A_782, %broadcast_in_dim3A_783 : vector<16xi1>, vector<16xf32>
    %slice3A_785 = vector.extract_strided_slice %get3A_176 {offsets = [2], sizes = [1], strides = [1]} : vector<16xf32> to vector<1xf32>
    %squeeze3A_786 = vector.extract %slice3A_785[0] : f32 from vector<1xf32>
    %slice3A_787 = vector.extract_strided_slice %get3A_180 {offsets = [2], sizes = [1], strides = [1]} : vector<16xf32> to vector<1xf32>
    %squeeze3A_788 = vector.extract %slice3A_787[0] : f32 from vector<1xf32>
    %broadcast_in_dim3A_789 = vector.broadcast %squeeze3A_786 : f32 to vector<16xf32>
    %broadcast_in_dim3A_790 = vector.broadcast %squeeze3A_788 : f32 to vector<16xf32>
    %select_n3A_791 = arith.select %eq3A_728, %broadcast_in_dim3A_789, %broadcast_in_dim3A_790 : vector<16xi1>, vector<16xf32>
    %slice3A_792 = vector.extract_strided_slice %get3A_176 {offsets = [4], sizes = [1], strides = [1]} : vector<16xf32> to vector<1xf32>
    %squeeze3A_793 = vector.extract %slice3A_792[0] : f32 from vector<1xf32>
    %slice3A_794 = vector.extract_strided_slice %get3A_180 {offsets = [4], sizes = [1], strides = [1]} : vector<16xf32> to vector<1xf32>
    %squeeze3A_795 = vector.extract %slice3A_794[0] : f32 from vector<1xf32>
    %broadcast_in_dim3A_796 = vector.broadcast %squeeze3A_793 : f32 to vector<16xf32>
    %broadcast_in_dim3A_797 = vector.broadcast %squeeze3A_795 : f32 to vector<16xf32>
    %select_n3A_798 = arith.select %eq3A_728, %broadcast_in_dim3A_796, %broadcast_in_dim3A_797 : vector<16xi1>, vector<16xf32>
    %slice3A_799 = vector.extract_strided_slice %get3A_176 {offsets = [6], sizes = [1], strides = [1]} : vector<16xf32> to vector<1xf32>
    %squeeze3A_800 = vector.extract %slice3A_799[0] : f32 from vector<1xf32>
    %slice3A_801 = vector.extract_strided_slice %get3A_180 {offsets = [6], sizes = [1], strides = [1]} : vector<16xf32> to vector<1xf32>
    %squeeze3A_802 = vector.extract %slice3A_801[0] : f32 from vector<1xf32>
    %broadcast_in_dim3A_803 = vector.broadcast %squeeze3A_800 : f32 to vector<16xf32>
    %broadcast_in_dim3A_804 = vector.broadcast %squeeze3A_802 : f32 to vector<16xf32>
    %select_n3A_805 = arith.select %eq3A_728, %broadcast_in_dim3A_803, %broadcast_in_dim3A_804 : vector<16xi1>, vector<16xf32>
    %mul3A_806 = arith.mulf %mul3A_739, %select_n3A_784 : vector<16xf32>
    %add3A_807 = arith.addf %select_n3A_777, %mul3A_806 : vector<16xf32>
    %mul3A_808 = arith.mulf %mul3A_749, %select_n3A_791 : vector<16xf32>
    %add3A_809 = arith.addf %add3A_807, %mul3A_808 : vector<16xf32>
    %mul3A_810 = arith.mulf %mul3A_760, %select_n3A_798 : vector<16xf32>
    %add3A_811 = arith.addf %add3A_809, %mul3A_810 : vector<16xf32>
    %mul3A_812 = arith.mulf %mul3A_770, %select_n3A_805 : vector<16xf32>
    %add3A_813 = arith.addf %add3A_811, %mul3A_812 : vector<16xf32>
    %swap3A_814 = arith.constant 64 : index
    %swap3A_815 = tpu.vector_load %arg26[%swap3A_814] {strides = array<i32>} : memref<128xf32, #tpu.memory_space<vmem>>, vector<16xf32>,
    tpu.vector_store %arg26[%swap3A_814], %add3A_813 {strides = array<i32>} : memref<128xf32, #tpu.memory_space<vmem>>, vector<16xf32>,
    %slice3A_816 = vector.extract_strided_slice %get3A_178 {offsets = [1], sizes = [1], strides = [1]} : vector<16xf32> to vector<1xf32>
    %squeeze3A_817 = vector.extract %slice3A_816[0] : f32 from vector<1xf32>
    %slice3A_818 = vector.extract_strided_slice %get3A_182 {offsets = [1], sizes = [1], strides = [1]} : vector<16xf32> to vector<1xf32>
    %squeeze3A_819 = vector.extract %slice3A_818[0] : f32 from vector<1xf32>
    %broadcast_in_dim3A_820 = vector.broadcast %squeeze3A_817 : f32 to vector<16xf32>
    %broadcast_in_dim3A_821 = vector.broadcast %squeeze3A_819 : f32 to vector<16xf32>
    %select_n3A_822 = arith.select %eq3A_728, %broadcast_in_dim3A_820, %broadcast_in_dim3A_821 : vector<16xi1>, vector<16xf32>
    %slice3A_823 = vector.extract_strided_slice %get3A_176 {offsets = [1], sizes = [1], strides = [1]} : vector<16xf32> to vector<1xf32>
    %squeeze3A_824 = vector.extract %slice3A_823[0] : f32 from vector<1xf32>
    %slice3A_825 = vector.extract_strided_slice %get3A_180 {offsets = [1], sizes = [1], strides = [1]} : vector<16xf32> to vector<1xf32>
    %squeeze3A_826 = vector.extract %slice3A_825[0] : f32 from vector<1xf32>
    %broadcast_in_dim3A_827 = vector.broadcast %squeeze3A_824 : f32 to vector<16xf32>
    %broadcast_in_dim3A_828 = vector.broadcast %squeeze3A_826 : f32 to vector<16xf32>
    %select_n3A_829 = arith.select %eq3A_728, %broadcast_in_dim3A_827, %broadcast_in_dim3A_828 : vector<16xi1>, vector<16xf32>
    %slice3A_830 = vector.extract_strided_slice %get3A_176 {offsets = [3], sizes = [1], strides = [1]} : vector<16xf32> to vector<1xf32>
    %squeeze3A_831 = vector.extract %slice3A_830[0] : f32 from vector<1xf32>
    %slice3A_832 = vector.extract_strided_slice %get3A_180 {offsets = [3], sizes = [1], strides = [1]} : vector<16xf32> to vector<1xf32>
    %squeeze3A_833 = vector.extract %slice3A_832[0] : f32 from vector<1xf32>
    %broadcast_in_dim3A_834 = vector.broadcast %squeeze3A_831 : f32 to vector<16xf32>
    %broadcast_in_dim3A_835 = vector.broadcast %squeeze3A_833 : f32 to vector<16xf32>
    %select_n3A_836 = arith.select %eq3A_728, %broadcast_in_dim3A_834, %broadcast_in_dim3A_835 : vector<16xi1>, vector<16xf32>
    %slice3A_837 = vector.extract_strided_slice %get3A_176 {offsets = [5], sizes = [1], strides = [1]} : vector<16xf32> to vector<1xf32>
    %squeeze3A_838 = vector.extract %slice3A_837[0] : f32 from vector<1xf32>
    %slice3A_839 = vector.extract_strided_slice %get3A_180 {offsets = [5], sizes = [1], strides = [1]} : vector<16xf32> to vector<1xf32>
    %squeeze3A_840 = vector.extract %slice3A_839[0] : f32 from vector<1xf32>
    %broadcast_in_dim3A_841 = vector.broadcast %squeeze3A_838 : f32 to vector<16xf32>
    %broadcast_in_dim3A_842 = vector.broadcast %squeeze3A_840 : f32 to vector<16xf32>
    %select_n3A_843 = arith.select %eq3A_728, %broadcast_in_dim3A_841, %broadcast_in_dim3A_842 : vector<16xi1>, vector<16xf32>
    %slice3A_844 = vector.extract_strided_slice %get3A_176 {offsets = [7], sizes = [1], strides = [1]} : vector<16xf32> to vector<1xf32>
    %squeeze3A_845 = vector.extract %slice3A_844[0] : f32 from vector<1xf32>
    %slice3A_846 = vector.extract_strided_slice %get3A_180 {offsets = [7], sizes = [1], strides = [1]} : vector<16xf32> to vector<1xf32>
    %squeeze3A_847 = vector.extract %slice3A_846[0] : f32 from vector<1xf32>
    %broadcast_in_dim3A_848 = vector.broadcast %squeeze3A_845 : f32 to vector<16xf32>
    %broadcast_in_dim3A_849 = vector.broadcast %squeeze3A_847 : f32 to vector<16xf32>
    %select_n3A_850 = arith.select %eq3A_728, %broadcast_in_dim3A_848, %broadcast_in_dim3A_849 : vector<16xi1>, vector<16xf32>
    %mul3A_851 = arith.mulf %mul3A_739, %select_n3A_829 : vector<16xf32>
    %add3A_852 = arith.addf %select_n3A_822, %mul3A_851 : vector<16xf32>
    %mul3A_853 = arith.mulf %mul3A_749, %select_n3A_836 : vector<16xf32>
    %add3A_854 = arith.addf %add3A_852, %mul3A_853 : vector<16xf32>
    %mul3A_855 = arith.mulf %mul3A_760, %select_n3A_843 : vector<16xf32>
    %add3A_856 = arith.addf %add3A_854, %mul3A_855 : vector<16xf32>
    %mul3A_857 = arith.mulf %mul3A_770, %select_n3A_850 : vector<16xf32>
    %add3A_858 = arith.addf %add3A_856, %mul3A_857 : vector<16xf32>
    %swap3A_859 = arith.constant 64 : index
    %swap3A_860 = tpu.vector_load %arg27[%swap3A_859] {strides = array<i32>} : memref<128xf32, #tpu.memory_space<vmem>>, vector<16xf32>,
    tpu.vector_store %arg27[%swap3A_859], %add3A_858 {strides = array<i32>} : memref<128xf32, #tpu.memory_space<vmem>>, vector<16xf32>,
    %get3A_861 = arith.constant 80 : index
    %get3A_862 = tpu.vector_load %arg12[%get3A_861] {strides = array<i32>} : memref<128xi32, #tpu.memory_space<vmem>>, vector<16xi32>,
    %eq3A_863 = arith.constant 0 : i32
    %eq3A_864 = vector.broadcast %eq3A_863 : i32 to vector<16xi32>
    %eq3A_865 = arith.cmpi eq, %get3A_862, %eq3A_864 : vector<16xi32>
    %get3A_866 = arith.constant 80 : index
    %get3A_867 = tpu.vector_load %arg19[%get3A_866] {strides = array<i32>} : memref<128xf32, #tpu.memory_space<vmem>>, vector<16xf32>,
    %get3A_868 = arith.constant 80 : index
    %get3A_869 = tpu.vector_load %arg20[%get3A_868] {strides = array<i32>} : memref<128xf32, #tpu.memory_space<vmem>>, vector<16xf32>,
    %get3A_870 = arith.constant 80 : index
    %get3A_871 = tpu.vector_load %arg17[%get3A_870] {strides = array<i32>} : memref<128xf32, #tpu.memory_space<vmem>>, vector<16xf32>,
    %max3A_872 = arith.constant 0.000000e+00 : f32
    %max3A_873 = vector.broadcast %max3A_872 : f32 to vector<16xf32>
    %max3A_874 = arith.maximumf %get3A_867, %max3A_873 : vector<16xf32>
    %add3A_875 = arith.addf %get3A_871, %max3A_874 : vector<16xf32>
    %mul3A_876 = arith.mulf %get3A_869, %add3A_875 : vector<16xf32>
    %get3A_877 = arith.constant 80 : index
    %get3A_878 = tpu.vector_load %arg18[%get3A_877] {strides = array<i32>} : memref<128xf32, #tpu.memory_space<vmem>>, vector<16xf32>,
    %neg3A_879 = arith.constant 0.000000e+00 : f32
    %neg3A_880 = vector.broadcast %neg3A_879 : f32 to vector<16xf32>
    %neg3A_881 = arith.subf %neg3A_880, %get3A_867 : vector<16xf32>
    %max3A_882 = arith.constant 0.000000e+00 : f32
    %max3A_883 = vector.broadcast %max3A_882 : f32 to vector<16xf32>
    %max3A_884 = arith.maximumf %neg3A_881, %max3A_883 : vector<16xf32>
    %add3A_885 = arith.addf %get3A_878, %max3A_884 : vector<16xf32>
    %mul3A_886 = arith.mulf %get3A_869, %add3A_885 : vector<16xf32>
    %get3A_887 = arith.constant 80 : index
    %get3A_888 = tpu.vector_load %arg23[%get3A_887] {strides = array<i32>} : memref<128xf32, #tpu.memory_space<vmem>>, vector<16xf32>,
    %get3A_889 = arith.constant 80 : index
    %get3A_890 = tpu.vector_load %arg24[%get3A_889] {strides = array<i32>} : memref<128xf32, #tpu.memory_space<vmem>>, vector<16xf32>,
    %get3A_891 = arith.constant 80 : index
    %get3A_892 = tpu.vector_load %arg21[%get3A_891] {strides = array<i32>} : memref<128xf32, #tpu.memory_space<vmem>>, vector<16xf32>,
    %max3A_893 = arith.constant 0.000000e+00 : f32
    %max3A_894 = vector.broadcast %max3A_893 : f32 to vector<16xf32>
    %max3A_895 = arith.maximumf %get3A_888, %max3A_894 : vector<16xf32>
    %add3A_896 = arith.addf %get3A_892, %max3A_895 : vector<16xf32>
    %mul3A_897 = arith.mulf %get3A_890, %add3A_896 : vector<16xf32>
    %get3A_898 = arith.constant 80 : index
    %get3A_899 = tpu.vector_load %arg22[%get3A_898] {strides = array<i32>} : memref<128xf32, #tpu.memory_space<vmem>>, vector<16xf32>,
    %neg3A_900 = arith.constant 0.000000e+00 : f32
    %neg3A_901 = vector.broadcast %neg3A_900 : f32 to vector<16xf32>
    %neg3A_902 = arith.subf %neg3A_901, %get3A_888 : vector<16xf32>
    %max3A_903 = arith.constant 0.000000e+00 : f32
    %max3A_904 = vector.broadcast %max3A_903 : f32 to vector<16xf32>
    %max3A_905 = arith.maximumf %neg3A_902, %max3A_904 : vector<16xf32>
    %add3A_906 = arith.addf %get3A_899, %max3A_905 : vector<16xf32>
    %mul3A_907 = arith.mulf %get3A_890, %add3A_906 : vector<16xf32>
    %slice3A_908 = vector.extract_strided_slice %get3A_178 {offsets = [0], sizes = [1], strides = [1]} : vector<16xf32> to vector<1xf32>
    %squeeze3A_909 = vector.extract %slice3A_908[0] : f32 from vector<1xf32>
    %slice3A_910 = vector.extract_strided_slice %get3A_182 {offsets = [0], sizes = [1], strides = [1]} : vector<16xf32> to vector<1xf32>
    %squeeze3A_911 = vector.extract %slice3A_910[0] : f32 from vector<1xf32>
    %broadcast_in_dim3A_912 = vector.broadcast %squeeze3A_909 : f32 to vector<16xf32>
    %broadcast_in_dim3A_913 = vector.broadcast %squeeze3A_911 : f32 to vector<16xf32>
    %select_n3A_914 = arith.select %eq3A_865, %broadcast_in_dim3A_912, %broadcast_in_dim3A_913 : vector<16xi1>, vector<16xf32>
    %slice3A_915 = vector.extract_strided_slice %get3A_176 {offsets = [0], sizes = [1], strides = [1]} : vector<16xf32> to vector<1xf32>
    %squeeze3A_916 = vector.extract %slice3A_915[0] : f32 from vector<1xf32>
    %slice3A_917 = vector.extract_strided_slice %get3A_180 {offsets = [0], sizes = [1], strides = [1]} : vector<16xf32> to vector<1xf32>
    %squeeze3A_918 = vector.extract %slice3A_917[0] : f32 from vector<1xf32>
    %broadcast_in_dim3A_919 = vector.broadcast %squeeze3A_916 : f32 to vector<16xf32>
    %broadcast_in_dim3A_920 = vector.broadcast %squeeze3A_918 : f32 to vector<16xf32>
    %select_n3A_921 = arith.select %eq3A_865, %broadcast_in_dim3A_919, %broadcast_in_dim3A_920 : vector<16xi1>, vector<16xf32>
    %slice3A_922 = vector.extract_strided_slice %get3A_176 {offsets = [2], sizes = [1], strides = [1]} : vector<16xf32> to vector<1xf32>
    %squeeze3A_923 = vector.extract %slice3A_922[0] : f32 from vector<1xf32>
    %slice3A_924 = vector.extract_strided_slice %get3A_180 {offsets = [2], sizes = [1], strides = [1]} : vector<16xf32> to vector<1xf32>
    %squeeze3A_925 = vector.extract %slice3A_924[0] : f32 from vector<1xf32>
    %broadcast_in_dim3A_926 = vector.broadcast %squeeze3A_923 : f32 to vector<16xf32>
    %broadcast_in_dim3A_927 = vector.broadcast %squeeze3A_925 : f32 to vector<16xf32>
    %select_n3A_928 = arith.select %eq3A_865, %broadcast_in_dim3A_926, %broadcast_in_dim3A_927 : vector<16xi1>, vector<16xf32>
    %slice3A_929 = vector.extract_strided_slice %get3A_176 {offsets = [4], sizes = [1], strides = [1]} : vector<16xf32> to vector<1xf32>
    %squeeze3A_930 = vector.extract %slice3A_929[0] : f32 from vector<1xf32>
    %slice3A_931 = vector.extract_strided_slice %get3A_180 {offsets = [4], sizes = [1], strides = [1]} : vector<16xf32> to vector<1xf32>
    %squeeze3A_932 = vector.extract %slice3A_931[0] : f32 from vector<1xf32>
    %broadcast_in_dim3A_933 = vector.broadcast %squeeze3A_930 : f32 to vector<16xf32>
    %broadcast_in_dim3A_934 = vector.broadcast %squeeze3A_932 : f32 to vector<16xf32>
    %select_n3A_935 = arith.select %eq3A_865, %broadcast_in_dim3A_933, %broadcast_in_dim3A_934 : vector<16xi1>, vector<16xf32>
    %slice3A_936 = vector.extract_strided_slice %get3A_176 {offsets = [6], sizes = [1], strides = [1]} : vector<16xf32> to vector<1xf32>
    %squeeze3A_937 = vector.extract %slice3A_936[0] : f32 from vector<1xf32>
    %slice3A_938 = vector.extract_strided_slice %get3A_180 {offsets = [6], sizes = [1], strides = [1]} : vector<16xf32> to vector<1xf32>
    %squeeze3A_939 = vector.extract %slice3A_938[0] : f32 from vector<1xf32>
    %broadcast_in_dim3A_940 = vector.broadcast %squeeze3A_937 : f32 to vector<16xf32>
    %broadcast_in_dim3A_941 = vector.broadcast %squeeze3A_939 : f32 to vector<16xf32>
    %select_n3A_942 = arith.select %eq3A_865, %broadcast_in_dim3A_940, %broadcast_in_dim3A_941 : vector<16xi1>, vector<16xf32>
    %mul3A_943 = arith.mulf %mul3A_876, %select_n3A_921 : vector<16xf32>
    %add3A_944 = arith.addf %select_n3A_914, %mul3A_943 : vector<16xf32>
    %mul3A_945 = arith.mulf %mul3A_886, %select_n3A_928 : vector<16xf32>
    %add3A_946 = arith.addf %add3A_944, %mul3A_945 : vector<16xf32>
    %mul3A_947 = arith.mulf %mul3A_897, %select_n3A_935 : vector<16xf32>
    %add3A_948 = arith.addf %add3A_946, %mul3A_947 : vector<16xf32>
    %mul3A_949 = arith.mulf %mul3A_907, %select_n3A_942 : vector<16xf32>
    %add3A_950 = arith.addf %add3A_948, %mul3A_949 : vector<16xf32>
    %swap3A_951 = arith.constant 80 : index
    %swap3A_952 = tpu.vector_load %arg26[%swap3A_951] {strides = array<i32>} : memref<128xf32, #tpu.memory_space<vmem>>, vector<16xf32>,
    tpu.vector_store %arg26[%swap3A_951], %add3A_950 {strides = array<i32>} : memref<128xf32, #tpu.memory_space<vmem>>, vector<16xf32>,
    %slice3A_953 = vector.extract_strided_slice %get3A_178 {offsets = [1], sizes = [1], strides = [1]} : vector<16xf32> to vector<1xf32>
    %squeeze3A_954 = vector.extract %slice3A_953[0] : f32 from vector<1xf32>
    %slice3A_955 = vector.extract_strided_slice %get3A_182 {offsets = [1], sizes = [1], strides = [1]} : vector<16xf32> to vector<1xf32>
    %squeeze3A_956 = vector.extract %slice3A_955[0] : f32 from vector<1xf32>
    %broadcast_in_dim3A_957 = vector.broadcast %squeeze3A_954 : f32 to vector<16xf32>
    %broadcast_in_dim3A_958 = vector.broadcast %squeeze3A_956 : f32 to vector<16xf32>
    %select_n3A_959 = arith.select %eq3A_865, %broadcast_in_dim3A_957, %broadcast_in_dim3A_958 : vector<16xi1>, vector<16xf32>
    %slice3A_960 = vector.extract_strided_slice %get3A_176 {offsets = [1], sizes = [1], strides = [1]} : vector<16xf32> to vector<1xf32>
    %squeeze3A_961 = vector.extract %slice3A_960[0] : f32 from vector<1xf32>
    %slice3A_962 = vector.extract_strided_slice %get3A_180 {offsets = [1], sizes = [1], strides = [1]} : vector<16xf32> to vector<1xf32>
    %squeeze3A_963 = vector.extract %slice3A_962[0] : f32 from vector<1xf32>
    %broadcast_in_dim3A_964 = vector.broadcast %squeeze3A_961 : f32 to vector<16xf32>
    %broadcast_in_dim3A_965 = vector.broadcast %squeeze3A_963 : f32 to vector<16xf32>
    %select_n3A_966 = arith.select %eq3A_865, %broadcast_in_dim3A_964, %broadcast_in_dim3A_965 : vector<16xi1>, vector<16xf32>
    %slice3A_967 = vector.extract_strided_slice %get3A_176 {offsets = [3], sizes = [1], strides = [1]} : vector<16xf32> to vector<1xf32>
    %squeeze3A_968 = vector.extract %slice3A_967[0] : f32 from vector<1xf32>
    %slice3A_969 = vector.extract_strided_slice %get3A_180 {offsets = [3], sizes = [1], strides = [1]} : vector<16xf32> to vector<1xf32>
    %squeeze3A_970 = vector.extract %slice3A_969[0] : f32 from vector<1xf32>
    %broadcast_in_dim3A_971 = vector.broadcast %squeeze3A_968 : f32 to vector<16xf32>
    %broadcast_in_dim3A_972 = vector.broadcast %squeeze3A_970 : f32 to vector<16xf32>
    %select_n3A_973 = arith.select %eq3A_865, %broadcast_in_dim3A_971, %broadcast_in_dim3A_972 : vector<16xi1>, vector<16xf32>
    %slice3A_974 = vector.extract_strided_slice %get3A_176 {offsets = [5], sizes = [1], strides = [1]} : vector<16xf32> to vector<1xf32>
    %squeeze3A_975 = vector.extract %slice3A_974[0] : f32 from vector<1xf32>
    %slice3A_976 = vector.extract_strided_slice %get3A_180 {offsets = [5], sizes = [1], strides = [1]} : vector<16xf32> to vector<1xf32>
    %squeeze3A_977 = vector.extract %slice3A_976[0] : f32 from vector<1xf32>
    %broadcast_in_dim3A_978 = vector.broadcast %squeeze3A_975 : f32 to vector<16xf32>
    %broadcast_in_dim3A_979 = vector.broadcast %squeeze3A_977 : f32 to vector<16xf32>
    %select_n3A_980 = arith.select %eq3A_865, %broadcast_in_dim3A_978, %broadcast_in_dim3A_979 : vector<16xi1>, vector<16xf32>
    %slice3A_981 = vector.extract_strided_slice %get3A_176 {offsets = [7], sizes = [1], strides = [1]} : vector<16xf32> to vector<1xf32>
    %squeeze3A_982 = vector.extract %slice3A_981[0] : f32 from vector<1xf32>
    %slice3A_983 = vector.extract_strided_slice %get3A_180 {offsets = [7], sizes = [1], strides = [1]} : vector<16xf32> to vector<1xf32>
    %squeeze3A_984 = vector.extract %slice3A_983[0] : f32 from vector<1xf32>
    %broadcast_in_dim3A_985 = vector.broadcast %squeeze3A_982 : f32 to vector<16xf32>
    %broadcast_in_dim3A_986 = vector.broadcast %squeeze3A_984 : f32 to vector<16xf32>
    %select_n3A_987 = arith.select %eq3A_865, %broadcast_in_dim3A_985, %broadcast_in_dim3A_986 : vector<16xi1>, vector<16xf32>
    %mul3A_988 = arith.mulf %mul3A_876, %select_n3A_966 : vector<16xf32>
    %add3A_989 = arith.addf %select_n3A_959, %mul3A_988 : vector<16xf32>
    %mul3A_990 = arith.mulf %mul3A_886, %select_n3A_973 : vector<16xf32>
    %add3A_991 = arith.addf %add3A_989, %mul3A_990 : vector<16xf32>
    %mul3A_992 = arith.mulf %mul3A_897, %select_n3A_980 : vector<16xf32>
    %add3A_993 = arith.addf %add3A_991, %mul3A_992 : vector<16xf32>
    %mul3A_994 = arith.mulf %mul3A_907, %select_n3A_987 : vector<16xf32>
    %add3A_995 = arith.addf %add3A_993, %mul3A_994 : vector<16xf32>
    %swap3A_996 = arith.constant 80 : index
    %swap3A_997 = tpu.vector_load %arg27[%swap3A_996] {strides = array<i32>} : memref<128xf32, #tpu.memory_space<vmem>>, vector<16xf32>,
    tpu.vector_store %arg27[%swap3A_996], %add3A_995 {strides = array<i32>} : memref<128xf32, #tpu.memory_space<vmem>>, vector<16xf32>,
    %get3A_998 = arith.constant 96 : index
    %get3A_999 = tpu.vector_load %arg12[%get3A_998] {strides = array<i32>} : memref<128xi32, #tpu.memory_space<vmem>>, vector<16xi32>,
    %eq3A_1000 = arith.constant 0 : i32
    %eq3A_1001 = vector.broadcast %eq3A_1000 : i32 to vector<16xi32>
    %eq3A_1002 = arith.cmpi eq, %get3A_999, %eq3A_1001 : vector<16xi32>
    %get3A_1003 = arith.constant 96 : index
    %get3A_1004 = tpu.vector_load %arg19[%get3A_1003] {strides = array<i32>} : memref<128xf32, #tpu.memory_space<vmem>>, vector<16xf32>,
    %get3A_1005 = arith.constant 96 : index
    %get3A_1006 = tpu.vector_load %arg20[%get3A_1005] {strides = array<i32>} : memref<128xf32, #tpu.memory_space<vmem>>, vector<16xf32>,
    %get3A_1007 = arith.constant 96 : index
    %get3A_1008 = tpu.vector_load %arg17[%get3A_1007] {strides = array<i32>} : memref<128xf32, #tpu.memory_space<vmem>>, vector<16xf32>,
    %max3A_1009 = arith.constant 0.000000e+00 : f32
    %max3A_1010 = vector.broadcast %max3A_1009 : f32 to vector<16xf32>
    %max3A_1011 = arith.maximumf %get3A_1004, %max3A_1010 : vector<16xf32>
    %add3A_1012 = arith.addf %get3A_1008, %max3A_1011 : vector<16xf32>
    %mul3A_1013 = arith.mulf %get3A_1006, %add3A_1012 : vector<16xf32>
    %get3A_1014 = arith.constant 96 : index
    %get3A_1015 = tpu.vector_load %arg18[%get3A_1014] {strides = array<i32>} : memref<128xf32, #tpu.memory_space<vmem>>, vector<16xf32>,
    %neg3A_1016 = arith.constant 0.000000e+00 : f32
    %neg3A_1017 = vector.broadcast %neg3A_1016 : f32 to vector<16xf32>
    %neg3A_1018 = arith.subf %neg3A_1017, %get3A_1004 : vector<16xf32>
    %max3A_1019 = arith.constant 0.000000e+00 : f32
    %max3A_1020 = vector.broadcast %max3A_1019 : f32 to vector<16xf32>
    %max3A_1021 = arith.maximumf %neg3A_1018, %max3A_1020 : vector<16xf32>
    %add3A_1022 = arith.addf %get3A_1015, %max3A_1021 : vector<16xf32>
    %mul3A_1023 = arith.mulf %get3A_1006, %add3A_1022 : vector<16xf32>
    %get3A_1024 = arith.constant 96 : index
    %get3A_1025 = tpu.vector_load %arg23[%get3A_1024] {strides = array<i32>} : memref<128xf32, #tpu.memory_space<vmem>>, vector<16xf32>,
    %get3A_1026 = arith.constant 96 : index
    %get3A_1027 = tpu.vector_load %arg24[%get3A_1026] {strides = array<i32>} : memref<128xf32, #tpu.memory_space<vmem>>, vector<16xf32>,
    %get3A_1028 = arith.constant 96 : index
    %get3A_1029 = tpu.vector_load %arg21[%get3A_1028] {strides = array<i32>} : memref<128xf32, #tpu.memory_space<vmem>>, vector<16xf32>,
    %max3A_1030 = arith.constant 0.000000e+00 : f32
    %max3A_1031 = vector.broadcast %max3A_1030 : f32 to vector<16xf32>
    %max3A_1032 = arith.maximumf %get3A_1025, %max3A_1031 : vector<16xf32>
    %add3A_1033 = arith.addf %get3A_1029, %max3A_1032 : vector<16xf32>
    %mul3A_1034 = arith.mulf %get3A_1027, %add3A_1033 : vector<16xf32>
    %get3A_1035 = arith.constant 96 : index
    %get3A_1036 = tpu.vector_load %arg22[%get3A_1035] {strides = array<i32>} : memref<128xf32, #tpu.memory_space<vmem>>, vector<16xf32>,
    %neg3A_1037 = arith.constant 0.000000e+00 : f32
    %neg3A_1038 = vector.broadcast %neg3A_1037 : f32 to vector<16xf32>
    %neg3A_1039 = arith.subf %neg3A_1038, %get3A_1025 : vector<16xf32>
    %max3A_1040 = arith.constant 0.000000e+00 : f32
    %max3A_1041 = vector.broadcast %max3A_1040 : f32 to vector<16xf32>
    %max3A_1042 = arith.maximumf %neg3A_1039, %max3A_1041 : vector<16xf32>
    %add3A_1043 = arith.addf %get3A_1036, %max3A_1042 : vector<16xf32>
    %mul3A_1044 = arith.mulf %get3A_1027, %add3A_1043 : vector<16xf32>
    %slice3A_1045 = vector.extract_strided_slice %get3A_178 {offsets = [0], sizes = [1], strides = [1]} : vector<16xf32> to vector<1xf32>
    %squeeze3A_1046 = vector.extract %slice3A_1045[0] : f32 from vector<1xf32>
    %slice3A_1047 = vector.extract_strided_slice %get3A_182 {offsets = [0], sizes = [1], strides = [1]} : vector<16xf32> to vector<1xf32>
    %squeeze3A_1048 = vector.extract %slice3A_1047[0] : f32 from vector<1xf32>
    %broadcast_in_dim3A_1049 = vector.broadcast %squeeze3A_1046 : f32 to vector<16xf32>
    %broadcast_in_dim3A_1050 = vector.broadcast %squeeze3A_1048 : f32 to vector<16xf32>
    %select_n3A_1051 = arith.select %eq3A_1002, %broadcast_in_dim3A_1049, %broadcast_in_dim3A_1050 : vector<16xi1>, vector<16xf32>
    %slice3A_1052 = vector.extract_strided_slice %get3A_176 {offsets = [0], sizes = [1], strides = [1]} : vector<16xf32> to vector<1xf32>
    %squeeze3A_1053 = vector.extract %slice3A_1052[0] : f32 from vector<1xf32>
    %slice3A_1054 = vector.extract_strided_slice %get3A_180 {offsets = [0], sizes = [1], strides = [1]} : vector<16xf32> to vector<1xf32>
    %squeeze3A_1055 = vector.extract %slice3A_1054[0] : f32 from vector<1xf32>
    %broadcast_in_dim3A_1056 = vector.broadcast %squeeze3A_1053 : f32 to vector<16xf32>
    %broadcast_in_dim3A_1057 = vector.broadcast %squeeze3A_1055 : f32 to vector<16xf32>
    %select_n3A_1058 = arith.select %eq3A_1002, %broadcast_in_dim3A_1056, %broadcast_in_dim3A_1057 : vector<16xi1>, vector<16xf32>
    %slice3A_1059 = vector.extract_strided_slice %get3A_176 {offsets = [2], sizes = [1], strides = [1]} : vector<16xf32> to vector<1xf32>
    %squeeze3A_1060 = vector.extract %slice3A_1059[0] : f32 from vector<1xf32>
    %slice3A_1061 = vector.extract_strided_slice %get3A_180 {offsets = [2], sizes = [1], strides = [1]} : vector<16xf32> to vector<1xf32>
    %squeeze3A_1062 = vector.extract %slice3A_1061[0] : f32 from vector<1xf32>
    %broadcast_in_dim3A_1063 = vector.broadcast %squeeze3A_1060 : f32 to vector<16xf32>
    %broadcast_in_dim3A_1064 = vector.broadcast %squeeze3A_1062 : f32 to vector<16xf32>
    %select_n3A_1065 = arith.select %eq3A_1002, %broadcast_in_dim3A_1063, %broadcast_in_dim3A_1064 : vector<16xi1>, vector<16xf32>
    %slice3A_1066 = vector.extract_strided_slice %get3A_176 {offsets = [4], sizes = [1], strides = [1]} : vector<16xf32> to vector<1xf32>
    %squeeze3A_1067 = vector.extract %slice3A_1066[0] : f32 from vector<1xf32>
    %slice3A_1068 = vector.extract_strided_slice %get3A_180 {offsets = [4], sizes = [1], strides = [1]} : vector<16xf32> to vector<1xf32>
    %squeeze3A_1069 = vector.extract %slice3A_1068[0] : f32 from vector<1xf32>
    %broadcast_in_dim3A_1070 = vector.broadcast %squeeze3A_1067 : f32 to vector<16xf32>
    %broadcast_in_dim3A_1071 = vector.broadcast %squeeze3A_1069 : f32 to vector<16xf32>
    %select_n3A_1072 = arith.select %eq3A_1002, %broadcast_in_dim3A_1070, %broadcast_in_dim3A_1071 : vector<16xi1>, vector<16xf32>
    %slice3A_1073 = vector.extract_strided_slice %get3A_176 {offsets = [6], sizes = [1], strides = [1]} : vector<16xf32> to vector<1xf32>
    %squeeze3A_1074 = vector.extract %slice3A_1073[0] : f32 from vector<1xf32>
    %slice3A_1075 = vector.extract_strided_slice %get3A_180 {offsets = [6], sizes = [1], strides = [1]} : vector<16xf32> to vector<1xf32>
    %squeeze3A_1076 = vector.extract %slice3A_1075[0] : f32 from vector<1xf32>
    %broadcast_in_dim3A_1077 = vector.broadcast %squeeze3A_1074 : f32 to vector<16xf32>
    %broadcast_in_dim3A_1078 = vector.broadcast %squeeze3A_1076 : f32 to vector<16xf32>
    %select_n3A_1079 = arith.select %eq3A_1002, %broadcast_in_dim3A_1077, %broadcast_in_dim3A_1078 : vector<16xi1>, vector<16xf32>
    %mul3A_1080 = arith.mulf %mul3A_1013, %select_n3A_1058 : vector<16xf32>
    %add3A_1081 = arith.addf %select_n3A_1051, %mul3A_1080 : vector<16xf32>
    %mul3A_1082 = arith.mulf %mul3A_1023, %select_n3A_1065 : vector<16xf32>
    %add3A_1083 = arith.addf %add3A_1081, %mul3A_1082 : vector<16xf32>
    %mul3A_1084 = arith.mulf %mul3A_1034, %select_n3A_1072 : vector<16xf32>
    %add3A_1085 = arith.addf %add3A_1083, %mul3A_1084 : vector<16xf32>
    %mul3A_1086 = arith.mulf %mul3A_1044, %select_n3A_1079 : vector<16xf32>
    %add3A_1087 = arith.addf %add3A_1085, %mul3A_1086 : vector<16xf32>
    %swap3A_1088 = arith.constant 96 : index
    %swap3A_1089 = tpu.vector_load %arg26[%swap3A_1088] {strides = array<i32>} : memref<128xf32, #tpu.memory_space<vmem>>, vector<16xf32>,
    tpu.vector_store %arg26[%swap3A_1088], %add3A_1087 {strides = array<i32>} : memref<128xf32, #tpu.memory_space<vmem>>, vector<16xf32>,
    %slice3A_1090 = vector.extract_strided_slice %get3A_178 {offsets = [1], sizes = [1], strides = [1]} : vector<16xf32> to vector<1xf32>
    %squeeze3A_1091 = vector.extract %slice3A_1090[0] : f32 from vector<1xf32>
    %slice3A_1092 = vector.extract_strided_slice %get3A_182 {offsets = [1], sizes = [1], strides = [1]} : vector<16xf32> to vector<1xf32>
    %squeeze3A_1093 = vector.extract %slice3A_1092[0] : f32 from vector<1xf32>
    %broadcast_in_dim3A_1094 = vector.broadcast %squeeze3A_1091 : f32 to vector<16xf32>
    %broadcast_in_dim3A_1095 = vector.broadcast %squeeze3A_1093 : f32 to vector<16xf32>
    %select_n3A_1096 = arith.select %eq3A_1002, %broadcast_in_dim3A_1094, %broadcast_in_dim3A_1095 : vector<16xi1>, vector<16xf32>
    %slice3A_1097 = vector.extract_strided_slice %get3A_176 {offsets = [1], sizes = [1], strides = [1]} : vector<16xf32> to vector<1xf32>
    %squeeze3A_1098 = vector.extract %slice3A_1097[0] : f32 from vector<1xf32>
    %slice3A_1099 = vector.extract_strided_slice %get3A_180 {offsets = [1], sizes = [1], strides = [1]} : vector<16xf32> to vector<1xf32>
    %squeeze3A_1100 = vector.extract %slice3A_1099[0] : f32 from vector<1xf32>
    %broadcast_in_dim3A_1101 = vector.broadcast %squeeze3A_1098 : f32 to vector<16xf32>
    %broadcast_in_dim3A_1102 = vector.broadcast %squeeze3A_1100 : f32 to vector<16xf32>
    %select_n3A_1103 = arith.select %eq3A_1002, %broadcast_in_dim3A_1101, %broadcast_in_dim3A_1102 : vector<16xi1>, vector<16xf32>
    %slice3A_1104 = vector.extract_strided_slice %get3A_176 {offsets = [3], sizes = [1], strides = [1]} : vector<16xf32> to vector<1xf32>
    %squeeze3A_1105 = vector.extract %slice3A_1104[0] : f32 from vector<1xf32>
    %slice3A_1106 = vector.extract_strided_slice %get3A_180 {offsets = [3], sizes = [1], strides = [1]} : vector<16xf32> to vector<1xf32>
    %squeeze3A_1107 = vector.extract %slice3A_1106[0] : f32 from vector<1xf32>
    %broadcast_in_dim3A_1108 = vector.broadcast %squeeze3A_1105 : f32 to vector<16xf32>
    %broadcast_in_dim3A_1109 = vector.broadcast %squeeze3A_1107 : f32 to vector<16xf32>
    %select_n3A_1110 = arith.select %eq3A_1002, %broadcast_in_dim3A_1108, %broadcast_in_dim3A_1109 : vector<16xi1>, vector<16xf32>
    %slice3A_1111 = vector.extract_strided_slice %get3A_176 {offsets = [5], sizes = [1], strides = [1]} : vector<16xf32> to vector<1xf32>
    %squeeze3A_1112 = vector.extract %slice3A_1111[0] : f32 from vector<1xf32>
    %slice3A_1113 = vector.extract_strided_slice %get3A_180 {offsets = [5], sizes = [1], strides = [1]} : vector<16xf32> to vector<1xf32>
    %squeeze3A_1114 = vector.extract %slice3A_1113[0] : f32 from vector<1xf32>
    %broadcast_in_dim3A_1115 = vector.broadcast %squeeze3A_1112 : f32 to vector<16xf32>
    %broadcast_in_dim3A_1116 = vector.broadcast %squeeze3A_1114 : f32 to vector<16xf32>
    %select_n3A_1117 = arith.select %eq3A_1002, %broadcast_in_dim3A_1115, %broadcast_in_dim3A_1116 : vector<16xi1>, vector<16xf32>
    %slice3A_1118 = vector.extract_strided_slice %get3A_176 {offsets = [7], sizes = [1], strides = [1]} : vector<16xf32> to vector<1xf32>
    %squeeze3A_1119 = vector.extract %slice3A_1118[0] : f32 from vector<1xf32>
    %slice3A_1120 = vector.extract_strided_slice %get3A_180 {offsets = [7], sizes = [1], strides = [1]} : vector<16xf32> to vector<1xf32>
    %squeeze3A_1121 = vector.extract %slice3A_1120[0] : f32 from vector<1xf32>
    %broadcast_in_dim3A_1122 = vector.broadcast %squeeze3A_1119 : f32 to vector<16xf32>
    %broadcast_in_dim3A_1123 = vector.broadcast %squeeze3A_1121 : f32 to vector<16xf32>
    %select_n3A_1124 = arith.select %eq3A_1002, %broadcast_in_dim3A_1122, %broadcast_in_dim3A_1123 : vector<16xi1>, vector<16xf32>
    %mul3A_1125 = arith.mulf %mul3A_1013, %select_n3A_1103 : vector<16xf32>
    %add3A_1126 = arith.addf %select_n3A_1096, %mul3A_1125 : vector<16xf32>
    %mul3A_1127 = arith.mulf %mul3A_1023, %select_n3A_1110 : vector<16xf32>
    %add3A_1128 = arith.addf %add3A_1126, %mul3A_1127 : vector<16xf32>
    %mul3A_1129 = arith.mulf %mul3A_1034, %select_n3A_1117 : vector<16xf32>
    %add3A_1130 = arith.addf %add3A_1128, %mul3A_1129 : vector<16xf32>
    %mul3A_1131 = arith.mulf %mul3A_1044, %select_n3A_1124 : vector<16xf32>
    %add3A_1132 = arith.addf %add3A_1130, %mul3A_1131 : vector<16xf32>
    %swap3A_1133 = arith.constant 96 : index
    %swap3A_1134 = tpu.vector_load %arg27[%swap3A_1133] {strides = array<i32>} : memref<128xf32, #tpu.memory_space<vmem>>, vector<16xf32>,
    tpu.vector_store %arg27[%swap3A_1133], %add3A_1132 {strides = array<i32>} : memref<128xf32, #tpu.memory_space<vmem>>, vector<16xf32>,
    %get3A_1135 = arith.constant 112 : index
    %get3A_1136 = tpu.vector_load %arg12[%get3A_1135] {strides = array<i32>} : memref<128xi32, #tpu.memory_space<vmem>>, vector<16xi32>,
    %eq3A_1137 = arith.constant 0 : i32
    %eq3A_1138 = vector.broadcast %eq3A_1137 : i32 to vector<16xi32>
    %eq3A_1139 = arith.cmpi eq, %get3A_1136, %eq3A_1138 : vector<16xi32>
    %get3A_1140 = arith.constant 112 : index
    %get3A_1141 = tpu.vector_load %arg19[%get3A_1140] {strides = array<i32>} : memref<128xf32, #tpu.memory_space<vmem>>, vector<16xf32>,
    %get3A_1142 = arith.constant 112 : index
    %get3A_1143 = tpu.vector_load %arg20[%get3A_1142] {strides = array<i32>} : memref<128xf32, #tpu.memory_space<vmem>>, vector<16xf32>,
    %get3A_1144 = arith.constant 112 : index
    %get3A_1145 = tpu.vector_load %arg17[%get3A_1144] {strides = array<i32>} : memref<128xf32, #tpu.memory_space<vmem>>, vector<16xf32>,
    %max3A_1146 = arith.constant 0.000000e+00 : f32
    %max3A_1147 = vector.broadcast %max3A_1146 : f32 to vector<16xf32>
    %max3A_1148 = arith.maximumf %get3A_1141, %max3A_1147 : vector<16xf32>
    %add3A_1149 = arith.addf %get3A_1145, %max3A_1148 : vector<16xf32>
    %mul3A_1150 = arith.mulf %get3A_1143, %add3A_1149 : vector<16xf32>
    %get3A_1151 = arith.constant 112 : index
    %get3A_1152 = tpu.vector_load %arg18[%get3A_1151] {strides = array<i32>} : memref<128xf32, #tpu.memory_space<vmem>>, vector<16xf32>,
    %neg3A_1153 = arith.constant 0.000000e+00 : f32
    %neg3A_1154 = vector.broadcast %neg3A_1153 : f32 to vector<16xf32>
    %neg3A_1155 = arith.subf %neg3A_1154, %get3A_1141 : vector<16xf32>
    %max3A_1156 = arith.constant 0.000000e+00 : f32
    %max3A_1157 = vector.broadcast %max3A_1156 : f32 to vector<16xf32>
    %max3A_1158 = arith.maximumf %neg3A_1155, %max3A_1157 : vector<16xf32>
    %add3A_1159 = arith.addf %get3A_1152, %max3A_1158 : vector<16xf32>
    %mul3A_1160 = arith.mulf %get3A_1143, %add3A_1159 : vector<16xf32>
    %get3A_1161 = arith.constant 112 : index
    %get3A_1162 = tpu.vector_load %arg23[%get3A_1161] {strides = array<i32>} : memref<128xf32, #tpu.memory_space<vmem>>, vector<16xf32>,
    %get3A_1163 = arith.constant 112 : index
    %get3A_1164 = tpu.vector_load %arg24[%get3A_1163] {strides = array<i32>} : memref<128xf32, #tpu.memory_space<vmem>>, vector<16xf32>,
    %get3A_1165 = arith.constant 112 : index
    %get3A_1166 = tpu.vector_load %arg21[%get3A_1165] {strides = array<i32>} : memref<128xf32, #tpu.memory_space<vmem>>, vector<16xf32>,
    %max3A_1167 = arith.constant 0.000000e+00 : f32
    %max3A_1168 = vector.broadcast %max3A_1167 : f32 to vector<16xf32>
    %max3A_1169 = arith.maximumf %get3A_1162, %max3A_1168 : vector<16xf32>
    %add3A_1170 = arith.addf %get3A_1166, %max3A_1169 : vector<16xf32>
    %mul3A_1171 = arith.mulf %get3A_1164, %add3A_1170 : vector<16xf32>
    %get3A_1172 = arith.constant 112 : index
    %get3A_1173 = tpu.vector_load %arg22[%get3A_1172] {strides = array<i32>} : memref<128xf32, #tpu.memory_space<vmem>>, vector<16xf32>,
    %neg3A_1174 = arith.constant 0.000000e+00 : f32
    %neg3A_1175 = vector.broadcast %neg3A_1174 : f32 to vector<16xf32>
    %neg3A_1176 = arith.subf %neg3A_1175, %get3A_1162 : vector<16xf32>
    %max3A_1177 = arith.constant 0.000000e+00 : f32
    %max3A_1178 = vector.broadcast %max3A_1177 : f32 to vector<16xf32>
    %max3A_1179 = arith.maximumf %neg3A_1176, %max3A_1178 : vector<16xf32>
    %add3A_1180 = arith.addf %get3A_1173, %max3A_1179 : vector<16xf32>
    %mul3A_1181 = arith.mulf %get3A_1164, %add3A_1180 : vector<16xf32>
    %slice3A_1182 = vector.extract_strided_slice %get3A_178 {offsets = [0], sizes = [1], strides = [1]} : vector<16xf32> to vector<1xf32>
    %squeeze3A_1183 = vector.extract %slice3A_1182[0] : f32 from vector<1xf32>
    %slice3A_1184 = vector.extract_strided_slice %get3A_182 {offsets = [0], sizes = [1], strides = [1]} : vector<16xf32> to vector<1xf32>
    %squeeze3A_1185 = vector.extract %slice3A_1184[0] : f32 from vector<1xf32>
    %broadcast_in_dim3A_1186 = vector.broadcast %squeeze3A_1183 : f32 to vector<16xf32>
    %broadcast_in_dim3A_1187 = vector.broadcast %squeeze3A_1185 : f32 to vector<16xf32>
    %select_n3A_1188 = arith.select %eq3A_1139, %broadcast_in_dim3A_1186, %broadcast_in_dim3A_1187 : vector<16xi1>, vector<16xf32>
    %slice3A_1189 = vector.extract_strided_slice %get3A_176 {offsets = [0], sizes = [1], strides = [1]} : vector<16xf32> to vector<1xf32>
    %squeeze3A_1190 = vector.extract %slice3A_1189[0] : f32 from vector<1xf32>
    %slice3A_1191 = vector.extract_strided_slice %get3A_180 {offsets = [0], sizes = [1], strides = [1]} : vector<16xf32> to vector<1xf32>
    %squeeze3A_1192 = vector.extract %slice3A_1191[0] : f32 from vector<1xf32>
    %broadcast_in_dim3A_1193 = vector.broadcast %squeeze3A_1190 : f32 to vector<16xf32>
    %broadcast_in_dim3A_1194 = vector.broadcast %squeeze3A_1192 : f32 to vector<16xf32>
    %select_n3A_1195 = arith.select %eq3A_1139, %broadcast_in_dim3A_1193, %broadcast_in_dim3A_1194 : vector<16xi1>, vector<16xf32>
    %slice3A_1196 = vector.extract_strided_slice %get3A_176 {offsets = [2], sizes = [1], strides = [1]} : vector<16xf32> to vector<1xf32>
    %squeeze3A_1197 = vector.extract %slice3A_1196[0] : f32 from vector<1xf32>
    %slice3A_1198 = vector.extract_strided_slice %get3A_180 {offsets = [2], sizes = [1], strides = [1]} : vector<16xf32> to vector<1xf32>
    %squeeze3A_1199 = vector.extract %slice3A_1198[0] : f32 from vector<1xf32>
    %broadcast_in_dim3A_1200 = vector.broadcast %squeeze3A_1197 : f32 to vector<16xf32>
    %broadcast_in_dim3A_1201 = vector.broadcast %squeeze3A_1199 : f32 to vector<16xf32>
    %select_n3A_1202 = arith.select %eq3A_1139, %broadcast_in_dim3A_1200, %broadcast_in_dim3A_1201 : vector<16xi1>, vector<16xf32>
    %slice3A_1203 = vector.extract_strided_slice %get3A_176 {offsets = [4], sizes = [1], strides = [1]} : vector<16xf32> to vector<1xf32>
    %squeeze3A_1204 = vector.extract %slice3A_1203[0] : f32 from vector<1xf32>
    %slice3A_1205 = vector.extract_strided_slice %get3A_180 {offsets = [4], sizes = [1], strides = [1]} : vector<16xf32> to vector<1xf32>
    %squeeze3A_1206 = vector.extract %slice3A_1205[0] : f32 from vector<1xf32>
    %broadcast_in_dim3A_1207 = vector.broadcast %squeeze3A_1204 : f32 to vector<16xf32>
    %broadcast_in_dim3A_1208 = vector.broadcast %squeeze3A_1206 : f32 to vector<16xf32>
    %select_n3A_1209 = arith.select %eq3A_1139, %broadcast_in_dim3A_1207, %broadcast_in_dim3A_1208 : vector<16xi1>, vector<16xf32>
    %slice3A_1210 = vector.extract_strided_slice %get3A_176 {offsets = [6], sizes = [1], strides = [1]} : vector<16xf32> to vector<1xf32>
    %squeeze3A_1211 = vector.extract %slice3A_1210[0] : f32 from vector<1xf32>
    %slice3A_1212 = vector.extract_strided_slice %get3A_180 {offsets = [6], sizes = [1], strides = [1]} : vector<16xf32> to vector<1xf32>
    %squeeze3A_1213 = vector.extract %slice3A_1212[0] : f32 from vector<1xf32>
    %broadcast_in_dim3A_1214 = vector.broadcast %squeeze3A_1211 : f32 to vector<16xf32>
    %broadcast_in_dim3A_1215 = vector.broadcast %squeeze3A_1213 : f32 to vector<16xf32>
    %select_n3A_1216 = arith.select %eq3A_1139, %broadcast_in_dim3A_1214, %broadcast_in_dim3A_1215 : vector<16xi1>, vector<16xf32>
    %mul3A_1217 = arith.mulf %mul3A_1150, %select_n3A_1195 : vector<16xf32>
    %add3A_1218 = arith.addf %select_n3A_1188, %mul3A_1217 : vector<16xf32>
    %mul3A_1219 = arith.mulf %mul3A_1160, %select_n3A_1202 : vector<16xf32>
    %add3A_1220 = arith.addf %add3A_1218, %mul3A_1219 : vector<16xf32>
    %mul3A_1221 = arith.mulf %mul3A_1171, %select_n3A_1209 : vector<16xf32>
    %add3A_1222 = arith.addf %add3A_1220, %mul3A_1221 : vector<16xf32>
    %mul3A_1223 = arith.mulf %mul3A_1181, %select_n3A_1216 : vector<16xf32>
    %add3A_1224 = arith.addf %add3A_1222, %mul3A_1223 : vector<16xf32>
    %swap3A_1225 = arith.constant 112 : index
    %swap3A_1226 = tpu.vector_load %arg26[%swap3A_1225] {strides = array<i32>} : memref<128xf32, #tpu.memory_space<vmem>>, vector<16xf32>,
    tpu.vector_store %arg26[%swap3A_1225], %add3A_1224 {strides = array<i32>} : memref<128xf32, #tpu.memory_space<vmem>>, vector<16xf32>,
    %slice3A_1227 = vector.extract_strided_slice %get3A_178 {offsets = [1], sizes = [1], strides = [1]} : vector<16xf32> to vector<1xf32>
    %squeeze3A_1228 = vector.extract %slice3A_1227[0] : f32 from vector<1xf32>
    %slice3A_1229 = vector.extract_strided_slice %get3A_182 {offsets = [1], sizes = [1], strides = [1]} : vector<16xf32> to vector<1xf32>
    %squeeze3A_1230 = vector.extract %slice3A_1229[0] : f32 from vector<1xf32>
    %broadcast_in_dim3A_1231 = vector.broadcast %squeeze3A_1228 : f32 to vector<16xf32>
    %broadcast_in_dim3A_1232 = vector.broadcast %squeeze3A_1230 : f32 to vector<16xf32>
    %select_n3A_1233 = arith.select %eq3A_1139, %broadcast_in_dim3A_1231, %broadcast_in_dim3A_1232 : vector<16xi1>, vector<16xf32>
    %slice3A_1234 = vector.extract_strided_slice %get3A_176 {offsets = [1], sizes = [1], strides = [1]} : vector<16xf32> to vector<1xf32>
    %squeeze3A_1235 = vector.extract %slice3A_1234[0] : f32 from vector<1xf32>
    %slice3A_1236 = vector.extract_strided_slice %get3A_180 {offsets = [1], sizes = [1], strides = [1]} : vector<16xf32> to vector<1xf32>
    %squeeze3A_1237 = vector.extract %slice3A_1236[0] : f32 from vector<1xf32>
    %broadcast_in_dim3A_1238 = vector.broadcast %squeeze3A_1235 : f32 to vector<16xf32>
    %broadcast_in_dim3A_1239 = vector.broadcast %squeeze3A_1237 : f32 to vector<16xf32>
    %select_n3A_1240 = arith.select %eq3A_1139, %broadcast_in_dim3A_1238, %broadcast_in_dim3A_1239 : vector<16xi1>, vector<16xf32>
    %slice3A_1241 = vector.extract_strided_slice %get3A_176 {offsets = [3], sizes = [1], strides = [1]} : vector<16xf32> to vector<1xf32>
    %squeeze3A_1242 = vector.extract %slice3A_1241[0] : f32 from vector<1xf32>
    %slice3A_1243 = vector.extract_strided_slice %get3A_180 {offsets = [3], sizes = [1], strides = [1]} : vector<16xf32> to vector<1xf32>
    %squeeze3A_1244 = vector.extract %slice3A_1243[0] : f32 from vector<1xf32>
    %broadcast_in_dim3A_1245 = vector.broadcast %squeeze3A_1242 : f32 to vector<16xf32>
    %broadcast_in_dim3A_1246 = vector.broadcast %squeeze3A_1244 : f32 to vector<16xf32>
    %select_n3A_1247 = arith.select %eq3A_1139, %broadcast_in_dim3A_1245, %broadcast_in_dim3A_1246 : vector<16xi1>, vector<16xf32>
    %slice3A_1248 = vector.extract_strided_slice %get3A_176 {offsets = [5], sizes = [1], strides = [1]} : vector<16xf32> to vector<1xf32>
    %squeeze3A_1249 = vector.extract %slice3A_1248[0] : f32 from vector<1xf32>
    %slice3A_1250 = vector.extract_strided_slice %get3A_180 {offsets = [5], sizes = [1], strides = [1]} : vector<16xf32> to vector<1xf32>
    %squeeze3A_1251 = vector.extract %slice3A_1250[0] : f32 from vector<1xf32>
    %broadcast_in_dim3A_1252 = vector.broadcast %squeeze3A_1249 : f32 to vector<16xf32>
    %broadcast_in_dim3A_1253 = vector.broadcast %squeeze3A_1251 : f32 to vector<16xf32>
    %select_n3A_1254 = arith.select %eq3A_1139, %broadcast_in_dim3A_1252, %broadcast_in_dim3A_1253 : vector<16xi1>, vector<16xf32>
    %slice3A_1255 = vector.extract_strided_slice %get3A_176 {offsets = [7], sizes = [1], strides = [1]} : vector<16xf32> to vector<1xf32>
    %squeeze3A_1256 = vector.extract %slice3A_1255[0] : f32 from vector<1xf32>
    %slice3A_1257 = vector.extract_strided_slice %get3A_180 {offsets = [7], sizes = [1], strides = [1]} : vector<16xf32> to vector<1xf32>
    %squeeze3A_1258 = vector.extract %slice3A_1257[0] : f32 from vector<1xf32>
    %broadcast_in_dim3A_1259 = vector.broadcast %squeeze3A_1256 : f32 to vector<16xf32>
    %broadcast_in_dim3A_1260 = vector.broadcast %squeeze3A_1258 : f32 to vector<16xf32>
    %select_n3A_1261 = arith.select %eq3A_1139, %broadcast_in_dim3A_1259, %broadcast_in_dim3A_1260 : vector<16xi1>, vector<16xf32>
    %mul3A_1262 = arith.mulf %mul3A_1150, %select_n3A_1240 : vector<16xf32>
    %add3A_1263 = arith.addf %select_n3A_1233, %mul3A_1262 : vector<16xf32>
    %mul3A_1264 = arith.mulf %mul3A_1160, %select_n3A_1247 : vector<16xf32>
    %add3A_1265 = arith.addf %add3A_1263, %mul3A_1264 : vector<16xf32>
    %mul3A_1266 = arith.mulf %mul3A_1171, %select_n3A_1254 : vector<16xf32>
    %add3A_1267 = arith.addf %add3A_1265, %mul3A_1266 : vector<16xf32>
    %mul3A_1268 = arith.mulf %mul3A_1181, %select_n3A_1261 : vector<16xf32>
    %add3A_1269 = arith.addf %add3A_1267, %mul3A_1268 : vector<16xf32>
    %swap3A_1270 = arith.constant 112 : index
    %swap3A_1271 = tpu.vector_load %arg27[%swap3A_1270] {strides = array<i32>} : memref<128xf32, #tpu.memory_space<vmem>>, vector<16xf32>,
    tpu.vector_store %arg27[%swap3A_1270], %add3A_1269 {strides = array<i32>} : memref<128xf32, #tpu.memory_space<vmem>>, vector<16xf32>,
    "tpu.region"() ({
      %run_scoped3A = tpu.sem_alloc : memref<!tpu.dma_semaphore, #tpu.memory_space<semaphore_mem>>
      %dma_start3A_1272 = tpu.memref_slice %arg10[%mul3A_2] : memref<4096xf32, #tpu.memory_space<hbm>> -> memref<128xf32, #tpu.memory_space<hbm>>
      %dma_start3A_1273 = tpu.memref_slice %arg10[%mul3A_2] : memref<4096xf32, #tpu.memory_space<hbm>> -> memref<128xf32, #tpu.memory_space<hbm>>
      tpu.enqueue_dma source(%arg26 : memref<128xf32, #tpu.memory_space<vmem>>) target(%dma_start3A_1273 : memref<128xf32, #tpu.memory_space<hbm>>) target_semaphore(%run_scoped3A : memref<!tpu.dma_semaphore, #tpu.memory_space<semaphore_mem>>)
      %dma_wait3A_1274 = tpu.memref_slice %arg10[%mul3A_2] : memref<4096xf32, #tpu.memory_space<hbm>> -> memref<128xf32, #tpu.memory_space<hbm>>
      %dma_wait3A_1275 = tpu.memref_slice %arg10[%mul3A_2] : memref<4096xf32, #tpu.memory_space<hbm>> -> memref<128xf32, #tpu.memory_space<hbm>>
      tpu.wait_dma2 semaphore(%run_scoped3A : memref<!tpu.dma_semaphore, #tpu.memory_space<semaphore_mem>>) src(%arg26 : memref<128xf32, #tpu.memory_space<vmem>>) dst(%dma_wait3A_1275 : memref<128xf32, #tpu.memory_space<hbm>>)
      tpu.yield
    }) : () -> ()
    "tpu.region"() ({
      %run_scoped3A = tpu.sem_alloc : memref<!tpu.dma_semaphore, #tpu.memory_space<semaphore_mem>>
      %dma_start3A_1272 = tpu.memref_slice %arg11[%mul3A_2] : memref<4096xf32, #tpu.memory_space<hbm>> -> memref<128xf32, #tpu.memory_space<hbm>>
      %dma_start3A_1273 = tpu.memref_slice %arg11[%mul3A_2] : memref<4096xf32, #tpu.memory_space<hbm>> -> memref<128xf32, #tpu.memory_space<hbm>>
      tpu.enqueue_dma source(%arg27 : memref<128xf32, #tpu.memory_space<vmem>>) target(%dma_start3A_1273 : memref<128xf32, #tpu.memory_space<hbm>>) target_semaphore(%run_scoped3A : memref<!tpu.dma_semaphore, #tpu.memory_space<semaphore_mem>>)
      %dma_wait3A_1274 = tpu.memref_slice %arg11[%mul3A_2] : memref<4096xf32, #tpu.memory_space<hbm>> -> memref<128xf32, #tpu.memory_space<hbm>>
      %dma_wait3A_1275 = tpu.memref_slice %arg11[%mul3A_2] : memref<4096xf32, #tpu.memory_space<hbm>> -> memref<128xf32, #tpu.memory_space<hbm>>
      tpu.wait_dma2 semaphore(%run_scoped3A : memref<!tpu.dma_semaphore, #tpu.memory_space<semaphore_mem>>) src(%arg27 : memref<128xf32, #tpu.memory_space<vmem>>) dst(%dma_wait3A_1275 : memref<128xf32, #tpu.memory_space<hbm>>)
      tpu.yield
    }) : () -> ()
    return
  }
}

module attributes {stable_mosaic.version = 14 : i64} {
  func.func @_g1_body(%arg0: memref<2x50176xf32, #tpu.memory_space<vmem>>, %arg1: memref<2x50176xf32, #tpu.memory_space<vmem>>, %arg2: memref<2x50176xf32, #tpu.memory_space<vmem>>, %arg3: memref<2x50176xf32, #tpu.memory_space<vmem>>) attributes {dimension_semantics = [], scalar_prefetch = 0 : i64, scratch_operands = 0 : i64, tpu.core_type = #tpu.core_type<tc>} {
    %get3A = arith.constant 0 : index
    %get3A_0 = arith.constant 0 : index
    %get3A_1 = vector.load %arg0[%get3A, %get3A_0] : memref<2x50176xf32, #tpu.memory_space<vmem>>, vector<2x50176xf32>
    %add3A = arith.constant 1.000000e+00 : f32
    %add3A_2 = vector.broadcast %add3A : f32 to vector<2x50176xf32>
    %add3A_3 = arith.addf %get3A_1, %add3A_2 : vector<2x50176xf32>
    %rsqrt3A = math.rsqrt %add3A_3 : vector<2x50176xf32>
    %swap3A = arith.constant 0 : index
    %swap3A_4 = arith.constant 0 : index
    %swap3A_5 = vector.load %arg2[%swap3A, %swap3A_4] : memref<2x50176xf32, #tpu.memory_space<vmem>>, vector<2x50176xf32>
    tpu.vector_store %arg2[%swap3A, %swap3A_4], %rsqrt3A {strides = array<i32>} : memref<2x50176xf32, #tpu.memory_space<vmem>>, vector<2x50176xf32>,
    %get3A_6 = arith.constant 0 : index
    %get3A_7 = arith.constant 0 : index
    %get3A_8 = vector.load %arg1[%get3A_6, %get3A_7] : memref<2x50176xf32, #tpu.memory_space<vmem>>, vector<2x50176xf32>
    %mul3A = arith.mulf %get3A_8, %rsqrt3A : vector<2x50176xf32>
    %swap3A_9 = arith.constant 0 : index
    %swap3A_10 = arith.constant 0 : index
    %swap3A_11 = vector.load %arg3[%swap3A_9, %swap3A_10] : memref<2x50176xf32, #tpu.memory_space<vmem>>, vector<2x50176xf32>
    tpu.vector_store %arg3[%swap3A_9, %swap3A_10], %mul3A {strides = array<i32>} : memref<2x50176xf32, #tpu.memory_space<vmem>>, vector<2x50176xf32>,
    return
  }
}

module attributes {stable_mosaic.version = 14 : i64} {
  func.func @_g2_body(%arg0: memref<2x50176xf32, #tpu.memory_space<vmem>>, %arg1: memref<2x50176xf32, #tpu.memory_space<vmem>>, %arg2: memref<2x50176xf32, #tpu.memory_space<vmem>>, %arg3: memref<2x64xf32, #tpu.memory_space<vmem>>, %arg4: memref<2x64xf32, #tpu.memory_space<vmem>>, %arg5: memref<2x64x128xf32, #tpu.memory_space<vmem>>, %arg6: memref<256x2xf32, #tpu.memory_space<vmem>>, %arg7: memref<2x128xf32, #tpu.memory_space<vmem>>, %arg8: memref<1x2xf32, #tpu.memory_space<vmem>>, %arg9: memref<2x50176xf32, #tpu.memory_space<vmem>>, %arg10: memref<4x16xf32, #tpu.memory_space<vmem>>) attributes {dimension_semantics = [], scalar_prefetch = 0 : i64, scratch_operands = 0 : i64, tpu.core_type = #tpu.core_type<tc>} {
    %get3A = arith.constant 0 : index
    %get3A_0 = arith.constant 0 : index
    %get3A_1 = vector.load %arg1[%get3A, %get3A_0] : memref<2x50176xf32, #tpu.memory_space<vmem>>, vector<2x50176xf32>
    %get3A_2 = arith.constant 0 : index
    %get3A_3 = arith.constant 0 : index
    %get3A_4 = vector.load %arg0[%get3A_2, %get3A_3] : memref<2x50176xf32, #tpu.memory_space<vmem>>, vector<2x50176xf32>
    %mul3A = arith.mulf %get3A_1, %get3A_4 : vector<2x50176xf32>
    %get3A_5 = arith.constant 0 : index
    %get3A_6 = arith.constant 0 : index
    %get3A_7 = vector.load %arg2[%get3A_5, %get3A_6] : memref<2x50176xf32, #tpu.memory_space<vmem>>, vector<2x50176xf32>
    %mul3A_8 = arith.mulf %get3A_7, %get3A_1 : vector<2x50176xf32>
    %mul3A_9 = arith.mulf %mul3A_8, %get3A_1 : vector<2x50176xf32>
    %add3A = arith.addf %mul3A, %mul3A_9 : vector<2x50176xf32>
    %iota3A = tpu.iota {dimensions = array<i32: 1>} : vector<2x50176xi32>
    %lt3A = arith.constant 50000 : i32
    %lt3A_10 = vector.broadcast %lt3A : i32 to vector<2x50176xi32>
    %lt3A_11 = arith.cmpi slt, %iota3A, %lt3A_10 : vector<2x50176xi32>
    %jit3A = arith.constant 0.000000e+00 : f32
    %broadcast_in_dim3A = vector.broadcast %jit3A : f32 to vector<2x50176xf32>
    %select_n3A = arith.select %lt3A_11, %add3A, %broadcast_in_dim3A : vector<2x50176xi1>, vector<2x50176xf32>
    %reduce_sum3A = arith.constant dense<0.000000e+00> : vector<2xf32>
    %reduce_sum3A_12 = vector.multi_reduction <add>, %select_n3A, %reduce_sum3A [1] : vector<2x50176xf32> to vector<2xf32>
    %broadcast_in_dim3A_13 = vector.shape_cast %reduce_sum3A_12 : vector<2xf32> to vector<2x1xf32>
    %div3A = arith.constant 5.000000e+04 : f32
    %div3A_14 = vector.broadcast %div3A : f32 to vector<2x1xf32>
    %div3A_15 = arith.divf %broadcast_in_dim3A_13, %div3A_14 : vector<2x1xf32>
    %mul3A_16 = arith.mulf %select_n3A, %select_n3A : vector<2x50176xf32>
    %reduce_sum3A_17 = arith.constant dense<0.000000e+00> : vector<2xf32>
    %reduce_sum3A_18 = vector.multi_reduction <add>, %mul3A_16, %reduce_sum3A_17 [1] : vector<2x50176xf32> to vector<2xf32>
    %broadcast_in_dim3A_19 = vector.shape_cast %reduce_sum3A_18 : vector<2xf32> to vector<2x1xf32>
    %div3A_20 = arith.constant 5.000000e+04 : f32
    %div3A_21 = vector.broadcast %div3A_20 : f32 to vector<2x1xf32>
    %div3A_22 = arith.divf %broadcast_in_dim3A_19, %div3A_21 : vector<2x1xf32>
    %mul3A_23 = arith.mulf %div3A_15, %div3A_15 : vector<2x1xf32>
    %sub3A = arith.subf %div3A_22, %mul3A_23 : vector<2x1xf32>
    %sub3A_24 = vector.broadcast %div3A_15 : vector<2x1xf32> to vector<2x50176xf32>
    %sub3A_25 = arith.subf %select_n3A, %sub3A_24 : vector<2x50176xf32>
    %mul3A_26 = arith.mulf %sub3A_25, %get3A_1 : vector<2x50176xf32>
    %swap3A = arith.constant 0 : index
    %swap3A_27 = arith.constant 0 : index
    %swap3A_28 = vector.load %arg9[%swap3A, %swap3A_27] : memref<2x50176xf32, #tpu.memory_space<vmem>>, vector<2x50176xf32>
    tpu.vector_store %arg9[%swap3A, %swap3A_27], %mul3A_26 {strides = array<i32>} : memref<2x50176xf32, #tpu.memory_space<vmem>>, vector<2x50176xf32>,
    %get3A_29 = arith.constant 0 : index
    %get3A_30 = arith.constant 0 : index
    %get3A_31 = vector.load %arg4[%get3A_29, %get3A_30] : memref<2x64xf32, #tpu.memory_space<vmem>>, vector<2x64xf32>
    %get3A_32 = arith.constant 0 : index
    %get3A_33 = arith.constant 0 : index
    %get3A_34 = vector.load %arg3[%get3A_32, %get3A_33] : memref<2x64xf32, #tpu.memory_space<vmem>>, vector<2x64xf32>
    %mul3A_35 = arith.mulf %get3A_31, %get3A_34 : vector<2x64xf32>
    %get3A_36 = arith.constant 0 : index
    %get3A_37 = arith.constant 0 : index
    %get3A_38 = vector.load %arg3[%get3A_36, %get3A_37] : memref<2x64xf32, #tpu.memory_space<vmem>>, vector<2x64xf32>
    %integer_pow3A = arith.mulf %get3A_38, %get3A_38 : vector<2x64xf32>
    %mul3A_39 = vector.broadcast %sub3A : vector<2x1xf32> to vector<2x64xf32>
    %mul3A_40 = arith.mulf %mul3A_39, %integer_pow3A : vector<2x64xf32>
    %add3A_41 = arith.constant 9.99999974E-6 : f32
    %add3A_42 = vector.broadcast %add3A_41 : f32 to vector<2x64xf32>
    %add3A_43 = arith.addf %mul3A_40, %add3A_42 : vector<2x64xf32>
    %sqrt3A = math.sqrt %add3A_43 : vector<2x64xf32>
    %div3A_44 = arith.divf %mul3A_35, %sqrt3A : vector<2x64xf32>
    %max3A = arith.constant 0.000000e+00 : f32
    %max3A_45 = vector.broadcast %max3A : f32 to vector<2x64xf32>
    %max3A_46 = arith.maximumf %div3A_44, %max3A_45 : vector<2x64xf32>
    %neg3A = arith.constant 0.000000e+00 : f32
    %neg3A_47 = vector.broadcast %neg3A : f32 to vector<2x64xf32>
    %neg3A_48 = arith.subf %neg3A_47, %div3A_44 : vector<2x64xf32>
    %max3A_49 = arith.constant 0.000000e+00 : f32
    %max3A_50 = vector.broadcast %max3A_49 : f32 to vector<2x64xf32>
    %max3A_51 = arith.maximumf %neg3A_48, %max3A_50 : vector<2x64xf32>
    %get3A_52 = arith.constant 0 : index
    %get3A_53 = arith.constant 0 : index
    %get3A_54 = vector.load %arg6[%get3A_52, %get3A_53] : memref<256x2xf32, #tpu.memory_space<vmem>>, vector<256x2xf32>
    %broadcast_in_dim3A_55 = arith.constant 0.000000e+00 : f32
    %broadcast_in_dim3A_56 = vector.broadcast %broadcast_in_dim3A_55 : f32 to vector<1x8xf32>
    %broadcast_in_dim3A_57 = arith.constant 0.000000e+00 : f32
    %broadcast_in_dim3A_58 = vector.broadcast %broadcast_in_dim3A_57 : f32 to vector<1x14xf32>
    %slice3A = vector.extract_strided_slice %max3A_46 {offsets = [0, 0], sizes = [1, 64], strides = [1, 1]} : vector<2x64xf32> to vector<1x64xf32>
    %get3A_59 = arith.constant 0 : index
    %get3A_60 = arith.constant 0 : index
    %get3A_61 = arith.constant 0 : index
    %get3A_62 = vector.load %arg5[%get3A_59, %get3A_60, %get3A_61] : memref<2x64x128xf32, #tpu.memory_space<vmem>>, vector<1x64x128xf32>
    %get3A_63 = vector.shape_cast %get3A_62 : vector<1x64x128xf32> to vector<64x128xf32>
    %dot_general3A = arith.constant dense<0.000000e+00> : vector<1x128xf32>
    %dot_general3A_64 = tpu.matmul %slice3A, %get3A_63, %dot_general3A {dimension_numbers = #tpu.dot_dimension_numbers<[1], [0], [0], [1], [0, 0, 1, 1], [], []>, transpose_lhs_hint = false} : vector<1x64xf32>, vector<64x128xf32>, vector<1x128xf32> -> vector<1x128xf32>
    %slice3A_65 = vector.extract_strided_slice %max3A_51 {offsets = [0, 0], sizes = [1, 64], strides = [1, 1]} : vector<2x64xf32> to vector<1x64xf32>
    %get3A_66 = arith.constant 0 : index
    %get3A_67 = arith.constant 0 : index
    %get3A_68 = arith.constant 0 : index
    %get3A_69 = vector.load %arg5[%get3A_66, %get3A_67, %get3A_68] : memref<2x64x128xf32, #tpu.memory_space<vmem>>, vector<1x64x128xf32>
    %get3A_70 = vector.shape_cast %get3A_69 : vector<1x64x128xf32> to vector<64x128xf32>
    %dot_general3A_71 = arith.constant dense<0.000000e+00> : vector<1x128xf32>
    %dot_general3A_72 = tpu.matmul %slice3A_65, %get3A_70, %dot_general3A_71 {dimension_numbers = #tpu.dot_dimension_numbers<[1], [0], [0], [1], [0, 0, 1, 1], [], []>, transpose_lhs_hint = false} : vector<1x64xf32>, vector<64x128xf32>, vector<1x128xf32> -> vector<1x128xf32>
    %slice3A_73 = vector.extract_strided_slice %get3A_54 {offsets = [0, 0], sizes = [128, 2], strides = [1, 1]} : vector<256x2xf32> to vector<128x2xf32>
    %slice3A_74 = vector.extract_strided_slice %get3A_54 {offsets = [128, 0], sizes = [128, 2], strides = [1, 1]} : vector<256x2xf32> to vector<128x2xf32>
    %dot_general3A_75 = arith.constant dense<0.000000e+00> : vector<1x2xf32>
    %dot_general3A_76 = tpu.matmul %dot_general3A_64, %slice3A_73, %dot_general3A_75 {dimension_numbers = #tpu.dot_dimension_numbers<[1], [0], [0], [1], [0, 0, 1, 1], [], []>, transpose_lhs_hint = false} : vector<1x128xf32>, vector<128x2xf32>, vector<1x2xf32> -> vector<1x2xf32>
    %dot_general3A_77 = arith.constant dense<0.000000e+00> : vector<1x2xf32>
    %dot_general3A_78 = tpu.matmul %dot_general3A_72, %slice3A_73, %dot_general3A_77 {dimension_numbers = #tpu.dot_dimension_numbers<[1], [0], [0], [1], [0, 0, 1, 1], [], []>, transpose_lhs_hint = false} : vector<1x128xf32>, vector<128x2xf32>, vector<1x2xf32> -> vector<1x2xf32>
    %dot_general3A_79 = arith.constant dense<0.000000e+00> : vector<1x2xf32>
    %dot_general3A_80 = tpu.matmul %dot_general3A_64, %slice3A_74, %dot_general3A_79 {dimension_numbers = #tpu.dot_dimension_numbers<[1], [0], [0], [1], [0, 0, 1, 1], [], []>, transpose_lhs_hint = false} : vector<1x128xf32>, vector<128x2xf32>, vector<1x2xf32> -> vector<1x2xf32>
    %dot_general3A_81 = arith.constant dense<0.000000e+00> : vector<1x2xf32>
    %dot_general3A_82 = tpu.matmul %dot_general3A_72, %slice3A_74, %dot_general3A_81 {dimension_numbers = #tpu.dot_dimension_numbers<[1], [0], [0], [1], [0, 0, 1, 1], [], []>, transpose_lhs_hint = false} : vector<1x128xf32>, vector<128x2xf32>, vector<1x2xf32> -> vector<1x2xf32>
    %concatenate3A = tpu.concatenate %dot_general3A_76, %dot_general3A_78, %dot_general3A_80, %dot_general3A_82 in 1 : vector<1x2xf32>, vector<1x2xf32>, vector<1x2xf32>, vector<1x2xf32> -> vector<1x8xf32>
    %get3A_83 = arith.constant 0 : index
    %get3A_84 = arith.constant 0 : index
    %get3A_85 = vector.load %arg7[%get3A_83, %get3A_84] : memref<2x128xf32, #tpu.memory_space<vmem>>, vector<1x128xf32>
    %add3A_86 = arith.addf %slice3A_73, %slice3A_74 : vector<128x2xf32>
    %dot_general3A_87 = arith.constant dense<0.000000e+00> : vector<1x2xf32>
    %dot_general3A_88 = tpu.matmul %get3A_85, %add3A_86, %dot_general3A_87 {dimension_numbers = #tpu.dot_dimension_numbers<[1], [0], [0], [1], [0, 0, 1, 1], [], []>, transpose_lhs_hint = false} : vector<1x128xf32>, vector<128x2xf32>, vector<1x2xf32> -> vector<1x2xf32>
    %get3A_89 = arith.constant 0 : index
    %get3A_90 = arith.constant 0 : index
    %get3A_91 = vector.load %arg8[%get3A_89, %get3A_90] : memref<1x2xf32, #tpu.memory_space<vmem>>, vector<1x2xf32>
    %add3A_92 = arith.addf %dot_general3A_88, %get3A_91 : vector<1x2xf32>
    %concatenate3A_93 = tpu.concatenate %concatenate3A, %broadcast_in_dim3A_56 in 1 : vector<1x8xf32>, vector<1x8xf32> -> vector<1x16xf32>
    %concatenate3A_94 = tpu.concatenate %add3A_92, %broadcast_in_dim3A_58 in 1 : vector<1x2xf32>, vector<1x14xf32> -> vector<1x16xf32>
    %slice3A_95 = vector.extract_strided_slice %max3A_46 {offsets = [1, 0], sizes = [1, 64], strides = [1, 1]} : vector<2x64xf32> to vector<1x64xf32>
    %get3A_96 = arith.constant 1 : index
    %get3A_97 = arith.constant 0 : index
    %get3A_98 = arith.constant 0 : index
    %get3A_99 = vector.load %arg5[%get3A_96, %get3A_97, %get3A_98] : memref<2x64x128xf32, #tpu.memory_space<vmem>>, vector<1x64x128xf32>
    %get3A_100 = vector.shape_cast %get3A_99 : vector<1x64x128xf32> to vector<64x128xf32>
    %dot_general3A_101 = arith.constant dense<0.000000e+00> : vector<1x128xf32>
    %dot_general3A_102 = tpu.matmul %slice3A_95, %get3A_100, %dot_general3A_101 {dimension_numbers = #tpu.dot_dimension_numbers<[1], [0], [0], [1], [0, 0, 1, 1], [], []>, transpose_lhs_hint = false} : vector<1x64xf32>, vector<64x128xf32>, vector<1x128xf32> -> vector<1x128xf32>
    %slice3A_103 = vector.extract_strided_slice %max3A_51 {offsets = [1, 0], sizes = [1, 64], strides = [1, 1]} : vector<2x64xf32> to vector<1x64xf32>
    %get3A_104 = arith.constant 1 : index
    %get3A_105 = arith.constant 0 : index
    %get3A_106 = arith.constant 0 : index
    %get3A_107 = vector.load %arg5[%get3A_104, %get3A_105, %get3A_106] : memref<2x64x128xf32, #tpu.memory_space<vmem>>, vector<1x64x128xf32>
    %get3A_108 = vector.shape_cast %get3A_107 : vector<1x64x128xf32> to vector<64x128xf32>
    %dot_general3A_109 = arith.constant dense<0.000000e+00> : vector<1x128xf32>
    %dot_general3A_110 = tpu.matmul %slice3A_103, %get3A_108, %dot_general3A_109 {dimension_numbers = #tpu.dot_dimension_numbers<[1], [0], [0], [1], [0, 0, 1, 1], [], []>, transpose_lhs_hint = false} : vector<1x64xf32>, vector<64x128xf32>, vector<1x128xf32> -> vector<1x128xf32>
    %slice3A_111 = vector.extract_strided_slice %get3A_54 {offsets = [0, 0], sizes = [128, 2], strides = [1, 1]} : vector<256x2xf32> to vector<128x2xf32>
    %slice3A_112 = vector.extract_strided_slice %get3A_54 {offsets = [128, 0], sizes = [128, 2], strides = [1, 1]} : vector<256x2xf32> to vector<128x2xf32>
    %dot_general3A_113 = arith.constant dense<0.000000e+00> : vector<1x2xf32>
    %dot_general3A_114 = tpu.matmul %dot_general3A_102, %slice3A_111, %dot_general3A_113 {dimension_numbers = #tpu.dot_dimension_numbers<[1], [0], [0], [1], [0, 0, 1, 1], [], []>, transpose_lhs_hint = false} : vector<1x128xf32>, vector<128x2xf32>, vector<1x2xf32> -> vector<1x2xf32>
    %dot_general3A_115 = arith.constant dense<0.000000e+00> : vector<1x2xf32>
    %dot_general3A_116 = tpu.matmul %dot_general3A_110, %slice3A_111, %dot_general3A_115 {dimension_numbers = #tpu.dot_dimension_numbers<[1], [0], [0], [1], [0, 0, 1, 1], [], []>, transpose_lhs_hint = false} : vector<1x128xf32>, vector<128x2xf32>, vector<1x2xf32> -> vector<1x2xf32>
    %dot_general3A_117 = arith.constant dense<0.000000e+00> : vector<1x2xf32>
    %dot_general3A_118 = tpu.matmul %dot_general3A_102, %slice3A_112, %dot_general3A_117 {dimension_numbers = #tpu.dot_dimension_numbers<[1], [0], [0], [1], [0, 0, 1, 1], [], []>, transpose_lhs_hint = false} : vector<1x128xf32>, vector<128x2xf32>, vector<1x2xf32> -> vector<1x2xf32>
    %dot_general3A_119 = arith.constant dense<0.000000e+00> : vector<1x2xf32>
    %dot_general3A_120 = tpu.matmul %dot_general3A_110, %slice3A_112, %dot_general3A_119 {dimension_numbers = #tpu.dot_dimension_numbers<[1], [0], [0], [1], [0, 0, 1, 1], [], []>, transpose_lhs_hint = false} : vector<1x128xf32>, vector<128x2xf32>, vector<1x2xf32> -> vector<1x2xf32>
    %concatenate3A_121 = tpu.concatenate %dot_general3A_114, %dot_general3A_116, %dot_general3A_118, %dot_general3A_120 in 1 : vector<1x2xf32>, vector<1x2xf32>, vector<1x2xf32>, vector<1x2xf32> -> vector<1x8xf32>
    %get3A_122 = arith.constant 1 : index
    %get3A_123 = arith.constant 0 : index
    %get3A_124 = vector.load %arg7[%get3A_122, %get3A_123] : memref<2x128xf32, #tpu.memory_space<vmem>>, vector<1x128xf32>
    %add3A_125 = arith.addf %slice3A_111, %slice3A_112 : vector<128x2xf32>
    %dot_general3A_126 = arith.constant dense<0.000000e+00> : vector<1x2xf32>
    %dot_general3A_127 = tpu.matmul %get3A_124, %add3A_125, %dot_general3A_126 {dimension_numbers = #tpu.dot_dimension_numbers<[1], [0], [0], [1], [0, 0, 1, 1], [], []>, transpose_lhs_hint = false} : vector<1x128xf32>, vector<128x2xf32>, vector<1x2xf32> -> vector<1x2xf32>
    %get3A_128 = arith.constant 0 : index
    %get3A_129 = arith.constant 0 : index
    %get3A_130 = vector.load %arg8[%get3A_128, %get3A_129] : memref<1x2xf32, #tpu.memory_space<vmem>>, vector<1x2xf32>
    %add3A_131 = arith.addf %dot_general3A_127, %get3A_130 : vector<1x2xf32>
    %concatenate3A_132 = tpu.concatenate %concatenate3A_121, %broadcast_in_dim3A_56 in 1 : vector<1x8xf32>, vector<1x8xf32> -> vector<1x16xf32>
    %concatenate3A_133 = tpu.concatenate %add3A_131, %broadcast_in_dim3A_58 in 1 : vector<1x2xf32>, vector<1x14xf32> -> vector<1x16xf32>
    %concatenate3A_134 = tpu.concatenate %concatenate3A_93, %concatenate3A_94, %concatenate3A_132, %concatenate3A_133 in 0 : vector<1x16xf32>, vector<1x16xf32>, vector<1x16xf32>, vector<1x16xf32> -> vector<4x16xf32>
    %swap3A_135 = arith.constant 0 : index
    %swap3A_136 = arith.constant 0 : index
    %swap3A_137 = vector.load %arg10[%swap3A_135, %swap3A_136] : memref<4x16xf32, #tpu.memory_space<vmem>>, vector<4x16xf32>
    tpu.vector_store %arg10[%swap3A_135, %swap3A_136], %concatenate3A_134 {strides = array<i32>} : memref<4x16xf32, #tpu.memory_space<vmem>>, vector<4x16xf32>,
    return
  }
}

</mosaic_0001>

<sc_bundles>
// kernel: kernel.11.cloned.1.call-start
scs
__scs_entry_jumppad:
0x0: {  	(pc) =	sbr.rel $0x88, $3  }
0x1: {  	(tag) =	ssettag $0x0;
	lr =	simm.s32 $0x1  }
0x2: {  	[smem:$0x3F90] =	sst lr;
	_ =	strace $0xD0000000  }
0x3: {  	_ = 	snop  }
0x4: {  	_ = 	snop  }
0x5: {  	_ = 	snop  }
0x6: {  	_ = 	snop  }
0x7: {  	_ = 	snop  }
__scs_overlays_trampoline_lowered:
0x8: {  	[smem:$0x3F9F] =	sst s0  }
0x9: {  	[smem:$0x3FA0] =	sst s1  }
0xa: {  	[smem:$0x3FA1] =	sst s2  }
0xb: {  	[smem:$0x3FA2] =	sst s3  }
0xc: {  	[smem:$0x3FA3] =	sst s4  }
0xd: {  	[smem:$0x3FA4] =	sst s5  }
0xe: {  	[smem:$0x3FA5] =	sst s6  }
0xf: {  	[smem:$0x3FA6] =	sst s7  }
0x10: {  	[smem:$0x3FA7] =	sst s8  }
0x11: {  	[smem:$0x3FA8] =	sst s9;
	s0 =	simm.s32 @!p0 $0x0  }
0x12: {  	s1 =	sld [smem:$0x3F8E];
	s0 =	simm.s32 @p0 $0x1  }
0x13: {  	[smem:$0x3FA9] =	sst s0;
	s0 =	simm.s32 @!p1 $0x0  }
0x14: {  	s2 =	sld [smem:$0x3F8D];
	s0 =	simm.s32 @p1 $0x1  }
0x15: {  	[smem:$0x3FAA] =	sst s0;
	s0 =	simm.s32 @!p2 $0x0  }
0x16: {  	s3 =	sld [smem:$0x3FDB];
	s0 =	simm.s32 @p2 $0x1  }
0x17: {  	s4 =	simm.s32 $0x1BF5;
	[smem:$0x3FAC] =	sst s0  }
0x18: {  	s0 =	sld [smem:$0x3F8F];
	_ =	swait.ge [sflag:s4], $0x0  }
0x19: {  	s7 =	sld [smem:$0x3F90]  }
0x1a: {  	s8 =	sadd.s32 $0xFFFFE003, lr  }
0x1b: {  	s9 =	sadd.s32 $0xFFFFFEF7, lr;
	s5 =	simm.s32 $0xFFFFFFFF;
	p2 =	slt.u32 s8, $0xFFFFF086  }
0x1c: {  	p1 =	slt.u32 s9, $0xF7A;
	s5 =	simm.s32 @!p2 $0x0  }
0x1d: {  	s5 =	simm.s32 @p1 $0x1;
	p0 =	seq.s32 s7, s2  }
0x1e: {  	s7 =	smul.u32 @!p0 $0xF7A, s2;
	p2 =	seq.s32 @!p0 s5, $0x0  }
0x1f: {  	s9 =	smul.u32 $0xF7A, s1;
	s8 =	simm.s32 @!p0 $0x1BF5;
	p2 =	por !p2, p0  }
0x20: {  	[sflag:s8] =	ssyncset.s32 @!p0 $0xFFFFF086;
	s6 =	sadd.s32 @!p0 s3, s7;
	s7 =	simm.s32 @!p0 $0x108  }
0x21: {  	s3 =	sadd.s32 s3, s9;
	s6 =	sadd.s32 @!p0 $0x88, s6;
	s7 =	simm.s32 @p2 $0x1082  }
0x22: {  	[simem:s7], [sflag:s8] =	dma.local @!p0 [hbm:s6], $0xF7A  }
0x23: {  	s9 =	sor.u32 $0xD0000000, s2;
	s6 =	simm.s32 $0x108;
	_ =	swait.ge @!p0 [sflag:s8], $0x0  }
0x24: {  	s3 =	sadd.s32 $0x88, s3;
	s6 =	simm.s32 @!p1 $0x1082;
	[sflag:s4] =	ssyncset.s32 $0xFFFFF086  }
0x25: {  	[simem:s6], [sflag:s4] =	dma.local [hbm:s3], $0xF7A  }
0x26: {  	[smem:$0x3F90] =	sst s1;
	(tag) =	ssettag s2;
	_ =	strace s9  }
0x27: {  	s1 =	sld [smem:$0x3FA0]  }
0x28: {  	s2 =	sld [smem:$0x3FA1]  }
0x29: {  	s4 =	sld [smem:$0x3FA3]  }
0x2a: {  	p0 =	seq.s32 s5, $0x0;
	s5 =	sld [smem:$0x3FA4]  }
0x2b: {  	s6 =	sld [smem:$0x3FA5]  }
0x2c: {  	s7 =	sld [smem:$0x3FA6]  }
0x2d: {  	s3 =	simm.s32 $0x108;
	s8 =	sld [smem:$0x3FA7]  }
0x2e: {  	s3 =	simm.s32 @!p0 $0x1082;
	s9 =	sld [smem:$0x3FA8]  }
0x2f: {  	lr =	sadd.s32 s0, s3;
	s0 =	sld [smem:$0x3F9F]  }
0x30: {  	s3 =	sld [smem:$0x3FA2]  }
0x31: {  	[smem:$0x3FAB] =	sst s10  }
0x32: {  	s10 =	sld [smem:$0x3FA9];
	_ =	sdelay $0x3  }
0x33: {  	p0 =	seq.s32 s10, $0x1;
	s10 =	sld [smem:$0x3FAB];
	_ =	sdelay $0x3  }
0x34: {  	[smem:$0x3FAB] =	sst s10  }
0x35: {  	s10 =	sld [smem:$0x3FAA];
	_ =	sdelay $0x3  }
0x36: {  	p1 =	seq.s32 s10, $0x1;
	s10 =	sld [smem:$0x3FAB];
	_ =	sdelay $0x3  }
0x37: {  	[smem:$0x3FAB] =	sst s10  }
0x38: {  	s10 =	sld [smem:$0x3FAC]  }
0x39: {  	_ = 	snop;
	(pc) =	sbr.ind lr, $3  }
0x3a: {  	_ = 	snop  }
0x3b: {  	_ = 	snop  }
0x3c: {  	p2 =	seq.s32 s10, $0x1;
	s10 =	sld [smem:$0x3FAB]  }
0x3d: {  	_ =	shalt  }
0x3e: {  	_ =	shalt  }
0x3f: {  	_ =	shalt  }
0x40: {  	_ =	shalt  }
0x41: {  	_ =	shalt  }
0x42: {  	_ =	shalt  }
0x43: {  	_ =	shalt  }
0x44: {  	_ =	shalt  }
0x45: {  	_ =	shalt  }
0x46: {  	_ =	shalt  }
0x47: {  	_ =	shalt  }
0x48: {  	_ =	shalt  }
0x49: {  	_ =	shalt  }
0x4a: {  	_ =	shalt  }
0x4b: {  	_ =	shalt  }
0x4c: {  	_ =	shalt  }
0x4d: {  	_ =	shalt  }
0x4e: {  	_ =	shalt  }
0x4f: {  	_ =	shalt  }
0x50: {  	_ =	shalt  }
0x51: {  	_ =	shalt  }
0x52: {  	_ =	shalt  }
0x53: {  	_ =	shalt  }
0x54: {  	_ =	shalt  }
0x55: {  	_ =	shalt  }
0x56: {  	_ =	shalt  }
0x57: {  	_ =	shalt  }
0x58: {  	_ =	shalt  }
0x59: {  	_ =	shalt  }
0x5a: {  	_ =	shalt  }
0x5b: {  	_ =	shalt  }
0x5c: {  	_ =	shalt  }
0x5d: {  	_ =	shalt  }
0x5e: {  	_ =	shalt  }
0x5f: {  	_ =	shalt  }
0x60: {  	_ =	shalt  }
0x61: {  	_ =	shalt  }
0x62: {  	_ =	shalt  }
0x63: {  	_ =	shalt  }
0x64: {  	_ =	shalt  }
0x65: {  	_ =	shalt  }
0x66: {  	_ =	shalt  }
0x67: {  	_ =	shalt  }
0x68: {  	_ =	shalt  }
0x69: {  	_ =	shalt  }
0x6a: {  	_ =	shalt  }
0x6b: {  	_ =	shalt  }
0x6c: {  	_ =	shalt  }
0x6d: {  	_ =	shalt  }
0x6e: {  	_ =	shalt  }
0x6f: {  	_ =	shalt  }
0x70: {  	_ =	shalt  }
0x71: {  	_ =	shalt  }
0x72: {  	_ =	shalt  }
0x73: {  	_ =	shalt  }
0x74: {  	_ =	shalt  }
0x75: {  	_ =	shalt  }
0x76: {  	_ =	shalt  }
0x77: {  	_ =	shalt  }
0x78: {  	_ =	shalt  }
0x79: {  	_ =	shalt  }
0x7a: {  	_ =	shalt  }
0x7b: {  	_ =	shalt  }
0x7c: {  	_ =	shalt  }
0x7d: {  	_ =	shalt  }
0x7e: {  	_ =	shalt  }
0x7f: {  	_ =	shalt  }
0x80: {  	_ =	shalt  }
0x81: {  	_ =	shalt  }
0x82: {  	_ =	shalt  }
0x83: {  	_ =	shalt  }
0x84: {  	_ =	shalt  }
0x85: {  	_ =	shalt  }
0x86: {  	_ =	shalt  }
0x87: {  	_ =	shalt  }
.Lfunc_end0:
.L_simem_size_0:
called_computation.1_lowered:
.L_overlay_start_0:
0x88: {  	s2 =	sld [smem:$0x3FD9]  }
0x89: {  	s3 =	sld [smem:$0x3FFE];
	_ =	sdelay $0x1  }
0x8a: {  	s1 =	srdreg.scid  }
0x8b: {  	s0 =	sand.u32 $0x1, s1  }
0x8c: {  	s16 =	sshll.u32 s0, $0xA;
	s2 =	sadd.s32 s3, s2  }
0x8d: {  	s2 =	sadd.s32 s2, s16  }
0x8e: {  	[smem:$0x3FB7] =	sst s2  }
0x8f: {  	_ = 	snop  }
0x90: {  	(tm) =	ssettm $0x1  }
0x91: {  	s17 =	sld [smem:$0x3FFB];
	_ =	sdelay $0x3  }
0x92: {  	_ =	strace s17  }
0x93: {  	s2 =	sld [smem:$0x3FFC];
	_ =	sdelay $0x3  }
0x94: {  	_ =	strace s2  }
0x95: {  	s2 =	sld [smem:$0x3FFD];
	_ =	sdelay $0x3  }
0x96: {  	_ =	strace s2  }
0x97: {  	_ =	strace $0x8FFFFFFF  }
0x98: {  	s18 =	sld [smem:$0x3FDB];
	_ =	sdelay $0x1  }
0x99: {  	s19 =	simm.s32 $_scs_section_size  }
0x9a: {  	s4 =	simm.s32 $_size__tile_overlayer_lowered;
	s5 =	simm.s32 $_tile_overlayer_lowered  }
0x9b: {  	s22 =	simm.s32 $0x1BFF;
	s21 =	sshll.u32 s5, $0x1;
	s2 =	sadd.s32 s19, s18  }
0x9c: {  	s6 =	simm.s32 $0x0;
	s20 =	sshll.u32 s4, $0x1;
	s4 =	sadd.s32 s21, s2  }
0x9d: {  	[timem:s6], [sflag:s22] =	dma.local [hbm:s4], s20  }
0x9e: {  	_ =	swait.ge [sflag:s22], s20  }
0x9f: {  	s3 =	ssub.s32 $0x0, s20;
	[sflag:s22] =	ssyncset.done $0x0  }
0xa0: {  	[sflag:s22] =	ssyncadd.s32 s3;
	_ =	sdelay $0x1  }
0xa1: {  	s23 =	simm.s32 $0x1B8B  }
0xa2: {  	_ =	swait.ge [sflag:s23], $0x1  }
0xa3: {  	[sflag:s23] =	ssyncset.done $0x0  }
0xa4: {  	s25 =	simm.s32 $0x1B8E;
	s24 =	sld [smem:$0x3FFE];
	[sflag:s23] =	ssyncadd.s32 $0xFFFFFFFF  }
0xa5: {  	s26 =	simm.s32 $execute0_lowered;
	[smem:$0x3FD2] =	sst s25  }
0xa6: {  	s4 =	sshll.u32 s26, $0x1;
	_ =	strace $0x80000049;
	[dreg:$0x1] =	wrdreg $0xFFFFFFFF  }
0xa7: {  	s28 =	simm.s32 $_size_execute0_lowered;
	s2 =	sadd.s32 s2, s4;
	[dreg:$0x0] =	wrdreg $0x0  }
0xa8: {  	s4 =	sshll.u32 s28, $0x1;
	[dreg:$0x2] =	wrdreg s2  }
0xa9: {  	[dreg:$0x3] =	wrdreg s4  }
0xaa: {  	[dreg:$0x4] =	wrdreg $0xC0  }
0xab: {  	_ =	task [dreg:s6], $0x5FFFF  }
0xac: {  	[dreg:$0x1] =	wrdreg $0xFFFFFFFF  }
0xad: {  	[dreg:$0x0] =	wrdreg $0x60  }
0xae: {  	[dreg:$0x2] =	wrdreg s24  }
0xaf: {  	[dreg:$0x3] =	wrdreg $0x0  }
0xb0: {  	[dreg:$0x4] =	wrdreg $0x9  }
0xb1: {  	_ =	task.clear_ibuf [dreg:s6], $0x5FFFF;
	_ =	strace $0x90000049  }
0xb2: {  	s29 =	simm.s32 $0x9;
	_ =	strace $0x8000004B  }
0xb3: {  	_ =	swait.ge [sflag:s29], $0x1  }
0xb4: {  	[sflag:s29] =	ssyncadd.s32 $0xFFFFFFFF  }
0xb5: {  	_ =	strace $0x9000004B  }
0xb6: {  	_ =	sfence  }
0xb7: {  	s30 =	sld [smem:$0x0];
	_ =	sdelay $0x2  }
0xb8: {  	s31 =	sshll.u32 s1, $0xD;
	s1 =	sshrl.u32 s1, $0x2  }
0xb9: {  	s3 =	sand.u32 $0x4000, s31;
	s1 =	sadd.s32 s1, s30  }
0xba: {  	s0 =	sor.u32 s3, s0;
	s1 =	sshll.u32 s1, $0x11  }
0xbb: {  	s0 =	sor.u32 s1, s0  }
0xbc: {  	s0 =	sadd.s32 $0x8F2B, s0  }
0xbd: {  	[sflag:s0] =	ssyncadd.remote.s32 $0x1  }
0xbe: {  	_ =	sfence.sel $0xFFFF  }
0xbf: {  	[dreg:$0x0] =	wrdreg $0xFFFFFFFF;
	(pc) =	sbr.abs _section_cstart, $3  }
0xc0: {  	[dreg:$0x1] =	wrdreg $0xFFFFFFFF  }
0xc1: {  	_ =	task.clear_ibuf [dreg:s6], $0x2FFFF;
	_ =	strace $0x9FFFFFFF  }
0xc2: {  	(tm) =	ssettm $0x7FFFFFFF  }
0xc3: {  	_ =	shalt  }
tec
execute0_lowered:
.L_overlay_start_1:
0x0: {  	(tag) =	ssettag $0x1  }
0x1: {  	s0 =	rddreg [dreg:$0x0]  }
0x2: {  	s1 =	rddreg [dreg:$0x1]  }
0x3: {  	s2 =	simm.s32 $0x0;
	s3 =	srdreg.scid;
	s15 =	simm.s32 $0x14040  }
0x4: {  	s16 =	simm.s32 $0x3;
	s17 =	simm.s32 $0xC40;
	s18 =	simm.s32 $0xD040  }
0x5: {  	s19 =	simm.s32 $0x14CC0;
	s20 =	simm.s32 $0x80;
	s21 =	simm.s32 $0xEC40  }
0x6: {  	s22 =	simm.s32 $0x168C0;
	s23 =	simm.s32 $0x1;
	s7 =	sand.u32 $0x1, s3  }
0x7: {  	s24 =	simm.s32 $0x2;
	s3 =	stileid.u32;
	s8 =	smul.u32 $0xC400, s7  }
0x8: {  	s25 =	simm.s32 $0x0;
	[smem:$0x7FF] =	sst s2;
	s9 =	smul.u32 $0xC40, s3  }
0x9: {  	s4 =	sadd.s32 $0x37200, s0;
	s5 =	sadd.s32 $0x3000, s0;
	s6 =	smul.u32 $0xC4000, s7  }
0xa: {  	_ =	strace $0x8000004A;
	s7 =	ssub.s32 $0x2, s7;
	s11 =	smul.u32 $0xC400, s3  }
0xb: {  	s31 =	smul.u32 $0x188, s3;
	s12 =	sshrl.u32 s7, $0x1;
	s10 =	sshrl.u32 s8, $0x3  }
0xc: {  	s8 =	sadd.s32 s9, s8;
	s14 =	ssub.s32 s7, s12;
	s30 =	sadd.s32 s11, s6  }
0xd: {  	s7 =	sadd.s32 s9, s1;
	s12 =	sadd.s32 $0x70, s31;
	s10 =	sadd.s32 s10, s0  }
0xe: {  	s8 =	sshrl.u32 s8, $0x3;
	s11 =	sshrl.u32 s30, $0x3;
	s14 =	smax.u32 s14, $0x1  }
0xf: {  	s0 =	sadd.s32 s8, s0;
	s8 =	sadd.s32 $0x34000, s10;
	s9 =	sadd.s32 s5, s11  }
0x10: {  	v0 =	vimm.f32 $0.0e+00;
	s10 =	sadd.s32 s4, s11;
	s11 =	sadd.s32 $0x38, s31;
	s13 =	sadd.s32 $0x68200, s0  }
.LBB2_1:
0x11: {  	s0 =	simm.s32 $0x40;
	s26 =	simm.s32 $0x0  }
.LBB2_2:
0x12: {  	p0 =	sne.s32 s0, $0x30C0;
	[tilespmem:s26+$0x14040] =	vst v0;
	s26 =	smov.u32 s0;
	s0 =	sadd.s32 $0x40, s0  }
.Ltmp0:
0x13: {  	(pc) =	sbr.rel @p0 .LBB2_2-.Ltmp0, $2  }
0x14: {  	_ =	sdelay $0x2  }
0x15: {  	s26 =	sshra.s32 s26, $0x2  }
0x16: {  	[tilespmem:s26+$0x14040] =	vst v0  }
0x17: {  	[spmem:s7] =	stream.linear.scatter [tilespmem:s15], [sflag:$0x3], $0xC40, $0x38;
	[tilespmem:$0x184C0] =	vst v63  }
0x18: {  	_ =	swait.ge [sflag:s16], $0xC40  }
0x19: {  	[sflag:s16] =	ssyncset.done $0x0  }
0x1a: {  	s0 =	simm.s32 $0x0;
	[sflag:s16] =	ssyncadd.s32 $0xFFFFF3C0  }
0x1b: {  	[tilespmem:s17], [sflag:$0x3] =	stream.linear.gather [hbm4b:s8+s0], $0xC400, $0x38;
	[tilespmem:$0x184C0] =	vst v63  }
0x1c: {  	_ =	swait.ge [sflag:s16], $0xC400  }
0x1d: {  	[sflag:s16] =	ssyncset.done $0x0  }
0x1e: {  	[sflag:s16] =	ssyncadd.s32 $0xFFFF3C00  }
0x1f: {  	[bflag:$0x0] =	sbarrier.arrive $0xFFFF  }
0x20: {  	[tilespmem:s18], [sflag:$0x3] =	stream.linear.gather [hbm4b:s9+s0], $0x1C00, $0x38;
	[tilespmem:$0x184C0] =	vst v63  }
0x21: {  	_ =	swait.ge [sflag:s16], $0x1C00  }
0x22: {  	[sflag:s16] =	ssyncset.done $0x0  }
0x23: {  	[sflag:s16] =	ssyncadd.s32 $0xFFFFE400  }
0x24: {  	[tilespmem:s19], [sflag:$0x3] =	stream.linear.gather [hbm4b:s10+s0], $0x1C00, $0x38;
	[tilespmem:$0x184C0] =	vst v63  }
0x25: {  	_ =	swait.ge [sflag:s16], $0x1C00  }
0x26: {  	[sflag:s16] =	ssyncset.done $0x0  }
0x27: {  	s26 =	simm.s32 $0x0;
	[sflag:s16] =	ssyncadd.s32 $0xFFFFE400  }
0x28: {  	v1 =	vld [tilespmem:s26+$0x14CC0];
	_ =	sdelay $0x5  }
0x29: {  	v2 =	vld [tilespmem:s26+$0x14CD0];
	_ =	sdelay $0x1  }
0x2a: {  	v1 =	vld.idx.msk [tilespmem:v1+s17+$0x0], $0xffff;
	_ =	sdelay $0x4  }
0x2b: {  	[tilespmem:s26+$0x10840] =	vst v1;
	v1 =	vld [tilespmem:s26+$0x14CE0]  }
0x2c: {  	v2 =	vld.idx.msk [tilespmem:v2+s17+$0x0], $0xffff;
	_ =	sdelay $0x4  }
0x2d: {  	[tilespmem:s26+$0x10850] =	vst v2;
	v2 =	vld [tilespmem:s26+$0x14CF0];
	_ =	sdelay $0x1  }
0x2e: {  	v1 =	vld.idx.msk [tilespmem:v1+s17+$0x0], $0xffff;
	_ =	sdelay $0x4  }
0x2f: {  	[tilespmem:s26+$0x10860] =	vst v1;
	v1 =	vld [tilespmem:s26+$0x14D00]  }
0x30: {  	v2 =	vld.idx.msk [tilespmem:v2+s17+$0x0], $0xffff;
	_ =	sdelay $0x4  }
0x31: {  	[tilespmem:s26+$0x10870] =	vst v2;
	v2 =	vld [tilespmem:s26+$0x14D10];
	_ =	sdelay $0x1  }
0x32: {  	v1 =	vld.idx.msk [tilespmem:v1+s17+$0x0], $0xffff;
	_ =	sdelay $0x4  }
0x33: {  	v3 =	vld [tilespmem:s26+$0x14D20];
	[tilespmem:s26+$0x10880] =	vst v1  }
0x34: {  	v1 =	vld.idx.msk [tilespmem:v2+s17+$0x0], $0xffff;
	_ =	sdelay $0x4  }
0x35: {  	[tilespmem:s26+$0x10890] =	vst v1;
	v1 =	vld [tilespmem:s26+$0x14D30];
	_ =	sdelay $0x1  }
0x36: {  	v2 =	vld.idx.msk [tilespmem:v3+s17+$0x0], $0xffff;
	_ =	sdelay $0x3  }
0x37: {  	s28 =	simm.s32 $0x200;
	s30 =	simm.s32 $0x80;
	s29 =	simm.s32 $0x400  }
.LBB2_4:
0x38: {  	p0 =	sne.s32 s29, $0x6E00;
	v3 =	vld [tilespmem:s30+$0x14CC0];
	[tilespmem:s26+$0x108A0] =	vst v2  }
0x39: {  	v1 =	vld.idx.msk [tilespmem:v1+s17+$0x0], $0xffff;
	_ =	sdelay $0x5  }
0x3a: {  	v2 =	vld [tilespmem:s30+$0x14CD0];
	[tilespmem:s26+$0x108B0] =	vst v1;
	s26 =	smov.u32 s30  }
0x3b: {  	v1 =	vld.idx.msk [tilespmem:v3+s17+$0x0], $0xffff;
	_ =	sdelay $0x5  }
0x3c: {  	[tilespmem:s26+$0x10840] =	vst v1;
	v1 =	vld [tilespmem:s26+$0x14CE0]  }
0x3d: {  	v2 =	vld.idx.msk [tilespmem:v2+s17+$0x0], $0xffff;
	_ =	sdelay $0x5  }
0x3e: {  	[tilespmem:s26+$0x10850] =	vst v2;
	v2 =	vld [tilespmem:s26+$0x14CF0]  }
0x3f: {  	v1 =	vld.idx.msk [tilespmem:v1+s17+$0x0], $0xffff;
	_ =	sdelay $0x5  }
0x40: {  	[tilespmem:s26+$0x10860] =	vst v1;
	v1 =	vld [tilespmem:s26+$0x14D00]  }
0x41: {  	v2 =	vld.idx.msk [tilespmem:v2+s17+$0x0], $0xffff;
	_ =	sdelay $0x5  }
0x42: {  	[tilespmem:s26+$0x10870] =	vst v2;
	v2 =	vld [tilespmem:s26+$0x14D10]  }
0x43: {  	v1 =	vld.idx.msk [tilespmem:v1+s17+$0x0], $0xffff;
	_ =	sdelay $0x5  }
0x44: {  	[tilespmem:s26+$0x10880] =	vst v1;
	v3 =	vld [tilespmem:s26+$0x14D20]  }
0x45: {  	v1 =	vld.idx.msk [tilespmem:v2+s17+$0x0], $0xffff;
	_ =	sdelay $0x5  }
0x46: {  	[tilespmem:s26+$0x10890] =	vst v1;
	v1 =	vld [tilespmem:s26+$0x14D30]  }
0x47: {  	v2 =	vld.idx.msk [tilespmem:v3+s17+$0x0], $0xffff  }
.Ltmp1:
0x48: {  	(pc) =	sbr.rel @p0 .LBB2_4-.Ltmp1, $2  }
0x49: {  	_ =	sdelay $0x2  }
0x4a: {  	s30 =	sshra.s32 s29, $0x2;
	s29 =	sadd.s32 $0x200, s29  }
0x4b: {  	_ =	sdelay $0x1  }
0x4c: {  	v3 =	vld [tilespmem:s30+$0x14CC0]  }
0x4d: {  	[tilespmem:s26+$0x108A0] =	vst v2  }
0x4e: {  	v1 =	vld.idx.msk [tilespmem:v1+s17+$0x0], $0xffff;
	_ =	sdelay $0x3  }
0x4f: {  	v2 =	vld [tilespmem:s30+$0x14CD0]  }
0x50: {  	[tilespmem:s26+$0x108B0] =	vst v1  }
0x51: {  	v1 =	vld.idx.msk [tilespmem:v3+s17+$0x0], $0xffff;
	_ =	sdelay $0x4  }
0x52: {  	[tilespmem:s30+$0x10840] =	vst v1;
	v1 =	vld [tilespmem:s30+$0x14CE0]  }
0x53: {  	v2 =	vld.idx.msk [tilespmem:v2+s17+$0x0], $0xffff;
	_ =	sdelay $0x4  }
0x54: {  	[tilespmem:s30+$0x10850] =	vst v2;
	v2 =	vld [tilespmem:s30+$0x14CF0];
	_ =	sdelay $0x1  }
0x55: {  	v1 =	vld.idx.msk [tilespmem:v1+s17+$0x0], $0xffff;
	_ =	sdelay $0x4  }
0x56: {  	[tilespmem:s30+$0x10860] =	vst v1;
	v1 =	vld [tilespmem:s30+$0x14D00]  }
0x57: {  	v2 =	vld.idx.msk [tilespmem:v2+s17+$0x0], $0xffff;
	_ =	sdelay $0x4  }
0x58: {  	[tilespmem:s30+$0x10870] =	vst v2;
	v2 =	vld [tilespmem:s30+$0x14D10];
	_ =	sdelay $0x1  }
0x59: {  	v1 =	vld.idx.msk [tilespmem:v1+s17+$0x0], $0xffff;
	_ =	sdelay $0x4  }
0x5a: {  	[tilespmem:s30+$0x10880] =	vst v1;
	v1 =	vld [tilespmem:s30+$0x14D20]  }
0x5b: {  	v2 =	vld.idx.msk [tilespmem:v2+s17+$0x0], $0xffff;
	_ =	sdelay $0x4  }
0x5c: {  	[tilespmem:s30+$0x10890] =	vst v2;
	v2 =	vld [tilespmem:s30+$0x14D30];
	_ =	sdelay $0x1  }
0x5d: {  	v1 =	vld.idx.msk [tilespmem:v1+s17+$0x0], $0xffff;
	_ =	sdelay $0x4  }
0x5e: {  	[tilespmem:s30+$0x108A0] =	vst v1  }
0x5f: {  	v1 =	vld.idx.msk [tilespmem:v2+s17+$0x0], $0xffff;
	_ =	sdelay $0x4  }
0x60: {  	s0 =	simm.s32 $0x10840;
	s29 =	simm.s32 $0xD040;
	[tilespmem:s30+$0x108B0] =	vst v1  }
.LBB2_6:
0x61: {  	[spmem:s1] =	stream.indirect.scatter.add.f32 [tilespmem:s0], [sflag:$0x1], $0x1, s29, s20, $0xb8;
	[tilespmem:$0x184C0] =	vst v63  }
0x62: {  	s0 =	smov.u32 s28;
	p0 =	sne.s32 s28, $0x6E00  }
.Ltmp2:
0x63: {  	s28 =	sadd.s32 $0x200, s28;
	(pc) =	sbr.rel @p0 .LBB2_6-.Ltmp2, $3  }
0x64: {  	_ =	sdelay $0x1  }
0x65: {  	s26 =	sshra.s32 s0, $0x2  }
0x66: {  	s0 =	sadd.s32 $0x10840, s26;
	s29 =	sadd.s32 $0xD040, s26;
	s26 =	simm.s32 $0x0  }
0x67: {  	[spmem:s1] =	stream.indirect.scatter.add.f32 [tilespmem:s0], [sflag:$0x1], $0x1, s29, s20, $0xb8;
	[tilespmem:$0x184C0] =	vst v63  }
0x68: {  	s28 =	simm.s32 $0x0  }
.LBB2_8:
0x69: {  	s29 =	smul.u32 $0x70, s28;
	_ =	sdelay $0x1  }
0x6a: {  	s0 =	sadd.s32 s29, s11  }
0x6b: {  	s0 =	sshll.u32 s0, $0x7  }
0x6c: {  	s0 =	sadd.s32 s6, s0  }
0x6d: {  	s0 =	sshrl.u32 s0, $0x3  }
0x6e: {  	s30 =	sadd.s32 s5, s0  }
0x6f: {  	[tilespmem:s21], [sflag:$0x3] =	stream.linear.gather [hbm4b:s30+s26], $0x1C00, $0x38;
	[tilespmem:$0x184C0] =	vst v63  }
0x70: {  	_ =	swait.ge [sflag:s16], $0x1C00  }
0x71: {  	[sflag:s16] =	ssyncset.done $0x0  }
0x72: {  	s0 =	sadd.s32 s4, s0;
	[sflag:s16] =	ssyncadd.s32 $0xFFFFE400  }
0x73: {  	[tilespmem:s22], [sflag:$0x3] =	stream.linear.gather [hbm4b:s0+s26], $0x1C00, $0x38;
	[tilespmem:$0x184C0] =	vst v63  }
0x74: {  	_ =	swait.ge [sflag:s16], $0x1C00  }
0x75: {  	[sflag:s16] =	ssyncset.done $0x0  }
0x76: {  	s30 =	simm.s32 $0x0;
	[sflag:s16] =	ssyncadd.s32 $0xFFFFE400  }
0x77: {  	v1 =	vld [tilespmem:s30+$0x168C0];
	_ =	sdelay $0x5  }
0x78: {  	v2 =	vld [tilespmem:s30+$0x168D0];
	_ =	sdelay $0x1  }
0x79: {  	v1 =	vld.idx.msk [tilespmem:v1+s17+$0x0], $0xffff;
	_ =	sdelay $0x4  }
0x7a: {  	[tilespmem:s30+$0x12440] =	vst v1;
	v1 =	vld [tilespmem:s30+$0x168E0]  }
0x7b: {  	v2 =	vld.idx.msk [tilespmem:v2+s17+$0x0], $0xffff;
	_ =	sdelay $0x4  }
0x7c: {  	[tilespmem:s30+$0x12450] =	vst v2;
	v2 =	vld [tilespmem:s30+$0x168F0];
	_ =	sdelay $0x1  }
0x7d: {  	v1 =	vld.idx.msk [tilespmem:v1+s17+$0x0], $0xffff;
	_ =	sdelay $0x4  }
0x7e: {  	[tilespmem:s30+$0x12460] =	vst v1;
	v1 =	vld [tilespmem:s30+$0x16900]  }
0x7f: {  	v2 =	vld.idx.msk [tilespmem:v2+s17+$0x0], $0xffff;
	_ =	sdelay $0x4  }
0x80: {  	[tilespmem:s30+$0x12470] =	vst v2;
	v2 =	vld [tilespmem:s30+$0x16910];
	_ =	sdelay $0x1  }
0x81: {  	v1 =	vld.idx.msk [tilespmem:v1+s17+$0x0], $0xffff;
	_ =	sdelay $0x4  }
0x82: {  	v3 =	vld [tilespmem:s30+$0x16920];
	[tilespmem:s30+$0x12480] =	vst v1  }
0x83: {  	v1 =	vld.idx.msk [tilespmem:v2+s17+$0x0], $0xffff;
	_ =	sdelay $0x4  }
0x84: {  	[tilespmem:s30+$0x12490] =	vst v1;
	v1 =	vld [tilespmem:s30+$0x16930];
	_ =	sdelay $0x1  }
0x85: {  	v2 =	vld.idx.msk [tilespmem:v3+s17+$0x0], $0xffff;
	_ =	sdelay $0x3  }
0x86: {  	s31 =	simm.s32 $0x400;
	s0 =	simm.s32 $0x80  }
.LBB2_9:
0x87: {  	p0 =	sne.s32 s31, $0x6E00;
	v3 =	vld [tilespmem:s0+$0x168C0];
	[tilespmem:s30+$0x124A0] =	vst v2  }
0x88: {  	v1 =	vld.idx.msk [tilespmem:v1+s17+$0x0], $0xffff;
	_ =	sdelay $0x5  }
0x89: {  	v2 =	vld [tilespmem:s0+$0x168D0];
	[tilespmem:s30+$0x124B0] =	vst v1;
	s30 =	smov.u32 s0  }
0x8a: {  	v1 =	vld.idx.msk [tilespmem:v3+s17+$0x0], $0xffff;
	_ =	sdelay $0x5  }
0x8b: {  	[tilespmem:s30+$0x12440] =	vst v1;
	v1 =	vld [tilespmem:s30+$0x168E0]  }
0x8c: {  	v2 =	vld.idx.msk [tilespmem:v2+s17+$0x0], $0xffff;
	_ =	sdelay $0x5  }
0x8d: {  	[tilespmem:s30+$0x12450] =	vst v2;
	v2 =	vld [tilespmem:s30+$0x168F0]  }
0x8e: {  	v1 =	vld.idx.msk [tilespmem:v1+s17+$0x0], $0xffff;
	_ =	sdelay $0x5  }
0x8f: {  	[tilespmem:s30+$0x12460] =	vst v1;
	v1 =	vld [tilespmem:s30+$0x16900]  }
0x90: {  	v2 =	vld.idx.msk [tilespmem:v2+s17+$0x0], $0xffff;
	_ =	sdelay $0x5  }
0x91: {  	[tilespmem:s30+$0x12470] =	vst v2;
	v2 =	vld [tilespmem:s30+$0x16910]  }
0x92: {  	v1 =	vld.idx.msk [tilespmem:v1+s17+$0x0], $0xffff;
	_ =	sdelay $0x5  }
0x93: {  	[tilespmem:s30+$0x12480] =	vst v1;
	v3 =	vld [tilespmem:s30+$0x16920]  }
0x94: {  	v1 =	vld.idx.msk [tilespmem:v2+s17+$0x0], $0xffff;
	_ =	sdelay $0x5  }
0x95: {  	[tilespmem:s30+$0x12490] =	vst v1;
	v1 =	vld [tilespmem:s30+$0x16930]  }
0x96: {  	v2 =	vld.idx.msk [tilespmem:v3+s17+$0x0], $0xffff  }
.Ltmp3:
0x97: {  	(pc) =	sbr.rel @p0 .LBB2_9-.Ltmp3, $2  }
0x98: {  	_ =	sdelay $0x2  }
0x99: {  	s0 =	sshra.s32 s31, $0x2;
	s31 =	sadd.s32 $0x200, s31  }
0x9a: {  	_ =	sdelay $0x1  }
0x9b: {  	v3 =	vld [tilespmem:s0+$0x168C0]  }
0x9c: {  	[tilespmem:s30+$0x124A0] =	vst v2  }
0x9d: {  	v1 =	vld.idx.msk [tilespmem:v1+s17+$0x0], $0xffff;
	_ =	sdelay $0x3  }
0x9e: {  	v2 =	vld [tilespmem:s0+$0x168D0]  }
0x9f: {  	[tilespmem:s30+$0x124B0] =	vst v1  }
0xa0: {  	v1 =	vld.idx.msk [tilespmem:v3+s17+$0x0], $0xffff;
	_ =	sdelay $0x4  }
0xa1: {  	[tilespmem:s0+$0x12440] =	vst v1;
	v1 =	vld [tilespmem:s0+$0x168E0]  }
0xa2: {  	v2 =	vld.idx.msk [tilespmem:v2+s17+$0x0], $0xffff;
	_ =	sdelay $0x4  }
0xa3: {  	[tilespmem:s0+$0x12450] =	vst v2;
	v2 =	vld [tilespmem:s0+$0x168F0];
	_ =	sdelay $0x1  }
0xa4: {  	v1 =	vld.idx.msk [tilespmem:v1+s17+$0x0], $0xffff;
	_ =	sdelay $0x4  }
0xa5: {  	[tilespmem:s0+$0x12460] =	vst v1;
	v1 =	vld [tilespmem:s0+$0x16900]  }
0xa6: {  	v2 =	vld.idx.msk [tilespmem:v2+s17+$0x0], $0xffff;
	_ =	sdelay $0x4  }
0xa7: {  	[tilespmem:s0+$0x12470] =	vst v2;
	v2 =	vld [tilespmem:s0+$0x16910];
	_ =	sdelay $0x1  }
0xa8: {  	v1 =	vld.idx.msk [tilespmem:v1+s17+$0x0], $0xffff;
	_ =	sdelay $0x4  }
0xa9: {  	[tilespmem:s0+$0x12480] =	vst v1;
	v1 =	vld [tilespmem:s0+$0x16920]  }
0xaa: {  	v2 =	vld.idx.msk [tilespmem:v2+s17+$0x0], $0xffff;
	_ =	sdelay $0x4  }
0xab: {  	[tilespmem:s0+$0x12490] =	vst v2;
	v2 =	vld [tilespmem:s0+$0x16930];
	_ =	sdelay $0x1  }
0xac: {  	v1 =	vld.idx.msk [tilespmem:v1+s17+$0x0], $0xffff;
	_ =	sdelay $0x4  }
0xad: {  	[tilespmem:s0+$0x124A0] =	vst v1  }
0xae: {  	v1 =	vld.idx.msk [tilespmem:v2+s17+$0x0], $0xffff;
	_ =	sdelay $0x4  }
0xaf: {  	[tilespmem:s0+$0x124B0] =	vst v1;
	s0 =	simm.s32 $0x0  }
.LBB2_11:
0xb0: {  	p0 =	sne.s32 s0, $0x6E00  }
.Ltmp4:
0xb1: {  	_ = 	snop;
	(pc) =	sbr.rel @p0 .LBB2_11-.Ltmp4, $4  }
0xb2: {  	_ = 	snop  }
0xb3: {  	s30 =	sshra.s32 s0, $0x2  }
0xb4: {  	s0 =	sadd.s32 $0x200, s0;
	s31 =	sadd.s32 $0x12440, s30;
	s30 =	sadd.s32 $0xEC40, s30  }
0xb5: {  	[spmem:s1] =	stream.indirect.scatter.add.f32 [tilespmem:s31], [sflag:$0x2], $0x1, s30, s20, $0xb8;
	[tilespmem:$0x184C0] =	vst v63  }
0xb6: {  	_ =	swait.ge [sflag:s23], $0x80  }
0xb7: {  	s0 =	simm.s32 $0x37;
	[sflag:s23] =	ssyncset.done $0x0  }
.LBB2_13:
0xb8: {  	p0 =	sne.s32 s0, $0x1;
	s0 =	sadd.s32 $0xFFFFFFFF, s0;
	[sflag:s23] =	ssyncadd.s32 $0xFFFFFF80  }
.Ltmp5:
0xb9: {  	(pc) =	sbr.rel @p0 .LBB2_13-.Ltmp5, $3  }
0xba: {  	_ =	sdelay $0x1  }
0xbb: {  	_ =	swait.ge [sflag:s23], $0x80  }
0xbc: {  	[sflag:s23] =	ssyncset.done $0x0  }
0xbd: {  	s0 =	sadd.s32 s29, s12  }
0xbe: {  	s0 =	sshll.u32 s0, $0x7  }
0xbf: {  	s0 =	sadd.s32 s6, s0  }
0xc0: {  	s0 =	sshrl.u32 s0, $0x3  }
0xc1: {  	[sflag:s23] =	ssyncadd.s32 $0xFFFFFF80;
	s29 =	simm.s32 $0x0;
	s30 =	sadd.s32 s5, s0  }
0xc2: {  	[tilespmem:s18], [sflag:$0x3] =	stream.linear.gather [hbm4b:s30+s29], $0x1C00, $0x38;
	[tilespmem:$0x184C0] =	vst v63  }
0xc3: {  	_ =	swait.ge [sflag:s16], $0x1C00  }
0xc4: {  	[sflag:s16] =	ssyncset.done $0x0  }
0xc5: {  	s0 =	sadd.s32 s4, s0;
	[sflag:s16] =	ssyncadd.s32 $0xFFFFE400  }
0xc6: {  	[tilespmem:s19], [sflag:$0x3] =	stream.linear.gather [hbm4b:s0+s29], $0x1C00, $0x38;
	[tilespmem:$0x184C0] =	vst v63  }
0xc7: {  	_ =	swait.ge [sflag:s16], $0x1C00  }
0xc8: {  	[sflag:s16] =	ssyncset.done $0x0  }
0xc9: {  	s30 =	simm.s32 $0x0;
	[sflag:s16] =	ssyncadd.s32 $0xFFFFE400  }
0xca: {  	v1 =	vld [tilespmem:s30+$0x14CC0];
	_ =	sdelay $0x5  }
0xcb: {  	v2 =	vld [tilespmem:s30+$0x14CD0];
	_ =	sdelay $0x1  }
0xcc: {  	v1 =	vld.idx.msk [tilespmem:v1+s17+$0x0], $0xffff;
	_ =	sdelay $0x4  }
0xcd: {  	[tilespmem:s30+$0x10840] =	vst v1;
	v1 =	vld [tilespmem:s30+$0x14CE0]  }
0xce: {  	v2 =	vld.idx.msk [tilespmem:v2+s17+$0x0], $0xffff;
	_ =	sdelay $0x4  }
0xcf: {  	[tilespmem:s30+$0x10850] =	vst v2;
	v2 =	vld [tilespmem:s30+$0x14CF0];
	_ =	sdelay $0x1  }
0xd0: {  	v1 =	vld.idx.msk [tilespmem:v1+s17+$0x0], $0xffff;
	_ =	sdelay $0x4  }
0xd1: {  	[tilespmem:s30+$0x10860] =	vst v1;
	v1 =	vld [tilespmem:s30+$0x14D00]  }
0xd2: {  	v2 =	vld.idx.msk [tilespmem:v2+s17+$0x0], $0xffff;
	_ =	sdelay $0x4  }
0xd3: {  	[tilespmem:s30+$0x10870] =	vst v2;
	v2 =	vld [tilespmem:s30+$0x14D10];
	_ =	sdelay $0x1  }
0xd4: {  	v1 =	vld.idx.msk [tilespmem:v1+s17+$0x0], $0xffff;
	_ =	sdelay $0x4  }
0xd5: {  	v3 =	vld [tilespmem:s30+$0x14D20];
	[tilespmem:s30+$0x10880] =	vst v1  }
0xd6: {  	v1 =	vld.idx.msk [tilespmem:v2+s17+$0x0], $0xffff;
	_ =	sdelay $0x4  }
0xd7: {  	[tilespmem:s30+$0x10890] =	vst v1;
	v1 =	vld [tilespmem:s30+$0x14D30];
	_ =	sdelay $0x1  }
0xd8: {  	v2 =	vld.idx.msk [tilespmem:v3+s17+$0x0], $0xffff;
	_ =	sdelay $0x3  }
0xd9: {  	s31 =	simm.s32 $0x400;
	s0 =	simm.s32 $0x80  }
.LBB2_15:
0xda: {  	p0 =	sne.s32 s31, $0x6E00;
	v3 =	vld [tilespmem:s0+$0x14CC0];
	[tilespmem:s30+$0x108A0] =	vst v2  }
0xdb: {  	v1 =	vld.idx.msk [tilespmem:v1+s17+$0x0], $0xffff;
	_ =	sdelay $0x5  }
0xdc: {  	v2 =	vld [tilespmem:s0+$0x14CD0];
	[tilespmem:s30+$0x108B0] =	vst v1;
	s30 =	smov.u32 s0  }
0xdd: {  	v1 =	vld.idx.msk [tilespmem:v3+s17+$0x0], $0xffff;
	_ =	sdelay $0x5  }
0xde: {  	[tilespmem:s30+$0x10840] =	vst v1;
	v1 =	vld [tilespmem:s30+$0x14CE0]  }
0xdf: {  	v2 =	vld.idx.msk [tilespmem:v2+s17+$0x0], $0xffff;
	_ =	sdelay $0x5  }
0xe0: {  	[tilespmem:s30+$0x10850] =	vst v2;
	v2 =	vld [tilespmem:s30+$0x14CF0]  }
0xe1: {  	v1 =	vld.idx.msk [tilespmem:v1+s17+$0x0], $0xffff;
	_ =	sdelay $0x5  }
0xe2: {  	[tilespmem:s30+$0x10860] =	vst v1;
	v1 =	vld [tilespmem:s30+$0x14D00]  }
0xe3: {  	v2 =	vld.idx.msk [tilespmem:v2+s17+$0x0], $0xffff;
	_ =	sdelay $0x5  }
0xe4: {  	[tilespmem:s30+$0x10870] =	vst v2;
	v2 =	vld [tilespmem:s30+$0x14D10]  }
0xe5: {  	v1 =	vld.idx.msk [tilespmem:v1+s17+$0x0], $0xffff;
	_ =	sdelay $0x5  }
0xe6: {  	[tilespmem:s30+$0x10880] =	vst v1;
	v3 =	vld [tilespmem:s30+$0x14D20]  }
0xe7: {  	v1 =	vld.idx.msk [tilespmem:v2+s17+$0x0], $0xffff;
	_ =	sdelay $0x5  }
0xe8: {  	[tilespmem:s30+$0x10890] =	vst v1;
	v1 =	vld [tilespmem:s30+$0x14D30]  }
0xe9: {  	v2 =	vld.idx.msk [tilespmem:v3+s17+$0x0], $0xffff  }
.Ltmp6:
0xea: {  	(pc) =	sbr.rel @p0 .LBB2_15-.Ltmp6, $2  }
0xeb: {  	_ =	sdelay $0x2  }
0xec: {  	s0 =	sshra.s32 s31, $0x2;
	s31 =	sadd.s32 $0x200, s31  }
0xed: {  	_ =	sdelay $0x1  }
0xee: {  	v3 =	vld [tilespmem:s0+$0x14CC0]  }
0xef: {  	[tilespmem:s30+$0x108A0] =	vst v2  }
0xf0: {  	v1 =	vld.idx.msk [tilespmem:v1+s17+$0x0], $0xffff;
	_ =	sdelay $0x3  }
0xf1: {  	v2 =	vld [tilespmem:s0+$0x14CD0]  }
0xf2: {  	[tilespmem:s30+$0x108B0] =	vst v1  }
0xf3: {  	v1 =	vld.idx.msk [tilespmem:v3+s17+$0x0], $0xffff;
	_ =	sdelay $0x4  }
0xf4: {  	[tilespmem:s0+$0x10840] =	vst v1;
	v1 =	vld [tilespmem:s0+$0x14CE0]  }
0xf5: {  	v2 =	vld.idx.msk [tilespmem:v2+s17+$0x0], $0xffff;
	_ =	sdelay $0x4  }
0xf6: {  	[tilespmem:s0+$0x10850] =	vst v2;
	v2 =	vld [tilespmem:s0+$0x14CF0];
	_ =	sdelay $0x1  }
0xf7: {  	v1 =	vld.idx.msk [tilespmem:v1+s17+$0x0], $0xffff;
	_ =	sdelay $0x4  }
0xf8: {  	[tilespmem:s0+$0x10860] =	vst v1;
	v1 =	vld [tilespmem:s0+$0x14D00]  }
0xf9: {  	v2 =	vld.idx.msk [tilespmem:v2+s17+$0x0], $0xffff;
	_ =	sdelay $0x4  }
0xfa: {  	[tilespmem:s0+$0x10870] =	vst v2;
	v2 =	vld [tilespmem:s0+$0x14D10];
	_ =	sdelay $0x1  }
0xfb: {  	v1 =	vld.idx.msk [tilespmem:v1+s17+$0x0], $0xffff;
	_ =	sdelay $0x4  }
0xfc: {  	[tilespmem:s0+$0x10880] =	vst v1;
	v1 =	vld [tilespmem:s0+$0x14D20]  }
0xfd: {  	v2 =	vld.idx.msk [tilespmem:v2+s17+$0x0], $0xffff;
	_ =	sdelay $0x4  }
0xfe: {  	[tilespmem:s0+$0x10890] =	vst v2;
	v2 =	vld [tilespmem:s0+$0x14D30];
	_ =	sdelay $0x1  }
0xff: {  	v1 =	vld.idx.msk [tilespmem:v1+s17+$0x0], $0xffff;
	_ =	sdelay $0x4  }
0x100: {  	[tilespmem:s0+$0x108A0] =	vst v1  }
0x101: {  	v1 =	vld.idx.msk [tilespmem:v2+s17+$0x0], $0xffff;
	_ =	sdelay $0x4  }
0x102: {  	[tilespmem:s0+$0x108B0] =	vst v1  }
.LBB2_17:
0x103: {  	p0 =	sne.s32 s29, $0x6E00  }
.Ltmp7:
0x104: {  	_ = 	snop;
	(pc) =	sbr.rel @p0 .LBB2_17-.Ltmp7, $4  }
0x105: {  	_ = 	snop  }
0x106: {  	s0 =	sshra.s32 s29, $0x2  }
0x107: {  	s29 =	sadd.s32 $0x200, s29;
	s30 =	sadd.s32 $0x10840, s0;
	s0 =	sadd.s32 $0xD040, s0  }
0x108: {  	[spmem:s1] =	stream.indirect.scatter.add.f32 [tilespmem:s30], [sflag:$0x1], $0x1, s0, s20, $0xb8;
	[tilespmem:$0x184C0] =	vst v63  }
0x109: {  	_ =	swait.ge [sflag:s24], $0x80  }
0x10a: {  	s0 =	simm.s32 $0x37;
	[sflag:s24] =	ssyncset.done $0x0  }
.LBB2_19:
0x10b: {  	p0 =	sne.s32 s0, $0x1;
	s0 =	sadd.s32 $0xFFFFFFFF, s0;
	[sflag:s24] =	ssyncadd.s32 $0xFFFFFF80  }
.Ltmp8:
0x10c: {  	(pc) =	sbr.rel @p0 .LBB2_19-.Ltmp8, $3  }
0x10d: {  	_ =	sdelay $0x1  }
0x10e: {  	_ =	swait.ge [sflag:s24], $0x80  }
0x10f: {  	[sflag:s24] =	ssyncset.done $0x0  }
0x110: {  	s28 =	sadd.s32 $0x1, s28  }
0x111: {  	p0 =	sne.s32 s28, $0x3  }
.Ltmp9:
0x112: {  	_ = 	snop;
	(pc) =	sbr.rel @p0 .LBB2_8-.Ltmp9, $2  }
0x113: {  	_ =	sdelay $0x2  }
0x114: {  	[sflag:s24] =	ssyncadd.s32 $0xFFFFFF80  }
0x115: {  	_ =	swait.ge [sflag:s23], $0x80  }
0x116: {  	s0 =	simm.s32 $0x37;
	[sflag:s23] =	ssyncset.done $0x0  }
.LBB2_22:
0x117: {  	p0 =	sne.s32 s0, $0x1;
	s0 =	sadd.s32 $0xFFFFFFFF, s0;
	[sflag:s23] =	ssyncadd.s32 $0xFFFFFF80  }
.Ltmp10:
0x118: {  	(pc) =	sbr.rel @p0 .LBB2_22-.Ltmp10, $3  }
0x119: {  	_ =	sdelay $0x1  }
0x11a: {  	_ =	swait.ge [sflag:s23], $0x80  }
0x11b: {  	[sflag:s23] =	ssyncset.done $0x0  }
0x11c: {  	[sflag:s23] =	ssyncadd.s32 $0xFFFFFF80  }
0x11d: {  	[bflag:$0x0] =	sbarrier.arrive $0xFFFF  }
0x11e: {  	[tilespmem:s15], [sflag:$0x3] =	stream.linear.gather [spmem:s7], $0xC40, $0x38;
	[tilespmem:$0x184C0] =	vst v63  }
0x11f: {  	s25 =	sadd.s32 $0x1, s25;
	_ =	swait.ge [sflag:s16], $0xC40  }
0x120: {  	p0 =	sne.s32 s25, s14;
	[sflag:s16] =	ssyncset.done $0x0  }
.Ltmp11:
0x121: {  	[sflag:s16] =	ssyncadd.s32 $0xFFFFF3C0;
	(pc) =	sbr.rel @p0 .LBB2_1-.Ltmp11, $4  }
0x122: {  	[hbm4b:s13+s2] =	stream.linear.scatter [tilespmem:s15], [sflag:$0x3], $0xC40, $0x38;
	[tilespmem:$0x184C0] =	vst v63  }
0x123: {  	_ =	swait.ge [sflag:s16], $0xC40  }
0x124: {  	[sflag:s16] =	ssyncset.done $0x0  }
0x125: {  	[sflag:s16] =	ssyncadd.s32 $0xFFFFF3C0  }
0x126: {  	_ =	sfence.sel $0x180000  }
0x127: {  	[bflag:$0x0] =	sbarrier.arrive $0xFFFF  }
0x128: {  	_ =	strace $0x9000004A  }
0x129: {  	[bflag:$0x2] =	sbarrier.arrive $0xFFFF  }
0x12a: {  	p0 =	sne.s32 s3, $0x0;
	s0 =	rddreg [dreg:$0x2]  }
0x12b: {  	s0 =	sadd.s32 @!p0 $0x100000, s0  }
0x12c: {  	[sflag:s0] =	ssyncadd.tile.s32 @!p0 $0x1;
	_ =	shalt  }
.Lfunc_end2:
_tile_overlayer_lowered:
.L_overlay_start_2:
0x12d: {  	(tag) =	ssettag $0x2  }
0x12e: {  	s0 =	rddreg [dreg:$0x0];
	s2 =	stileid.u32  }
0x12f: {  	s1 =	rddreg [dreg:$0x1];
	p0 =	sne.s32 s2, $0x0  }
0x130: {  	s3 =	rddreg [dreg:$0x2];
	[bflag:$0x3] =	sbarrier.arrive $0xFFFF;
	s2 =	simm.s32 @!p0 $0x1C03  }
0x131: {  	[timem:s3], [sflag:s2] =	dma.local @!p0 [hbm:s0], s1  }
0x132: {  	s0 =	simm.s32 @!p0 $0x3  }
0x133: {  	_ =	swait.ge @!p0 [sflag:s0], s1  }
0x134: {  	s1 =	ssub.s32 @!p0 $0x0, s1;
	[sflag:s0] =	ssyncset.done @!p0 $0x0  }
0x135: {  	[sflag:s0] =	ssyncadd.s32 @!p0 s1  }
0x136: {  	[bflag:$0x3] =	sbarrier.arrive $0xFFFF  }
0x137: {  	_ =	shalt  }

// kernel: kernel.14.cloned.1.call-start
scs
__scs_entry_jumppad:
0x0: {  	(pc) =	sbr.rel $0x88, $3  }
0x1: {  	(tag) =	ssettag $0x0;
	lr =	simm.s32 $0x1  }
0x2: {  	[smem:$0x3F90] =	sst lr;
	_ =	strace $0xD0000000  }
0x3: {  	_ = 	snop  }
0x4: {  	_ = 	snop  }
0x5: {  	_ = 	snop  }
0x6: {  	_ = 	snop  }
0x7: {  	_ = 	snop  }
__scs_overlays_trampoline_lowered:
0x8: {  	[smem:$0x3F9F] =	sst s0  }
0x9: {  	[smem:$0x3FA0] =	sst s1  }
0xa: {  	[smem:$0x3FA1] =	sst s2  }
0xb: {  	[smem:$0x3FA2] =	sst s3  }
0xc: {  	[smem:$0x3FA3] =	sst s4  }
0xd: {  	[smem:$0x3FA4] =	sst s5  }
0xe: {  	[smem:$0x3FA5] =	sst s6  }
0xf: {  	[smem:$0x3FA6] =	sst s7  }
0x10: {  	[smem:$0x3FA7] =	sst s8  }
0x11: {  	[smem:$0x3FA8] =	sst s9;
	s0 =	simm.s32 @!p0 $0x0  }
0x12: {  	s1 =	sld [smem:$0x3F8E];
	s0 =	simm.s32 @p0 $0x1  }
0x13: {  	[smem:$0x3FA9] =	sst s0;
	s0 =	simm.s32 @!p1 $0x0  }
0x14: {  	s2 =	sld [smem:$0x3F8D];
	s0 =	simm.s32 @p1 $0x1  }
0x15: {  	[smem:$0x3FAA] =	sst s0;
	s0 =	simm.s32 @!p2 $0x0  }
0x16: {  	s3 =	sld [smem:$0x3FDB];
	s0 =	simm.s32 @p2 $0x1  }
0x17: {  	s4 =	simm.s32 $0x1BF5;
	[smem:$0x3FAC] =	sst s0  }
0x18: {  	s0 =	sld [smem:$0x3F8F];
	_ =	swait.ge [sflag:s4], $0x0  }
0x19: {  	s7 =	sld [smem:$0x3F90]  }
0x1a: {  	s8 =	sadd.s32 $0xFFFFE003, lr  }
0x1b: {  	s9 =	sadd.s32 $0xFFFFFEF7, lr;
	s5 =	simm.s32 $0xFFFFFFFF;
	p2 =	slt.u32 s8, $0xFFFFF086  }
0x1c: {  	p1 =	slt.u32 s9, $0xF7A;
	s5 =	simm.s32 @!p2 $0x0  }
0x1d: {  	s5 =	simm.s32 @p1 $0x1;
	p0 =	seq.s32 s7, s2  }
0x1e: {  	s7 =	smul.u32 @!p0 $0xF7A, s2;
	p2 =	seq.s32 @!p0 s5, $0x0  }
0x1f: {  	s9 =	smul.u32 $0xF7A, s1;
	s8 =	simm.s32 @!p0 $0x1BF5;
	p2 =	por !p2, p0  }
0x20: {  	[sflag:s8] =	ssyncset.s32 @!p0 $0xFFFFF086;
	s6 =	sadd.s32 @!p0 s3, s7;
	s7 =	simm.s32 @!p0 $0x108  }
0x21: {  	s3 =	sadd.s32 s3, s9;
	s6 =	sadd.s32 @!p0 $0x88, s6;
	s7 =	simm.s32 @p2 $0x1082  }
0x22: {  	[simem:s7], [sflag:s8] =	dma.local @!p0 [hbm:s6], $0xF7A  }
0x23: {  	s9 =	sor.u32 $0xD0000000, s2;
	s6 =	simm.s32 $0x108;
	_ =	swait.ge @!p0 [sflag:s8], $0x0  }
0x24: {  	s3 =	sadd.s32 $0x88, s3;
	s6 =	simm.s32 @!p1 $0x1082;
	[sflag:s4] =	ssyncset.s32 $0xFFFFF086  }
0x25: {  	[simem:s6], [sflag:s4] =	dma.local [hbm:s3], $0xF7A  }
0x26: {  	[smem:$0x3F90] =	sst s1;
	(tag) =	ssettag s2;
	_ =	strace s9  }
0x27: {  	s1 =	sld [smem:$0x3FA0]  }
0x28: {  	s2 =	sld [smem:$0x3FA1]  }
0x29: {  	s4 =	sld [smem:$0x3FA3]  }
0x2a: {  	p0 =	seq.s32 s5, $0x0;
	s5 =	sld [smem:$0x3FA4]  }
0x2b: {  	s6 =	sld [smem:$0x3FA5]  }
0x2c: {  	s7 =	sld [smem:$0x3FA6]  }
0x2d: {  	s3 =	simm.s32 $0x108;
	s8 =	sld [smem:$0x3FA7]  }
0x2e: {  	s3 =	simm.s32 @!p0 $0x1082;
	s9 =	sld [smem:$0x3FA8]  }
0x2f: {  	lr =	sadd.s32 s0, s3;
	s0 =	sld [smem:$0x3F9F]  }
0x30: {  	s3 =	sld [smem:$0x3FA2]  }
0x31: {  	[smem:$0x3FAB] =	sst s10  }
0x32: {  	s10 =	sld [smem:$0x3FA9];
	_ =	sdelay $0x3  }
0x33: {  	p0 =	seq.s32 s10, $0x1;
	s10 =	sld [smem:$0x3FAB];
	_ =	sdelay $0x3  }
0x34: {  	[smem:$0x3FAB] =	sst s10  }
0x35: {  	s10 =	sld [smem:$0x3FAA];
	_ =	sdelay $0x3  }
0x36: {  	p1 =	seq.s32 s10, $0x1;
	s10 =	sld [smem:$0x3FAB];
	_ =	sdelay $0x3  }
0x37: {  	[smem:$0x3FAB] =	sst s10  }
0x38: {  	s10 =	sld [smem:$0x3FAC]  }
0x39: {  	_ = 	snop;
	(pc) =	sbr.ind lr, $3  }
0x3a: {  	_ = 	snop  }
0x3b: {  	_ = 	snop  }
0x3c: {  	p2 =	seq.s32 s10, $0x1;
	s10 =	sld [smem:$0x3FAB]  }
0x3d: {  	_ =	shalt  }
0x3e: {  	_ =	shalt  }
0x3f: {  	_ =	shalt  }
0x40: {  	_ =	shalt  }
0x41: {  	_ =	shalt  }
0x42: {  	_ =	shalt  }
0x43: {  	_ =	shalt  }
0x44: {  	_ =	shalt  }
0x45: {  	_ =	shalt  }
0x46: {  	_ =	shalt  }
0x47: {  	_ =	shalt  }
0x48: {  	_ =	shalt  }
0x49: {  	_ =	shalt  }
0x4a: {  	_ =	shalt  }
0x4b: {  	_ =	shalt  }
0x4c: {  	_ =	shalt  }
0x4d: {  	_ =	shalt  }
0x4e: {  	_ =	shalt  }
0x4f: {  	_ =	shalt  }
0x50: {  	_ =	shalt  }
0x51: {  	_ =	shalt  }
0x52: {  	_ =	shalt  }
0x53: {  	_ =	shalt  }
0x54: {  	_ =	shalt  }
0x55: {  	_ =	shalt  }
0x56: {  	_ =	shalt  }
0x57: {  	_ =	shalt  }
0x58: {  	_ =	shalt  }
0x59: {  	_ =	shalt  }
0x5a: {  	_ =	shalt  }
0x5b: {  	_ =	shalt  }
0x5c: {  	_ =	shalt  }
0x5d: {  	_ =	shalt  }
0x5e: {  	_ =	shalt  }
0x5f: {  	_ =	shalt  }
0x60: {  	_ =	shalt  }
0x61: {  	_ =	shalt  }
0x62: {  	_ =	shalt  }
0x63: {  	_ =	shalt  }
0x64: {  	_ =	shalt  }
0x65: {  	_ =	shalt  }
0x66: {  	_ =	shalt  }
0x67: {  	_ =	shalt  }
0x68: {  	_ =	shalt  }
0x69: {  	_ =	shalt  }
0x6a: {  	_ =	shalt  }
0x6b: {  	_ =	shalt  }
0x6c: {  	_ =	shalt  }
0x6d: {  	_ =	shalt  }
0x6e: {  	_ =	shalt  }
0x6f: {  	_ =	shalt  }
0x70: {  	_ =	shalt  }
0x71: {  	_ =	shalt  }
0x72: {  	_ =	shalt  }
0x73: {  	_ =	shalt  }
0x74: {  	_ =	shalt  }
0x75: {  	_ =	shalt  }
0x76: {  	_ =	shalt  }
0x77: {  	_ =	shalt  }
0x78: {  	_ =	shalt  }
0x79: {  	_ =	shalt  }
0x7a: {  	_ =	shalt  }
0x7b: {  	_ =	shalt  }
0x7c: {  	_ =	shalt  }
0x7d: {  	_ =	shalt  }
0x7e: {  	_ =	shalt  }
0x7f: {  	_ =	shalt  }
0x80: {  	_ =	shalt  }
0x81: {  	_ =	shalt  }
0x82: {  	_ =	shalt  }
0x83: {  	_ =	shalt  }
0x84: {  	_ =	shalt  }
0x85: {  	_ =	shalt  }
0x86: {  	_ =	shalt  }
0x87: {  	_ =	shalt  }
.Lfunc_end0:
.L_simem_size_0:
called_computation.2_lowered:
.L_overlay_start_0:
0x88: {  	s2 =	sld [smem:$0x3FD9]  }
0x89: {  	s3 =	sld [smem:$0x3FFE];
	_ =	sdelay $0x1  }
0x8a: {  	s1 =	srdreg.scid  }
0x8b: {  	s0 =	sand.u32 $0x1, s1  }
0x8c: {  	s16 =	sshll.u32 s0, $0xA;
	s2 =	sadd.s32 s3, s2  }
0x8d: {  	s2 =	sadd.s32 s2, s16  }
0x8e: {  	[smem:$0x3FB7] =	sst s2  }
0x8f: {  	_ = 	snop  }
0x90: {  	(tm) =	ssettm $0x1  }
0x91: {  	s17 =	sld [smem:$0x3FFB];
	_ =	sdelay $0x3  }
0x92: {  	_ =	strace s17  }
0x93: {  	s2 =	sld [smem:$0x3FFC];
	_ =	sdelay $0x3  }
0x94: {  	_ =	strace s2  }
0x95: {  	s2 =	sld [smem:$0x3FFD];
	_ =	sdelay $0x3  }
0x96: {  	_ =	strace s2  }
0x97: {  	_ =	strace $0x8FFFFFFF  }
0x98: {  	s18 =	sld [smem:$0x3FDB];
	_ =	sdelay $0x1  }
0x99: {  	s19 =	simm.s32 $_scs_section_size  }
0x9a: {  	s4 =	simm.s32 $_size__tile_overlayer_lowered;
	s5 =	simm.s32 $_tile_overlayer_lowered  }
0x9b: {  	s22 =	simm.s32 $0x1BFF;
	s21 =	sshll.u32 s5, $0x1;
	s2 =	sadd.s32 s19, s18  }
0x9c: {  	s6 =	simm.s32 $0x0;
	s20 =	sshll.u32 s4, $0x1;
	s4 =	sadd.s32 s21, s2  }
0x9d: {  	[timem:s6], [sflag:s22] =	dma.local [hbm:s4], s20  }
0x9e: {  	_ =	swait.ge [sflag:s22], s20  }
0x9f: {  	s3 =	ssub.s32 $0x0, s20;
	[sflag:s22] =	ssyncset.done $0x0  }
0xa0: {  	[sflag:s22] =	ssyncadd.s32 s3;
	_ =	sdelay $0x1  }
0xa1: {  	s23 =	simm.s32 $0x1B8B  }
0xa2: {  	_ =	swait.ge [sflag:s23], $0x1  }
0xa3: {  	[sflag:s23] =	ssyncset.done $0x0  }
0xa4: {  	s25 =	simm.s32 $0x1B8E;
	s24 =	sld [smem:$0x3FFE];
	[sflag:s23] =	ssyncadd.s32 $0xFFFFFFFF  }
0xa5: {  	s26 =	simm.s32 $execute0_lowered;
	[smem:$0x3FD2] =	sst s25  }
0xa6: {  	s4 =	sshll.u32 s26, $0x1;
	_ =	strace $0x8000004C;
	[dreg:$0x1] =	wrdreg $0xFFFFFFFF  }
0xa7: {  	s28 =	simm.s32 $_size_execute0_lowered;
	s2 =	sadd.s32 s2, s4;
	[dreg:$0x0] =	wrdreg $0x0  }
0xa8: {  	s4 =	sshll.u32 s28, $0x1;
	[dreg:$0x2] =	wrdreg s2  }
0xa9: {  	[dreg:$0x3] =	wrdreg s4  }
0xaa: {  	[dreg:$0x4] =	wrdreg $0xC0  }
0xab: {  	_ =	task [dreg:s6], $0x5FFFF  }
0xac: {  	[dreg:$0x1] =	wrdreg $0xFFFFFFFF  }
0xad: {  	[dreg:$0x0] =	wrdreg $0x60  }
0xae: {  	[dreg:$0x2] =	wrdreg s24  }
0xaf: {  	[dreg:$0x3] =	wrdreg $0x0  }
0xb0: {  	[dreg:$0x4] =	wrdreg $0x9  }
0xb1: {  	_ =	task.clear_ibuf [dreg:s6], $0x5FFFF;
	_ =	strace $0x9000004C  }
0xb2: {  	s29 =	simm.s32 $0x9;
	_ =	strace $0x8000004E  }
0xb3: {  	_ =	swait.ge [sflag:s29], $0x1  }
0xb4: {  	[sflag:s29] =	ssyncadd.s32 $0xFFFFFFFF  }
0xb5: {  	_ =	strace $0x9000004E  }
0xb6: {  	_ =	sfence  }
0xb7: {  	s30 =	sld [smem:$0x0];
	_ =	sdelay $0x2  }
0xb8: {  	s31 =	sshll.u32 s1, $0xD;
	s1 =	sshrl.u32 s1, $0x2  }
0xb9: {  	s3 =	sand.u32 $0x4000, s31;
	s1 =	sadd.s32 s1, s30  }
0xba: {  	s0 =	sor.u32 s3, s0;
	s1 =	sshll.u32 s1, $0x11  }
0xbb: {  	s0 =	sor.u32 s1, s0  }
0xbc: {  	s0 =	sadd.s32 $0x8F2B, s0  }
0xbd: {  	[sflag:s0] =	ssyncadd.remote.s32 $0x1  }
0xbe: {  	_ =	sfence.sel $0xFFFF  }
0xbf: {  	[dreg:$0x0] =	wrdreg $0xFFFFFFFF;
	(pc) =	sbr.abs _section_cstart, $3  }
0xc0: {  	[dreg:$0x1] =	wrdreg $0xFFFFFFFF  }
0xc1: {  	_ =	task.clear_ibuf [dreg:s6], $0x2FFFF;
	_ =	strace $0x9FFFFFFF  }
0xc2: {  	(tm) =	ssettm $0x7FFFFFFF  }
0xc3: {  	_ =	shalt  }
tec
execute0_lowered:
.L_overlay_start_1:
0x0: {  	(tag) =	ssettag $0x1  }
0x1: {  	s0 =	rddreg [dreg:$0x0]  }
0x2: {  	s1 =	rddreg [dreg:$0x1]  }
0x3: {  	s3 =	simm.s32 $0x0;
	s2 =	srdreg.scid;
	s12 =	stileid.u32  }
0x4: {  	s17 =	simm.s32 $0x14C80;
	s18 =	simm.s32 $0x3;
	s19 =	simm.s32 $0x1880  }
0x5: {  	s20 =	simm.s32 $0xDC80;
	s21 =	simm.s32 $0x15900;
	s7 =	smul.u32 $0xC40, s12  }
0x6: {  	s22 =	simm.s32 $0x80;
	s28 =	simm.s32 $0x0;
	s10 =	smul.u32 $0xC400, s12  }
0x7: {  	[smem:$0x7FF] =	sst s3;
	s2 =	sand.u32 $0x1, s2;
	s29 =	smul.u32 $0x188, s12  }
0x8: {  	s4 =	sadd.s32 $0x37200, s0;
	s5 =	sadd.s32 $0x3000, s0;
	s23 =	smul.u32 $0xC400, s2  }
0x9: {  	_ =	strace $0x8000004D;
	s9 =	ssub.s32 $0x2, s2;
	s6 =	smul.u32 $0xC4000, s2  }
0xa: {  	s25 =	sshrl.u32 s9, $0x1;
	s12 =	sadd.s32 $0x38, s29;
	s13 =	sadd.s32 $0x70, s29  }
0xb: {  	s8 =	sshrl.u32 s23, $0x3;
	s3 =	sadd.s32 s7, s23;
	s26 =	ssub.s32 s9, s25  }
0xc: {  	s7 =	sadd.s32 s7, s1;
	s30 =	sadd.s32 s10, s6;
	s23 =	simm.s32 $0xF880  }
0xd: {  	s25 =	simm.s32 $0x1;
	s24 =	sshrl.u32 s3, $0x3;
	s11 =	sadd.s32 s8, s0  }
0xe: {  	s8 =	sadd.s32 $0xC400, s7;
	s9 =	sshrl.u32 s30, $0x3;
	s16 =	smax.u32 s26, $0x1  }
0xf: {  	s26 =	simm.s32 $0x2;
	s0 =	sadd.s32 s24, s0;
	s31 =	sadd.s32 $0x34000, s11  }
0x10: {  	s10 =	sadd.s32 s5, s9;
	s11 =	sadd.s32 s4, s9;
	s24 =	simm.s32 $0x17500  }
0x11: {  	v0 =	vimm.f32 $0.0e+00;
	v1 =	vimm.s32 $0x0;
	[dreg:$0x3] =	wrdreg s31;
	s14 =	sadd.s32 $0x68200, s0;
	s15 =	sadd.s32 $0x6B400, s0  }
.LBB2_1:
0x12: {  	s0 =	simm.s32 $0x40;
	s2 =	simm.s32 $0x0  }
.LBB2_2:
0x13: {  	p0 =	sne.s32 s0, $0x30C0;
	[tilespmem:s2+$0x14C80] =	vst v0;
	s2 =	smov.u32 s0;
	s0 =	sadd.s32 $0x40, s0  }
.Ltmp0:
0x14: {  	(pc) =	sbr.rel @p0 .LBB2_2-.Ltmp0, $2  }
0x15: {  	_ =	sdelay $0x2  }
0x16: {  	s2 =	sshra.s32 s2, $0x2  }
0x17: {  	[tilespmem:s2+$0x14C80] =	vst v0  }
0x18: {  	[spmem:s7] =	stream.linear.scatter [tilespmem:s17], [sflag:$0x3], $0xC40, $0x38;
	[tilespmem:$0x1C900] =	vst v63  }
0x19: {  	_ =	swait.ge [sflag:s18], $0xC40  }
0x1a: {  	[sflag:s18] =	ssyncset.done $0x0  }
0x1b: {  	[sflag:s18] =	ssyncadd.s32 $0xFFFFF3C0  }
0x1c: {  	[spmem:s8] =	stream.linear.scatter [tilespmem:s17], [sflag:$0x3], $0xC40, $0x38;
	[tilespmem:$0x1C900] =	vst v63  }
0x1d: {  	_ =	swait.ge [sflag:s18], $0xC40  }
0x1e: {  	[sflag:s18] =	ssyncset.done $0x0  }
0x1f: {  	s0 =	simm.s32 $0x0;
	s31 =	rddreg [dreg:$0x3];
	[sflag:s18] =	ssyncadd.s32 $0xFFFFF3C0  }
0x20: {  	[tilespmem:s19], [sflag:$0x3] =	stream.linear.gather [hbm4b:s31+s0], $0xC400, $0x38;
	[tilespmem:$0x1C900] =	vst v63  }
0x21: {  	_ =	swait.ge [sflag:s18], $0xC400  }
0x22: {  	[sflag:s18] =	ssyncset.done $0x0  }
0x23: {  	[sflag:s18] =	ssyncadd.s32 $0xFFFF3C00  }
0x24: {  	[bflag:$0x0] =	sbarrier.arrive $0xFFFF  }
0x25: {  	[tilespmem:s20], [sflag:$0x3] =	stream.linear.gather [hbm4b:s10+s0], $0x1C00, $0x38;
	[tilespmem:$0x1C900] =	vst v63  }
0x26: {  	_ =	swait.ge [sflag:s18], $0x1C00  }
0x27: {  	[sflag:s18] =	ssyncset.done $0x0  }
0x28: {  	[sflag:s18] =	ssyncadd.s32 $0xFFFFE400  }
0x29: {  	[tilespmem:s21], [sflag:$0x3] =	stream.linear.gather [hbm4b:s11+s0], $0x1C00, $0x38;
	[tilespmem:$0x1C900] =	vst v63  }
0x2a: {  	_ =	swait.ge [sflag:s18], $0x1C00  }
0x2b: {  	[sflag:s18] =	ssyncset.done $0x0  }
0x2c: {  	s29 =	simm.s32 $0x0;
	[sflag:s18] =	ssyncadd.s32 $0xFFFFE400  }
0x2d: {  	v2 =	vld [tilespmem:s29+$0x15900];
	_ =	sdelay $0x7  }
0x2e: {  	v2 =	vld.idx.msk [tilespmem:v2+s19+$0x0], $0xffff  }
0x2f: {  	v3 =	vld [tilespmem:s29+$0x15910]  }
0x30: {  	v4 =	vld [tilespmem:s29+$0xDC80];
	_ =	sdelay $0x2  }
0x31: {  	vm0 =	vlt.f32 v2, $0.0e+00  }
0x32: {  	v2 =	vand.u32 $0x7FFFFFFF, v2;
	v5 =	vsel vm0, $0xC400, v1  }
0x33: {  	[tilespmem:s29+$0x11480] =	vst v2;
	v2 =	vadd.s32 v5, v4  }
0x34: {  	[tilespmem:s29+$0x19100] =	vst v2  }
0x35: {  	v2 =	vld.idx.msk [tilespmem:v3+s19+$0x0], $0xffff  }
0x36: {  	v3 =	vld [tilespmem:s29+$0x15920]  }
0x37: {  	v4 =	vld [tilespmem:s29+$0xDC90];
	_ =	sdelay $0x2  }
0x38: {  	vm9 =	vlt.f32 v2, $0.0e+00  }
0x39: {  	v2 =	vand.u32 $0x7FFFFFFF, v2;
	v5 =	vsel vm9, $0xC400, v1  }
0x3a: {  	[tilespmem:s29+$0x11490] =	vst v2;
	v2 =	vadd.s32 v5, v4  }
0x3b: {  	[tilespmem:s29+$0x19110] =	vst v2  }
0x3c: {  	v2 =	vld.idx.msk [tilespmem:v3+s19+$0x0], $0xffff  }
0x3d: {  	v3 =	vld [tilespmem:s29+$0x15930]  }
0x3e: {  	v4 =	vld [tilespmem:s29+$0xDCA0];
	_ =	sdelay $0x2  }
0x3f: {  	vm10 =	vlt.f32 v2, $0.0e+00  }
0x40: {  	v2 =	vand.u32 $0x7FFFFFFF, v2;
	v5 =	vsel vm10, $0xC400, v1  }
0x41: {  	[tilespmem:s29+$0x114A0] =	vst v2;
	v2 =	vadd.s32 v5, v4  }
0x42: {  	[tilespmem:s29+$0x19120] =	vst v2  }
0x43: {  	v2 =	vld.idx.msk [tilespmem:v3+s19+$0x0], $0xffff  }
0x44: {  	v3 =	vld [tilespmem:s29+$0x15940]  }
0x45: {  	v4 =	vld [tilespmem:s29+$0xDCB0];
	_ =	sdelay $0x2  }
0x46: {  	vm11 =	vlt.f32 v2, $0.0e+00  }
0x47: {  	v2 =	vand.u32 $0x7FFFFFFF, v2;
	v5 =	vsel vm11, $0xC400, v1  }
0x48: {  	[tilespmem:s29+$0x114B0] =	vst v2;
	v2 =	vadd.s32 v5, v4  }
0x49: {  	[tilespmem:s29+$0x19130] =	vst v2  }
0x4a: {  	v2 =	vld.idx.msk [tilespmem:v3+s19+$0x0], $0xffff  }
0x4b: {  	v3 =	vld [tilespmem:s29+$0x15950]  }
0x4c: {  	v4 =	vld [tilespmem:s29+$0xDCC0];
	_ =	sdelay $0x2  }
0x4d: {  	vm12 =	vlt.f32 v2, $0.0e+00  }
0x4e: {  	v2 =	vand.u32 $0x7FFFFFFF, v2;
	v5 =	vsel vm12, $0xC400, v1  }
0x4f: {  	[tilespmem:s29+$0x114C0] =	vst v2;
	v2 =	vadd.s32 v5, v4  }
0x50: {  	[tilespmem:s29+$0x19140] =	vst v2  }
0x51: {  	v2 =	vld.idx.msk [tilespmem:v3+s19+$0x0], $0xffff  }
0x52: {  	v3 =	vld [tilespmem:s29+$0x15960]  }
0x53: {  	v4 =	vld [tilespmem:s29+$0xDCD0];
	_ =	sdelay $0x2  }
0x54: {  	vm13 =	vlt.f32 v2, $0.0e+00  }
0x55: {  	v2 =	vand.u32 $0x7FFFFFFF, v2;
	v5 =	vsel vm13, $0xC400, v1  }
0x56: {  	[tilespmem:s29+$0x114D0] =	vst v2;
	v2 =	vadd.s32 v5, v4  }
0x57: {  	[tilespmem:s29+$0x19150] =	vst v2  }
0x58: {  	v2 =	vld.idx.msk [tilespmem:v3+s19+$0x0], $0xffff  }
0x59: {  	v3 =	vld [tilespmem:s29+$0x15970]  }
0x5a: {  	v4 =	vld [tilespmem:s29+$0xDCE0];
	_ =	sdelay $0x2  }
0x5b: {  	vm14 =	vlt.f32 v2, $0.0e+00  }
0x5c: {  	v2 =	vand.u32 $0x7FFFFFFF, v2;
	v5 =	vsel vm14, $0xC400, v1  }
0x5d: {  	[tilespmem:s29+$0x114E0] =	vst v2;
	v2 =	vadd.s32 v5, v4  }
0x5e: {  	[tilespmem:s29+$0x19160] =	vst v2  }
0x5f: {  	s2 =	simm.s32 $0x80;
	v3 =	vld.idx.msk [tilespmem:v3+s19+$0x0], $0xffff  }
0x60: {  	v2 =	vld [tilespmem:s2+$0x15900]  }
0x61: {  	v4 =	vld [tilespmem:s29+$0xDCF0];
	_ =	sdelay $0x2  }
0x62: {  	vm15 =	vlt.f32 v3, $0.0e+00  }
0x63: {  	v3 =	vand.u32 $0x7FFFFFFF, v3;
	v5 =	vsel vm15, $0xC400, v1  }
0x64: {  	s30 =	simm.s32 $0x200;
	s0 =	simm.s32 $0x400;
	[tilespmem:s29+$0x114F0] =	vst v3;
	v3 =	vadd.s32 v5, v4  }
.LBB2_4:
0x65: {  	p0 =	sne.s32 s0, $0x6E00;
	[tilespmem:s29+$0x19170] =	vst v3;
	s3 =	smov.u32 s0;
	s0 =	sadd.s32 $0x200, s0  }
0x66: {  	s29 =	smov.u32 s2;
	v2 =	vld.idx.msk [tilespmem:v2+s19+$0x0], $0xffff;
	_ =	sdelay $0x1  }
0x67: {  	v3 =	vld [tilespmem:s29+$0x15910]  }
0x68: {  	v4 =	vld [tilespmem:s29+$0xDC80];
	_ =	sdelay $0x2  }
0x69: {  	v5 =	vand.u32 $0x7FFFFFFF, v2;
	vm0 =	vlt.f32 v2, $0.0e+00  }
0x6a: {  	v2 =	vsel vm0, $0xC400, v1  }
0x6b: {  	[tilespmem:s29+$0x11480] =	vst v5;
	v2 =	vadd.s32 v2, v4  }
0x6c: {  	[tilespmem:s29+$0x19100] =	vst v2  }
0x6d: {  	v2 =	vld.idx.msk [tilespmem:v3+s19+$0x0], $0xffff;
	_ =	sdelay $0x1  }
0x6e: {  	v3 =	vld [tilespmem:s29+$0x15920]  }
0x6f: {  	v4 =	vld [tilespmem:s29+$0xDC90];
	_ =	sdelay $0x2  }
0x70: {  	v5 =	vand.u32 $0x7FFFFFFF, v2;
	vm0 =	vlt.f32 v2, $0.0e+00  }
0x71: {  	v2 =	vsel vm0, $0xC400, v1  }
0x72: {  	[tilespmem:s29+$0x11490] =	vst v5;
	v2 =	vadd.s32 v2, v4  }
0x73: {  	[tilespmem:s29+$0x19110] =	vst v2  }
0x74: {  	v2 =	vld.idx.msk [tilespmem:v3+s19+$0x0], $0xffff;
	_ =	sdelay $0x1  }
0x75: {  	v3 =	vld [tilespmem:s29+$0x15930]  }
0x76: {  	v4 =	vld [tilespmem:s29+$0xDCA0];
	_ =	sdelay $0x2  }
0x77: {  	v5 =	vand.u32 $0x7FFFFFFF, v2;
	vm0 =	vlt.f32 v2, $0.0e+00  }
0x78: {  	v2 =	vsel vm0, $0xC400, v1  }
0x79: {  	[tilespmem:s29+$0x114A0] =	vst v5;
	v2 =	vadd.s32 v2, v4  }
0x7a: {  	[tilespmem:s29+$0x19120] =	vst v2  }
0x7b: {  	v2 =	vld.idx.msk [tilespmem:v3+s19+$0x0], $0xffff;
	_ =	sdelay $0x1  }
0x7c: {  	v3 =	vld [tilespmem:s29+$0x15940]  }
0x7d: {  	v4 =	vld [tilespmem:s29+$0xDCB0];
	_ =	sdelay $0x2  }
0x7e: {  	v5 =	vand.u32 $0x7FFFFFFF, v2;
	vm0 =	vlt.f32 v2, $0.0e+00  }
0x7f: {  	v2 =	vsel vm0, $0xC400, v1;
	[tilespmem:s29+$0x114B0] =	vst v5  }
0x80: {  	v2 =	vadd.s32 v2, v4  }
0x81: {  	[tilespmem:s29+$0x19130] =	vst v2  }
0x82: {  	v2 =	vld.idx.msk [tilespmem:v3+s19+$0x0], $0xffff;
	_ =	sdelay $0x1  }
0x83: {  	v3 =	vld [tilespmem:s29+$0x15950]  }
0x84: {  	v4 =	vld [tilespmem:s29+$0xDCC0];
	_ =	sdelay $0x2  }
0x85: {  	v5 =	vand.u32 $0x7FFFFFFF, v2;
	vm0 =	vlt.f32 v2, $0.0e+00  }
0x86: {  	v2 =	vsel vm0, $0xC400, v1;
	[tilespmem:s29+$0x114C0] =	vst v5  }
0x87: {  	v2 =	vadd.s32 v2, v4  }
0x88: {  	[tilespmem:s29+$0x19140] =	vst v2  }
0x89: {  	v2 =	vld.idx.msk [tilespmem:v3+s19+$0x0], $0xffff;
	_ =	sdelay $0x1  }
0x8a: {  	v3 =	vld [tilespmem:s29+$0x15960]  }
0x8b: {  	v4 =	vld [tilespmem:s29+$0xDCD0];
	_ =	sdelay $0x2  }
0x8c: {  	v5 =	vand.u32 $0x7FFFFFFF, v2;
	vm0 =	vlt.f32 v2, $0.0e+00  }
0x8d: {  	v2 =	vsel vm0, $0xC400, v1;
	[tilespmem:s29+$0x114D0] =	vst v5  }
0x8e: {  	v2 =	vadd.s32 v2, v4  }
0x8f: {  	[tilespmem:s29+$0x19150] =	vst v2  }
0x90: {  	v2 =	vld.idx.msk [tilespmem:v3+s19+$0x0], $0xffff;
	_ =	sdelay $0x1  }
0x91: {  	v3 =	vld [tilespmem:s29+$0x15970]  }
0x92: {  	v4 =	vld [tilespmem:s29+$0xDCE0];
	_ =	sdelay $0x2  }
0x93: {  	v5 =	vand.u32 $0x7FFFFFFF, v2;
	vm0 =	vlt.f32 v2, $0.0e+00  }
0x94: {  	v2 =	vsel vm0, $0xC400, v1;
	[tilespmem:s29+$0x114E0] =	vst v5  }
0x95: {  	v2 =	vadd.s32 v2, v4  }
0x96: {  	[tilespmem:s29+$0x19160] =	vst v2  }
0x97: {  	v3 =	vld.idx.msk [tilespmem:v3+s19+$0x0], $0xffff  }
0x98: {  	s2 =	sshra.s32 s3, $0x2  }
0x99: {  	v2 =	vld [tilespmem:s2+$0x15900]  }
0x9a: {  	v4 =	vld [tilespmem:s29+$0xDCF0]  }
.Ltmp1:
0x9b: {  	(pc) =	sbr.rel @p0 .LBB2_4-.Ltmp1, $4  }
0x9c: {  	_ = 	snop  }
0x9d: {  	v5 =	vand.u32 $0x7FFFFFFF, v3;
	vm0 =	vlt.f32 v3, $0.0e+00  }
0x9e: {  	v3 =	vsel vm0, $0xC400, v1;
	[tilespmem:s29+$0x114F0] =	vst v5  }
0x9f: {  	v3 =	vadd.s32 v3, v4  }
0xa0: {  	_ =	sdelay $0x2  }
0xa1: {  	[tilespmem:s29+$0x19170] =	vst v3  }
0xa2: {  	v2 =	vld.idx.msk [tilespmem:v2+s19+$0x0], $0xffff  }
0xa3: {  	v3 =	vld [tilespmem:s2+$0x15910]  }
0xa4: {  	v4 =	vld [tilespmem:s2+$0xDC80];
	_ =	sdelay $0x2  }
0xa5: {  	vm0 =	vlt.f32 v2, $0.0e+00  }
0xa6: {  	v2 =	vand.u32 $0x7FFFFFFF, v2;
	v5 =	vsel vm0, $0xC400, v1  }
0xa7: {  	[tilespmem:s2+$0x11480] =	vst v2;
	v2 =	vadd.s32 v5, v4  }
0xa8: {  	[tilespmem:s2+$0x19100] =	vst v2  }
0xa9: {  	v2 =	vld.idx.msk [tilespmem:v3+s19+$0x0], $0xffff  }
0xaa: {  	v3 =	vld [tilespmem:s2+$0x15920]  }
0xab: {  	v51 =	vld [tilespmem:s2+$0xDC90];
	_ =	sdelay $0x2  }
0xac: {  	vm9 =	vlt.f32 v2, $0.0e+00  }
0xad: {  	v2 =	vand.u32 $0x7FFFFFFF, v2;
	v52 =	vsel vm9, $0xC400, v1  }
0xae: {  	[tilespmem:s2+$0x11490] =	vst v2;
	v2 =	vadd.s32 v52, v51  }
0xaf: {  	[tilespmem:s2+$0x19110] =	vst v2  }
0xb0: {  	v2 =	vld.idx.msk [tilespmem:v3+s19+$0x0], $0xffff  }
0xb1: {  	v3 =	vld [tilespmem:s2+$0x15930]  }
0xb2: {  	v53 =	vld [tilespmem:s2+$0xDCA0];
	_ =	sdelay $0x2  }
0xb3: {  	vm10 =	vlt.f32 v2, $0.0e+00  }
0xb4: {  	v2 =	vand.u32 $0x7FFFFFFF, v2;
	v54 =	vsel vm10, $0xC400, v1  }
0xb5: {  	[tilespmem:s2+$0x114A0] =	vst v2;
	v2 =	vadd.s32 v54, v53  }
0xb6: {  	[tilespmem:s2+$0x19120] =	vst v2  }
0xb7: {  	v2 =	vld.idx.msk [tilespmem:v3+s19+$0x0], $0xffff  }
0xb8: {  	v3 =	vld [tilespmem:s2+$0x15940]  }
0xb9: {  	v55 =	vld [tilespmem:s2+$0xDCB0];
	_ =	sdelay $0x2  }
0xba: {  	vm11 =	vlt.f32 v2, $0.0e+00  }
0xbb: {  	v2 =	vand.u32 $0x7FFFFFFF, v2;
	v56 =	vsel vm11, $0xC400, v1  }
0xbc: {  	[tilespmem:s2+$0x114B0] =	vst v2;
	v2 =	vadd.s32 v56, v55  }
0xbd: {  	[tilespmem:s2+$0x19130] =	vst v2  }
0xbe: {  	v2 =	vld.idx.msk [tilespmem:v3+s19+$0x0], $0xffff  }
0xbf: {  	v3 =	vld [tilespmem:s2+$0x15950]  }
0xc0: {  	v57 =	vld [tilespmem:s2+$0xDCC0];
	_ =	sdelay $0x2  }
0xc1: {  	vm12 =	vlt.f32 v2, $0.0e+00  }
0xc2: {  	v2 =	vand.u32 $0x7FFFFFFF, v2;
	v58 =	vsel vm12, $0xC400, v1  }
0xc3: {  	[tilespmem:s2+$0x114C0] =	vst v2;
	v2 =	vadd.s32 v58, v57  }
0xc4: {  	[tilespmem:s2+$0x19140] =	vst v2  }
0xc5: {  	v2 =	vld.idx.msk [tilespmem:v3+s19+$0x0], $0xffff  }
0xc6: {  	v3 =	vld [tilespmem:s2+$0x15960]  }
0xc7: {  	v59 =	vld [tilespmem:s2+$0xDCD0];
	_ =	sdelay $0x2  }
0xc8: {  	vm13 =	vlt.f32 v2, $0.0e+00  }
0xc9: {  	v2 =	vand.u32 $0x7FFFFFFF, v2;
	v60 =	vsel vm13, $0xC400, v1  }
0xca: {  	[tilespmem:s2+$0x114D0] =	vst v2;
	v2 =	vadd.s32 v60, v59  }
0xcb: {  	[tilespmem:s2+$0x19150] =	vst v2  }
0xcc: {  	v2 =	vld.idx.msk [tilespmem:v3+s19+$0x0], $0xffff  }
0xcd: {  	v3 =	vld [tilespmem:s2+$0x15970]  }
0xce: {  	v61 =	vld [tilespmem:s2+$0xDCE0];
	_ =	sdelay $0x2  }
0xcf: {  	vm14 =	vlt.f32 v2, $0.0e+00  }
0xd0: {  	v2 =	vand.u32 $0x7FFFFFFF, v2;
	v62 =	vsel vm14, $0xC400, v1  }
0xd1: {  	[tilespmem:s2+$0x114E0] =	vst v2;
	v2 =	vadd.s32 v62, v61  }
0xd2: {  	[tilespmem:s2+$0x19160] =	vst v2  }
0xd3: {  	v2 =	vld.idx.msk [tilespmem:v3+s19+$0x0], $0xffff;
	_ =	sdelay $0x1  }
0xd4: {  	v3 =	vld [tilespmem:s2+$0xDCF0];
	_ =	sdelay $0x2  }
0xd5: {  	vm15 =	vlt.f32 v2, $0.0e+00  }
0xd6: {  	v2 =	vand.u32 $0x7FFFFFFF, v2;
	v63 =	vsel vm15, $0xC400, v1  }
0xd7: {  	[tilespmem:s2+$0x114F0] =	vst v2;
	v2 =	vadd.s32 v63, v3  }
0xd8: {  	s0 =	simm.s32 $0x11480;
	[tilespmem:s2+$0x19170] =	vst v2;
	s2 =	simm.s32 $0x19100  }
.LBB2_6:
0xd9: {  	[spmem:s1] =	stream.indirect.scatter.add.f32 [tilespmem:s0], [sflag:$0x1], $0x1, s2, s22, $0xb8;
	[tilespmem:$0x1C900] =	vst v63  }
0xda: {  	s0 =	smov.u32 s30;
	p0 =	sne.s32 s30, $0x6E00  }
.Ltmp2:
0xdb: {  	s30 =	sadd.s32 $0x200, s30;
	(pc) =	sbr.rel @p0 .LBB2_6-.Ltmp2, $3  }
0xdc: {  	_ =	sdelay $0x1  }
0xdd: {  	s2 =	sshra.s32 s0, $0x2  }
0xde: {  	s29 =	simm.s32 $0x0;
	s0 =	sadd.s32 $0x11480, s2;
	s2 =	sadd.s32 $0x19100, s2  }
0xdf: {  	[spmem:s1] =	stream.indirect.scatter.add.f32 [tilespmem:s0], [sflag:$0x1], $0x1, s2, s22, $0xb8;
	[tilespmem:$0x1C900] =	vst v63  }
0xe0: {  	s30 =	simm.s32 $0x0  }
.LBB2_8:
0xe1: {  	s31 =	smul.u32 $0x70, s30;
	_ =	sdelay $0x1  }
0xe2: {  	s0 =	sadd.s32 s31, s12  }
0xe3: {  	s0 =	sshll.u32 s0, $0x7  }
0xe4: {  	s0 =	sadd.s32 s6, s0  }
0xe5: {  	s0 =	sshrl.u32 s0, $0x3  }
0xe6: {  	s2 =	sadd.s32 s5, s0  }
0xe7: {  	[tilespmem:s23], [sflag:$0x3] =	stream.linear.gather [hbm4b:s2+s29], $0x1C00, $0x38;
	[tilespmem:$0x1C900] =	vst v63  }
0xe8: {  	_ =	swait.ge [sflag:s18], $0x1C00  }
0xe9: {  	[sflag:s18] =	ssyncset.done $0x0  }
0xea: {  	s0 =	sadd.s32 s4, s0;
	[sflag:s18] =	ssyncadd.s32 $0xFFFFE400  }
0xeb: {  	[tilespmem:s24], [sflag:$0x3] =	stream.linear.gather [hbm4b:s0+s29], $0x1C00, $0x38;
	[tilespmem:$0x1C900] =	vst v63  }
0xec: {  	_ =	swait.ge [sflag:s18], $0x1C00  }
0xed: {  	[sflag:s18] =	ssyncset.done $0x0  }
0xee: {  	s0 =	simm.s32 $0x0;
	[sflag:s18] =	ssyncadd.s32 $0xFFFFE400  }
0xef: {  	v2 =	vld [tilespmem:s0+$0x17500];
	_ =	sdelay $0x7  }
0xf0: {  	v2 =	vld.idx.msk [tilespmem:v2+s19+$0x0], $0xffff  }
0xf1: {  	v3 =	vld [tilespmem:s0+$0x17510]  }
0xf2: {  	v4 =	vld [tilespmem:s0+$0xF880];
	_ =	sdelay $0x2  }
0xf3: {  	vm0 =	vlt.f32 v2, $0.0e+00  }
0xf4: {  	v2 =	vand.u32 $0x7FFFFFFF, v2;
	v5 =	vsel vm0, $0xC400, v1  }
0xf5: {  	[tilespmem:s0+$0x13080] =	vst v2;
	v2 =	vadd.s32 v5, v4  }
0xf6: {  	[tilespmem:s0+$0x1AD00] =	vst v2  }
0xf7: {  	v2 =	vld.idx.msk [tilespmem:v3+s19+$0x0], $0xffff  }
0xf8: {  	v3 =	vld [tilespmem:s0+$0x17520]  }
0xf9: {  	v4 =	vld [tilespmem:s0+$0xF890];
	_ =	sdelay $0x2  }
0xfa: {  	vm9 =	vlt.f32 v2, $0.0e+00  }
0xfb: {  	v2 =	vand.u32 $0x7FFFFFFF, v2;
	v5 =	vsel vm9, $0xC400, v1  }
0xfc: {  	[tilespmem:s0+$0x13090] =	vst v2;
	v2 =	vadd.s32 v5, v4  }
0xfd: {  	[tilespmem:s0+$0x1AD10] =	vst v2  }
0xfe: {  	v2 =	vld.idx.msk [tilespmem:v3+s19+$0x0], $0xffff  }
0xff: {  	v3 =	vld [tilespmem:s0+$0x17530]  }
0x100: {  	v4 =	vld [tilespmem:s0+$0xF8A0];
	_ =	sdelay $0x2  }
0x101: {  	vm10 =	vlt.f32 v2, $0.0e+00  }
0x102: {  	v2 =	vand.u32 $0x7FFFFFFF, v2;
	v5 =	vsel vm10, $0xC400, v1  }
0x103: {  	[tilespmem:s0+$0x130A0] =	vst v2;
	v2 =	vadd.s32 v5, v4  }
0x104: {  	[tilespmem:s0+$0x1AD20] =	vst v2  }
0x105: {  	v2 =	vld.idx.msk [tilespmem:v3+s19+$0x0], $0xffff  }
0x106: {  	v3 =	vld [tilespmem:s0+$0x17540]  }
0x107: {  	v4 =	vld [tilespmem:s0+$0xF8B0];
	_ =	sdelay $0x2  }
0x108: {  	vm11 =	vlt.f32 v2, $0.0e+00  }
0x109: {  	v2 =	vand.u32 $0x7FFFFFFF, v2;
	v5 =	vsel vm11, $0xC400, v1  }
0x10a: {  	[tilespmem:s0+$0x130B0] =	vst v2;
	v2 =	vadd.s32 v5, v4  }
0x10b: {  	[tilespmem:s0+$0x1AD30] =	vst v2  }
0x10c: {  	v2 =	vld.idx.msk [tilespmem:v3+s19+$0x0], $0xffff  }
0x10d: {  	v3 =	vld [tilespmem:s0+$0x17550]  }
0x10e: {  	v4 =	vld [tilespmem:s0+$0xF8C0];
	_ =	sdelay $0x2  }
0x10f: {  	vm12 =	vlt.f32 v2, $0.0e+00  }
0x110: {  	v2 =	vand.u32 $0x7FFFFFFF, v2;
	v5 =	vsel vm12, $0xC400, v1  }
0x111: {  	[tilespmem:s0+$0x130C0] =	vst v2;
	v2 =	vadd.s32 v5, v4  }
0x112: {  	[tilespmem:s0+$0x1AD40] =	vst v2  }
0x113: {  	v2 =	vld.idx.msk [tilespmem:v3+s19+$0x0], $0xffff  }
0x114: {  	v3 =	vld [tilespmem:s0+$0x17560]  }
0x115: {  	v4 =	vld [tilespmem:s0+$0xF8D0];
	_ =	sdelay $0x2  }
0x116: {  	vm13 =	vlt.f32 v2, $0.0e+00  }
0x117: {  	v2 =	vand.u32 $0x7FFFFFFF, v2;
	v5 =	vsel vm13, $0xC400, v1  }
0x118: {  	[tilespmem:s0+$0x130D0] =	vst v2;
	v2 =	vadd.s32 v5, v4  }
0x119: {  	[tilespmem:s0+$0x1AD50] =	vst v2  }
0x11a: {  	v2 =	vld.idx.msk [tilespmem:v3+s19+$0x0], $0xffff  }
0x11b: {  	v3 =	vld [tilespmem:s0+$0x17570]  }
0x11c: {  	v4 =	vld [tilespmem:s0+$0xF8E0];
	_ =	sdelay $0x2  }
0x11d: {  	vm14 =	vlt.f32 v2, $0.0e+00  }
0x11e: {  	v2 =	vand.u32 $0x7FFFFFFF, v2;
	v5 =	vsel vm14, $0xC400, v1  }
0x11f: {  	[tilespmem:s0+$0x130E0] =	vst v2;
	v2 =	vadd.s32 v5, v4  }
0x120: {  	[tilespmem:s0+$0x1AD60] =	vst v2  }
0x121: {  	s9 =	simm.s32 $0x80;
	v3 =	vld.idx.msk [tilespmem:v3+s19+$0x0], $0xffff  }
0x122: {  	v2 =	vld [tilespmem:s9+$0x17500]  }
0x123: {  	v4 =	vld [tilespmem:s0+$0xF8F0];
	_ =	sdelay $0x2  }
0x124: {  	vm15 =	vlt.f32 v3, $0.0e+00  }
0x125: {  	v3 =	vand.u32 $0x7FFFFFFF, v3;
	v5 =	vsel vm15, $0xC400, v1  }
0x126: {  	s3 =	simm.s32 $0x400;
	[tilespmem:s0+$0x130F0] =	vst v3;
	v3 =	vadd.s32 v5, v4  }
.LBB2_9:
0x127: {  	p0 =	sne.s32 s3, $0x6E00;
	[tilespmem:s0+$0x1AD70] =	vst v3;
	s2 =	smov.u32 s3;
	s3 =	sadd.s32 $0x200, s3  }
0x128: {  	s0 =	smov.u32 s9;
	v2 =	vld.idx.msk [tilespmem:v2+s19+$0x0], $0xffff;
	_ =	sdelay $0x1  }
0x129: {  	v3 =	vld [tilespmem:s0+$0x17510]  }
0x12a: {  	v4 =	vld [tilespmem:s0+$0xF880];
	_ =	sdelay $0x2  }
0x12b: {  	v5 =	vand.u32 $0x7FFFFFFF, v2;
	vm0 =	vlt.f32 v2, $0.0e+00  }
0x12c: {  	v2 =	vsel vm0, $0xC400, v1  }
0x12d: {  	[tilespmem:s0+$0x13080] =	vst v5;
	v2 =	vadd.s32 v2, v4  }
0x12e: {  	[tilespmem:s0+$0x1AD00] =	vst v2  }
0x12f: {  	v2 =	vld.idx.msk [tilespmem:v3+s19+$0x0], $0xffff;
	_ =	sdelay $0x1  }
0x130: {  	v3 =	vld [tilespmem:s0+$0x17520]  }
0x131: {  	v4 =	vld [tilespmem:s0+$0xF890];
	_ =	sdelay $0x2  }
0x132: {  	v5 =	vand.u32 $0x7FFFFFFF, v2;
	vm0 =	vlt.f32 v2, $0.0e+00  }
0x133: {  	v2 =	vsel vm0, $0xC400, v1  }
0x134: {  	[tilespmem:s0+$0x13090] =	vst v5;
	v2 =	vadd.s32 v2, v4  }
0x135: {  	[tilespmem:s0+$0x1AD10] =	vst v2  }
0x136: {  	v2 =	vld.idx.msk [tilespmem:v3+s19+$0x0], $0xffff;
	_ =	sdelay $0x1  }
0x137: {  	v3 =	vld [tilespmem:s0+$0x17530]  }
0x138: {  	v4 =	vld [tilespmem:s0+$0xF8A0];
	_ =	sdelay $0x2  }
0x139: {  	v5 =	vand.u32 $0x7FFFFFFF, v2;
	vm0 =	vlt.f32 v2, $0.0e+00  }
0x13a: {  	v2 =	vsel vm0, $0xC400, v1  }
0x13b: {  	[tilespmem:s0+$0x130A0] =	vst v5;
	v2 =	vadd.s32 v2, v4  }
0x13c: {  	[tilespmem:s0+$0x1AD20] =	vst v2  }
0x13d: {  	v2 =	vld.idx.msk [tilespmem:v3+s19+$0x0], $0xffff;
	_ =	sdelay $0x1  }
0x13e: {  	v3 =	vld [tilespmem:s0+$0x17540]  }
0x13f: {  	v4 =	vld [tilespmem:s0+$0xF8B0];
	_ =	sdelay $0x2  }
0x140: {  	v5 =	vand.u32 $0x7FFFFFFF, v2;
	vm0 =	vlt.f32 v2, $0.0e+00  }
0x141: {  	v2 =	vsel vm0, $0xC400, v1;
	[tilespmem:s0+$0x130B0] =	vst v5  }
0x142: {  	v2 =	vadd.s32 v2, v4  }
0x143: {  	[tilespmem:s0+$0x1AD30] =	vst v2  }
0x144: {  	v2 =	vld.idx.msk [tilespmem:v3+s19+$0x0], $0xffff;
	_ =	sdelay $0x1  }
0x145: {  	v3 =	vld [tilespmem:s0+$0x17550]  }
0x146: {  	v4 =	vld [tilespmem:s0+$0xF8C0];
	_ =	sdelay $0x2  }
0x147: {  	v5 =	vand.u32 $0x7FFFFFFF, v2;
	vm0 =	vlt.f32 v2, $0.0e+00  }
0x148: {  	v2 =	vsel vm0, $0xC400, v1;
	[tilespmem:s0+$0x130C0] =	vst v5  }
0x149: {  	v2 =	vadd.s32 v2, v4  }
0x14a: {  	[tilespmem:s0+$0x1AD40] =	vst v2  }
0x14b: {  	v2 =	vld.idx.msk [tilespmem:v3+s19+$0x0], $0xffff;
	_ =	sdelay $0x1  }
0x14c: {  	v3 =	vld [tilespmem:s0+$0x17560]  }
0x14d: {  	v4 =	vld [tilespmem:s0+$0xF8D0];
	_ =	sdelay $0x2  }
0x14e: {  	v5 =	vand.u32 $0x7FFFFFFF, v2;
	vm0 =	vlt.f32 v2, $0.0e+00  }
0x14f: {  	v2 =	vsel vm0, $0xC400, v1;
	[tilespmem:s0+$0x130D0] =	vst v5  }
0x150: {  	v2 =	vadd.s32 v2, v4  }
0x151: {  	[tilespmem:s0+$0x1AD50] =	vst v2  }
0x152: {  	v2 =	vld.idx.msk [tilespmem:v3+s19+$0x0], $0xffff;
	_ =	sdelay $0x1  }
0x153: {  	v3 =	vld [tilespmem:s0+$0x17570]  }
0x154: {  	v4 =	vld [tilespmem:s0+$0xF8E0];
	_ =	sdelay $0x2  }
0x155: {  	v5 =	vand.u32 $0x7FFFFFFF, v2;
	vm0 =	vlt.f32 v2, $0.0e+00  }
0x156: {  	v2 =	vsel vm0, $0xC400, v1;
	[tilespmem:s0+$0x130E0] =	vst v5  }
0x157: {  	v2 =	vadd.s32 v2, v4  }
0x158: {  	[tilespmem:s0+$0x1AD60] =	vst v2  }
0x159: {  	v3 =	vld.idx.msk [tilespmem:v3+s19+$0x0], $0xffff  }
0x15a: {  	s9 =	sshra.s32 s2, $0x2  }
0x15b: {  	v2 =	vld [tilespmem:s9+$0x17500]  }
0x15c: {  	v4 =	vld [tilespmem:s0+$0xF8F0]  }
.Ltmp3:
0x15d: {  	(pc) =	sbr.rel @p0 .LBB2_9-.Ltmp3, $4  }
0x15e: {  	_ = 	snop  }
0x15f: {  	v5 =	vand.u32 $0x7FFFFFFF, v3;
	vm0 =	vlt.f32 v3, $0.0e+00  }
0x160: {  	v3 =	vsel vm0, $0xC400, v1;
	[tilespmem:s0+$0x130F0] =	vst v5  }
0x161: {  	v3 =	vadd.s32 v3, v4  }
0x162: {  	_ =	sdelay $0x2  }
0x163: {  	[tilespmem:s0+$0x1AD70] =	vst v3  }
0x164: {  	v2 =	vld.idx.msk [tilespmem:v2+s19+$0x0], $0xffff  }
0x165: {  	v3 =	vld [tilespmem:s9+$0x17510]  }
0x166: {  	v4 =	vld [tilespmem:s9+$0xF880];
	_ =	sdelay $0x2  }
0x167: {  	vm0 =	vlt.f32 v2, $0.0e+00  }
0x168: {  	v2 =	vand.u32 $0x7FFFFFFF, v2;
	v5 =	vsel vm0, $0xC400, v1  }
0x169: {  	[tilespmem:s9+$0x13080] =	vst v2;
	v2 =	vadd.s32 v5, v4  }
0x16a: {  	[tilespmem:s9+$0x1AD00] =	vst v2  }
0x16b: {  	v2 =	vld.idx.msk [tilespmem:v3+s19+$0x0], $0xffff  }
0x16c: {  	v3 =	vld [tilespmem:s9+$0x17520]  }
0x16d: {  	v51 =	vld [tilespmem:s9+$0xF890];
	_ =	sdelay $0x2  }
0x16e: {  	vm9 =	vlt.f32 v2, $0.0e+00  }
0x16f: {  	v2 =	vand.u32 $0x7FFFFFFF, v2;
	v52 =	vsel vm9, $0xC400, v1  }
0x170: {  	[tilespmem:s9+$0x13090] =	vst v2;
	v2 =	vadd.s32 v52, v51  }
0x171: {  	[tilespmem:s9+$0x1AD10] =	vst v2  }
0x172: {  	v2 =	vld.idx.msk [tilespmem:v3+s19+$0x0], $0xffff  }
0x173: {  	v3 =	vld [tilespmem:s9+$0x17530]  }
0x174: {  	v53 =	vld [tilespmem:s9+$0xF8A0];
	_ =	sdelay $0x2  }
0x175: {  	vm10 =	vlt.f32 v2, $0.0e+00  }
0x176: {  	v2 =	vand.u32 $0x7FFFFFFF, v2;
	v54 =	vsel vm10, $0xC400, v1  }
0x177: {  	[tilespmem:s9+$0x130A0] =	vst v2;
	v2 =	vadd.s32 v54, v53  }
0x178: {  	[tilespmem:s9+$0x1AD20] =	vst v2  }
0x179: {  	v2 =	vld.idx.msk [tilespmem:v3+s19+$0x0], $0xffff  }
0x17a: {  	v3 =	vld [tilespmem:s9+$0x17540]  }
0x17b: {  	v55 =	vld [tilespmem:s9+$0xF8B0];
	_ =	sdelay $0x2  }
0x17c: {  	vm11 =	vlt.f32 v2, $0.0e+00  }
0x17d: {  	v2 =	vand.u32 $0x7FFFFFFF, v2;
	v56 =	vsel vm11, $0xC400, v1  }
0x17e: {  	[tilespmem:s9+$0x130B0] =	vst v2;
	v2 =	vadd.s32 v56, v55  }
0x17f: {  	[tilespmem:s9+$0x1AD30] =	vst v2  }
0x180: {  	v2 =	vld.idx.msk [tilespmem:v3+s19+$0x0], $0xffff  }
0x181: {  	v3 =	vld [tilespmem:s9+$0x17550]  }
0x182: {  	v57 =	vld [tilespmem:s9+$0xF8C0];
	_ =	sdelay $0x2  }
0x183: {  	vm12 =	vlt.f32 v2, $0.0e+00  }
0x184: {  	v2 =	vand.u32 $0x7FFFFFFF, v2;
	v58 =	vsel vm12, $0xC400, v1  }
0x185: {  	[tilespmem:s9+$0x130C0] =	vst v2;
	v2 =	vadd.s32 v58, v57  }
0x186: {  	[tilespmem:s9+$0x1AD40] =	vst v2  }
0x187: {  	v2 =	vld.idx.msk [tilespmem:v3+s19+$0x0], $0xffff  }
0x188: {  	v3 =	vld [tilespmem:s9+$0x17560]  }
0x189: {  	v59 =	vld [tilespmem:s9+$0xF8D0];
	_ =	sdelay $0x2  }
0x18a: {  	vm13 =	vlt.f32 v2, $0.0e+00  }
0x18b: {  	v2 =	vand.u32 $0x7FFFFFFF, v2;
	v60 =	vsel vm13, $0xC400, v1  }
0x18c: {  	[tilespmem:s9+$0x130D0] =	vst v2;
	v2 =	vadd.s32 v60, v59  }
0x18d: {  	[tilespmem:s9+$0x1AD50] =	vst v2  }
0x18e: {  	v2 =	vld.idx.msk [tilespmem:v3+s19+$0x0], $0xffff  }
0x18f: {  	v3 =	vld [tilespmem:s9+$0x17570]  }
0x190: {  	v61 =	vld [tilespmem:s9+$0xF8E0];
	_ =	sdelay $0x2  }
0x191: {  	vm14 =	vlt.f32 v2, $0.0e+00  }
0x192: {  	v2 =	vand.u32 $0x7FFFFFFF, v2;
	v62 =	vsel vm14, $0xC400, v1  }
0x193: {  	[tilespmem:s9+$0x130E0] =	vst v2;
	v2 =	vadd.s32 v62, v61  }
0x194: {  	[tilespmem:s9+$0x1AD60] =	vst v2  }
0x195: {  	v2 =	vld.idx.msk [tilespmem:v3+s19+$0x0], $0xffff;
	_ =	sdelay $0x1  }
0x196: {  	v3 =	vld [tilespmem:s9+$0xF8F0];
	_ =	sdelay $0x2  }
0x197: {  	vm15 =	vlt.f32 v2, $0.0e+00  }
0x198: {  	v2 =	vand.u32 $0x7FFFFFFF, v2;
	v63 =	vsel vm15, $0xC400, v1  }
0x199: {  	[tilespmem:s9+$0x130F0] =	vst v2;
	v2 =	vadd.s32 v63, v3  }
0x19a: {  	s0 =	simm.s32 $0x0;
	[tilespmem:s9+$0x1AD70] =	vst v2  }
.LBB2_11:
0x19b: {  	p0 =	sne.s32 s0, $0x6E00  }
.Ltmp4:
0x19c: {  	_ = 	snop;
	(pc) =	sbr.rel @p0 .LBB2_11-.Ltmp4, $4  }
0x19d: {  	_ = 	snop  }
0x19e: {  	s2 =	sshra.s32 s0, $0x2  }
0x19f: {  	s0 =	sadd.s32 $0x200, s0;
	s3 =	sadd.s32 $0x13080, s2;
	s2 =	sadd.s32 $0x1AD00, s2  }
0x1a0: {  	[spmem:s1] =	stream.indirect.scatter.add.f32 [tilespmem:s3], [sflag:$0x2], $0x1, s2, s22, $0xb8;
	[tilespmem:$0x1C900] =	vst v63  }
0x1a1: {  	_ =	swait.ge [sflag:s25], $0x80  }
0x1a2: {  	s0 =	simm.s32 $0x37;
	[sflag:s25] =	ssyncset.done $0x0  }
.LBB2_13:
0x1a3: {  	p0 =	sne.s32 s0, $0x1;
	s0 =	sadd.s32 $0xFFFFFFFF, s0;
	[sflag:s25] =	ssyncadd.s32 $0xFFFFFF80  }
.Ltmp5:
0x1a4: {  	(pc) =	sbr.rel @p0 .LBB2_13-.Ltmp5, $3  }
0x1a5: {  	_ =	sdelay $0x1  }
0x1a6: {  	_ =	swait.ge [sflag:s25], $0x80  }
0x1a7: {  	[sflag:s25] =	ssyncset.done $0x0  }
0x1a8: {  	s0 =	sadd.s32 s31, s13  }
0x1a9: {  	s0 =	sshll.u32 s0, $0x7  }
0x1aa: {  	s0 =	sadd.s32 s6, s0  }
0x1ab: {  	s0 =	sshrl.u32 s0, $0x3  }
0x1ac: {  	[sflag:s25] =	ssyncadd.s32 $0xFFFFFF80;
	s31 =	simm.s32 $0x0;
	s2 =	sadd.s32 s5, s0  }
0x1ad: {  	[tilespmem:s20], [sflag:$0x3] =	stream.linear.gather [hbm4b:s2+s31], $0x1C00, $0x38;
	[tilespmem:$0x1C900] =	vst v63  }
0x1ae: {  	_ =	swait.ge [sflag:s18], $0x1C00  }
0x1af: {  	[sflag:s18] =	ssyncset.done $0x0  }
0x1b0: {  	s0 =	sadd.s32 s4, s0;
	[sflag:s18] =	ssyncadd.s32 $0xFFFFE400  }
0x1b1: {  	[tilespmem:s21], [sflag:$0x3] =	stream.linear.gather [hbm4b:s0+s31], $0x1C00, $0x38;
	[tilespmem:$0x1C900] =	vst v63  }
0x1b2: {  	_ =	swait.ge [sflag:s18], $0x1C00  }
0x1b3: {  	[sflag:s18] =	ssyncset.done $0x0  }
0x1b4: {  	s0 =	simm.s32 $0x0;
	[sflag:s18] =	ssyncadd.s32 $0xFFFFE400  }
0x1b5: {  	v2 =	vld [tilespmem:s0+$0x15900];
	_ =	sdelay $0x7  }
0x1b6: {  	v2 =	vld.idx.msk [tilespmem:v2+s19+$0x0], $0xffff  }
0x1b7: {  	v3 =	vld [tilespmem:s0+$0x15910]  }
0x1b8: {  	v4 =	vld [tilespmem:s0+$0xDC80];
	_ =	sdelay $0x2  }
0x1b9: {  	vm0 =	vlt.f32 v2, $0.0e+00  }
0x1ba: {  	v2 =	vand.u32 $0x7FFFFFFF, v2;
	v5 =	vsel vm0, $0xC400, v1  }
0x1bb: {  	[tilespmem:s0+$0x11480] =	vst v2;
	v2 =	vadd.s32 v5, v4  }
0x1bc: {  	[tilespmem:s0+$0x19100] =	vst v2  }
0x1bd: {  	v2 =	vld.idx.msk [tilespmem:v3+s19+$0x0], $0xffff  }
0x1be: {  	v3 =	vld [tilespmem:s0+$0x15920]  }
0x1bf: {  	v4 =	vld [tilespmem:s0+$0xDC90];
	_ =	sdelay $0x2  }
0x1c0: {  	vm9 =	vlt.f32 v2, $0.0e+00  }
0x1c1: {  	v2 =	vand.u32 $0x7FFFFFFF, v2;
	v5 =	vsel vm9, $0xC400, v1  }
0x1c2: {  	[tilespmem:s0+$0x11490] =	vst v2;
	v2 =	vadd.s32 v5, v4  }
0x1c3: {  	[tilespmem:s0+$0x19110] =	vst v2  }
0x1c4: {  	v2 =	vld.idx.msk [tilespmem:v3+s19+$0x0], $0xffff  }
0x1c5: {  	v3 =	vld [tilespmem:s0+$0x15930]  }
0x1c6: {  	v4 =	vld [tilespmem:s0+$0xDCA0];
	_ =	sdelay $0x2  }
0x1c7: {  	vm10 =	vlt.f32 v2, $0.0e+00  }
0x1c8: {  	v2 =	vand.u32 $0x7FFFFFFF, v2;
	v5 =	vsel vm10, $0xC400, v1  }
0x1c9: {  	[tilespmem:s0+$0x114A0] =	vst v2;
	v2 =	vadd.s32 v5, v4  }
0x1ca: {  	[tilespmem:s0+$0x19120] =	vst v2  }
0x1cb: {  	v2 =	vld.idx.msk [tilespmem:v3+s19+$0x0], $0xffff  }
0x1cc: {  	v3 =	vld [tilespmem:s0+$0x15940]  }
0x1cd: {  	v4 =	vld [tilespmem:s0+$0xDCB0];
	_ =	sdelay $0x2  }
0x1ce: {  	vm11 =	vlt.f32 v2, $0.0e+00  }
0x1cf: {  	v2 =	vand.u32 $0x7FFFFFFF, v2;
	v5 =	vsel vm11, $0xC400, v1  }
0x1d0: {  	[tilespmem:s0+$0x114B0] =	vst v2;
	v2 =	vadd.s32 v5, v4  }
0x1d1: {  	[tilespmem:s0+$0x19130] =	vst v2  }
0x1d2: {  	v2 =	vld.idx.msk [tilespmem:v3+s19+$0x0], $0xffff  }
0x1d3: {  	v3 =	vld [tilespmem:s0+$0x15950]  }
0x1d4: {  	v4 =	vld [tilespmem:s0+$0xDCC0];
	_ =	sdelay $0x2  }
0x1d5: {  	vm12 =	vlt.f32 v2, $0.0e+00  }
0x1d6: {  	v2 =	vand.u32 $0x7FFFFFFF, v2;
	v5 =	vsel vm12, $0xC400, v1  }
0x1d7: {  	[tilespmem:s0+$0x114C0] =	vst v2;
	v2 =	vadd.s32 v5, v4  }
0x1d8: {  	[tilespmem:s0+$0x19140] =	vst v2  }
0x1d9: {  	v2 =	vld.idx.msk [tilespmem:v3+s19+$0x0], $0xffff  }
0x1da: {  	v3 =	vld [tilespmem:s0+$0x15960]  }
0x1db: {  	v4 =	vld [tilespmem:s0+$0xDCD0];
	_ =	sdelay $0x2  }
0x1dc: {  	vm13 =	vlt.f32 v2, $0.0e+00  }
0x1dd: {  	v2 =	vand.u32 $0x7FFFFFFF, v2;
	v5 =	vsel vm13, $0xC400, v1  }
0x1de: {  	[tilespmem:s0+$0x114D0] =	vst v2;
	v2 =	vadd.s32 v5, v4  }
0x1df: {  	[tilespmem:s0+$0x19150] =	vst v2  }
0x1e0: {  	v2 =	vld.idx.msk [tilespmem:v3+s19+$0x0], $0xffff  }
0x1e1: {  	v3 =	vld [tilespmem:s0+$0x15970]  }
0x1e2: {  	v4 =	vld [tilespmem:s0+$0xDCE0];
	_ =	sdelay $0x2  }
0x1e3: {  	vm14 =	vlt.f32 v2, $0.0e+00  }
0x1e4: {  	v2 =	vand.u32 $0x7FFFFFFF, v2;
	v5 =	vsel vm14, $0xC400, v1  }
0x1e5: {  	[tilespmem:s0+$0x114E0] =	vst v2;
	v2 =	vadd.s32 v5, v4  }
0x1e6: {  	[tilespmem:s0+$0x19160] =	vst v2  }
0x1e7: {  	s9 =	simm.s32 $0x80;
	v3 =	vld.idx.msk [tilespmem:v3+s19+$0x0], $0xffff  }
0x1e8: {  	v2 =	vld [tilespmem:s9+$0x15900]  }
0x1e9: {  	v4 =	vld [tilespmem:s0+$0xDCF0];
	_ =	sdelay $0x2  }
0x1ea: {  	vm15 =	vlt.f32 v3, $0.0e+00  }
0x1eb: {  	v3 =	vand.u32 $0x7FFFFFFF, v3;
	v5 =	vsel vm15, $0xC400, v1  }
0x1ec: {  	s3 =	simm.s32 $0x400;
	[tilespmem:s0+$0x114F0] =	vst v3;
	v3 =	vadd.s32 v5, v4  }
.LBB2_15:
0x1ed: {  	p0 =	sne.s32 s3, $0x6E00;
	[tilespmem:s0+$0x19170] =	vst v3;
	s2 =	smov.u32 s3;
	s3 =	sadd.s32 $0x200, s3  }
0x1ee: {  	s0 =	smov.u32 s9;
	v2 =	vld.idx.msk [tilespmem:v2+s19+$0x0], $0xffff;
	_ =	sdelay $0x1  }
0x1ef: {  	v3 =	vld [tilespmem:s0+$0x15910]  }
0x1f0: {  	v4 =	vld [tilespmem:s0+$0xDC80];
	_ =	sdelay $0x2  }
0x1f1: {  	v5 =	vand.u32 $0x7FFFFFFF, v2;
	vm0 =	vlt.f32 v2, $0.0e+00  }
0x1f2: {  	v2 =	vsel vm0, $0xC400, v1  }
0x1f3: {  	[tilespmem:s0+$0x11480] =	vst v5;
	v2 =	vadd.s32 v2, v4  }
0x1f4: {  	[tilespmem:s0+$0x19100] =	vst v2  }
0x1f5: {  	v2 =	vld.idx.msk [tilespmem:v3+s19+$0x0], $0xffff;
	_ =	sdelay $0x1  }
0x1f6: {  	v3 =	vld [tilespmem:s0+$0x15920]  }
0x1f7: {  	v4 =	vld [tilespmem:s0+$0xDC90];
	_ =	sdelay $0x2  }
0x1f8: {  	v5 =	vand.u32 $0x7FFFFFFF, v2;
	vm0 =	vlt.f32 v2, $0.0e+00  }
0x1f9: {  	v2 =	vsel vm0, $0xC400, v1  }
0x1fa: {  	[tilespmem:s0+$0x11490] =	vst v5;
	v2 =	vadd.s32 v2, v4  }
0x1fb: {  	[tilespmem:s0+$0x19110] =	vst v2  }
0x1fc: {  	v2 =	vld.idx.msk [tilespmem:v3+s19+$0x0], $0xffff;
	_ =	sdelay $0x1  }
0x1fd: {  	v3 =	vld [tilespmem:s0+$0x15930]  }
0x1fe: {  	v4 =	vld [tilespmem:s0+$0xDCA0];
	_ =	sdelay $0x2  }
0x1ff: {  	v5 =	vand.u32 $0x7FFFFFFF, v2;
	vm0 =	vlt.f32 v2, $0.0e+00  }
0x200: {  	v2 =	vsel vm0, $0xC400, v1  }
0x201: {  	[tilespmem:s0+$0x114A0] =	vst v5;
	v2 =	vadd.s32 v2, v4  }
0x202: {  	[tilespmem:s0+$0x19120] =	vst v2  }
0x203: {  	v2 =	vld.idx.msk [tilespmem:v3+s19+$0x0], $0xffff;
	_ =	sdelay $0x1  }
0x204: {  	v3 =	vld [tilespmem:s0+$0x15940]  }
0x205: {  	v4 =	vld [tilespmem:s0+$0xDCB0];
	_ =	sdelay $0x2  }
0x206: {  	v5 =	vand.u32 $0x7FFFFFFF, v2;
	vm0 =	vlt.f32 v2, $0.0e+00  }
0x207: {  	v2 =	vsel vm0, $0xC400, v1;
	[tilespmem:s0+$0x114B0] =	vst v5  }
0x208: {  	v2 =	vadd.s32 v2, v4  }
0x209: {  	[tilespmem:s0+$0x19130] =	vst v2  }
0x20a: {  	v2 =	vld.idx.msk [tilespmem:v3+s19+$0x0], $0xffff;
	_ =	sdelay $0x1  }
0x20b: {  	v3 =	vld [tilespmem:s0+$0x15950]  }
0x20c: {  	v4 =	vld [tilespmem:s0+$0xDCC0];
	_ =	sdelay $0x2  }
0x20d: {  	v5 =	vand.u32 $0x7FFFFFFF, v2;
	vm0 =	vlt.f32 v2, $0.0e+00  }
0x20e: {  	v2 =	vsel vm0, $0xC400, v1;
	[tilespmem:s0+$0x114C0] =	vst v5  }
0x20f: {  	v2 =	vadd.s32 v2, v4  }
0x210: {  	[tilespmem:s0+$0x19140] =	vst v2  }
0x211: {  	v2 =	vld.idx.msk [tilespmem:v3+s19+$0x0], $0xffff;
	_ =	sdelay $0x1  }
0x212: {  	v3 =	vld [tilespmem:s0+$0x15960]  }
0x213: {  	v4 =	vld [tilespmem:s0+$0xDCD0];
	_ =	sdelay $0x2  }
0x214: {  	v5 =	vand.u32 $0x7FFFFFFF, v2;
	vm0 =	vlt.f32 v2, $0.0e+00  }
0x215: {  	v2 =	vsel vm0, $0xC400, v1;
	[tilespmem:s0+$0x114D0] =	vst v5  }
0x216: {  	v2 =	vadd.s32 v2, v4  }
0x217: {  	[tilespmem:s0+$0x19150] =	vst v2  }
0x218: {  	v2 =	vld.idx.msk [tilespmem:v3+s19+$0x0], $0xffff;
	_ =	sdelay $0x1  }
0x219: {  	v3 =	vld [tilespmem:s0+$0x15970]  }
0x21a: {  	v4 =	vld [tilespmem:s0+$0xDCE0];
	_ =	sdelay $0x2  }
0x21b: {  	v5 =	vand.u32 $0x7FFFFFFF, v2;
	vm0 =	vlt.f32 v2, $0.0e+00  }
0x21c: {  	v2 =	vsel vm0, $0xC400, v1;
	[tilespmem:s0+$0x114E0] =	vst v5  }
0x21d: {  	v2 =	vadd.s32 v2, v4  }
0x21e: {  	[tilespmem:s0+$0x19160] =	vst v2  }
0x21f: {  	v3 =	vld.idx.msk [tilespmem:v3+s19+$0x0], $0xffff  }
0x220: {  	s9 =	sshra.s32 s2, $0x2  }
0x221: {  	v2 =	vld [tilespmem:s9+$0x15900]  }
0x222: {  	v4 =	vld [tilespmem:s0+$0xDCF0]  }
.Ltmp6:
0x223: {  	(pc) =	sbr.rel @p0 .LBB2_15-.Ltmp6, $4  }
0x224: {  	_ = 	snop  }
0x225: {  	v5 =	vand.u32 $0x7FFFFFFF, v3;
	vm0 =	vlt.f32 v3, $0.0e+00  }
0x226: {  	v3 =	vsel vm0, $0xC400, v1;
	[tilespmem:s0+$0x114F0] =	vst v5  }
0x227: {  	v3 =	vadd.s32 v3, v4  }
0x228: {  	_ =	sdelay $0x2  }
0x229: {  	[tilespmem:s0+$0x19170] =	vst v3  }
0x22a: {  	v2 =	vld.idx.msk [tilespmem:v2+s19+$0x0], $0xffff  }
0x22b: {  	v3 =	vld [tilespmem:s9+$0x15910]  }
0x22c: {  	v4 =	vld [tilespmem:s9+$0xDC80];
	_ =	sdelay $0x2  }
0x22d: {  	vm0 =	vlt.f32 v2, $0.0e+00  }
0x22e: {  	v2 =	vand.u32 $0x7FFFFFFF, v2;
	v5 =	vsel vm0, $0xC400, v1  }
0x22f: {  	[tilespmem:s9+$0x11480] =	vst v2;
	v2 =	vadd.s32 v5, v4  }
0x230: {  	[tilespmem:s9+$0x19100] =	vst v2  }
0x231: {  	v2 =	vld.idx.msk [tilespmem:v3+s19+$0x0], $0xffff  }
0x232: {  	v3 =	vld [tilespmem:s9+$0x15920]  }
0x233: {  	v51 =	vld [tilespmem:s9+$0xDC90];
	_ =	sdelay $0x2  }
0x234: {  	vm9 =	vlt.f32 v2, $0.0e+00  }
0x235: {  	v2 =	vand.u32 $0x7FFFFFFF, v2;
	v52 =	vsel vm9, $0xC400, v1  }
0x236: {  	[tilespmem:s9+$0x11490] =	vst v2;
	v2 =	vadd.s32 v52, v51  }
0x237: {  	[tilespmem:s9+$0x19110] =	vst v2  }
0x238: {  	v2 =	vld.idx.msk [tilespmem:v3+s19+$0x0], $0xffff  }
0x239: {  	v3 =	vld [tilespmem:s9+$0x15930]  }
0x23a: {  	v53 =	vld [tilespmem:s9+$0xDCA0];
	_ =	sdelay $0x2  }
0x23b: {  	vm10 =	vlt.f32 v2, $0.0e+00  }
0x23c: {  	v2 =	vand.u32 $0x7FFFFFFF, v2;
	v54 =	vsel vm10, $0xC400, v1  }
0x23d: {  	[tilespmem:s9+$0x114A0] =	vst v2;
	v2 =	vadd.s32 v54, v53  }
0x23e: {  	[tilespmem:s9+$0x19120] =	vst v2  }
0x23f: {  	v2 =	vld.idx.msk [tilespmem:v3+s19+$0x0], $0xffff  }
0x240: {  	v3 =	vld [tilespmem:s9+$0x15940]  }
0x241: {  	v55 =	vld [tilespmem:s9+$0xDCB0];
	_ =	sdelay $0x2  }
0x242: {  	vm11 =	vlt.f32 v2, $0.0e+00  }
0x243: {  	v2 =	vand.u32 $0x7FFFFFFF, v2;
	v56 =	vsel vm11, $0xC400, v1  }
0x244: {  	[tilespmem:s9+$0x114B0] =	vst v2;
	v2 =	vadd.s32 v56, v55  }
0x245: {  	[tilespmem:s9+$0x19130] =	vst v2  }
0x246: {  	v2 =	vld.idx.msk [tilespmem:v3+s19+$0x0], $0xffff  }
0x247: {  	v3 =	vld [tilespmem:s9+$0x15950]  }
0x248: {  	v57 =	vld [tilespmem:s9+$0xDCC0];
	_ =	sdelay $0x2  }
0x249: {  	vm12 =	vlt.f32 v2, $0.0e+00  }
0x24a: {  	v2 =	vand.u32 $0x7FFFFFFF, v2;
	v58 =	vsel vm12, $0xC400, v1  }
0x24b: {  	[tilespmem:s9+$0x114C0] =	vst v2;
	v2 =	vadd.s32 v58, v57  }
0x24c: {  	[tilespmem:s9+$0x19140] =	vst v2  }
0x24d: {  	v2 =	vld.idx.msk [tilespmem:v3+s19+$0x0], $0xffff  }
0x24e: {  	v3 =	vld [tilespmem:s9+$0x15960]  }
0x24f: {  	v59 =	vld [tilespmem:s9+$0xDCD0];
	_ =	sdelay $0x2  }
0x250: {  	vm13 =	vlt.f32 v2, $0.0e+00  }
0x251: {  	v2 =	vand.u32 $0x7FFFFFFF, v2;
	v60 =	vsel vm13, $0xC400, v1  }
0x252: {  	[tilespmem:s9+$0x114D0] =	vst v2;
	v2 =	vadd.s32 v60, v59  }
0x253: {  	[tilespmem:s9+$0x19150] =	vst v2  }
0x254: {  	v2 =	vld.idx.msk [tilespmem:v3+s19+$0x0], $0xffff  }
0x255: {  	v3 =	vld [tilespmem:s9+$0x15970]  }
0x256: {  	v61 =	vld [tilespmem:s9+$0xDCE0];
	_ =	sdelay $0x2  }
0x257: {  	vm14 =	vlt.f32 v2, $0.0e+00  }
0x258: {  	v2 =	vand.u32 $0x7FFFFFFF, v2;
	v62 =	vsel vm14, $0xC400, v1  }
0x259: {  	[tilespmem:s9+$0x114E0] =	vst v2;
	v2 =	vadd.s32 v62, v61  }
0x25a: {  	[tilespmem:s9+$0x19160] =	vst v2  }
0x25b: {  	v2 =	vld.idx.msk [tilespmem:v3+s19+$0x0], $0xffff;
	_ =	sdelay $0x1  }
0x25c: {  	v3 =	vld [tilespmem:s9+$0xDCF0];
	_ =	sdelay $0x2  }
0x25d: {  	vm15 =	vlt.f32 v2, $0.0e+00  }
0x25e: {  	v2 =	vand.u32 $0x7FFFFFFF, v2;
	v63 =	vsel vm15, $0xC400, v1  }
0x25f: {  	[tilespmem:s9+$0x114F0] =	vst v2;
	v2 =	vadd.s32 v63, v3  }
0x260: {  	[tilespmem:s9+$0x19170] =	vst v2  }
.LBB2_17:
0x261: {  	p0 =	sne.s32 s31, $0x6E00  }
.Ltmp7:
0x262: {  	_ = 	snop;
	(pc) =	sbr.rel @p0 .LBB2_17-.Ltmp7, $4  }
0x263: {  	_ = 	snop  }
0x264: {  	s0 =	sshra.s32 s31, $0x2  }
0x265: {  	s31 =	sadd.s32 $0x200, s31;
	s2 =	sadd.s32 $0x11480, s0;
	s0 =	sadd.s32 $0x19100, s0  }
0x266: {  	[spmem:s1] =	stream.indirect.scatter.add.f32 [tilespmem:s2], [sflag:$0x1], $0x1, s0, s22, $0xb8;
	[tilespmem:$0x1C900] =	vst v63  }
0x267: {  	_ =	swait.ge [sflag:s26], $0x80  }
0x268: {  	s0 =	simm.s32 $0x37;
	[sflag:s26] =	ssyncset.done $0x0  }
.LBB2_19:
0x269: {  	p0 =	sne.s32 s0, $0x1;
	s0 =	sadd.s32 $0xFFFFFFFF, s0;
	[sflag:s26] =	ssyncadd.s32 $0xFFFFFF80  }
.Ltmp8:
0x26a: {  	(pc) =	sbr.rel @p0 .LBB2_19-.Ltmp8, $3  }
0x26b: {  	_ =	sdelay $0x1  }
0x26c: {  	_ =	swait.ge [sflag:s26], $0x80  }
0x26d: {  	[sflag:s26] =	ssyncset.done $0x0  }
0x26e: {  	s30 =	sadd.s32 $0x1, s30  }
0x26f: {  	p0 =	sne.s32 s30, $0x3  }
.Ltmp9:
0x270: {  	_ = 	snop;
	(pc) =	sbr.rel @p0 .LBB2_8-.Ltmp9, $2  }
0x271: {  	_ =	sdelay $0x2  }
0x272: {  	[sflag:s26] =	ssyncadd.s32 $0xFFFFFF80  }
0x273: {  	_ =	swait.ge [sflag:s25], $0x80  }
0x274: {  	s0 =	simm.s32 $0x37;
	[sflag:s25] =	ssyncset.done $0x0  }
.LBB2_22:
0x275: {  	p0 =	sne.s32 s0, $0x1;
	s0 =	sadd.s32 $0xFFFFFFFF, s0;
	[sflag:s25] =	ssyncadd.s32 $0xFFFFFF80  }
.Ltmp10:
0x276: {  	(pc) =	sbr.rel @p0 .LBB2_22-.Ltmp10, $3  }
0x277: {  	_ =	sdelay $0x1  }
0x278: {  	_ =	swait.ge [sflag:s25], $0x80  }
0x279: {  	[sflag:s25] =	ssyncset.done $0x0  }
0x27a: {  	[sflag:s25] =	ssyncadd.s32 $0xFFFFFF80  }
0x27b: {  	[bflag:$0x0] =	sbarrier.arrive $0xFFFF  }
0x27c: {  	[tilespmem:s17], [sflag:$0x3] =	stream.linear.gather [spmem:s7], $0xC40, $0x38;
	[tilespmem:$0x1C900] =	vst v63  }
0x27d: {  	_ =	swait.ge [sflag:s18], $0xC40  }
0x27e: {  	[sflag:s18] =	ssyncset.done $0x0  }
0x27f: {  	s0 =	simm.s32 $0x0;
	[sflag:s18] =	ssyncadd.s32 $0xFFFFF3C0  }
0x280: {  	[hbm4b:s14+s0] =	stream.linear.scatter [tilespmem:s17], [sflag:$0x3], $0xC40, $0x38;
	[tilespmem:$0x1C900] =	vst v63  }
0x281: {  	_ =	swait.ge [sflag:s18], $0xC40  }
0x282: {  	[sflag:s18] =	ssyncset.done $0x0  }
0x283: {  	[sflag:s18] =	ssyncadd.s32 $0xFFFFF3C0  }
0x284: {  	[tilespmem:s17], [sflag:$0x3] =	stream.linear.gather [spmem:s8], $0xC40, $0x38;
	[tilespmem:$0x1C900] =	vst v63  }
0x285: {  	s28 =	sadd.s32 $0x1, s28;
	_ =	swait.ge [sflag:s18], $0xC40  }
0x286: {  	p0 =	sne.s32 s28, s16;
	[sflag:s18] =	ssyncset.done $0x0  }
.Ltmp11:
0x287: {  	[sflag:s18] =	ssyncadd.s32 $0xFFFFF3C0;
	(pc) =	sbr.rel @p0 .LBB2_1-.Ltmp11, $4  }
0x288: {  	[hbm4b:s15+s0] =	stream.linear.scatter [tilespmem:s17], [sflag:$0x3], $0xC40, $0x38;
	[tilespmem:$0x1C900] =	vst v63  }
0x289: {  	_ =	swait.ge [sflag:s18], $0xC40  }
0x28a: {  	[sflag:s18] =	ssyncset.done $0x0  }
0x28b: {  	[sflag:s18] =	ssyncadd.s32 $0xFFFFF3C0  }
0x28c: {  	_ =	sfence.sel $0x180000  }
0x28d: {  	[bflag:$0x0] =	sbarrier.arrive $0xFFFF  }
0x28e: {  	_ =	strace $0x9000004D  }
0x28f: {  	s0 =	stileid.u32;
	[bflag:$0x2] =	sbarrier.arrive $0xFFFF  }
0x290: {  	p0 =	sne.s32 s0, $0x0;
	s0 =	rddreg [dreg:$0x2]  }
0x291: {  	s0 =	sadd.s32 @!p0 $0x100000, s0  }
0x292: {  	[sflag:s0] =	ssyncadd.tile.s32 @!p0 $0x1;
	_ =	shalt  }
.Lfunc_end2:
_tile_overlayer_lowered:
.L_overlay_start_2:
0x293: {  	(tag) =	ssettag $0x2  }
0x294: {  	s0 =	rddreg [dreg:$0x0];
	s2 =	stileid.u32  }
0x295: {  	s1 =	rddreg [dreg:$0x1];
	p0 =	sne.s32 s2, $0x0  }
0x296: {  	s3 =	rddreg [dreg:$0x2];
	[bflag:$0x3] =	sbarrier.arrive $0xFFFF;
	s2 =	simm.s32 @!p0 $0x1C03  }
0x297: {  	[timem:s3], [sflag:s2] =	dma.local @!p0 [hbm:s0], s1  }
0x298: {  	s0 =	simm.s32 @!p0 $0x3  }
0x299: {  	_ =	swait.ge @!p0 [sflag:s0], s1  }
0x29a: {  	s1 =	ssub.s32 @!p0 $0x0, s1;
	[sflag:s0] =	ssyncset.done @!p0 $0x0  }
0x29b: {  	[sflag:s0] =	ssyncadd.s32 @!p0 s1  }
0x29c: {  	[bflag:$0x3] =	sbarrier.arrive $0xFFFF  }
0x29d: {  	_ =	shalt  }

// kernel: kernel.17.cloned.1.call-start
scs
__scs_entry_jumppad:
0x0: {  	(pc) =	sbr.rel $0x88, $3  }
0x1: {  	(tag) =	ssettag $0x0;
	lr =	simm.s32 $0x1  }
0x2: {  	[smem:$0x3F90] =	sst lr;
	_ =	strace $0xD0000000  }
0x3: {  	_ = 	snop  }
0x4: {  	_ = 	snop  }
0x5: {  	_ = 	snop  }
0x6: {  	_ = 	snop  }
0x7: {  	_ = 	snop  }
__scs_overlays_trampoline_lowered:
0x8: {  	[smem:$0x3F9F] =	sst s0  }
0x9: {  	[smem:$0x3FA0] =	sst s1  }
0xa: {  	[smem:$0x3FA1] =	sst s2  }
0xb: {  	[smem:$0x3FA2] =	sst s3  }
0xc: {  	[smem:$0x3FA3] =	sst s4  }
0xd: {  	[smem:$0x3FA4] =	sst s5  }
0xe: {  	[smem:$0x3FA5] =	sst s6  }
0xf: {  	[smem:$0x3FA6] =	sst s7  }
0x10: {  	[smem:$0x3FA7] =	sst s8  }
0x11: {  	[smem:$0x3FA8] =	sst s9;
	s0 =	simm.s32 @!p0 $0x0  }
0x12: {  	s1 =	sld [smem:$0x3F8E];
	s0 =	simm.s32 @p0 $0x1  }
0x13: {  	[smem:$0x3FA9] =	sst s0;
	s0 =	simm.s32 @!p1 $0x0  }
0x14: {  	s2 =	sld [smem:$0x3F8D];
	s0 =	simm.s32 @p1 $0x1  }
0x15: {  	[smem:$0x3FAA] =	sst s0;
	s0 =	simm.s32 @!p2 $0x0  }
0x16: {  	s3 =	sld [smem:$0x3FDB];
	s0 =	simm.s32 @p2 $0x1  }
0x17: {  	s4 =	simm.s32 $0x1BF5;
	[smem:$0x3FAC] =	sst s0  }
0x18: {  	s0 =	sld [smem:$0x3F8F];
	_ =	swait.ge [sflag:s4], $0x0  }
0x19: {  	s7 =	sld [smem:$0x3F90]  }
0x1a: {  	s8 =	sadd.s32 $0xFFFFE003, lr  }
0x1b: {  	s9 =	sadd.s32 $0xFFFFFEF7, lr;
	s5 =	simm.s32 $0xFFFFFFFF;
	p2 =	slt.u32 s8, $0xFFFFF086  }
0x1c: {  	p1 =	slt.u32 s9, $0xF7A;
	s5 =	simm.s32 @!p2 $0x0  }
0x1d: {  	s5 =	simm.s32 @p1 $0x1;
	p0 =	seq.s32 s7, s2  }
0x1e: {  	s7 =	smul.u32 @!p0 $0xF7A, s2;
	p2 =	seq.s32 @!p0 s5, $0x0  }
0x1f: {  	s9 =	smul.u32 $0xF7A, s1;
	s8 =	simm.s32 @!p0 $0x1BF5;
	p2 =	por !p2, p0  }
0x20: {  	[sflag:s8] =	ssyncset.s32 @!p0 $0xFFFFF086;
	s6 =	sadd.s32 @!p0 s3, s7;
	s7 =	simm.s32 @!p0 $0x108  }
0x21: {  	s3 =	sadd.s32 s3, s9;
	s6 =	sadd.s32 @!p0 $0x88, s6;
	s7 =	simm.s32 @p2 $0x1082  }
0x22: {  	[simem:s7], [sflag:s8] =	dma.local @!p0 [hbm:s6], $0xF7A  }
0x23: {  	s9 =	sor.u32 $0xD0000000, s2;
	s6 =	simm.s32 $0x108;
	_ =	swait.ge @!p0 [sflag:s8], $0x0  }
0x24: {  	s3 =	sadd.s32 $0x88, s3;
	s6 =	simm.s32 @!p1 $0x1082;
	[sflag:s4] =	ssyncset.s32 $0xFFFFF086  }
0x25: {  	[simem:s6], [sflag:s4] =	dma.local [hbm:s3], $0xF7A  }
0x26: {  	[smem:$0x3F90] =	sst s1;
	(tag) =	ssettag s2;
	_ =	strace s9  }
0x27: {  	s1 =	sld [smem:$0x3FA0]  }
0x28: {  	s2 =	sld [smem:$0x3FA1]  }
0x29: {  	s4 =	sld [smem:$0x3FA3]  }
0x2a: {  	p0 =	seq.s32 s5, $0x0;
	s5 =	sld [smem:$0x3FA4]  }
0x2b: {  	s6 =	sld [smem:$0x3FA5]  }
0x2c: {  	s7 =	sld [smem:$0x3FA6]  }
0x2d: {  	s3 =	simm.s32 $0x108;
	s8 =	sld [smem:$0x3FA7]  }
0x2e: {  	s3 =	simm.s32 @!p0 $0x1082;
	s9 =	sld [smem:$0x3FA8]  }
0x2f: {  	lr =	sadd.s32 s0, s3;
	s0 =	sld [smem:$0x3F9F]  }
0x30: {  	s3 =	sld [smem:$0x3FA2]  }
0x31: {  	[smem:$0x3FAB] =	sst s10  }
0x32: {  	s10 =	sld [smem:$0x3FA9];
	_ =	sdelay $0x3  }
0x33: {  	p0 =	seq.s32 s10, $0x1;
	s10 =	sld [smem:$0x3FAB];
	_ =	sdelay $0x3  }
0x34: {  	[smem:$0x3FAB] =	sst s10  }
0x35: {  	s10 =	sld [smem:$0x3FAA];
	_ =	sdelay $0x3  }
0x36: {  	p1 =	seq.s32 s10, $0x1;
	s10 =	sld [smem:$0x3FAB];
	_ =	sdelay $0x3  }
0x37: {  	[smem:$0x3FAB] =	sst s10  }
0x38: {  	s10 =	sld [smem:$0x3FAC]  }
0x39: {  	_ = 	snop;
	(pc) =	sbr.ind lr, $3  }
0x3a: {  	_ = 	snop  }
0x3b: {  	_ = 	snop  }
0x3c: {  	p2 =	seq.s32 s10, $0x1;
	s10 =	sld [smem:$0x3FAB]  }
0x3d: {  	_ =	shalt  }
0x3e: {  	_ =	shalt  }
0x3f: {  	_ =	shalt  }
0x40: {  	_ =	shalt  }
0x41: {  	_ =	shalt  }
0x42: {  	_ =	shalt  }
0x43: {  	_ =	shalt  }
0x44: {  	_ =	shalt  }
0x45: {  	_ =	shalt  }
0x46: {  	_ =	shalt  }
0x47: {  	_ =	shalt  }
0x48: {  	_ =	shalt  }
0x49: {  	_ =	shalt  }
0x4a: {  	_ =	shalt  }
0x4b: {  	_ =	shalt  }
0x4c: {  	_ =	shalt  }
0x4d: {  	_ =	shalt  }
0x4e: {  	_ =	shalt  }
0x4f: {  	_ =	shalt  }
0x50: {  	_ =	shalt  }
0x51: {  	_ =	shalt  }
0x52: {  	_ =	shalt  }
0x53: {  	_ =	shalt  }
0x54: {  	_ =	shalt  }
0x55: {  	_ =	shalt  }
0x56: {  	_ =	shalt  }
0x57: {  	_ =	shalt  }
0x58: {  	_ =	shalt  }
0x59: {  	_ =	shalt  }
0x5a: {  	_ =	shalt  }
0x5b: {  	_ =	shalt  }
0x5c: {  	_ =	shalt  }
0x5d: {  	_ =	shalt  }
0x5e: {  	_ =	shalt  }
0x5f: {  	_ =	shalt  }
0x60: {  	_ =	shalt  }
0x61: {  	_ =	shalt  }
0x62: {  	_ =	shalt  }
0x63: {  	_ =	shalt  }
0x64: {  	_ =	shalt  }
0x65: {  	_ =	shalt  }
0x66: {  	_ =	shalt  }
0x67: {  	_ =	shalt  }
0x68: {  	_ =	shalt  }
0x69: {  	_ =	shalt  }
0x6a: {  	_ =	shalt  }
0x6b: {  	_ =	shalt  }
0x6c: {  	_ =	shalt  }
0x6d: {  	_ =	shalt  }
0x6e: {  	_ =	shalt  }
0x6f: {  	_ =	shalt  }
0x70: {  	_ =	shalt  }
0x71: {  	_ =	shalt  }
0x72: {  	_ =	shalt  }
0x73: {  	_ =	shalt  }
0x74: {  	_ =	shalt  }
0x75: {  	_ =	shalt  }
0x76: {  	_ =	shalt  }
0x77: {  	_ =	shalt  }
0x78: {  	_ =	shalt  }
0x79: {  	_ =	shalt  }
0x7a: {  	_ =	shalt  }
0x7b: {  	_ =	shalt  }
0x7c: {  	_ =	shalt  }
0x7d: {  	_ =	shalt  }
0x7e: {  	_ =	shalt  }
0x7f: {  	_ =	shalt  }
0x80: {  	_ =	shalt  }
0x81: {  	_ =	shalt  }
0x82: {  	_ =	shalt  }
0x83: {  	_ =	shalt  }
0x84: {  	_ =	shalt  }
0x85: {  	_ =	shalt  }
0x86: {  	_ =	shalt  }
0x87: {  	_ =	shalt  }
.Lfunc_end0:
.L_simem_size_0:
called_computation.3_lowered:
.L_overlay_start_0:
0x88: {  	s2 =	sld [smem:$0x3FD9]  }
0x89: {  	s3 =	sld [smem:$0x3FFE];
	_ =	sdelay $0x1  }
0x8a: {  	s1 =	srdreg.scid  }
0x8b: {  	s0 =	sand.u32 $0x1, s1  }
0x8c: {  	s17 =	sshll.u32 s0, $0xA;
	s2 =	sadd.s32 s3, s2  }
0x8d: {  	s2 =	sadd.s32 s2, s17  }
0x8e: {  	[smem:$0x3FB7] =	sst s2  }
0x8f: {  	_ = 	snop  }
0x90: {  	s2 =	sld [smem:$0x3FC9]  }
0x91: {  	s18 =	sld [smem:$0x3FC8]  }
0x92: {  	s4 =	sld [smem:$0x3FC7]  }
0x93: {  	s5 =	sld [smem:$0x3FD0];
	(tm) =	ssettm $0x1  }
0x94: {  	s6 =	sld [smem:$0x3FFB];
	_ =	sdelay $0x3  }
0x95: {  	_ =	strace s6  }
0x96: {  	s6 =	sld [smem:$0x3FFC];
	_ =	sdelay $0x3  }
0x97: {  	_ =	strace s6  }
0x98: {  	s6 =	sld [smem:$0x3FFD];
	_ =	sdelay $0x3  }
0x99: {  	_ =	strace s6  }
0x9a: {  	_ =	strace $0x8FFFFFFF  }
0x9b: {  	s19 =	sld [smem:$0x3FDB];
	_ =	sdelay $0x1  }
0x9c: {  	s7 =	simm.s32 $_scs_section_size  }
0x9d: {  	s8 =	simm.s32 $_size__tile_overlayer_lowered;
	s9 =	simm.s32 $_tile_overlayer_lowered  }
0x9e: {  	s22 =	simm.s32 $0x1BFF;
	s21 =	sshll.u32 s9, $0x1;
	s6 =	sadd.s32 s7, s19  }
0x9f: {  	s10 =	simm.s32 $0x0;
	s20 =	sshll.u32 s8, $0x1;
	s8 =	sadd.s32 s21, s6  }
0xa0: {  	[timem:s10], [sflag:s22] =	dma.local [hbm:s8], s20  }
0xa1: {  	_ =	swait.ge [sflag:s22], s20  }
0xa2: {  	s7 =	ssub.s32 $0x0, s20;
	[sflag:s22] =	ssyncset.done $0x0  }
0xa3: {  	[sflag:s22] =	ssyncadd.s32 s7;
	_ =	sdelay $0x1  }
0xa4: {  	s23 =	simm.s32 $0x1B8B  }
0xa5: {  	_ =	swait.ge [sflag:s23], $0x1  }
0xa6: {  	[sflag:s23] =	ssyncset.done $0x0  }
0xa7: {  	s25 =	simm.s32 $0x1B8E;
	s24 =	sld [smem:$0x3FFE];
	[sflag:s23] =	ssyncadd.s32 $0xFFFFFFFF  }
0xa8: {  	s26 =	simm.s32 $execute0_lowered;
	[smem:$0x3FD2] =	sst s25  }
0xa9: {  	s8 =	sshll.u32 s26, $0x1;
	_ =	strace $0x8000004F;
	[dreg:$0x1] =	wrdreg $0xFFFFFFFF  }
0xaa: {  	s28 =	simm.s32 $_size_execute0_lowered;
	s6 =	sadd.s32 s6, s8;
	[dreg:$0x0] =	wrdreg $0x0  }
0xab: {  	s8 =	sshll.u32 s28, $0x1;
	[dreg:$0x2] =	wrdreg s6  }
0xac: {  	[dreg:$0x3] =	wrdreg s8  }
0xad: {  	[dreg:$0x4] =	wrdreg $0xC0  }
0xae: {  	_ =	task [dreg:s10], $0x5FFFF  }
0xaf: {  	[dreg:$0x1] =	wrdreg $0xFFFFFFFF  }
0xb0: {  	[dreg:$0x0] =	wrdreg $0x60  }
0xb1: {  	[dreg:$0x2] =	wrdreg s24  }
0xb2: {  	[dreg:$0x3] =	wrdreg s2  }
0xb3: {  	[dreg:$0x4] =	wrdreg s18  }
0xb4: {  	[dreg:$0x5] =	wrdreg s4  }
0xb5: {  	[dreg:$0x6] =	wrdreg s5  }
0xb6: {  	[dreg:$0x7] =	wrdreg $0x9  }
0xb7: {  	_ =	task.clear_ibuf [dreg:s10], $0x8FFFF;
	_ =	strace $0x9000004F  }
0xb8: {  	s29 =	simm.s32 $0x9;
	_ =	strace $0x80000051  }
0xb9: {  	_ =	swait.ge [sflag:s29], $0x1  }
0xba: {  	[sflag:s29] =	ssyncadd.s32 $0xFFFFFFFF  }
0xbb: {  	_ =	strace $0x90000051  }
0xbc: {  	_ =	sfence  }
0xbd: {  	s30 =	sld [smem:$0x0];
	_ =	sdelay $0x2  }
0xbe: {  	s31 =	sshll.u32 s1, $0xD;
	s1 =	sshrl.u32 s1, $0x2  }
0xbf: {  	s3 =	sand.u32 $0x4000, s31;
	s1 =	sadd.s32 s1, s30  }
0xc0: {  	s0 =	sor.u32 s3, s0;
	s1 =	sshll.u32 s1, $0x11  }
0xc1: {  	s0 =	sor.u32 s1, s0  }
0xc2: {  	s0 =	sadd.s32 $0x8F2B, s0  }
0xc3: {  	[sflag:s0] =	ssyncadd.remote.s32 $0x1  }
0xc4: {  	_ =	sfence.sel $0xFFFF  }
0xc5: {  	[dreg:$0x0] =	wrdreg $0xFFFFFFFF;
	(pc) =	sbr.abs _section_cstart, $3  }
0xc6: {  	[dreg:$0x1] =	wrdreg $0xFFFFFFFF  }
0xc7: {  	_ =	task.clear_ibuf [dreg:s10], $0x2FFFF;
	_ =	strace $0x9FFFFFFF  }
0xc8: {  	(tm) =	ssettm $0x7FFFFFFF  }
0xc9: {  	_ =	shalt  }
tec
execute0_lowered:
.L_overlay_start_1:
0x0: {  	(tag) =	ssettag $0x1  }
0x1: {  	s8 =	rddreg [dreg:$0x0]  }
0x2: {  	s9 =	rddreg [dreg:$0x1]  }
0x3: {  	s10 =	rddreg [dreg:$0x2]  }
0x4: {  	s11 =	rddreg [dreg:$0x3]  }
0x5: {  	s1 =	rddreg [dreg:$0x4]  }
0x6: {  	s0 =	rddreg [dreg:$0x5];
	s2 =	simm.s32 $0x0  }
0x7: {  	s5 =	srdreg.scid;
	s3 =	stileid.u32;
	s15 =	simm.s32 $0x80  }
0x8: {  	s16 =	simm.s32 $0x100;
	s17 =	simm.s32 $0x680;
	s18 =	simm.s32 $0x180  }
0x9: {  	s19 =	simm.s32 $0x280;
	s20 =	simm.s32 $0x300;
	s21 =	simm.s32 $0x380  }
0xa: {  	s22 =	simm.s32 $0x400;
	s23 =	simm.s32 $0x200;
	s24 =	simm.s32 $0x480  }
0xb: {  	s28 =	simm.s32 $0x600;
	s29 =	simm.s32 $0x1;
	s30 =	simm.s32 $0x700  }
0xc: {  	s31 =	simm.s32 $0x780;
	[smem:$0x7FF] =	sst s2;
	s4 =	sadd.s32 $0x68200, s8  }
0xd: {  	s7 =	sand.u32 $0x1, s5;
	s5 =	sadd.s32 $0x6B400, s8;
	s13 =	sshll.u32 s3, $0x4  }
0xe: {  	s6 =	sadd.s32 $0x34000, s8;
	s12 =	sshll.u32 s7, $0x8;
	s25 =	ssub.s32 $0x2, s7  }
0xf: {  	_ =	strace $0x80000050;
	s12 =	sor.u32 s13, s12;
	s26 =	sshrl.u32 s25, $0x1  }
0x10: {  	s7 =	sadd.s32 $0x6E600, s8;
	s14 =	sadd.s32 s12, s8;
	s13 =	ssub.s32 s25, s26  }
0x11: {  	s8 =	sadd.s32 s9, s12;
	s9 =	sadd.s32 s10, s12;
	s10 =	sadd.s32 s11, s12  }
0x12: {  	s25 =	simm.s32 $0x500;
	s26 =	simm.s32 $0x580;
	s11 =	sadd.s32 $0x3000, s14  }
0x13: {  	s12 =	sadd.s32 $0x3200, s14;
	s13 =	smax.u32 s13, $0x1;
	s14 =	simm.s32 $0x2  }
.LBB2_1:
0x14: {  	[tilespmem:s2], [sflag:$0x2] =	stream.linear.gather [hbm4b:s8+s2], $0x80, $0x38;
	[tilespmem:$0x800] =	vst v63  }
0x15: {  	_ =	swait.ge [sflag:s14], $0x80  }
0x16: {  	[sflag:s14] =	ssyncset.done $0x0  }
0x17: {  	[sflag:s14] =	ssyncadd.s32 $0xFFFFFF80  }
0x18: {  	[tilespmem:s15], [sflag:$0x2] =	stream.linear.gather [hbm4b:s9+s2], $0x80, $0x38;
	[tilespmem:$0x800] =	vst v63  }
0x19: {  	_ =	swait.ge [sflag:s14], $0x80  }
0x1a: {  	[sflag:s14] =	ssyncset.done $0x0  }
0x1b: {  	[sflag:s14] =	ssyncadd.s32 $0xFFFFFF80  }
0x1c: {  	[tilespmem:s16], [sflag:$0x2] =	stream.linear.gather [hbm4b:s10+s2], $0x80, $0x38;
	[tilespmem:$0x800] =	vst v63  }
0x1d: {  	_ =	swait.ge [sflag:s14], $0x80  }
0x1e: {  	[sflag:s14] =	ssyncset.done $0x0  }
0x1f: {  	[sflag:s14] =	ssyncadd.s32 $0xFFFFFF80  }
0x20: {  	[tilespmem:s17], [sflag:$0x2] =	stream.linear.gather [hbm4b:s1+s2], $0x80, $0x38;
	[tilespmem:$0x800] =	vst v63  }
0x21: {  	_ =	swait.ge [sflag:s14], $0x80  }
0x22: {  	[sflag:s14] =	ssyncset.done $0x0  }
0x23: {  	[sflag:s14] =	ssyncadd.s32 $0xFFFFFF80  }
0x24: {  	v0 =	vld [tilespmem:$0x0]  }
0x25: {  	v1 =	vld [tilespmem:$0x80]  }
0x26: {  	v2 =	vld [tilespmem:$0x100]  }
0x27: {  	v3 =	vld [tilespmem:$0x10]  }
0x28: {  	v4 =	vld [tilespmem:$0x90]  }
0x29: {  	v5 =	vld [tilespmem:$0x110]  }
0x2a: {  	v6 =	vld [tilespmem:$0x20]  }
0x2b: {  	v7 =	vld [tilespmem:$0xA0]  }
0x2c: {  	v8 =	vld [tilespmem:$0x120]  }
0x2d: {  	v9 =	vld [tilespmem:$0x30]  }
0x2e: {  	v10 =	vld [tilespmem:$0xB0]  }
0x2f: {  	v11 =	vld [tilespmem:$0x130];
	v0 =	vmul.u32 $0xC400, v0  }
0x30: {  	v12 =	vld [tilespmem:$0x40]  }
0x31: {  	v13 =	vld [tilespmem:$0xC0];
	v3 =	vmul.u32 $0xC400, v3;
	v1 =	vadd.s32 v1, v0  }
0x32: {  	v55 =	vld [tilespmem:$0x140];
	v0 =	vadd.s32 v0, v2;
	[tilespmem:$0x180] =	vst v1  }
0x33: {  	v58 =	vld [tilespmem:$0x50];
	v57 =	vmul.u32 $0xC400, v6;
	v56 =	vadd.s32 v4, v3;
	[tilespmem:$0x200] =	vst v0  }
0x34: {  	v20 =	vld [tilespmem:$0x70];
	v59 =	vadd.s32 v3, v5;
	[tilespmem:$0x190] =	vst v56  }
0x35: {  	v60 =	vld [tilespmem:$0xD0];
	v62 =	vmul.u32 $0xC400, v9;
	v61 =	vadd.s32 v7, v57;
	[tilespmem:$0x210] =	vst v59  }
0x36: {  	v24 =	vld [tilespmem:$0xF0];
	v14 =	vadd.s32 v57, v8;
	[tilespmem:$0x1A0] =	vst v61  }
0x37: {  	v26 =	vld [tilespmem:$0x170];
	v17 =	vmul.u32 $0xC400, v12;
	v16 =	vadd.s32 v10, v62;
	[tilespmem:$0x220] =	vst v14  }
0x38: {  	v15 =	vld [tilespmem:$0x60];
	v19 =	vadd.s32 v62, v11;
	[tilespmem:$0x1B0] =	vst v16  }
0x39: {  	v63 =	vld [tilespmem:$0x150];
	v29 =	vmul.u32 $0xC400, v20;
	v21 =	vadd.s32 v13, v17;
	[tilespmem:$0x230] =	vst v19  }
0x3a: {  	v18 =	vld [tilespmem:$0xE0];
	v23 =	vadd.s32 v17, v55;
	[tilespmem:$0x1C0] =	vst v21  }
0x3b: {  	v22 =	vld [tilespmem:$0x160];
	v4 =	vmul.u32 $0xC400, v58;
	v31 =	vadd.s32 v24, v29;
	[tilespmem:$0x240] =	vst v23  }
0x3c: {  	v32 =	vadd.s32 v29, v26;
	[tilespmem:$0x1F0] =	vst v31  }
0x3d: {  	v2 =	vmul.u32 $0xC400, v15;
	[tilespmem:$0x270] =	vst v32;
	v25 =	vadd.s32 v60, v4  }
0x3e: {  	v27 =	vadd.s32 v4, v63;
	[tilespmem:$0x1D0] =	vst v25  }
0x3f: {  	v28 =	vadd.s32 v18, v2;
	[tilespmem:$0x250] =	vst v27  }
0x40: {  	v30 =	vadd.s32 v2, v22;
	[tilespmem:$0x1E0] =	vst v28  }
0x41: {  	[tilespmem:$0x260] =	vst v30  }
0x42: {  	[tilespmem:s19], [sflag:$0x1] =	stream.indirect.gather [hbm4b:s4+s15], $0x1, s18, s15, $0xb8;
	[tilespmem:$0x800] =	vst v63  }
0x43: {  	_ = 	snop  }
0x44: {  	[tilespmem:s20], [sflag:$0x1] =	stream.indirect.gather [hbm4b:s5+s15], $0x1, s18, s15, $0xb8;
	[tilespmem:$0x800] =	vst v63  }
0x45: {  	_ = 	snop  }
0x46: {  	[tilespmem:s21], [sflag:$0x1] =	stream.indirect.gather [hbm4b:s6+s15], $0x1, s18, s15, $0xb8;
	[tilespmem:$0x800] =	vst v63  }
0x47: {  	_ = 	snop  }
0x48: {  	[tilespmem:s22], [sflag:$0x1] =	stream.indirect.gather [hbm4b:s7+s15], $0x1, s18, s15, $0xb8;
	[tilespmem:$0x800] =	vst v63  }
0x49: {  	_ = 	snop  }
0x4a: {  	[tilespmem:s24], [sflag:$0x1] =	stream.indirect.gather [hbm4b:s4+s15], $0x1, s23, s15, $0xb8;
	[tilespmem:$0x800] =	vst v63  }
0x4b: {  	_ = 	snop  }
0x4c: {  	[tilespmem:s25], [sflag:$0x1] =	stream.indirect.gather [hbm4b:s5+s15], $0x1, s23, s15, $0xb8;
	[tilespmem:$0x800] =	vst v63  }
0x4d: {  	_ = 	snop  }
0x4e: {  	[tilespmem:s26], [sflag:$0x1] =	stream.indirect.gather [hbm4b:s6+s15], $0x1, s23, s15, $0xb8;
	[tilespmem:$0x800] =	vst v63  }
0x4f: {  	_ = 	snop  }
0x50: {  	[tilespmem:s28], [sflag:$0x1] =	stream.indirect.gather [hbm4b:s7+s15], $0x1, s23, s15, $0xb8;
	[tilespmem:$0x800] =	vst v63  }
0x51: {  	_ =	swait.ge [sflag:s29], $0x80  }
0x52: {  	[sflag:s29] =	ssyncset.done $0x0  }
0x53: {  	[sflag:s29] =	ssyncadd.s32 $0xFFFFFF80  }
0x54: {  	_ =	swait.ge [sflag:s29], $0x80  }
0x55: {  	[sflag:s29] =	ssyncset.done $0x0  }
0x56: {  	[sflag:s29] =	ssyncadd.s32 $0xFFFFFF80  }
0x57: {  	_ =	swait.ge [sflag:s29], $0x80  }
0x58: {  	[sflag:s29] =	ssyncset.done $0x0  }
0x59: {  	[sflag:s29] =	ssyncadd.s32 $0xFFFFFF80  }
0x5a: {  	_ =	swait.ge [sflag:s29], $0x80  }
0x5b: {  	[sflag:s29] =	ssyncset.done $0x0  }
0x5c: {  	[sflag:s29] =	ssyncadd.s32 $0xFFFFFF80  }
0x5d: {  	_ =	swait.ge [sflag:s29], $0x80  }
0x5e: {  	[sflag:s29] =	ssyncset.done $0x0  }
0x5f: {  	[sflag:s29] =	ssyncadd.s32 $0xFFFFFF80  }
0x60: {  	_ =	swait.ge [sflag:s29], $0x80  }
0x61: {  	[sflag:s29] =	ssyncset.done $0x0  }
0x62: {  	[sflag:s29] =	ssyncadd.s32 $0xFFFFFF80  }
0x63: {  	_ =	swait.ge [sflag:s29], $0x80  }
0x64: {  	[sflag:s29] =	ssyncset.done $0x0  }
0x65: {  	[sflag:s29] =	ssyncadd.s32 $0xFFFFFF80  }
0x66: {  	_ =	swait.ge [sflag:s29], $0x80  }
0x67: {  	[sflag:s29] =	ssyncset.done $0x0  }
0x68: {  	[sflag:s29] =	ssyncadd.s32 $0xFFFFFF80  }
0x69: {  	v16 =	vld [tilespmem:$0x680]  }
0x6a: {  	v33 =	vld [tilespmem:$0x690]  }
0x6b: {  	v34 =	vld [tilespmem:$0x380]  }
0x6c: {  	v36 =	vld [tilespmem:$0x280]  }
0x6d: {  	v37 =	vld [tilespmem:$0x300]  }
0x6e: {  	v19 =	vld [tilespmem:$0x6A0]  }
0x6f: {  	v43 =	vld [tilespmem:$0x6B0]  }
0x70: {  	v38 =	vld [tilespmem:$0x580]  }
0x71: {  	v39 =	vld [tilespmem:$0x480]  }
0x72: {  	v40 =	vld [tilespmem:$0x500]  }
0x73: {  	v45 =	vld [tilespmem:$0x0];
	v8 =	vbroadcast v16, $0x0  }
0x74: {  	v26 =	vld [tilespmem:$0x390];
	v41 =	vmax.f32 v34, $0.0e+00;
	v9 =	vbroadcast v19, $0x0;
	v6 =	vbroadcast v43, $0x0  }
0x75: {  	v53 =	vld [tilespmem:$0x10];
	v0 =	vxor.u32 $0x80000000, v34;
	v5 =	vbroadcast v16, $0x2;
	v7 =	vbroadcast v19, $0x2  }
0x76: {  	v29 =	vld [tilespmem:$0x290];
	v44 =	vmax.f32 v38, $0.0e+00;
	v3 =	vbroadcast v19, $0x4;
	v1 =	vbroadcast v19, $0x6  }
0x77: {  	v32 =	vld [tilespmem:$0x590];
	v4 =	vxor.u32 $0x80000000, v38;
	v17 =	vbroadcast v16, $0x1;
	v18 =	vbroadcast v19, $0x1  }
0x78: {  	vm0 =	veq.s32 v45, $0x0;
	v10 =	vbroadcast v33, $0x1;
	v11 =	vbroadcast v43, $0x1  }
0x79: {  	v35 =	vld [tilespmem:$0x400];
	v13 =	vbroadcast v16, $0x5;
	v56 =	vxor.u32 $0x80000000, v26;
	v26 =	vmax.f32 v26, $0.0e+00  }
0x7a: {  	v42 =	vld [tilespmem:$0x600];
	vm9 =	veq.s32 v53, $0x0;
	v2 =	vadd.f32 v36, v41;
	v0 =	vmax.f32 v0, $0.0e+00  }
0x7b: {  	v55 =	vld [tilespmem:$0x410];
	v46 =	vadd.f32 v39, v44;
	v4 =	vmax.f32 v4, $0.0e+00;
	v26 =	vadd.f32 v29, v26  }
0x7c: {  	v36 =	vmax.f32 v32, $0.0e+00;
	v0 =	vadd.f32 v37, v0;
	v48 =	vadd.f32 v40, v4  }
0x7d: {  	v4 =	vbroadcast v33, $0x0;
	v49 =	vsel vm0, v8, v9;
	v15 =	vsel vm0, v5, v7  }
0x7e: {  	v51 =	vsel vm0, v17, v18;
	v27 =	vsel vm0, v10, v11;
	v37 =	vxor.u32 $0x80000000, v32  }
0x7f: {  	v38 =	vsel vm9, v8, v9;
	v47 =	vmul.f32 v2, v35;
	v21 =	vmul.f32 v46, v42  }
0x80: {  	v43 =	vsel vm9, v5, v7;
	v2 =	vbroadcast v16, $0x4;
	v62 =	vmul.f32 v26, v55  }
0x81: {  	v41 =	vld [tilespmem:$0x20];
	v39 =	vmax.f32 v37, $0.0e+00;
	v20 =	vmul.f32 v0, v35;
	v22 =	vmul.f32 v48, v42  }
0x82: {  	v57 =	vld [tilespmem:$0x490];
	v12 =	vsel vm0, v4, v6;
	v0 =	vbroadcast v16, $0x6;
	v42 =	vsel vm9, v4, v6  }
0x83: {  	v59 =	vld [tilespmem:$0x510];
	v14 =	vmul.f32 v47, v49;
	v23 =	vsel vm0, v2, v3;
	v28 =	vmul.f32 v47, v51  }
0x84: {  	v33 =	vld [tilespmem:$0x3A0];
	v40 =	vmul.f32 v62, v38;
	v47 =	vsel vm9, v2, v3;
	v49 =	vsel vm9, v17, v18  }
0x85: {  	v32 =	vld [tilespmem:$0x30];
	v50 =	vmul.f32 v20, v15;
	v24 =	vsel vm0, v0, v1;
	v23 =	vmul.f32 v21, v23  }
0x86: {  	v15 =	vbroadcast v19, $0x5;
	vm10 =	veq.s32 v41, $0x0;
	v12 =	vadd.f32 v14, v12  }
0x87: {  	v61 =	vld [tilespmem:$0x610];
	v14 =	vbroadcast v19, $0x3;
	v52 =	vadd.f32 v28, v27;
	v24 =	vmul.f32 v22, v24  }
0x88: {  	v48 =	vld [tilespmem:$0x2A0];
	v19 =	vbroadcast v19, $0x7;
	v27 =	vadd.f32 v57, v36;
	v28 =	vadd.f32 v59, v39  }
0x89: {  	v51 =	vld [tilespmem:$0x5A0];
	v29 =	vadd.f32 v40, v42;
	v53 =	vmax.f32 v33, $0.0e+00;
	v33 =	vxor.u32 $0x80000000, v33  }
0x8a: {  	v59 =	vsel vm10, v4, v6;
	vm11 =	veq.s32 v32, $0x0;
	v54 =	vsel vm0, v13, v15  }
0x8b: {  	v45 =	vld [tilespmem:$0x420];
	v37 =	vsel vm9, v13, v15;
	v25 =	vadd.f32 v50, v12;
	v12 =	vbroadcast v16, $0x3  }
0x8c: {  	v40 =	vsel vm10, v13, v15;
	v16 =	vbroadcast v16, $0x7;
	v21 =	vmul.f32 v21, v54  }
0x8d: {  	v27 =	vmul.f32 v27, v61;
	v46 =	vmul.f32 v28, v61;
	v50 =	vsel vm9, v0, v1  }
0x8e: {  	v28 =	vadd.f32 v48, v53;
	v57 =	vmax.f32 v51, $0.0e+00;
	v30 =	vsel vm0, v12, v14  }
0x8f: {  	v31 =	vld [tilespmem:$0x310];
	v23 =	vadd.f32 v23, v25;
	v60 =	vsel vm0, v16, v19;
	v36 =	vsel vm9, v12, v14  }
0x90: {  	v38 =	vsel vm9, v16, v19;
	v28 =	vmul.f32 v28, v45;
	v39 =	vsel vm10, v12, v14  }
0x91: {  	v61 =	vld [tilespmem:$0x3B0];
	v42 =	vsel vm10, v16, v19;
	v20 =	vmul.f32 v20, v30;
	v30 =	vsel vm10, v8, v9  }
0x92: {  	v22 =	vmul.f32 v22, v60;
	v60 =	vsel vm10, v5, v7;
	v30 =	vmul.f32 v28, v30  }
0x93: {  	v25 =	vadd.f32 v20, v52;
	v20 =	vmax.f32 v56, $0.0e+00;
	v52 =	vsel vm9, v10, v11  }
0x94: {  	v34 =	vld [tilespmem:$0x320];
	v58 =	vadd.f32 v31, v20;
	v20 =	vadd.f32 v24, v23;
	v24 =	vmul.f32 v27, v47  }
0x95: {  	v27 =	vmul.f32 v27, v37;
	v31 =	vxor.u32 $0x80000000, v51;
	v30 =	vadd.f32 v30, v59  }
0x96: {  	v35 =	vld [tilespmem:$0x4A0];
	v37 =	vxor.u32 $0x80000000, v61;
	v21 =	vadd.f32 v21, v25;
	v25 =	vmul.f32 v62, v49  }
0x97: {  	v54 =	vld [tilespmem:$0x620];
	v31 =	vmax.f32 v31, $0.0e+00;
	v37 =	vmax.f32 v37, $0.0e+00;
	v63 =	vmul.f32 v58, v55  }
0x98: {  	v49 =	vld [tilespmem:$0x330];
	v55 =	vmax.f32 v33, $0.0e+00;
	v21 =	vadd.f32 v22, v21;
	v22 =	vmul.f32 v46, v50  }
0x99: {  	v58 =	vld [tilespmem:$0x520];
	v25 =	vadd.f32 v25, v52;
	v56 =	vadd.f32 v34, v55;
	v44 =	vmul.f32 v63, v43  }
0x9a: {  	v47 =	vld [tilespmem:$0x2B0];
	v50 =	vsel vm10, v0, v1;
	v52 =	vsel vm10, v10, v11;
	v26 =	vmul.f32 v63, v36  }
0x9b: {  	v51 =	vld [tilespmem:$0x5B0];
	v55 =	vmax.f32 v61, $0.0e+00;
	v61 =	vsel vm11, v4, v6;
	v29 =	vadd.f32 v44, v29  }
0x9c: {  	v53 =	vld [tilespmem:$0x4B0];
	v25 =	vadd.f32 v26, v25;
	v26 =	vmul.f32 v56, v45;
	v45 =	vmul.f32 v46, v38  }
0x9d: {  	v36 =	vld [tilespmem:$0x40];
	v46 =	vsel vm10, v2, v3;
	v56 =	vadd.f32 v49, v37;
	v44 =	vsel vm11, v2, v3  }
0x9e: {  	v49 =	vsel vm11, v0, v1;
	v31 =	vadd.f32 v58, v31;
	v24 =	vadd.f32 v24, v29  }
0x9f: {  	v63 =	vld [tilespmem:$0x430];
	v29 =	vadd.f32 v35, v57;
	v62 =	vmul.f32 v26, v60;
	v25 =	vadd.f32 v27, v25  }
0xa0: {  	v35 =	vadd.f32 v47, v55;
	v57 =	vmax.f32 v51, $0.0e+00;
	v26 =	vmul.f32 v26, v39  }
0xa1: {  	v41 =	vld [tilespmem:$0x630];
	v60 =	vsel vm11, v8, v9;
	v31 =	vmul.f32 v31, v54;
	v33 =	vadd.f32 v53, v57  }
0xa2: {  	v57 =	vsel vm11, v12, v14;
	vm12 =	veq.s32 v36, $0x0;
	v30 =	vadd.f32 v62, v30  }
0xa3: {  	v58 =	vld [tilespmem:$0x530];
	v29 =	vmul.f32 v29, v54;
	v23 =	vadd.f32 v22, v24;
	v22 =	vadd.f32 v45, v25  }
0xa4: {  	v55 =	vld [tilespmem:$0x5C0];
	v54 =	vsel vm10, v17, v18;
	v59 =	vmul.f32 v35, v63;
	v25 =	vxor.u32 $0x80000000, v51  }
0xa5: {  	v62 =	vsel vm11, v5, v7;
	v24 =	vmul.f32 v31, v50;
	v28 =	vmul.f32 v28, v54  }
0xa6: {  	v36 =	vsel vm12, v4, v6;
	v33 =	vmul.f32 v33, v41;
	v31 =	vmul.f32 v31, v42  }
0xa7: {  	v25 =	vmax.f32 v25, $0.0e+00;
	v48 =	vmul.f32 v29, v46;
	v34 =	vmul.f32 v59, v60  }
0xa8: {  	v45 =	vld [tilespmem:$0x3C0];
	v25 =	vadd.f32 v58, v25;
	v43 =	vmul.f32 v29, v40;
	v28 =	vadd.f32 v28, v52  }
0xa9: {  	v29 =	vmul.f32 v33, v44;
	v52 =	vsel vm11, v17, v18;
	v44 =	vmax.f32 v55, $0.0e+00  }
0xaa: {  	v27 =	vadd.f32 v48, v30;
	v30 =	vmul.f32 v56, v63;
	v34 =	vadd.f32 v34, v61  }
0xab: {  	v46 =	vmul.f32 v25, v41;
	v54 =	vmul.f32 v59, v52;
	v56 =	vsel vm11, v10, v11  }
0xac: {  	v50 =	vld [tilespmem:$0x2C0];
	v59 =	vsel vm11, v13, v15;
	v61 =	vsel vm11, v16, v19;
	v26 =	vadd.f32 v26, v28  }
0xad: {  	v58 =	vld [tilespmem:$0x4C0];
	v37 =	vxor.u32 $0x80000000, v45;
	v33 =	vmul.f32 v33, v59;
	v63 =	vmul.f32 v30, v62  }
0xae: {  	v59 =	vsel vm12, v10, v11;
	v51 =	vmul.f32 v46, v49;
	v60 =	vmul.f32 v30, v57  }
0xaf: {  	v53 =	vld [tilespmem:$0x340];
	v62 =	vmax.f32 v45, $0.0e+00;
	v30 =	vmul.f32 v46, v61;
	v46 =	vsel vm12, v8, v9  }
0xb0: {  	v48 =	vld [tilespmem:$0x440];
	v49 =	vsel vm12, v5, v7;
	v28 =	vadd.f32 v43, v26;
	v26 =	vadd.f32 v24, v27  }
0xb1: {  	v45 =	vld [tilespmem:$0x540];
	v57 =	vsel vm12, v0, v1;
	v27 =	vadd.f32 v54, v56;
	v42 =	vadd.f32 v50, v62  }
0xb2: {  	v43 =	vmax.f32 v37, $0.0e+00;
	v32 =	vadd.f32 v58, v44;
	v50 =	vld [tilespmem:$0x3D0];
	v47 =	vadd.f32 v63, v34  }
0xb3: {  	v62 =	vsel vm12, v16, v19;
	v37 =	vld [tilespmem:$0x60];
	v25 =	vadd.f32 v31, v28;
	v27 =	vadd.f32 v60, v27  }
0xb4: {  	v63 =	vld [tilespmem:$0x640];
	v31 =	vadd.f32 v53, v43;
	v28 =	vxor.u32 $0x80000000, v55;
	v53 =	vsel vm12, v2, v3  }
0xb5: {  	v55 =	vsel vm12, v17, v18;
	v60 =	vsel vm12, v12, v14;
	v29 =	vadd.f32 v29, v47  }
0xb6: {  	v54 =	vld [tilespmem:$0x2D0];
	v43 =	vsel vm12, v13, v15;
	v28 =	vmax.f32 v28, $0.0e+00;
	v27 =	vadd.f32 v33, v27  }
0xb7: {  	v56 =	vld [tilespmem:$0x350];
	v31 =	vmul.f32 v31, v48;
	v28 =	vadd.f32 v45, v28;
	v24 =	vadd.f32 v51, v29  }
0xb8: {  	v58 =	vld [tilespmem:$0x5D0];
	v29 =	vmul.f32 v42, v48;
	v38 =	vxor.u32 $0x80000000, v50;
	vm14 =	veq.s32 v37, $0x0  }
0xb9: {  	v52 =	vld [tilespmem:$0x450];
	v32 =	vmul.f32 v32, v63;
	v51 =	vmul.f32 v31, v49;
	v27 =	vadd.f32 v30, v27  }
0xba: {  	v61 =	vld [tilespmem:$0x4D0];
	v28 =	vmul.f32 v28, v63;
	v31 =	vmul.f32 v31, v60;
	v63 =	vmax.f32 v50, $0.0e+00  }
0xbb: {  	v48 =	vld [tilespmem:$0x50];
	v45 =	vmax.f32 v38, $0.0e+00;
	v47 =	vmul.f32 v29, v46;
	v29 =	vmul.f32 v29, v55  }
0xbc: {  	v41 =	vadd.f32 v54, v63;
	v35 =	vadd.f32 v56, v45;
	v30 =	vmul.f32 v32, v53  }
0xbd: {  	v46 =	vmax.f32 v58, $0.0e+00;
	v32 =	vmul.f32 v32, v43;
	v49 =	vmul.f32 v28, v57  }
0xbe: {  	v28 =	vmul.f32 v28, v62;
	v33 =	vadd.f32 v47, v36;
	v29 =	vadd.f32 v29, v59  }
0xbf: {  	v54 =	vld [tilespmem:$0x3E0];
	v47 =	vadd.f32 v61, v46;
	v35 =	vmul.f32 v35, v52;
	v36 =	vxor.u32 $0x80000000, v58  }
0xc0: {  	v44 =	vld [tilespmem:$0x650];
	vm13 =	veq.s32 v48, $0x0;
	v36 =	vmax.f32 v36, $0.0e+00;
	v33 =	vadd.f32 v51, v33  }
0xc1: {  	v60 =	vld [tilespmem:$0x360];
	v29 =	vadd.f32 v31, v29;
	v31 =	vmul.f32 v41, v52;
	v50 =	vsel vm13, v8, v9  }
0xc2: {  	v62 =	vld [tilespmem:$0x5E0];
	v52 =	vsel vm13, v4, v6;
	v53 =	vsel vm13, v5, v7;
	v58 =	vsel vm13, v2, v3  }
0xc3: {  	v43 =	vld [tilespmem:$0x70];
	v61 =	vsel vm13, v17, v18;
	v63 =	vsel vm13, v0, v1;
	v45 =	vsel vm13, v13, v15  }
0xc4: {  	v55 =	vmul.f32 v35, v53;
	v42 =	vxor.u32 $0x80000000, v54;
	v30 =	vadd.f32 v30, v33  }
0xc5: {  	v48 =	vld [tilespmem:$0x550];
	v29 =	vadd.f32 v32, v29;
	v32 =	vmul.f32 v47, v44;
	v51 =	vmul.f32 v31, v50  }
0xc6: {  	v31 =	vmul.f32 v31, v61;
	v50 =	vsel vm13, v12, v14;
	v42 =	vmax.f32 v42, $0.0e+00  }
0xc7: {  	v53 =	vmax.f32 v62, $0.0e+00;
	v40 =	vxor.u32 $0x80000000, v62;
	v61 =	vsel vm14, v2, v3  }
0xc8: {  	vm15 =	veq.s32 v43, $0x0;
	v35 =	vmul.f32 v35, v50;
	v39 =	vadd.f32 v60, v42  }
0xc9: {  	v56 =	vld [tilespmem:$0x460];
	v40 =	vmax.f32 v40, $0.0e+00;
	v50 =	vsel vm14, v0, v1;
	v2 =	vsel vm15, v2, v3  }
0xca: {  	v0 =	vsel vm15, v0, v1;
	v34 =	vadd.f32 v51, v52;
	v57 =	vadd.f32 v48, v36  }
0xcb: {  	v59 =	vld [tilespmem:$0x2E0];
	v30 =	vadd.f32 v49, v30;
	v36 =	vmul.f32 v32, v58;
	v28 =	vadd.f32 v28, v29  }
0xcc: {  	v49 =	vsel vm13, v10, v11;
	v51 =	vmax.f32 v54, $0.0e+00;
	v52 =	vsel vm13, v16, v19  }
0xcd: {  	v32 =	vmul.f32 v32, v45;
	v58 =	vsel vm14, v5, v7;
	v5 =	vsel vm15, v5, v7  }
0xce: {  	v48 =	vld [tilespmem:$0x4E0];
	v31 =	vadd.f32 v31, v49;
	v39 =	vmul.f32 v39, v56;
	v34 =	vadd.f32 v55, v34  }
0xcf: {  	v54 =	vld [tilespmem:$0x560];
	v49 =	vsel vm14, v17, v18;
	v29 =	vmul.f32 v57, v44;
	v55 =	vsel vm14, v8, v9  }
0xd0: {  	v57 =	vsel vm14, v4, v6;
	v34 =	vadd.f32 v36, v34;
	v36 =	vadd.f32 v59, v51  }
0xd1: {  	v46 =	vld [tilespmem:$0x660];
	v8 =	vsel vm15, v8, v9;
	v4 =	vsel vm15, v4, v6;
	v59 =	vmul.f32 v39, v58  }
0xd2: {  	v31 =	vadd.f32 v35, v31;
	v60 =	vmul.f32 v29, v63;
	v36 =	vmul.f32 v36, v56  }
0xd3: {  	v29 =	vmul.f32 v29, v52;
	v58 =	vsel vm14, v13, v15;
	v33 =	vadd.f32 v48, v53  }
0xd4: {  	v37 =	vadd.f32 v54, v40;
	v31 =	vadd.f32 v32, v31;
	v48 =	vld [tilespmem:$0x3F0];
	v56 =	vmul.f32 v36, v55  }
0xd5: {  	v41 =	vld [tilespmem:$0x470];
	v54 =	vsel vm14, v10, v11;
	v34 =	vadd.f32 v60, v34;
	v60 =	vsel vm14, v16, v19  }
0xd6: {  	v52 =	vld [tilespmem:$0x2F0];
	v33 =	vmul.f32 v33, v46;
	v37 =	vmul.f32 v37, v46;
	v35 =	vadd.f32 v56, v57  }
0xd7: {  	v29 =	vadd.f32 v29, v31;
	v51 =	vmul.f32 v36, v49;
	v55 =	vsel vm14, v12, v14;
	v56 =	vld [tilespmem:$0x370]  }
0xd8: {  	v63 =	vmul.f32 v33, v61;
	v53 =	vmul.f32 v37, v50;
	v57 =	vld [tilespmem:$0x5F0];
	v62 =	vadd.f32 v59, v35  }
0xd9: {  	v39 =	vmul.f32 v39, v55;
	v37 =	vmul.f32 v37, v60;
	v40 =	vxor.u32 $0x80000000, v48  }
0xda: {  	v35 =	vadd.f32 v51, v54;
	v59 =	vld [tilespmem:$0x4F0];
	v32 =	vadd.f32 v63, v62;
	v62 =	vmax.f32 v48, $0.0e+00  }
0xdb: {  	[tilespmem:$0x700] =	vst v20;
	v61 =	vld [tilespmem:$0x570];
	v55 =	vsel vm15, v12, v14;
	v43 =	vmax.f32 v40, $0.0e+00;
	v36 =	vadd.f32 v52, v62  }
0xdc: {  	[tilespmem:$0x780] =	vst v21;
	v54 =	vsel vm15, v10, v11;
	v35 =	vadd.f32 v39, v35;
	v63 =	vld [tilespmem:$0x670];
	v45 =	vadd.f32 v56, v43  }
0xdd: {  	[tilespmem:$0x710] =	vst v23;
	v46 =	vmax.f32 v57, $0.0e+00;
	v47 =	vxor.u32 $0x80000000, v57;
	v36 =	vmul.f32 v36, v41  }
0xde: {  	[tilespmem:$0x790] =	vst v22;
	v31 =	vadd.f32 v53, v32;
	v49 =	vmax.f32 v47, $0.0e+00;
	v53 =	vsel vm15, v17, v18  }
0xdf: {  	[tilespmem:$0x720] =	vst v26;
	v48 =	vadd.f32 v59, v46;
	v20 =	vmul.f32 v45, v41;
	v8 =	vmul.f32 v36, v8  }
0xe0: {  	[tilespmem:$0x7A0] =	vst v25;
	v32 =	vmul.f32 v33, v58;
	v50 =	vadd.f32 v61, v49;
	v6 =	vmul.f32 v36, v53  }
0xe1: {  	[tilespmem:$0x730] =	vst v24;
	v21 =	vmul.f32 v48, v63;
	v5 =	vmul.f32 v20, v5;
	v4 =	vadd.f32 v8, v4  }
0xe2: {  	[tilespmem:$0x7B0] =	vst v27;
	v58 =	vsel vm15, v13, v15;
	v57 =	vmul.f32 v20, v55;
	v56 =	vadd.f32 v6, v54  }
0xe3: {  	[tilespmem:$0x740] =	vst v30;
	v52 =	vmul.f32 v50, v63;
	v2 =	vmul.f32 v21, v2;
	v4 =	vadd.f32 v5, v4  }
0xe4: {  	[tilespmem:$0x7C0] =	vst v28;
	v51 =	vadd.f32 v32, v35;
	v60 =	vmul.f32 v21, v58;
	v59 =	vadd.f32 v57, v56  }
0xe5: {  	[tilespmem:$0x750] =	vst v34;
	v61 =	vsel vm15, v16, v19;
	v0 =	vmul.f32 v52, v0;
	v2 =	vadd.f32 v2, v4  }
0xe6: {  	[tilespmem:$0x7D0] =	vst v29;
	v62 =	vadd.f32 v37, v51;
	v63 =	vmul.f32 v52, v61;
	v1 =	vadd.f32 v60, v59  }
0xe7: {  	[tilespmem:$0x760] =	vst v31;
	v0 =	vadd.f32 v0, v2  }
0xe8: {  	[tilespmem:$0x7E0] =	vst v62;
	v1 =	vadd.f32 v63, v1  }
0xe9: {  	[tilespmem:$0x770] =	vst v0  }
0xea: {  	[tilespmem:$0x7F0] =	vst v1  }
0xeb: {  	[hbm4b:s11+s2] =	stream.linear.scatter [tilespmem:s30], [sflag:$0x2], $0x80, $0x38;
	[tilespmem:$0x800] =	vst v63  }
0xec: {  	_ =	swait.ge [sflag:s14], $0x80  }
0xed: {  	p0 =	sne.s32 s13, $0x1;
	[sflag:s14] =	ssyncset.done $0x0  }
.Ltmp0:
0xee: {  	[sflag:s14] =	ssyncadd.s32 $0xFFFFFF80;
	(pc) =	sbr.rel @p0 .LBB2_1-.Ltmp0, $4  }
0xef: {  	[hbm4b:s12+s2] =	stream.linear.scatter [tilespmem:s31], [sflag:$0x2], $0x80, $0x38;
	[tilespmem:$0x800] =	vst v63  }
0xf0: {  	_ =	swait.ge [sflag:s14], $0x80  }
0xf1: {  	[sflag:s14] =	ssyncset.done $0x0  }
0xf2: {  	s13 =	sadd.s32 $0xFFFFFFFF, s13;
	[sflag:s14] =	ssyncadd.s32 $0xFFFFFF80  }
0xf3: {  	_ =	sfence.sel $0x180000  }
0xf4: {  	[bflag:$0x0] =	sbarrier.arrive $0xFFFF  }
0xf5: {  	p0 =	sne.s32 s3, $0x0;
	_ =	strace $0x90000050  }
0xf6: {  	s0 =	sadd.s32 @!p0 $0x100000, s0;
	[bflag:$0x2] =	sbarrier.arrive $0xFFFF  }
0xf7: {  	[sflag:s0] =	ssyncadd.tile.s32 @!p0 $0x1;
	_ =	shalt  }
.Lfunc_end2:
_tile_overlayer_lowered:
.L_overlay_start_2:
0xf8: {  	(tag) =	ssettag $0x2  }
0xf9: {  	s0 =	rddreg [dreg:$0x0];
	s2 =	stileid.u32  }
0xfa: {  	s1 =	rddreg [dreg:$0x1];
	p0 =	sne.s32 s2, $0x0  }
0xfb: {  	s3 =	rddreg [dreg:$0x2];
	[bflag:$0x3] =	sbarrier.arrive $0xFFFF;
	s2 =	simm.s32 @!p0 $0x1C02  }
0xfc: {  	[timem:s3], [sflag:s2] =	dma.local @!p0 [hbm:s0], s1  }
0xfd: {  	s0 =	simm.s32 @!p0 $0x2  }
0xfe: {  	_ =	swait.ge @!p0 [sflag:s0], s1  }
0xff: {  	s1 =	ssub.s32 @!p0 $0x0, s1;
	[sflag:s0] =	ssyncset.done @!p0 $0x0  }
0x100: {  	[sflag:s0] =	ssyncadd.s32 @!p0 s1  }
0x101: {  	[bflag:$0x3] =	sbarrier.arrive $0xFFFF  }
0x102: {  	_ =	shalt  }

// kernel: kernel.8.cloned.1.call-start
scs
__scs_entry_jumppad:
0x0: {  	(pc) =	sbr.rel $0x88, $3  }
0x1: {  	(tag) =	ssettag $0x0;
	lr =	simm.s32 $0x1  }
0x2: {  	[smem:$0x3F90] =	sst lr;
	_ =	strace $0xD0000000  }
0x3: {  	_ = 	snop  }
0x4: {  	_ = 	snop  }
0x5: {  	_ = 	snop  }
0x6: {  	_ = 	snop  }
0x7: {  	_ = 	snop  }
__scs_overlays_trampoline_lowered:
0x8: {  	[smem:$0x3F9F] =	sst s0  }
0x9: {  	[smem:$0x3FA0] =	sst s1  }
0xa: {  	[smem:$0x3FA1] =	sst s2  }
0xb: {  	[smem:$0x3FA2] =	sst s3  }
0xc: {  	[smem:$0x3FA3] =	sst s4  }
0xd: {  	[smem:$0x3FA4] =	sst s5  }
0xe: {  	[smem:$0x3FA5] =	sst s6  }
0xf: {  	[smem:$0x3FA6] =	sst s7  }
0x10: {  	[smem:$0x3FA7] =	sst s8  }
0x11: {  	[smem:$0x3FA8] =	sst s9;
	s0 =	simm.s32 @!p0 $0x0  }
0x12: {  	s1 =	sld [smem:$0x3F8E];
	s0 =	simm.s32 @p0 $0x1  }
0x13: {  	[smem:$0x3FA9] =	sst s0;
	s0 =	simm.s32 @!p1 $0x0  }
0x14: {  	s2 =	sld [smem:$0x3F8D];
	s0 =	simm.s32 @p1 $0x1  }
0x15: {  	[smem:$0x3FAA] =	sst s0;
	s0 =	simm.s32 @!p2 $0x0  }
0x16: {  	s3 =	sld [smem:$0x3FDB];
	s0 =	simm.s32 @p2 $0x1  }
0x17: {  	s4 =	simm.s32 $0x1BF5;
	[smem:$0x3FAC] =	sst s0  }
0x18: {  	s0 =	sld [smem:$0x3F8F];
	_ =	swait.ge [sflag:s4], $0x0  }
0x19: {  	s7 =	sld [smem:$0x3F90]  }
0x1a: {  	s8 =	sadd.s32 $0xFFFFE003, lr  }
0x1b: {  	s9 =	sadd.s32 $0xFFFFFEF7, lr;
	s5 =	simm.s32 $0xFFFFFFFF;
	p2 =	slt.u32 s8, $0xFFFFF086  }
0x1c: {  	p1 =	slt.u32 s9, $0xF7A;
	s5 =	simm.s32 @!p2 $0x0  }
0x1d: {  	s5 =	simm.s32 @p1 $0x1;
	p0 =	seq.s32 s7, s2  }
0x1e: {  	s7 =	smul.u32 @!p0 $0xF7A, s2;
	p2 =	seq.s32 @!p0 s5, $0x0  }
0x1f: {  	s9 =	smul.u32 $0xF7A, s1;
	s8 =	simm.s32 @!p0 $0x1BF5;
	p2 =	por !p2, p0  }
0x20: {  	[sflag:s8] =	ssyncset.s32 @!p0 $0xFFFFF086;
	s6 =	sadd.s32 @!p0 s3, s7;
	s7 =	simm.s32 @!p0 $0x108  }
0x21: {  	s3 =	sadd.s32 s3, s9;
	s6 =	sadd.s32 @!p0 $0x88, s6;
	s7 =	simm.s32 @p2 $0x1082  }
0x22: {  	[simem:s7], [sflag:s8] =	dma.local @!p0 [hbm:s6], $0xF7A  }
0x23: {  	s9 =	sor.u32 $0xD0000000, s2;
	s6 =	simm.s32 $0x108;
	_ =	swait.ge @!p0 [sflag:s8], $0x0  }
0x24: {  	s3 =	sadd.s32 $0x88, s3;
	s6 =	simm.s32 @!p1 $0x1082;
	[sflag:s4] =	ssyncset.s32 $0xFFFFF086  }
0x25: {  	[simem:s6], [sflag:s4] =	dma.local [hbm:s3], $0xF7A  }
0x26: {  	[smem:$0x3F90] =	sst s1;
	(tag) =	ssettag s2;
	_ =	strace s9  }
0x27: {  	s1 =	sld [smem:$0x3FA0]  }
0x28: {  	s2 =	sld [smem:$0x3FA1]  }
0x29: {  	s4 =	sld [smem:$0x3FA3]  }
0x2a: {  	p0 =	seq.s32 s5, $0x0;
	s5 =	sld [smem:$0x3FA4]  }
0x2b: {  	s6 =	sld [smem:$0x3FA5]  }
0x2c: {  	s7 =	sld [smem:$0x3FA6]  }
0x2d: {  	s3 =	simm.s32 $0x108;
	s8 =	sld [smem:$0x3FA7]  }
0x2e: {  	s3 =	simm.s32 @!p0 $0x1082;
	s9 =	sld [smem:$0x3FA8]  }
0x2f: {  	lr =	sadd.s32 s0, s3;
	s0 =	sld [smem:$0x3F9F]  }
0x30: {  	s3 =	sld [smem:$0x3FA2]  }
0x31: {  	[smem:$0x3FAB] =	sst s10  }
0x32: {  	s10 =	sld [smem:$0x3FA9];
	_ =	sdelay $0x3  }
0x33: {  	p0 =	seq.s32 s10, $0x1;
	s10 =	sld [smem:$0x3FAB];
	_ =	sdelay $0x3  }
0x34: {  	[smem:$0x3FAB] =	sst s10  }
0x35: {  	s10 =	sld [smem:$0x3FAA];
	_ =	sdelay $0x3  }
0x36: {  	p1 =	seq.s32 s10, $0x1;
	s10 =	sld [smem:$0x3FAB];
	_ =	sdelay $0x3  }
0x37: {  	[smem:$0x3FAB] =	sst s10  }
0x38: {  	s10 =	sld [smem:$0x3FAC]  }
0x39: {  	_ = 	snop;
	(pc) =	sbr.ind lr, $3  }
0x3a: {  	_ = 	snop  }
0x3b: {  	_ = 	snop  }
0x3c: {  	p2 =	seq.s32 s10, $0x1;
	s10 =	sld [smem:$0x3FAB]  }
0x3d: {  	_ =	shalt  }
0x3e: {  	_ =	shalt  }
0x3f: {  	_ =	shalt  }
0x40: {  	_ =	shalt  }
0x41: {  	_ =	shalt  }
0x42: {  	_ =	shalt  }
0x43: {  	_ =	shalt  }
0x44: {  	_ =	shalt  }
0x45: {  	_ =	shalt  }
0x46: {  	_ =	shalt  }
0x47: {  	_ =	shalt  }
0x48: {  	_ =	shalt  }
0x49: {  	_ =	shalt  }
0x4a: {  	_ =	shalt  }
0x4b: {  	_ =	shalt  }
0x4c: {  	_ =	shalt  }
0x4d: {  	_ =	shalt  }
0x4e: {  	_ =	shalt  }
0x4f: {  	_ =	shalt  }
0x50: {  	_ =	shalt  }
0x51: {  	_ =	shalt  }
0x52: {  	_ =	shalt  }
0x53: {  	_ =	shalt  }
0x54: {  	_ =	shalt  }
0x55: {  	_ =	shalt  }
0x56: {  	_ =	shalt  }
0x57: {  	_ =	shalt  }
0x58: {  	_ =	shalt  }
0x59: {  	_ =	shalt  }
0x5a: {  	_ =	shalt  }
0x5b: {  	_ =	shalt  }
0x5c: {  	_ =	shalt  }
0x5d: {  	_ =	shalt  }
0x5e: {  	_ =	shalt  }
0x5f: {  	_ =	shalt  }
0x60: {  	_ =	shalt  }
0x61: {  	_ =	shalt  }
0x62: {  	_ =	shalt  }
0x63: {  	_ =	shalt  }
0x64: {  	_ =	shalt  }
0x65: {  	_ =	shalt  }
0x66: {  	_ =	shalt  }
0x67: {  	_ =	shalt  }
0x68: {  	_ =	shalt  }
0x69: {  	_ =	shalt  }
0x6a: {  	_ =	shalt  }
0x6b: {  	_ =	shalt  }
0x6c: {  	_ =	shalt  }
0x6d: {  	_ =	shalt  }
0x6e: {  	_ =	shalt  }
0x6f: {  	_ =	shalt  }
0x70: {  	_ =	shalt  }
0x71: {  	_ =	shalt  }
0x72: {  	_ =	shalt  }
0x73: {  	_ =	shalt  }
0x74: {  	_ =	shalt  }
0x75: {  	_ =	shalt  }
0x76: {  	_ =	shalt  }
0x77: {  	_ =	shalt  }
0x78: {  	_ =	shalt  }
0x79: {  	_ =	shalt  }
0x7a: {  	_ =	shalt  }
0x7b: {  	_ =	shalt  }
0x7c: {  	_ =	shalt  }
0x7d: {  	_ =	shalt  }
0x7e: {  	_ =	shalt  }
0x7f: {  	_ =	shalt  }
0x80: {  	_ =	shalt  }
0x81: {  	_ =	shalt  }
0x82: {  	_ =	shalt  }
0x83: {  	_ =	shalt  }
0x84: {  	_ =	shalt  }
0x85: {  	_ =	shalt  }
0x86: {  	_ =	shalt  }
0x87: {  	_ =	shalt  }
.Lfunc_end0:
.L_simem_size_0:
called_computation_lowered:
.L_overlay_start_0:
0x88: {  	s2 =	sld [smem:$0x3FD9]  }
0x89: {  	s3 =	sld [smem:$0x3FFE];
	_ =	sdelay $0x1  }
0x8a: {  	s1 =	srdreg.scid  }
0x8b: {  	s0 =	sand.u32 $0x1, s1  }
0x8c: {  	s16 =	sshll.u32 s0, $0xA;
	s2 =	sadd.s32 s3, s2  }
0x8d: {  	s2 =	sadd.s32 s2, s16  }
0x8e: {  	[smem:$0x3FB7] =	sst s2  }
0x8f: {  	_ = 	snop  }
0x90: {  	(tm) =	ssettm $0x1  }
0x91: {  	s17 =	sld [smem:$0x3FFB];
	_ =	sdelay $0x3  }
0x92: {  	_ =	strace s17  }
0x93: {  	s2 =	sld [smem:$0x3FFC];
	_ =	sdelay $0x3  }
0x94: {  	_ =	strace s2  }
0x95: {  	s2 =	sld [smem:$0x3FFD];
	_ =	sdelay $0x3  }
0x96: {  	_ =	strace s2  }
0x97: {  	_ =	strace $0x8FFFFFFF  }
0x98: {  	s18 =	sld [smem:$0x3FDB];
	_ =	sdelay $0x1  }
0x99: {  	s19 =	simm.s32 $_scs_section_size  }
0x9a: {  	s4 =	simm.s32 $_size__tile_overlayer_lowered;
	s5 =	simm.s32 $_tile_overlayer_lowered  }
0x9b: {  	s22 =	simm.s32 $0x1BFF;
	s21 =	sshll.u32 s5, $0x1;
	s2 =	sadd.s32 s19, s18  }
0x9c: {  	s6 =	simm.s32 $0x0;
	s20 =	sshll.u32 s4, $0x1;
	s4 =	sadd.s32 s21, s2  }
0x9d: {  	[timem:s6], [sflag:s22] =	dma.local [hbm:s4], s20  }
0x9e: {  	_ =	swait.ge [sflag:s22], s20  }
0x9f: {  	s3 =	ssub.s32 $0x0, s20;
	[sflag:s22] =	ssyncset.done $0x0  }
0xa0: {  	[sflag:s22] =	ssyncadd.s32 s3;
	_ =	sdelay $0x1  }
0xa1: {  	s23 =	simm.s32 $0x1B8B  }
0xa2: {  	_ =	swait.ge [sflag:s23], $0x1  }
0xa3: {  	[sflag:s23] =	ssyncset.done $0x0  }
0xa4: {  	s25 =	simm.s32 $0x1B8E;
	s24 =	sld [smem:$0x3FFE];
	[sflag:s23] =	ssyncadd.s32 $0xFFFFFFFF  }
0xa5: {  	s26 =	simm.s32 $execute0_lowered;
	[smem:$0x3FD2] =	sst s25  }
0xa6: {  	s4 =	sshll.u32 s26, $0x1;
	_ =	strace $0x80000046;
	[dreg:$0x1] =	wrdreg $0xFFFFFFFF  }
0xa7: {  	s28 =	simm.s32 $_size_execute0_lowered;
	s2 =	sadd.s32 s2, s4;
	[dreg:$0x0] =	wrdreg $0x0  }
0xa8: {  	s4 =	sshll.u32 s28, $0x1;
	[dreg:$0x2] =	wrdreg s2  }
0xa9: {  	[dreg:$0x3] =	wrdreg s4  }
0xaa: {  	[dreg:$0x4] =	wrdreg $0xC0  }
0xab: {  	_ =	task [dreg:s6], $0x5FFFF  }
0xac: {  	[dreg:$0x1] =	wrdreg $0xFFFFFFFF  }
0xad: {  	[dreg:$0x0] =	wrdreg $0x60  }
0xae: {  	[dreg:$0x2] =	wrdreg s24  }
0xaf: {  	[dreg:$0x3] =	wrdreg $0x0  }
0xb0: {  	[dreg:$0x4] =	wrdreg $0x9  }
0xb1: {  	_ =	task.clear_ibuf [dreg:s6], $0x5FFFF;
	_ =	strace $0x90000046  }
0xb2: {  	s29 =	simm.s32 $0x9;
	_ =	strace $0x80000048  }
0xb3: {  	_ =	swait.ge [sflag:s29], $0x1  }
0xb4: {  	[sflag:s29] =	ssyncadd.s32 $0xFFFFFFFF  }
0xb5: {  	_ =	strace $0x90000048  }
0xb6: {  	_ =	sfence  }
0xb7: {  	s30 =	sld [smem:$0x0];
	_ =	sdelay $0x2  }
0xb8: {  	s31 =	sshll.u32 s1, $0xD;
	s1 =	sshrl.u32 s1, $0x2  }
0xb9: {  	s3 =	sand.u32 $0x4000, s31;
	s1 =	sadd.s32 s1, s30  }
0xba: {  	s0 =	sor.u32 s3, s0;
	s1 =	sshll.u32 s1, $0x11  }
0xbb: {  	s0 =	sor.u32 s1, s0  }
0xbc: {  	s0 =	sadd.s32 $0x8F2B, s0  }
0xbd: {  	[sflag:s0] =	ssyncadd.remote.s32 $0x1  }
0xbe: {  	_ =	sfence.sel $0xFFFF  }
0xbf: {  	[dreg:$0x0] =	wrdreg $0xFFFFFFFF;
	(pc) =	sbr.abs _section_cstart, $3  }
0xc0: {  	[dreg:$0x1] =	wrdreg $0xFFFFFFFF  }
0xc1: {  	_ =	task.clear_ibuf [dreg:s6], $0x2FFFF;
	_ =	strace $0x9FFFFFFF  }
0xc2: {  	(tm) =	ssettm $0x7FFFFFFF  }
0xc3: {  	_ =	shalt  }
tec
execute0_lowered:
.L_overlay_start_1:
0x0: {  	(tag) =	ssettag $0x1  }
0x1: {  	s1 =	srdreg.scid;
	s6 =	rddreg [dreg:$0x0]  }
0x2: {  	s0 =	stileid.u32;
	s2 =	rddreg [dreg:$0x1]  }
0x3: {  	s3 =	simm.s32 $0x0;
	s13 =	simm.s32 $0x3;
	s14 =	simm.s32 $0xC40  }
0x4: {  	s15 =	simm.s32 $0x80;
	s16 =	simm.s32 $0x2840;
	s8 =	smul.u32 $0xC40, s0  }
0x5: {  	s17 =	simm.s32 $0x1;
	s18 =	simm.s32 $0x2;
	s10 =	smul.u32 $0xC400, s0  }
0x6: {  	s7 =	sand.u32 $0x1, s1;
	s1 =	rddreg [dreg:$0x2];
	s31 =	smul.u32 $0x188, s0  }
0x7: {  	s19 =	simm.s32 $0x0;
	[smem:$0x7FF] =	sst s3;
	s5 =	smul.u32 $0xC400, s7  }
0x8: {  	s4 =	smul.u32 $0xC4000, s7;
	_ =	strace $0x80000047;
	s28 =	ssub.s32 $0x2, s7  }
0x9: {  	s30 =	sshrl.u32 s28, $0x1;
	s9 =	sadd.s32 s8, s5;
	s5 =	sadd.s32 $0x3000, s6  }
0xa: {  	s29 =	sadd.s32 s10, s4;
	s12 =	ssub.s32 s28, s30;
	s9 =	sshrl.u32 s9, $0x3  }
0xb: {  	s7 =	sshrl.u32 s29, $0x3;
	s11 =	sadd.s32 s9, s6;
	s6 =	sadd.s32 s8, s2  }
0xc: {  	s7 =	sadd.s32 s5, s7;
	s8 =	sadd.s32 $0x38, s31;
	s9 =	sadd.s32 $0x70, s31  }
0xd: {  	v0 =	vimm.f32 $0.0e+00;
	v1 =	vimm.f32 $1.000000000e+00;
	s10 =	sadd.s32 $0x34000, s11;
	s11 =	smax.u32 s12, $0x1;
	s12 =	simm.s32 $0x7C40  }
.LBB2_1:
0xe: {  	s20 =	simm.s32 $0x40;
	s21 =	simm.s32 $0x0  }
.LBB2_2:
0xf: {  	p0 =	sne.s32 s20, $0x30C0;
	[tilespmem:s21+$0x7C40] =	vst v0;
	s21 =	smov.u32 s20;
	s20 =	sadd.s32 $0x40, s20  }
.Ltmp0:
0x10: {  	(pc) =	sbr.rel @p0 .LBB2_2-.Ltmp0, $2  }
0x11: {  	_ =	sdelay $0x2  }
0x12: {  	s21 =	sshra.s32 s21, $0x2  }
0x13: {  	[tilespmem:s21+$0x7C40] =	vst v0  }
0x14: {  	[spmem:s6] =	stream.linear.scatter [tilespmem:s12], [sflag:$0x3], $0xC40, $0x38;
	[tilespmem:$0x88C0] =	vst v63  }
0x15: {  	_ =	swait.ge [sflag:s13], $0xC40  }
0x16: {  	[sflag:s13] =	ssyncset.done $0x0  }
0x17: {  	s20 =	simm.s32 $0x0;
	s21 =	simm.s32 $0x200;
	[sflag:s13] =	ssyncadd.s32 $0xFFFFF3C0  }
.LBB2_4:
0x18: {  	p0 =	sne.s32 s21, $0x6E00;
	[tilespmem:s20+$0x60B0] =	vst v1  }
0x19: {  	[tilespmem:s20+$0x4440] =	vst v1  }
0x1a: {  	[tilespmem:s20+$0x6040] =	vst v1  }
0x1b: {  	[tilespmem:s20+$0x4450] =	vst v1  }
0x1c: {  	[tilespmem:s20+$0x6050] =	vst v1  }
0x1d: {  	[tilespmem:s20+$0x4460] =	vst v1  }
0x1e: {  	[tilespmem:s20+$0x6060] =	vst v1  }
0x1f: {  	[tilespmem:s20+$0x4470] =	vst v1  }
0x20: {  	[tilespmem:s20+$0x6070] =	vst v1  }
0x21: {  	[tilespmem:s20+$0x4480] =	vst v1  }
0x22: {  	[tilespmem:s20+$0x6080] =	vst v1  }
.Ltmp1:
0x23: {  	[tilespmem:s20+$0x4490] =	vst v1;
	(pc) =	sbr.rel @p0 .LBB2_4-.Ltmp1, $4  }
0x24: {  	[tilespmem:s20+$0x6090] =	vst v1  }
0x25: {  	[tilespmem:s20+$0x44A0] =	vst v1  }
0x26: {  	[tilespmem:s20+$0x60A0] =	vst v1  }
0x27: {  	[tilespmem:s20+$0x44B0] =	vst v1;
	s20 =	sshra.s32 s21, $0x2;
	s21 =	sadd.s32 $0x200, s21  }
0x28: {  	[tilespmem:s20+$0x60B0] =	vst v1  }
0x29: {  	[tilespmem:s20+$0x4440] =	vst v1  }
0x2a: {  	[tilespmem:s20+$0x6040] =	vst v1  }
0x2b: {  	[tilespmem:s20+$0x4450] =	vst v1  }
0x2c: {  	[tilespmem:s20+$0x6050] =	vst v1  }
0x2d: {  	[tilespmem:s20+$0x4460] =	vst v1  }
0x2e: {  	[tilespmem:s20+$0x6060] =	vst v1  }
0x2f: {  	[tilespmem:s20+$0x4470] =	vst v1  }
0x30: {  	[tilespmem:s20+$0x6070] =	vst v1  }
0x31: {  	[tilespmem:s20+$0x4480] =	vst v1  }
0x32: {  	[tilespmem:s20+$0x6080] =	vst v1  }
0x33: {  	[tilespmem:s20+$0x4490] =	vst v1  }
0x34: {  	[tilespmem:s20+$0x6090] =	vst v1  }
0x35: {  	[tilespmem:s20+$0x44A0] =	vst v1  }
0x36: {  	[tilespmem:s20+$0x60A0] =	vst v1  }
0x37: {  	[tilespmem:s20+$0x44B0] =	vst v1  }
0x38: {  	s20 =	simm.s32 $0x0;
	[bflag:$0x0] =	sbarrier.arrive $0xFFFF  }
0x39: {  	[tilespmem:s14], [sflag:$0x3] =	stream.linear.gather [hbm4b:s7+s20], $0x1C00, $0x38;
	[tilespmem:$0x88C0] =	vst v63  }
0x3a: {  	_ =	swait.ge [sflag:s13], $0x1C00  }
0x3b: {  	s21 =	simm.s32 $0x200;
	[sflag:s13] =	ssyncset.done $0x0  }
0x3c: {  	s22 =	simm.s32 $0x4440;
	s23 =	simm.s32 $0xC40;
	[sflag:s13] =	ssyncadd.s32 $0xFFFFE400  }
.LBB2_6:
0x3d: {  	[spmem:s2] =	stream.indirect.scatter.add.f32 [tilespmem:s22], [sflag:$0x1], $0x1, s23, s15, $0xb8;
	[tilespmem:$0x88C0] =	vst v63  }
0x3e: {  	s22 =	smov.u32 s21;
	p0 =	sne.s32 s21, $0x6E00  }
.Ltmp2:
0x3f: {  	s21 =	sadd.s32 $0x200, s21;
	(pc) =	sbr.rel @p0 .LBB2_6-.Ltmp2, $3  }
0x40: {  	_ =	sdelay $0x1  }
0x41: {  	s23 =	sshra.s32 s22, $0x2  }
0x42: {  	s22 =	sadd.s32 $0x4440, s23;
	s23 =	sadd.s32 $0xC40, s23  }
0x43: {  	[spmem:s2] =	stream.indirect.scatter.add.f32 [tilespmem:s22], [sflag:$0x1], $0x1, s23, s15, $0xb8;
	[tilespmem:$0x88C0] =	vst v63  }
.LBB2_8:
0x44: {  	s21 =	smul.u32 $0x70, s20;
	_ =	sdelay $0x1  }
0x45: {  	s22 =	sadd.s32 s21, s8  }
0x46: {  	s22 =	sshll.u32 s22, $0x7  }
0x47: {  	s22 =	sadd.s32 s4, s22  }
0x48: {  	s22 =	sshrl.u32 s22, $0x3  }
0x49: {  	s23 =	sadd.s32 s5, s22;
	s22 =	simm.s32 $0x0  }
0x4a: {  	[tilespmem:s16], [sflag:$0x3] =	stream.linear.gather [hbm4b:s23+s22], $0x1C00, $0x38;
	[tilespmem:$0x88C0] =	vst v63  }
0x4b: {  	_ =	swait.ge [sflag:s13], $0x1C00  }
0x4c: {  	[sflag:s13] =	ssyncset.done $0x0  }
0x4d: {  	[sflag:s13] =	ssyncadd.s32 $0xFFFFE400  }
.LBB2_9:
0x4e: {  	p0 =	sne.s32 s22, $0x6E00  }
.Ltmp3:
0x4f: {  	_ = 	snop;
	(pc) =	sbr.rel @p0 .LBB2_9-.Ltmp3, $4  }
0x50: {  	_ = 	snop  }
0x51: {  	s23 =	sshra.s32 s22, $0x2  }
0x52: {  	s22 =	sadd.s32 $0x200, s22;
	s24 =	sadd.s32 $0x6040, s23;
	s23 =	sadd.s32 $0x2840, s23  }
0x53: {  	[spmem:s2] =	stream.indirect.scatter.add.f32 [tilespmem:s24], [sflag:$0x2], $0x1, s23, s15, $0xb8;
	[tilespmem:$0x88C0] =	vst v63  }
0x54: {  	_ =	swait.ge [sflag:s17], $0x80  }
0x55: {  	s22 =	simm.s32 $0x37;
	[sflag:s17] =	ssyncset.done $0x0  }
.LBB2_11:
0x56: {  	p0 =	sne.s32 s22, $0x1;
	s22 =	sadd.s32 $0xFFFFFFFF, s22;
	[sflag:s17] =	ssyncadd.s32 $0xFFFFFF80  }
.Ltmp4:
0x57: {  	(pc) =	sbr.rel @p0 .LBB2_11-.Ltmp4, $3  }
0x58: {  	_ =	sdelay $0x1  }
0x59: {  	_ =	swait.ge [sflag:s17], $0x80  }
0x5a: {  	[sflag:s17] =	ssyncset.done $0x0  }
0x5b: {  	s21 =	sadd.s32 s21, s9  }
0x5c: {  	s21 =	sshll.u32 s21, $0x7  }
0x5d: {  	s21 =	sadd.s32 s4, s21  }
0x5e: {  	s21 =	sshrl.u32 s21, $0x3  }
0x5f: {  	[sflag:s17] =	ssyncadd.s32 $0xFFFFFF80;
	s22 =	sadd.s32 s5, s21;
	s21 =	simm.s32 $0x0  }
0x60: {  	[tilespmem:s14], [sflag:$0x3] =	stream.linear.gather [hbm4b:s22+s21], $0x1C00, $0x38;
	[tilespmem:$0x88C0] =	vst v63  }
0x61: {  	_ =	swait.ge [sflag:s13], $0x1C00  }
0x62: {  	[sflag:s13] =	ssyncset.done $0x0  }
0x63: {  	[sflag:s13] =	ssyncadd.s32 $0xFFFFE400  }
.LBB2_13:
0x64: {  	p0 =	sne.s32 s21, $0x6E00  }
.Ltmp5:
0x65: {  	_ = 	snop;
	(pc) =	sbr.rel @p0 .LBB2_13-.Ltmp5, $4  }
0x66: {  	_ = 	snop  }
0x67: {  	s22 =	sshra.s32 s21, $0x2  }
0x68: {  	s21 =	sadd.s32 $0x200, s21;
	s23 =	sadd.s32 $0x4440, s22;
	s22 =	sadd.s32 $0xC40, s22  }
0x69: {  	[spmem:s2] =	stream.indirect.scatter.add.f32 [tilespmem:s23], [sflag:$0x1], $0x1, s22, s15, $0xb8;
	[tilespmem:$0x88C0] =	vst v63  }
0x6a: {  	_ =	swait.ge [sflag:s18], $0x80  }
0x6b: {  	s21 =	simm.s32 $0x37;
	[sflag:s18] =	ssyncset.done $0x0  }
.LBB2_15:
0x6c: {  	p0 =	sne.s32 s21, $0x1;
	s21 =	sadd.s32 $0xFFFFFFFF, s21;
	[sflag:s18] =	ssyncadd.s32 $0xFFFFFF80  }
.Ltmp6:
0x6d: {  	(pc) =	sbr.rel @p0 .LBB2_15-.Ltmp6, $3  }
0x6e: {  	_ =	sdelay $0x1  }
0x6f: {  	_ =	swait.ge [sflag:s18], $0x80  }
0x70: {  	[sflag:s18] =	ssyncset.done $0x0  }
0x71: {  	s20 =	sadd.s32 $0x1, s20  }
0x72: {  	p0 =	sne.s32 s20, $0x3  }
.Ltmp7:
0x73: {  	_ = 	snop;
	(pc) =	sbr.rel @p0 .LBB2_8-.Ltmp7, $2  }
0x74: {  	_ =	sdelay $0x2  }
0x75: {  	[sflag:s18] =	ssyncadd.s32 $0xFFFFFF80  }
0x76: {  	_ =	swait.ge [sflag:s17], $0x80  }
0x77: {  	s20 =	simm.s32 $0x37;
	[sflag:s17] =	ssyncset.done $0x0  }
.LBB2_18:
0x78: {  	p0 =	sne.s32 s20, $0x1;
	s20 =	sadd.s32 $0xFFFFFFFF, s20;
	[sflag:s17] =	ssyncadd.s32 $0xFFFFFF80  }
.Ltmp8:
0x79: {  	(pc) =	sbr.rel @p0 .LBB2_18-.Ltmp8, $3  }
0x7a: {  	_ =	sdelay $0x1  }
0x7b: {  	_ =	swait.ge [sflag:s17], $0x80  }
0x7c: {  	[sflag:s17] =	ssyncset.done $0x0  }
0x7d: {  	[sflag:s17] =	ssyncadd.s32 $0xFFFFFF80  }
0x7e: {  	[bflag:$0x0] =	sbarrier.arrive $0xFFFF  }
0x7f: {  	[tilespmem:s12], [sflag:$0x3] =	stream.linear.gather [spmem:s6], $0xC40, $0x38;
	[tilespmem:$0x88C0] =	vst v63  }
0x80: {  	s19 =	sadd.s32 $0x1, s19;
	_ =	swait.ge [sflag:s13], $0xC40  }
0x81: {  	p0 =	sne.s32 s19, s11;
	[sflag:s13] =	ssyncset.done $0x0  }
.Ltmp9:
0x82: {  	[sflag:s13] =	ssyncadd.s32 $0xFFFFF3C0;
	(pc) =	sbr.rel @p0 .LBB2_1-.Ltmp9, $4  }
0x83: {  	[hbm4b:s10+s3] =	stream.linear.scatter [tilespmem:s12], [sflag:$0x3], $0xC40, $0x38;
	[tilespmem:$0x88C0] =	vst v63  }
0x84: {  	_ =	swait.ge [sflag:s13], $0xC40  }
0x85: {  	[sflag:s13] =	ssyncset.done $0x0  }
0x86: {  	[sflag:s13] =	ssyncadd.s32 $0xFFFFF3C0  }
0x87: {  	_ =	sfence.sel $0x180000  }
0x88: {  	[bflag:$0x0] =	sbarrier.arrive $0xFFFF  }
0x89: {  	p0 =	sne.s32 s0, $0x0;
	_ =	strace $0x90000047  }
0x8a: {  	s0 =	sadd.s32 @!p0 $0x100000, s1;
	[bflag:$0x2] =	sbarrier.arrive $0xFFFF  }
0x8b: {  	[sflag:s0] =	ssyncadd.tile.s32 @!p0 $0x1;
	_ =	shalt  }
.Lfunc_end2:
_tile_overlayer_lowered:
.L_overlay_start_2:
0x8c: {  	(tag) =	ssettag $0x2  }
0x8d: {  	s0 =	rddreg [dreg:$0x0];
	s2 =	stileid.u32  }
0x8e: {  	s1 =	rddreg [dreg:$0x1];
	p0 =	sne.s32 s2, $0x0  }
0x8f: {  	s3 =	rddreg [dreg:$0x2];
	[bflag:$0x3] =	sbarrier.arrive $0xFFFF;
	s2 =	simm.s32 @!p0 $0x1C03  }
0x90: {  	[timem:s3], [sflag:s2] =	dma.local @!p0 [hbm:s0], s1  }
0x91: {  	s0 =	simm.s32 @!p0 $0x3  }
0x92: {  	_ =	swait.ge @!p0 [sflag:s0], s1  }
0x93: {  	s1 =	ssub.s32 @!p0 $0x0, s1;
	[sflag:s0] =	ssyncset.done @!p0 $0x0  }
0x94: {  	[sflag:s0] =	ssyncadd.s32 @!p0 s1  }
0x95: {  	[bflag:$0x3] =	sbarrier.arrive $0xFFFF  }
0x96: {  	_ =	shalt  }

</sc_bundles>
